<compile_context>
chip_gen: v7x
topology: tpu7x:2x2x1
jax: 0.10.2.dev20260603
libtpu: 0.0.44.dev20260713+nightly
codegen_flags: <defaults>
</compile_context>

<pallas_src>
import functools

import jax
import jax.numpy as jnp
from jax import lax
from jax.experimental import pallas as pl
from jax.experimental.pallas import tpu as pltpu
from jax.experimental.pallas import tpu_sc as plsc

_F32 = jnp.float32
_BF16 = jnp.bfloat16
_NC, _NS, _CH = 2, 16, 128


def _silu(v):
    return v * jax.nn.sigmoid(v)


def _dot(a, b):
    return jnp.dot(a, b, preferred_element_type=_F32)


def _sc_gather(hA, hB, xpad, row_p, col_p):
    H = hA.shape[1]
    EP = row_p.shape[0]
    EPW = EP // (_NC * _NS)
    nch = EPW // _CH
    assert nch % 2 == 0 and nch >= 4
    mesh = plsc.VectorSubcoreMesh(core_axis_name="c", subcore_axis_name="s")

    nch0 = max(2, int(round(2 * nch * 0.725 / 2)) * 2)
    nch1 = 2 * nch - nch0
    assert nch1 >= 4

    @functools.partial(
        pl.kernel, mesh=mesh,
        compiler_params=pltpu.CompilerParams(use_tc_tiling_on_sc=False),
        out_type=[
            jax.ShapeDtypeStruct((EP, H), _F32),
            jax.ShapeDtypeStruct((EP, H), _F32),
            jax.ShapeDtypeStruct((EP, 16), _F32),
            jax.ShapeDtypeStruct((EP, 16), _F32),
        ],
        scratch_types=[
            pltpu.VMEM((2, _CH), jnp.int32),
            pltpu.VMEM((2, _CH), jnp.int32),
            pltpu.VMEM((2, _CH, H), _F32),
            pltpu.VMEM((2, _CH, H), _F32),
            pltpu.VMEM((2, _CH, 16), _F32),
            pltpu.VMEM((2, _CH, 16), _F32),
            pltpu.SemaphoreType.DMA,
            pltpu.SemaphoreType.DMA,
            pltpu.SemaphoreType.DMA,
            pltpu.SemaphoreType.DMA,
            pltpu.SemaphoreType.DMA,
            pltpu.SemaphoreType.DMA,
        ],
    )
    def gather_k(hA_hbm, hB_hbm, xp_hbm, row_hbm, col_hbm,
                 gA_hbm, gB_hbm, xr_hbm, xc_hbm,
                 ir_v, ic_v, bA, bB, bxr, bxc,
                 semi0, semi1, semg0, semg1, sems0, sems1):
        c = lax.axis_index("c")
        s = lax.axis_index("s")
        semi = (semi0, semi1)
        semg = (semg0, semg1)
        sems = (sems0, sems1)

        def pipe(nch_c, base):
          def _off(t):
            return pl.multiple_of(base + t * _CH, _CH)

          def idx_start(t, b):
            off = _off(t)
            pltpu.make_async_copy(
                row_hbm.at[pl.ds(off, _CH)], ir_v.at[b], semi[b]).start()
            pltpu.make_async_copy(
                col_hbm.at[pl.ds(off, _CH)], ic_v.at[b], semi[b]).start()

          def idx_wait(b):
            pltpu.make_async_copy(
                row_hbm.at[pl.ds(0, _CH)], ir_v.at[b], semi[b]).wait()
            pltpu.make_async_copy(
                col_hbm.at[pl.ds(0, _CH)], ic_v.at[b], semi[b]).wait()

          def gather_start(b):
            pltpu.make_async_copy(
                hA_hbm.at[ir_v.at[b]], bA.at[b], semg[b]).start()
            pltpu.make_async_copy(
                hB_hbm.at[ic_v.at[b]], bB.at[b], semg[b]).start()
            pltpu.make_async_copy(
                xp_hbm.at[ir_v.at[b]], bxr.at[b], semg[b]).start()
            pltpu.make_async_copy(
                xp_hbm.at[ic_v.at[b]], bxc.at[b], semg[b]).start()

          def gather_wait(b):
            pltpu.make_async_copy(
                hA_hbm.at[ir_v.at[b]], bA.at[b], semg[b]).wait()
            pltpu.make_async_copy(
                hB_hbm.at[ic_v.at[b]], bB.at[b], semg[b]).wait()
            pltpu.make_async_copy(
                xp_hbm.at[ir_v.at[b]], bxr.at[b], semg[b]).wait()
            pltpu.make_async_copy(
                xp_hbm.at[ic_v.at[b]], bxc.at[b], semg[b]).wait()

          def store_start(t, b):
            off = _off(t)
            pltpu.make_async_copy(
                bA.at[b], gA_hbm.at[pl.ds(off, _CH)], sems[b]).start()
            pltpu.make_async_copy(
                bB.at[b], gB_hbm.at[pl.ds(off, _CH)], sems[b]).start()
            pltpu.make_async_copy(
                bxr.at[b], xr_hbm.at[pl.ds(off, _CH)], sems[b]).start()
            pltpu.make_async_copy(
                bxc.at[b], xc_hbm.at[pl.ds(off, _CH)], sems[b]).start()

          def store_wait(b):
            pltpu.make_async_copy(
                bA.at[b], gA_hbm.at[pl.ds(0, _CH)], sems[b]).wait()
            pltpu.make_async_copy(
                bB.at[b], gB_hbm.at[pl.ds(0, _CH)], sems[b]).wait()
            pltpu.make_async_copy(
                bxr.at[b], xr_hbm.at[pl.ds(0, _CH)], sems[b]).wait()
            pltpu.make_async_copy(
                bxc.at[b], xc_hbm.at[pl.ds(0, _CH)], sems[b]).wait()

          idx_start(0, 0)
          idx_wait(0)
          idx_start(1, 1)
          gather_start(0)
          gather_wait(0)
          store_start(0, 0)
          idx_wait(1)
          idx_start(2, 0)
          gather_start(1)

          def pair(i, carry):
            t0 = 2 * i
            for j in (0, 1):
                t = t0 + j
                store_wait(j)
                gather_wait(1 - j)
                store_start(t - 1, 1 - j)
                idx_wait(j)
                idx_start(jnp.minimum(t + 1, nch_c - 1), 1 - j)
                gather_start(j)
            return carry

          lax.fori_loop(1, nch_c // 2, pair, 0)

          gather_wait(1)
          store_start(nch_c - 1, 1)
          store_wait(0)
          store_wait(1)
          idx_wait(0)

        @pl.when(c == 0)
        def _():
            pipe(nch0, s * (nch0 * _CH))

        if nch1:
            @pl.when(c == 1)
            def _():
                pipe(nch1, _NS * nch0 * _CH + s * (nch1 * _CH))

    return gather_k(hA, hB, xpad, row_p, col_p)


def _sc_scatter(msg, crd, col_p, NP):
    H = msg.shape[1]
    EP = col_p.shape[0]
    EPW = EP // (_NC * _NS)
    nch = EPW // _CH
    NPT = NP // _NS
    zeros_big = jnp.zeros((NPT, H), _F32)
    zeros_sm = jnp.zeros((NPT, 16), _F32)
    mesh = plsc.VectorSubcoreMesh(core_axis_name="c", subcore_axis_name="s")

    assert nch % 2 == 0 and nch >= 4

    @functools.partial(
        pl.kernel, mesh=mesh,
        compiler_params=pltpu.CompilerParams(use_tc_tiling_on_sc=False),
        out_type=[
            jax.ShapeDtypeStruct((_NC, NP, H), _F32),
            jax.ShapeDtypeStruct((_NC, NP, 16), _F32),
        ],
        scratch_types=[
            pltpu.VMEM((2, _CH), jnp.int32),
            pltpu.VMEM((2, _CH, H), _F32),
            pltpu.VMEM((2, _CH, 16), _F32),
            pltpu.VMEM_SHARED((NP, H), _F32),
            pltpu.VMEM_SHARED((NP, 16), _F32),
            pltpu.SemaphoreType.DMA,
            pltpu.SemaphoreType.DMA,
            pltpu.SemaphoreType.DMA,
            pltpu.SemaphoreType.DMA,
        ],
    )
    def scatter_k(msg_hbm, crd_hbm, col_hbm, z128_hbm, z16_hbm,
                  agg_hbm, cacc_hbm, ci_v, mb_v, cb_v, aggs, crds,
                  seml0, seml1, sema0, sema1):
        c = lax.axis_index("c")
        s = lax.axis_index("s")
        pltpu.sync_copy(z128_hbm, aggs.at[pl.ds(s * NPT, NPT)])
        pltpu.sync_copy(z16_hbm, crds.at[pl.ds(s * NPT, NPT)])
        plsc.subcore_barrier()
        base = (c * _NS + s) * EPW
        seml = (seml0, seml1)
        sema = (sema0, sema1)

        def load_start(t, b):
            off = pl.multiple_of(base + t * _CH, _CH)
            pltpu.make_async_copy(
                col_hbm.at[pl.ds(off, _CH)], ci_v.at[b], seml[b]).start()
            pltpu.make_async_copy(
                msg_hbm.at[pl.ds(off, _CH)], mb_v.at[b], seml[b]).start()
            pltpu.make_async_copy(
                crd_hbm.at[pl.ds(off, _CH)], cb_v.at[b], seml[b]).start()

        def load_wait(b):
            pltpu.make_async_copy(
                col_hbm.at[pl.ds(0, _CH)], ci_v.at[b], seml[b]).wait()
            pltpu.make_async_copy(
                msg_hbm.at[pl.ds(0, _CH)], mb_v.at[b], seml[b]).wait()
            pltpu.make_async_copy(
                crd_hbm.at[pl.ds(0, _CH)], cb_v.at[b], seml[b]).wait()

        def add_start(b):
            pltpu.make_async_copy(
                mb_v.at[b], aggs.at[ci_v.at[b]], sema[b]).start(add=True)
            pltpu.make_async_copy(
                cb_v.at[b], crds.at[ci_v.at[b]], sema[b]).start(add=True)

        def add_wait(b):
            pltpu.make_async_copy(
                mb_v.at[b], aggs.at[ci_v.at[b]], sema[b]).wait()
            pltpu.make_async_copy(
                cb_v.at[b], crds.at[ci_v.at[b]], sema[b]).wait()

        load_start(0, 0)
        load_wait(0)
        add_start(0)
        load_start(1, 1)
        load_wait(1)
        add_wait(0)
        add_start(1)
        load_start(2, 0)

        def pair(i, carry):
            t0 = 2 * i
            for j in (0, 1):
                t = t0 + j
                load_wait(j)
                add_wait(1 - j)
                add_start(j)
                load_start(jnp.minimum(t + 1, nch - 1), 1 - j)
            return carry

        lax.fori_loop(1, nch // 2, pair, 0)

        add_wait(1)
        load_wait(0)
        plsc.subcore_barrier()
        pltpu.sync_copy(aggs.at[pl.ds(s * NPT, NPT)],
                        agg_hbm.at[c, pl.ds(s * NPT, NPT)])
        pltpu.sync_copy(crds.at[pl.ds(s * NPT, NPT)],
                        cacc_hbm.at[c, pl.ds(s * NPT, NPT)])

    return scatter_k(msg, crd, col_p, zeros_big, zeros_sm)


def kernel(h, x, edge_index, W_m1, b_m1, W_m2, b_m2, W_c1, b_c1, W_c2,
           W_n1, b_n1, W_n2, b_n2, ln_g, ln_b):
    N, H = h.shape
    E = edge_index.shape[1]
    NW = _NC * _NS

    W_m1aT = W_m1[:, :H].T
    W_m1bT = W_m1[:, H:2 * H].T
    w_d = W_m1[:, 2 * H].reshape(1, H)
    W_m2T = W_m2.T.astype(_BF16)
    W_c1T = W_c1.T.astype(_BF16)
    w_c2 = W_c2.reshape(1, H)
    W_n1aT = W_n1[:, :H].T
    W_n1bT = W_n1[:, H:].T
    W_n2T = W_n2.T
    b_m1r = b_m1.reshape(1, H)
    b_m2r = b_m2.reshape(1, H)
    b_c1r = b_c1.reshape(1, H)
    b_n1r = b_n1.reshape(1, H)
    b_n2r = b_n2.reshape(1, H)
    ln_gr = ln_g.reshape(1, H)
    ln_br = ln_b.reshape(1, H)

    xpad = jnp.pad(x, ((0, 0), (0, 16 - x.shape[1])))
    xpad_p = xpad.reshape(N // 8, 128)

    nch_w = -(-E // (NW * _CH))
    nch_w += nch_w % 2
    EPW = nch_w * _CH
    EP = EPW * NW
    row_p = jnp.concatenate([edge_index[0],
                             jnp.zeros((EP - E,), jnp.int32)])
    col_p = jnp.concatenate([edge_index[1],
                             jnp.full((EP - E,), N, jnp.int32)])
    NP = -(-(N + 1) // 128) * 128

    BN = 2000

    def pre_body(h_ref, wa_ref, wb_ref, bm1_ref, hA_ref, hB_ref):
        hv = h_ref[...]
        hA_ref[...] = _dot(hv, wa_ref[...]) + bm1_ref[...]
        hB_ref[...] = _dot(hv, wb_ref[...])

    hA, hB = pl.pallas_call(
        pre_body,
        grid=(N // BN,),
        in_specs=[
            pl.BlockSpec((BN, H), lambda i: (i, 0)),
            pl.BlockSpec((H, H), lambda i: (0, 0)),
            pl.BlockSpec((H, H), lambda i: (0, 0)),
            pl.BlockSpec((1, H), lambda i: (0, 0)),
        ],
        out_specs=[
            pl.BlockSpec((BN, H), lambda i: (i, 0)),
            pl.BlockSpec((BN, H), lambda i: (i, 0)),
        ],
        out_shape=[
            jax.ShapeDtypeStruct((N, H), _F32),
            jax.ShapeDtypeStruct((N, H), _F32),
        ],
        compiler_params=pltpu.CompilerParams(
            dimension_semantics=("parallel",)),
    )(h, W_m1aT, W_m1bT, b_m1r)

    gA, gB, xr, xc = _sc_gather(hA, hB, xpad, row_p, col_p)
    xr = xr.reshape(EP // 8, 128)
    xc = xc.reshape(EP // 8, 128)

    BE = 2048

    lane128 = jnp.arange(128, dtype=jnp.int32)
    SUM16 = (lane128[:, None] // 16 == jnp.arange(8)[None, :]).astype(_F32)
    EXP16 = (jnp.arange(8)[:, None] == lane128[None, :] // 16).astype(_F32)

    def edge_body(gA_ref, gB_ref, xr_ref, xc_ref, wd_ref, wm2_ref, bm2_ref,
                  wc1_ref, bc1_ref, wc2_ref, s16_ref, e16_ref,
                  msg_ref, crd_ref):
        B8 = xr_ref.shape[0]
        rel_p = xr_ref[...] - xc_ref[...]
        d2_p8 = jnp.dot(rel_p * rel_p, s16_ref[...],
                        preferred_element_type=_F32,
                        precision=lax.Precision.HIGHEST)
        dist3 = jnp.sqrt(
            jnp.broadcast_to(d2_p8[:, :, None], (B8, 8, 128)))
        dist_bc = dist3.reshape(B8 * 8, 128)
        pre = gA_ref[...] + gB_ref[...] + dist_bc * wd_ref[...]
        m1 = _silu(pre)
        msg = _silu(_dot(m1.astype(_BF16), wm2_ref[...]) + bm2_ref[...])
        msg_ref[...] = msg
        cc = _silu(_dot(msg.astype(_BF16), wc1_ref[...]) + bc1_ref[...])
        cm = jnp.tanh(jnp.sum(cc * wc2_ref[...], axis=1, keepdims=True))
        cm3 = jnp.broadcast_to(cm, (B8 * 8, 128)).reshape(B8, 8, 128)
        lane = lax.broadcasted_iota(jnp.int32, (B8, 128), 1)
        dist_p = jnp.zeros((B8, 128), _F32)
        cm_p = jnp.zeros((B8, 128), _F32)
        for g in range(8):
            m = (lane // 16 == g).astype(_F32)
            dist_p = dist_p + m * dist3[:, g, :]
            cm_p = cm_p + m * cm3[:, g, :]
        crd_p = cm_p * (rel_p / (dist_p + 1e-8))
        crd_ref[...] = jnp.where(lane % 16 == 3, 1.0, crd_p)

    msg, crd = pl.pallas_call(
        edge_body,
        grid=(EP // BE,),
        in_specs=[
            pl.BlockSpec((BE, H), lambda i: (i, 0)),
            pl.BlockSpec((BE, H), lambda i: (i, 0)),
            pl.BlockSpec((BE // 8, 128), lambda i: (i, 0)),
            pl.BlockSpec((BE // 8, 128), lambda i: (i, 0)),
            pl.BlockSpec((1, H), lambda i: (0, 0)),
            pl.BlockSpec((H, H), lambda i: (0, 0)),
            pl.BlockSpec((1, H), lambda i: (0, 0)),
            pl.BlockSpec((H, H), lambda i: (0, 0)),
            pl.BlockSpec((1, H), lambda i: (0, 0)),
            pl.BlockSpec((1, H), lambda i: (0, 0)),
            pl.BlockSpec((128, 8), lambda i: (0, 0)),
            pl.BlockSpec((8, 128), lambda i: (0, 0)),
        ],
        out_specs=[
            pl.BlockSpec((BE, H), lambda i: (i, 0)),
            pl.BlockSpec((BE // 8, 128), lambda i: (i, 0)),
        ],
        out_shape=[
            jax.ShapeDtypeStruct((EP, H), _F32),
            jax.ShapeDtypeStruct((EP // 8, 128), _F32),
        ],
        compiler_params=pltpu.CompilerParams(
            dimension_semantics=("parallel",)),
    )(gA, gB, xr, xc, w_d, W_m2T, b_m2r, W_c1T, b_c1r, w_c2, SUM16, EXP16)

    agg2, cacc2 = _sc_scatter(msg, crd.reshape(EP, 16), col_p, NP)
    cacc2 = cacc2.reshape(_NC, NP // 8, 128)

    lane_m = jnp.arange(128, dtype=jnp.int32)
    DEG_BCAST = ((lane_m[:, None] % 16 == 3)
                 & (lane_m[:, None] // 16 == lane_m[None, :] // 16)
                 ).astype(_F32)

    def node_body(h_ref, xp_ref, a0_ref, a1_ref, c0_ref, c1_ref,
                  wna_ref, wnb_ref, bn1_ref, wn2_ref, bn2_ref,
                  lng_ref, lnb_ref, dg_ref, hn_ref, xo_ref):
        agg = a0_ref[0] + a1_ref[0]
        csum_p = c0_ref[0] + c1_ref[0]
        deg_p = jnp.dot(csum_p, dg_ref[...],
                        preferred_element_type=_F32,
                        precision=lax.Precision.HIGHEST)
        xo_ref[...] = xp_ref[...] + csum_p / (deg_p + 1.0)
        pre = (_dot(h_ref[...], wna_ref[...]) + _dot(agg, wnb_ref[...])
               + bn1_ref[...])
        hn = h_ref[...] + _dot(_silu(pre), wn2_ref[...]) + bn2_ref[...]
        mu = jnp.mean(hn, axis=1, keepdims=True)
        var = jnp.mean((hn - mu) ** 2, axis=1, keepdims=True)
        hn_ref[...] = ((hn - mu) / jnp.sqrt(var + 1e-5) * lng_ref[...]
                       + lnb_ref[...])

    BN = 2048
    h_new, xo = pl.pallas_call(
        node_body,
        grid=(-(-N // BN),),
        in_specs=[
            pl.BlockSpec((BN, H), lambda i: (i, 0)),
            pl.BlockSpec((BN // 8, 128), lambda i: (i, 0)),
            pl.BlockSpec((1, BN, H), lambda i: (0, i, 0)),
            pl.BlockSpec((1, BN, H), lambda i: (1, i, 0)),
            pl.BlockSpec((1, BN // 8, 128), lambda i: (0, i, 0)),
            pl.BlockSpec((1, BN // 8, 128), lambda i: (1, i, 0)),
            pl.BlockSpec((H, H), lambda i: (0, 0)),
            pl.BlockSpec((H, H), lambda i: (0, 0)),
            pl.BlockSpec((1, H), lambda i: (0, 0)),
            pl.BlockSpec((H, H), lambda i: (0, 0)),
            pl.BlockSpec((1, H), lambda i: (0, 0)),
            pl.BlockSpec((1, H), lambda i: (0, 0)),
            pl.BlockSpec((1, H), lambda i: (0, 0)),
            pl.BlockSpec((128, 128), lambda i: (0, 0)),
        ],
        out_specs=[
            pl.BlockSpec((BN, H), lambda i: (i, 0)),
            pl.BlockSpec((BN // 8, 128), lambda i: (i, 0)),
        ],
        out_shape=[
            jax.ShapeDtypeStruct((N, H), _F32),
            jax.ShapeDtypeStruct((N // 8, 128), _F32),
        ],
        compiler_params=pltpu.CompilerParams(
            dimension_semantics=("parallel",)),
    )(h, xpad_p, agg2, agg2, cacc2, cacc2,
      W_n1aT, W_n1bT, b_n1r, W_n2T, b_n2r, ln_gr, ln_br, DEG_BCAST)

    return (h_new, xo.reshape(N, 16)[:, :3])

# --- scband reference (transcript-rebuilt; emitter-appended) ---
"""Pipeline reference for scband-equivariant-conv-240518168999 (READ-ONLY COPY).

The authoritative reference and input builder live on the scoring server;
editing this copy changes nothing except your own understanding.
"""

import jax, jax.numpy as jnp
import numpy as np

N = 10000
E = 320000
H = 128


def _lin(key, out_f, in_f, bias=True):
    s = 1.0 / np.sqrt(in_f)
    k1, k2 = jax.random.split(key)
    W = jax.random.uniform(k1, (out_f, in_f), minval=-s, maxval=s, dtype=jnp.float32)
    if bias:
        b = jax.random.uniform(k2, (out_f,), minval=-s, maxval=s, dtype=jnp.float32)
        return W, b
    return W, None


def setup_inputs(seed: int = 0) -> dict:
    key = jax.random.key(seed)
    ks = jax.random.split(key, 12)
    h = jax.random.normal(ks[0], (N, H), dtype=jnp.float32)
    x = jax.random.normal(ks[1], (N, 3), dtype=jnp.float32)
    edge_index = jax.random.randint(ks[2], (2, E), 0, N, dtype=jnp.int32)
    W_m1, b_m1 = _lin(ks[3], H, 2 * H + 1)
    W_m2, b_m2 = _lin(ks[4], H, H)
    W_c1, b_c1 = _lin(ks[5], H, H)
    W_c2, _ = _lin(ks[6], 1, H, bias=False)
    W_n1, b_n1 = _lin(ks[7], H, 2 * H)
    W_n2, b_n2 = _lin(ks[8], H, H)
    ln_g = jnp.ones((H,), dtype=jnp.float32)
    ln_b = jnp.zeros((H,), dtype=jnp.float32)
    return {
        "h": h, "x": x, "edge_index": edge_index,
        "W_m1": W_m1, "b_m1": b_m1, "W_m2": W_m2, "b_m2": b_m2,
        "W_c1": W_c1, "b_c1": b_c1, "W_c2": W_c2,
        "W_n1": W_n1, "b_n1": b_n1, "W_n2": W_n2, "b_n2": b_n2,
        "ln_g": ln_g, "ln_b": ln_b,
    }


def reference(h, x, edge_index, W_m1, b_m1, W_m2, b_m2, W_c1, b_c1, W_c2, W_n1, b_n1, W_n2, b_n2, ln_g, ln_b):
    num_nodes = h.shape[0]
    row = edge_index[0]
    col = edge_index[1]
    rel_coords = x[row] - x[col]
    dist = jnp.linalg.norm(rel_coords, axis=-1, keepdims=True)
    message_input = jnp.concatenate([h[row], h[col], dist], axis=-1)
    m = jax.nn.silu(message_input @ W_m1.T + b_m1)
    messages = jax.nn.silu(m @ W_m2.T + b_m2)
    agg_messages = jax.ops.segment_sum(messages, col, num_segments=num_nodes)
    rel_dir = rel_coords / (dist + 1e-08)
    c = jax.nn.silu(messages @ W_c1.T + b_c1)
    coord_mult = jnp.tanh(c @ W_c2.T)
    coord_update_src = coord_mult * rel_dir
    coord_update = jax.ops.segment_sum(coord_update_src, col, num_segments=num_nodes)
    in_degree = jax.ops.segment_sum(jnp.ones_like(col, dtype=x.dtype), col, num_segments=num_nodes)[:, None]
    x_new = x + coord_update / (in_degree + 1.0)
    node_update_input = jnp.concatenate([h, agg_messages], axis=-1)
    n = jax.nn.silu(node_update_input @ W_n1.T + b_n1)
    h_new = h + (n @ W_n2.T + b_n2)
    mu = jnp.mean(h_new, axis=-1, keepdims=True)
    var = jnp.var(h_new, axis=-1, keepdims=True)
    h_new = (h_new - mu) / jnp.sqrt(var + 1e-05) * ln_g + ln_b
    return (h_new, x_new)

if __name__ == "__main__":
    import jax
    _d = setup_inputs()
    print(jax.jit(kernel)(*tuple(_d.values())))

</pallas_src>

<mosaic_0001>
#map = affine_map<(d0, d1) -> (0, 0)>
#map1 = affine_map<(d0, d1) -> (0)>
#map2 = affine_map<(d0, d1) -> (0, 0, 0)>
module attributes {stable_mosaic.version = 14 : i64} {
  func.func @scatter_k(%arg0: i32, %arg1: i32, %arg2: memref<327680x128xf32, #tpu.memory_space<hbm>>, %arg3: memref<327680x16xf32, #tpu.memory_space<hbm>>, %arg4: memref<327680xi32, #tpu.memory_space<hbm>>, %arg5: memref<632x128xf32, #tpu.memory_space<hbm>>, %arg6: memref<632x16xf32, #tpu.memory_space<hbm>>, %arg7: memref<2x10112x128xf32, #tpu.memory_space<hbm>>, %arg8: memref<2x10112x16xf32, #tpu.memory_space<hbm>>, %arg9: memref<2x128xi32, #tpu.memory_space<vmem>>, %arg10: memref<2x128x128xf32, #tpu.memory_space<vmem>>, %arg11: memref<2x128x16xf32, #tpu.memory_space<vmem>>, %arg12: memref<10112x128xf32, #tpu.memory_space<vmem_shared>>, %arg13: memref<10112x16xf32, #tpu.memory_space<vmem_shared>>, %arg14: memref<!tpu.dma_semaphore, #tpu.memory_space<semaphore_mem>>, %arg15: memref<!tpu.dma_semaphore, #tpu.memory_space<semaphore_mem>>, %arg16: memref<!tpu.dma_semaphore, #tpu.memory_space<semaphore_mem>>, %arg17: memref<!tpu.dma_semaphore, #tpu.memory_space<semaphore_mem>>) attributes {dimension_semantics = [#tpu.dimension_semantics<core_parallel>, #tpu.dimension_semantics<subcore_parallel>], iteration_bounds = array<i64: 2, 16>, scalar_prefetch = 0 : i64, scratch_operands = 9 : i64, tpu.core_type = #tpu.core_type<sc_vector_subcore>, window_params = [{transform_indices = #map}, {transform_indices = #map}, {transform_indices = #map1}, {transform_indices = #map}, {transform_indices = #map}, {transform_indices = #map2}, {transform_indices = #map2}]} {
    %mul3A = arith.constant 632 : i32
    %mul3A_0 = arith.muli %arg1, %mul3A : i32
    "tpu.region"() ({
      %run_scoped3A = tpu.sem_alloc : memref<!tpu.dma_semaphore, #tpu.memory_space<semaphore_mem>>
      %dma_start3A_351 = arith.constant 0 : i32
      %dma_start3A_352 = tpu.memref_slice %arg12[%mul3A_0, %dma_start3A_351] : memref<10112x128xf32, #tpu.memory_space<vmem_shared>> -> memref<632x128xf32, #tpu.memory_space<vmem_shared>>
      tpu.enqueue_dma source(%arg5 : memref<632x128xf32, #tpu.memory_space<hbm>>) target(%dma_start3A_352 : memref<632x128xf32, #tpu.memory_space<vmem_shared>>) target_semaphore(%run_scoped3A : memref<!tpu.dma_semaphore, #tpu.memory_space<semaphore_mem>>)
      %dma_wait3A_353 = arith.constant 0 : i32
      %dma_wait3A_354 = tpu.memref_slice %arg12[%mul3A_0, %dma_wait3A_353] : memref<10112x128xf32, #tpu.memory_space<vmem_shared>> -> memref<632x128xf32, #tpu.memory_space<vmem_shared>>
      tpu.wait_dma2 semaphore(%run_scoped3A : memref<!tpu.dma_semaphore, #tpu.memory_space<semaphore_mem>>) src(%arg5 : memref<632x128xf32, #tpu.memory_space<hbm>>) dst(%dma_wait3A_354 : memref<632x128xf32, #tpu.memory_space<vmem_shared>>)
      tpu.yield
    }) : () -> ()
    %mul3A_1 = arith.constant 632 : i32
    %mul3A_2 = arith.muli %arg1, %mul3A_1 : i32
    "tpu.region"() ({
      %run_scoped3A = tpu.sem_alloc : memref<!tpu.dma_semaphore, #tpu.memory_space<semaphore_mem>>
      %dma_start3A_351 = arith.constant 0 : i32
      %dma_start3A_352 = tpu.memref_slice %arg13[%mul3A_2, %dma_start3A_351] : memref<10112x16xf32, #tpu.memory_space<vmem_shared>> -> memref<632x16xf32, #tpu.memory_space<vmem_shared>>
      tpu.enqueue_dma source(%arg6 : memref<632x16xf32, #tpu.memory_space<hbm>>) target(%dma_start3A_352 : memref<632x16xf32, #tpu.memory_space<vmem_shared>>) target_semaphore(%run_scoped3A : memref<!tpu.dma_semaphore, #tpu.memory_space<semaphore_mem>>)
      %dma_wait3A_353 = arith.constant 0 : i32
      %dma_wait3A_354 = tpu.memref_slice %arg13[%mul3A_2, %dma_wait3A_353] : memref<10112x16xf32, #tpu.memory_space<vmem_shared>> -> memref<632x16xf32, #tpu.memory_space<vmem_shared>>
      tpu.wait_dma2 semaphore(%run_scoped3A : memref<!tpu.dma_semaphore, #tpu.memory_space<semaphore_mem>>) src(%arg6 : memref<632x16xf32, #tpu.memory_space<hbm>>) dst(%dma_wait3A_354 : memref<632x16xf32, #tpu.memory_space<vmem_shared>>)
      tpu.yield
    }) : () -> ()
    %barrier3A = arith.constant 0 : index
    tpu.barrier barrier_id(%barrier3A)
    %mul3A_3 = arith.constant 16 : i32
    %mul3A_4 = arith.muli %arg0, %mul3A_3 : i32
    %add3A = arith.addi %mul3A_4, %arg1 : i32
    %mul3A_5 = arith.constant 10240 : i32
    %mul3A_6 = arith.muli %add3A, %mul3A_5 : i32
    %add3A_7 = arith.constant 0 : i32
    %add3A_8 = arith.addi %mul3A_6, %add3A_7 : i32
    %multiple_of3A = tpu.assume_multiple %add3A_8, 128 : i32
    %dma_start3A = arith.constant 0 : i32
    %dma_start3A_9 = arith.constant 0 : i32
    %dma_start3A_10 = tpu.memref_slice %arg9[%dma_start3A, %dma_start3A_9] : memref<2x128xi32, #tpu.memory_space<vmem>> -> memref<1x128xi32, #tpu.memory_space<vmem>>
    %dma_start3A_11 = tpu.memref_squeeze %dma_start3A_10 : memref<1x128xi32, #tpu.memory_space<vmem>> -> memref<128xi32, #tpu.memory_space<vmem>>
    %dma_start3A_12 = tpu.memref_slice %arg4[%multiple_of3A] : memref<327680xi32, #tpu.memory_space<hbm>> -> memref<128xi32, #tpu.memory_space<hbm>>
    %dma_start3A_13 = arith.constant 0 : i32
    %dma_start3A_14 = tpu.memref_slice %arg9[%dma_start3A, %dma_start3A_13] : memref<2x128xi32, #tpu.memory_space<vmem>> -> memref<1x128xi32, #tpu.memory_space<vmem>>
    %dma_start3A_15 = tpu.memref_squeeze %dma_start3A_14 : memref<1x128xi32, #tpu.memory_space<vmem>> -> memref<128xi32, #tpu.memory_space<vmem>>
    %dma_start3A_16 = tpu.memref_slice %arg4[%multiple_of3A] : memref<327680xi32, #tpu.memory_space<hbm>> -> memref<128xi32, #tpu.memory_space<hbm>>
    tpu.enqueue_dma source(%dma_start3A_16 : memref<128xi32, #tpu.memory_space<hbm>>) target(%dma_start3A_15 : memref<128xi32, #tpu.memory_space<vmem>>) target_semaphore(%arg14 : memref<!tpu.dma_semaphore, #tpu.memory_space<semaphore_mem>>)
    %dma_start3A_17 = arith.constant 0 : i32
    %dma_start3A_18 = arith.constant 0 : i32
    %dma_start3A_19 = arith.constant 0 : i32
    %dma_start3A_20 = tpu.memref_slice %arg10[%dma_start3A_17, %dma_start3A_18, %dma_start3A_19] : memref<2x128x128xf32, #tpu.memory_space<vmem>> -> memref<1x128x128xf32, #tpu.memory_space<vmem>>
    %dma_start3A_21 = tpu.memref_squeeze %dma_start3A_20 : memref<1x128x128xf32, #tpu.memory_space<vmem>> -> memref<128x128xf32, #tpu.memory_space<vmem>>
    %dma_start3A_22 = arith.constant 0 : i32
    %dma_start3A_23 = tpu.memref_slice %arg2[%multiple_of3A, %dma_start3A_22] : memref<327680x128xf32, #tpu.memory_space<hbm>> -> memref<128x128xf32, #tpu.memory_space<hbm>>
    %dma_start3A_24 = arith.constant 0 : i32
    %dma_start3A_25 = arith.constant 0 : i32
    %dma_start3A_26 = tpu.memref_slice %arg10[%dma_start3A_17, %dma_start3A_24, %dma_start3A_25] : memref<2x128x128xf32, #tpu.memory_space<vmem>> -> memref<1x128x128xf32, #tpu.memory_space<vmem>>
    %dma_start3A_27 = tpu.memref_squeeze %dma_start3A_26 : memref<1x128x128xf32, #tpu.memory_space<vmem>> -> memref<128x128xf32, #tpu.memory_space<vmem>>
    %dma_start3A_28 = arith.constant 0 : i32
    %dma_start3A_29 = tpu.memref_slice %arg2[%multiple_of3A, %dma_start3A_28] : memref<327680x128xf32, #tpu.memory_space<hbm>> -> memref<128x128xf32, #tpu.memory_space<hbm>>
    tpu.enqueue_dma source(%dma_start3A_29 : memref<128x128xf32, #tpu.memory_space<hbm>>) target(%dma_start3A_27 : memref<128x128xf32, #tpu.memory_space<vmem>>) target_semaphore(%arg14 : memref<!tpu.dma_semaphore, #tpu.memory_space<semaphore_mem>>)
    %dma_start3A_30 = arith.constant 0 : i32
    %dma_start3A_31 = arith.constant 0 : i32
    %dma_start3A_32 = arith.constant 0 : i32
    %dma_start3A_33 = tpu.memref_slice %arg11[%dma_start3A_30, %dma_start3A_31, %dma_start3A_32] : memref<2x128x16xf32, #tpu.memory_space<vmem>> -> memref<1x128x16xf32, #tpu.memory_space<vmem>>
    %dma_start3A_34 = tpu.memref_squeeze %dma_start3A_33 : memref<1x128x16xf32, #tpu.memory_space<vmem>> -> memref<128x16xf32, #tpu.memory_space<vmem>>
    %dma_start3A_35 = arith.constant 0 : i32
    %dma_start3A_36 = tpu.memref_slice %arg3[%multiple_of3A, %dma_start3A_35] : memref<327680x16xf32, #tpu.memory_space<hbm>> -> memref<128x16xf32, #tpu.memory_space<hbm>>
    %dma_start3A_37 = arith.constant 0 : i32
    %dma_start3A_38 = arith.constant 0 : i32
    %dma_start3A_39 = tpu.memref_slice %arg11[%dma_start3A_30, %dma_start3A_37, %dma_start3A_38] : memref<2x128x16xf32, #tpu.memory_space<vmem>> -> memref<1x128x16xf32, #tpu.memory_space<vmem>>
    %dma_start3A_40 = tpu.memref_squeeze %dma_start3A_39 : memref<1x128x16xf32, #tpu.memory_space<vmem>> -> memref<128x16xf32, #tpu.memory_space<vmem>>
    %dma_start3A_41 = arith.constant 0 : i32
    %dma_start3A_42 = tpu.memref_slice %arg3[%multiple_of3A, %dma_start3A_41] : memref<327680x16xf32, #tpu.memory_space<hbm>> -> memref<128x16xf32, #tpu.memory_space<hbm>>
    tpu.enqueue_dma source(%dma_start3A_42 : memref<128x16xf32, #tpu.memory_space<hbm>>) target(%dma_start3A_40 : memref<128x16xf32, #tpu.memory_space<vmem>>) target_semaphore(%arg14 : memref<!tpu.dma_semaphore, #tpu.memory_space<semaphore_mem>>)
    %dma_wait3A = arith.constant 0 : i32
    %dma_wait3A_43 = arith.constant 0 : i32
    %dma_wait3A_44 = tpu.memref_slice %arg9[%dma_wait3A, %dma_wait3A_43] : memref<2x128xi32, #tpu.memory_space<vmem>> -> memref<1x128xi32, #tpu.memory_space<vmem>>
    %dma_wait3A_45 = tpu.memref_squeeze %dma_wait3A_44 : memref<1x128xi32, #tpu.memory_space<vmem>> -> memref<128xi32, #tpu.memory_space<vmem>>
    %dma_wait3A_46 = arith.constant 0 : i32
    %dma_wait3A_47 = tpu.memref_slice %arg4[%dma_wait3A_46] : memref<327680xi32, #tpu.memory_space<hbm>> -> memref<128xi32, #tpu.memory_space<hbm>>
    %dma_wait3A_48 = arith.constant 0 : i32
    %dma_wait3A_49 = tpu.memref_slice %arg9[%dma_wait3A, %dma_wait3A_48] : memref<2x128xi32, #tpu.memory_space<vmem>> -> memref<1x128xi32, #tpu.memory_space<vmem>>
    %dma_wait3A_50 = tpu.memref_squeeze %dma_wait3A_49 : memref<1x128xi32, #tpu.memory_space<vmem>> -> memref<128xi32, #tpu.memory_space<vmem>>
    %dma_wait3A_51 = arith.constant 0 : i32
    %dma_wait3A_52 = tpu.memref_slice %arg4[%dma_wait3A_51] : memref<327680xi32, #tpu.memory_space<hbm>> -> memref<128xi32, #tpu.memory_space<hbm>>
    tpu.wait_dma2 semaphore(%arg14 : memref<!tpu.dma_semaphore, #tpu.memory_space<semaphore_mem>>) src(%dma_wait3A_52 : memref<128xi32, #tpu.memory_space<hbm>>) dst(%dma_wait3A_50 : memref<128xi32, #tpu.memory_space<vmem>>)
    %dma_wait3A_53 = arith.constant 0 : i32
    %dma_wait3A_54 = arith.constant 0 : i32
    %dma_wait3A_55 = arith.constant 0 : i32
    %dma_wait3A_56 = tpu.memref_slice %arg10[%dma_wait3A_53, %dma_wait3A_54, %dma_wait3A_55] : memref<2x128x128xf32, #tpu.memory_space<vmem>> -> memref<1x128x128xf32, #tpu.memory_space<vmem>>
    %dma_wait3A_57 = tpu.memref_squeeze %dma_wait3A_56 : memref<1x128x128xf32, #tpu.memory_space<vmem>> -> memref<128x128xf32, #tpu.memory_space<vmem>>
    %dma_wait3A_58 = arith.constant 0 : i32
    %dma_wait3A_59 = arith.constant 0 : i32
    %dma_wait3A_60 = tpu.memref_slice %arg2[%dma_wait3A_58, %dma_wait3A_59] : memref<327680x128xf32, #tpu.memory_space<hbm>> -> memref<128x128xf32, #tpu.memory_space<hbm>>
    %dma_wait3A_61 = arith.constant 0 : i32
    %dma_wait3A_62 = arith.constant 0 : i32
    %dma_wait3A_63 = tpu.memref_slice %arg10[%dma_wait3A_53, %dma_wait3A_61, %dma_wait3A_62] : memref<2x128x128xf32, #tpu.memory_space<vmem>> -> memref<1x128x128xf32, #tpu.memory_space<vmem>>
    %dma_wait3A_64 = tpu.memref_squeeze %dma_wait3A_63 : memref<1x128x128xf32, #tpu.memory_space<vmem>> -> memref<128x128xf32, #tpu.memory_space<vmem>>
    %dma_wait3A_65 = arith.constant 0 : i32
    %dma_wait3A_66 = arith.constant 0 : i32
    %dma_wait3A_67 = tpu.memref_slice %arg2[%dma_wait3A_65, %dma_wait3A_66] : memref<327680x128xf32, #tpu.memory_space<hbm>> -> memref<128x128xf32, #tpu.memory_space<hbm>>
    tpu.wait_dma2 semaphore(%arg14 : memref<!tpu.dma_semaphore, #tpu.memory_space<semaphore_mem>>) src(%dma_wait3A_67 : memref<128x128xf32, #tpu.memory_space<hbm>>) dst(%dma_wait3A_64 : memref<128x128xf32, #tpu.memory_space<vmem>>)
    %dma_wait3A_68 = arith.constant 0 : i32
    %dma_wait3A_69 = arith.constant 0 : i32
    %dma_wait3A_70 = arith.constant 0 : i32
    %dma_wait3A_71 = tpu.memref_slice %arg11[%dma_wait3A_68, %dma_wait3A_69, %dma_wait3A_70] : memref<2x128x16xf32, #tpu.memory_space<vmem>> -> memref<1x128x16xf32, #tpu.memory_space<vmem>>
    %dma_wait3A_72 = tpu.memref_squeeze %dma_wait3A_71 : memref<1x128x16xf32, #tpu.memory_space<vmem>> -> memref<128x16xf32, #tpu.memory_space<vmem>>
    %dma_wait3A_73 = arith.constant 0 : i32
    %dma_wait3A_74 = arith.constant 0 : i32
    %dma_wait3A_75 = tpu.memref_slice %arg3[%dma_wait3A_73, %dma_wait3A_74] : memref<327680x16xf32, #tpu.memory_space<hbm>> -> memref<128x16xf32, #tpu.memory_space<hbm>>
    %dma_wait3A_76 = arith.constant 0 : i32
    %dma_wait3A_77 = arith.constant 0 : i32
    %dma_wait3A_78 = tpu.memref_slice %arg11[%dma_wait3A_68, %dma_wait3A_76, %dma_wait3A_77] : memref<2x128x16xf32, #tpu.memory_space<vmem>> -> memref<1x128x16xf32, #tpu.memory_space<vmem>>
    %dma_wait3A_79 = tpu.memref_squeeze %dma_wait3A_78 : memref<1x128x16xf32, #tpu.memory_space<vmem>> -> memref<128x16xf32, #tpu.memory_space<vmem>>
    %dma_wait3A_80 = arith.constant 0 : i32
    %dma_wait3A_81 = arith.constant 0 : i32
    %dma_wait3A_82 = tpu.memref_slice %arg3[%dma_wait3A_80, %dma_wait3A_81] : memref<327680x16xf32, #tpu.memory_space<hbm>> -> memref<128x16xf32, #tpu.memory_space<hbm>>
    tpu.wait_dma2 semaphore(%arg14 : memref<!tpu.dma_semaphore, #tpu.memory_space<semaphore_mem>>) src(%dma_wait3A_82 : memref<128x16xf32, #tpu.memory_space<hbm>>) dst(%dma_wait3A_79 : memref<128x16xf32, #tpu.memory_space<vmem>>)
    %dma_start3A_83 = arith.constant 0 : i32
    %dma_start3A_84 = arith.constant 0 : i32
    %dma_start3A_85 = arith.constant 0 : i32
    %dma_start3A_86 = arith.constant 0 : i32
    %dma_start3A_87 = tpu.memref_slice %arg10[%dma_start3A_83, %dma_start3A_85, %dma_start3A_86] : memref<2x128x128xf32, #tpu.memory_space<vmem>> -> memref<1x128x128xf32, #tpu.memory_space<vmem>>
    %dma_start3A_88 = tpu.memref_squeeze %dma_start3A_87 : memref<1x128x128xf32, #tpu.memory_space<vmem>> -> memref<128x128xf32, #tpu.memory_space<vmem>>
    %dma_start3A_89 = arith.constant 0 : i32
    %dma_start3A_90 = tpu.memref_slice %arg9[%dma_start3A_84, %dma_start3A_89] : memref<2x128xi32, #tpu.memory_space<vmem>> -> memref<1x128xi32, #tpu.memory_space<vmem>>
    %dma_start3A_91 = tpu.memref_squeeze %dma_start3A_90 : memref<1x128xi32, #tpu.memory_space<vmem>> -> memref<128xi32, #tpu.memory_space<vmem>>
    %dma_start3A_92 = arith.constant 0 : i32
    %dma_start3A_93 = arith.constant 0 : i32
    %dma_start3A_94 = tpu.memref_slice %arg12[%dma_start3A_92, %dma_start3A_93] : memref<10112x128xf32, #tpu.memory_space<vmem_shared>> -> memref<10112x128xf32, #tpu.memory_space<vmem_shared>>
    tpu.enqueue_indirect_dma source(%dma_start3A_88 : memref<128x128xf32, #tpu.memory_space<vmem>>) target(%dma_start3A_94 : memref<10112x128xf32, #tpu.memory_space<vmem_shared>>) offsets(%dma_start3A_91 : memref<128xi32, #tpu.memory_space<vmem>>) semaphore(%arg16 : memref<!tpu.dma_semaphore, #tpu.memory_space<semaphore_mem>>) {add = true}
    %dma_start3A_95 = arith.constant 0 : i32
    %dma_start3A_96 = arith.constant 0 : i32
    %dma_start3A_97 = arith.constant 0 : i32
    %dma_start3A_98 = arith.constant 0 : i32
    %dma_start3A_99 = tpu.memref_slice %arg11[%dma_start3A_95, %dma_start3A_97, %dma_start3A_98] : memref<2x128x16xf32, #tpu.memory_space<vmem>> -> memref<1x128x16xf32, #tpu.memory_space<vmem>>
    %dma_start3A_100 = tpu.memref_squeeze %dma_start3A_99 : memref<1x128x16xf32, #tpu.memory_space<vmem>> -> memref<128x16xf32, #tpu.memory_space<vmem>>
    %dma_start3A_101 = arith.constant 0 : i32
    %dma_start3A_102 = tpu.memref_slice %arg9[%dma_start3A_96, %dma_start3A_101] : memref<2x128xi32, #tpu.memory_space<vmem>> -> memref<1x128xi32, #tpu.memory_space<vmem>>
    %dma_start3A_103 = tpu.memref_squeeze %dma_start3A_102 : memref<1x128xi32, #tpu.memory_space<vmem>> -> memref<128xi32, #tpu.memory_space<vmem>>
    %dma_start3A_104 = arith.constant 0 : i32
    %dma_start3A_105 = arith.constant 0 : i32
    %dma_start3A_106 = tpu.memref_slice %arg13[%dma_start3A_104, %dma_start3A_105] : memref<10112x16xf32, #tpu.memory_space<vmem_shared>> -> memref<10112x16xf32, #tpu.memory_space<vmem_shared>>
    tpu.enqueue_indirect_dma source(%dma_start3A_100 : memref<128x16xf32, #tpu.memory_space<vmem>>) target(%dma_start3A_106 : memref<10112x16xf32, #tpu.memory_space<vmem_shared>>) offsets(%dma_start3A_103 : memref<128xi32, #tpu.memory_space<vmem>>) semaphore(%arg16 : memref<!tpu.dma_semaphore, #tpu.memory_space<semaphore_mem>>) {add = true}
    %add3A_107 = arith.constant 128 : i32
    %add3A_108 = arith.addi %mul3A_6, %add3A_107 : i32
    %multiple_of3A_109 = tpu.assume_multiple %add3A_108, 128 : i32
    %dma_start3A_110 = arith.constant 1 : i32
    %dma_start3A_111 = arith.constant 0 : i32
    %dma_start3A_112 = tpu.memref_slice %arg9[%dma_start3A_110, %dma_start3A_111] : memref<2x128xi32, #tpu.memory_space<vmem>> -> memref<1x128xi32, #tpu.memory_space<vmem>>
    %dma_start3A_113 = tpu.memref_squeeze %dma_start3A_112 : memref<1x128xi32, #tpu.memory_space<vmem>> -> memref<128xi32, #tpu.memory_space<vmem>>
    %dma_start3A_114 = tpu.memref_slice %arg4[%multiple_of3A_109] : memref<327680xi32, #tpu.memory_space<hbm>> -> memref<128xi32, #tpu.memory_space<hbm>>
    %dma_start3A_115 = arith.constant 0 : i32
    %dma_start3A_116 = tpu.memref_slice %arg9[%dma_start3A_110, %dma_start3A_115] : memref<2x128xi32, #tpu.memory_space<vmem>> -> memref<1x128xi32, #tpu.memory_space<vmem>>
    %dma_start3A_117 = tpu.memref_squeeze %dma_start3A_116 : memref<1x128xi32, #tpu.memory_space<vmem>> -> memref<128xi32, #tpu.memory_space<vmem>>
    %dma_start3A_118 = tpu.memref_slice %arg4[%multiple_of3A_109] : memref<327680xi32, #tpu.memory_space<hbm>> -> memref<128xi32, #tpu.memory_space<hbm>>
    tpu.enqueue_dma source(%dma_start3A_118 : memref<128xi32, #tpu.memory_space<hbm>>) target(%dma_start3A_117 : memref<128xi32, #tpu.memory_space<vmem>>) target_semaphore(%arg15 : memref<!tpu.dma_semaphore, #tpu.memory_space<semaphore_mem>>)
    %dma_start3A_119 = arith.constant 1 : i32
    %dma_start3A_120 = arith.constant 0 : i32
    %dma_start3A_121 = arith.constant 0 : i32
    %dma_start3A_122 = tpu.memref_slice %arg10[%dma_start3A_119, %dma_start3A_120, %dma_start3A_121] : memref<2x128x128xf32, #tpu.memory_space<vmem>> -> memref<1x128x128xf32, #tpu.memory_space<vmem>>
    %dma_start3A_123 = tpu.memref_squeeze %dma_start3A_122 : memref<1x128x128xf32, #tpu.memory_space<vmem>> -> memref<128x128xf32, #tpu.memory_space<vmem>>
    %dma_start3A_124 = arith.constant 0 : i32
    %dma_start3A_125 = tpu.memref_slice %arg2[%multiple_of3A_109, %dma_start3A_124] : memref<327680x128xf32, #tpu.memory_space<hbm>> -> memref<128x128xf32, #tpu.memory_space<hbm>>
    %dma_start3A_126 = arith.constant 0 : i32
    %dma_start3A_127 = arith.constant 0 : i32
    %dma_start3A_128 = tpu.memref_slice %arg10[%dma_start3A_119, %dma_start3A_126, %dma_start3A_127] : memref<2x128x128xf32, #tpu.memory_space<vmem>> -> memref<1x128x128xf32, #tpu.memory_space<vmem>>
    %dma_start3A_129 = tpu.memref_squeeze %dma_start3A_128 : memref<1x128x128xf32, #tpu.memory_space<vmem>> -> memref<128x128xf32, #tpu.memory_space<vmem>>
    %dma_start3A_130 = arith.constant 0 : i32
    %dma_start3A_131 = tpu.memref_slice %arg2[%multiple_of3A_109, %dma_start3A_130] : memref<327680x128xf32, #tpu.memory_space<hbm>> -> memref<128x128xf32, #tpu.memory_space<hbm>>
    tpu.enqueue_dma source(%dma_start3A_131 : memref<128x128xf32, #tpu.memory_space<hbm>>) target(%dma_start3A_129 : memref<128x128xf32, #tpu.memory_space<vmem>>) target_semaphore(%arg15 : memref<!tpu.dma_semaphore, #tpu.memory_space<semaphore_mem>>)
    %dma_start3A_132 = arith.constant 1 : i32
    %dma_start3A_133 = arith.constant 0 : i32
    %dma_start3A_134 = arith.constant 0 : i32
    %dma_start3A_135 = tpu.memref_slice %arg11[%dma_start3A_132, %dma_start3A_133, %dma_start3A_134] : memref<2x128x16xf32, #tpu.memory_space<vmem>> -> memref<1x128x16xf32, #tpu.memory_space<vmem>>
    %dma_start3A_136 = tpu.memref_squeeze %dma_start3A_135 : memref<1x128x16xf32, #tpu.memory_space<vmem>> -> memref<128x16xf32, #tpu.memory_space<vmem>>
    %dma_start3A_137 = arith.constant 0 : i32
    %dma_start3A_138 = tpu.memref_slice %arg3[%multiple_of3A_109, %dma_start3A_137] : memref<327680x16xf32, #tpu.memory_space<hbm>> -> memref<128x16xf32, #tpu.memory_space<hbm>>
    %dma_start3A_139 = arith.constant 0 : i32
    %dma_start3A_140 = arith.constant 0 : i32
    %dma_start3A_141 = tpu.memref_slice %arg11[%dma_start3A_132, %dma_start3A_139, %dma_start3A_140] : memref<2x128x16xf32, #tpu.memory_space<vmem>> -> memref<1x128x16xf32, #tpu.memory_space<vmem>>
    %dma_start3A_142 = tpu.memref_squeeze %dma_start3A_141 : memref<1x128x16xf32, #tpu.memory_space<vmem>> -> memref<128x16xf32, #tpu.memory_space<vmem>>
    %dma_start3A_143 = arith.constant 0 : i32
    %dma_start3A_144 = tpu.memref_slice %arg3[%multiple_of3A_109, %dma_start3A_143] : memref<327680x16xf32, #tpu.memory_space<hbm>> -> memref<128x16xf32, #tpu.memory_space<hbm>>
    tpu.enqueue_dma source(%dma_start3A_144 : memref<128x16xf32, #tpu.memory_space<hbm>>) target(%dma_start3A_142 : memref<128x16xf32, #tpu.memory_space<vmem>>) target_semaphore(%arg15 : memref<!tpu.dma_semaphore, #tpu.memory_space<semaphore_mem>>)
    %dma_wait3A_145 = arith.constant 1 : i32
    %dma_wait3A_146 = arith.constant 0 : i32
    %dma_wait3A_147 = tpu.memref_slice %arg9[%dma_wait3A_145, %dma_wait3A_146] : memref<2x128xi32, #tpu.memory_space<vmem>> -> memref<1x128xi32, #tpu.memory_space<vmem>>
    %dma_wait3A_148 = tpu.memref_squeeze %dma_wait3A_147 : memref<1x128xi32, #tpu.memory_space<vmem>> -> memref<128xi32, #tpu.memory_space<vmem>>
    %dma_wait3A_149 = arith.constant 0 : i32
    %dma_wait3A_150 = tpu.memref_slice %arg4[%dma_wait3A_149] : memref<327680xi32, #tpu.memory_space<hbm>> -> memref<128xi32, #tpu.memory_space<hbm>>
    %dma_wait3A_151 = arith.constant 0 : i32
    %dma_wait3A_152 = tpu.memref_slice %arg9[%dma_wait3A_145, %dma_wait3A_151] : memref<2x128xi32, #tpu.memory_space<vmem>> -> memref<1x128xi32, #tpu.memory_space<vmem>>
    %dma_wait3A_153 = tpu.memref_squeeze %dma_wait3A_152 : memref<1x128xi32, #tpu.memory_space<vmem>> -> memref<128xi32, #tpu.memory_space<vmem>>
    %dma_wait3A_154 = arith.constant 0 : i32
    %dma_wait3A_155 = tpu.memref_slice %arg4[%dma_wait3A_154] : memref<327680xi32, #tpu.memory_space<hbm>> -> memref<128xi32, #tpu.memory_space<hbm>>
    tpu.wait_dma2 semaphore(%arg15 : memref<!tpu.dma_semaphore, #tpu.memory_space<semaphore_mem>>) src(%dma_wait3A_155 : memref<128xi32, #tpu.memory_space<hbm>>) dst(%dma_wait3A_153 : memref<128xi32, #tpu.memory_space<vmem>>)
    %dma_wait3A_156 = arith.constant 1 : i32
    %dma_wait3A_157 = arith.constant 0 : i32
    %dma_wait3A_158 = arith.constant 0 : i32
    %dma_wait3A_159 = tpu.memref_slice %arg10[%dma_wait3A_156, %dma_wait3A_157, %dma_wait3A_158] : memref<2x128x128xf32, #tpu.memory_space<vmem>> -> memref<1x128x128xf32, #tpu.memory_space<vmem>>
    %dma_wait3A_160 = tpu.memref_squeeze %dma_wait3A_159 : memref<1x128x128xf32, #tpu.memory_space<vmem>> -> memref<128x128xf32, #tpu.memory_space<vmem>>
    %dma_wait3A_161 = arith.constant 0 : i32
    %dma_wait3A_162 = arith.constant 0 : i32
    %dma_wait3A_163 = tpu.memref_slice %arg2[%dma_wait3A_161, %dma_wait3A_162] : memref<327680x128xf32, #tpu.memory_space<hbm>> -> memref<128x128xf32, #tpu.memory_space<hbm>>
    %dma_wait3A_164 = arith.constant 0 : i32
    %dma_wait3A_165 = arith.constant 0 : i32
    %dma_wait3A_166 = tpu.memref_slice %arg10[%dma_wait3A_156, %dma_wait3A_164, %dma_wait3A_165] : memref<2x128x128xf32, #tpu.memory_space<vmem>> -> memref<1x128x128xf32, #tpu.memory_space<vmem>>
    %dma_wait3A_167 = tpu.memref_squeeze %dma_wait3A_166 : memref<1x128x128xf32, #tpu.memory_space<vmem>> -> memref<128x128xf32, #tpu.memory_space<vmem>>
    %dma_wait3A_168 = arith.constant 0 : i32
    %dma_wait3A_169 = arith.constant 0 : i32
    %dma_wait3A_170 = tpu.memref_slice %arg2[%dma_wait3A_168, %dma_wait3A_169] : memref<327680x128xf32, #tpu.memory_space<hbm>> -> memref<128x128xf32, #tpu.memory_space<hbm>>
    tpu.wait_dma2 semaphore(%arg15 : memref<!tpu.dma_semaphore, #tpu.memory_space<semaphore_mem>>) src(%dma_wait3A_170 : memref<128x128xf32, #tpu.memory_space<hbm>>) dst(%dma_wait3A_167 : memref<128x128xf32, #tpu.memory_space<vmem>>)
    %dma_wait3A_171 = arith.constant 1 : i32
    %dma_wait3A_172 = arith.constant 0 : i32
    %dma_wait3A_173 = arith.constant 0 : i32
    %dma_wait3A_174 = tpu.memref_slice %arg11[%dma_wait3A_171, %dma_wait3A_172, %dma_wait3A_173] : memref<2x128x16xf32, #tpu.memory_space<vmem>> -> memref<1x128x16xf32, #tpu.memory_space<vmem>>
    %dma_wait3A_175 = tpu.memref_squeeze %dma_wait3A_174 : memref<1x128x16xf32, #tpu.memory_space<vmem>> -> memref<128x16xf32, #tpu.memory_space<vmem>>
    %dma_wait3A_176 = arith.constant 0 : i32
    %dma_wait3A_177 = arith.constant 0 : i32
    %dma_wait3A_178 = tpu.memref_slice %arg3[%dma_wait3A_176, %dma_wait3A_177] : memref<327680x16xf32, #tpu.memory_space<hbm>> -> memref<128x16xf32, #tpu.memory_space<hbm>>
    %dma_wait3A_179 = arith.constant 0 : i32
    %dma_wait3A_180 = arith.constant 0 : i32
    %dma_wait3A_181 = tpu.memref_slice %arg11[%dma_wait3A_171, %dma_wait3A_179, %dma_wait3A_180] : memref<2x128x16xf32, #tpu.memory_space<vmem>> -> memref<1x128x16xf32, #tpu.memory_space<vmem>>
    %dma_wait3A_182 = tpu.memref_squeeze %dma_wait3A_181 : memref<1x128x16xf32, #tpu.memory_space<vmem>> -> memref<128x16xf32, #tpu.memory_space<vmem>>
    %dma_wait3A_183 = arith.constant 0 : i32
    %dma_wait3A_184 = arith.constant 0 : i32
    %dma_wait3A_185 = tpu.memref_slice %arg3[%dma_wait3A_183, %dma_wait3A_184] : memref<327680x16xf32, #tpu.memory_space<hbm>> -> memref<128x16xf32, #tpu.memory_space<hbm>>
    tpu.wait_dma2 semaphore(%arg15 : memref<!tpu.dma_semaphore, #tpu.memory_space<semaphore_mem>>) src(%dma_wait3A_185 : memref<128x16xf32, #tpu.memory_space<hbm>>) dst(%dma_wait3A_182 : memref<128x16xf32, #tpu.memory_space<vmem>>)
    %dma_wait3A_186 = arith.constant 0 : i32
    %dma_wait3A_187 = arith.constant 0 : i32
    %dma_wait3A_188 = arith.constant 0 : i32
    %dma_wait3A_189 = arith.constant 0 : i32
    %dma_wait3A_190 = tpu.memref_slice %arg10[%dma_wait3A_186, %dma_wait3A_188, %dma_wait3A_189] : memref<2x128x128xf32, #tpu.memory_space<vmem>> -> memref<1x128x128xf32, #tpu.memory_space<vmem>>
    %dma_wait3A_191 = tpu.memref_squeeze %dma_wait3A_190 : memref<1x128x128xf32, #tpu.memory_space<vmem>> -> memref<128x128xf32, #tpu.memory_space<vmem>>
    %dma_wait3A_192 = arith.constant 0 : i32
    %dma_wait3A_193 = tpu.memref_slice %arg9[%dma_wait3A_187, %dma_wait3A_192] : memref<2x128xi32, #tpu.memory_space<vmem>> -> memref<1x128xi32, #tpu.memory_space<vmem>>
    %dma_wait3A_194 = tpu.memref_squeeze %dma_wait3A_193 : memref<1x128xi32, #tpu.memory_space<vmem>> -> memref<128xi32, #tpu.memory_space<vmem>>
    %dma_wait3A_195 = arith.constant 0 : i32
    %dma_wait3A_196 = arith.constant 0 : i32
    %dma_wait3A_197 = tpu.memref_slice %arg12[%dma_wait3A_195, %dma_wait3A_196] : memref<10112x128xf32, #tpu.memory_space<vmem_shared>> -> memref<10112x128xf32, #tpu.memory_space<vmem_shared>>
    tpu.wait_indirect_dma semaphore(%arg16 : memref<!tpu.dma_semaphore, #tpu.memory_space<semaphore_mem>>) src(%dma_wait3A_191 : memref<128x128xf32, #tpu.memory_space<vmem>>) dst(%dma_wait3A_197 : memref<10112x128xf32, #tpu.memory_space<vmem_shared>>)
    %dma_wait3A_198 = arith.constant 0 : i32
    %dma_wait3A_199 = arith.constant 0 : i32
    %dma_wait3A_200 = arith.constant 0 : i32
    %dma_wait3A_201 = arith.constant 0 : i32
    %dma_wait3A_202 = tpu.memref_slice %arg11[%dma_wait3A_198, %dma_wait3A_200, %dma_wait3A_201] : memref<2x128x16xf32, #tpu.memory_space<vmem>> -> memref<1x128x16xf32, #tpu.memory_space<vmem>>
    %dma_wait3A_203 = tpu.memref_squeeze %dma_wait3A_202 : memref<1x128x16xf32, #tpu.memory_space<vmem>> -> memref<128x16xf32, #tpu.memory_space<vmem>>
    %dma_wait3A_204 = arith.constant 0 : i32
    %dma_wait3A_205 = tpu.memref_slice %arg9[%dma_wait3A_199, %dma_wait3A_204] : memref<2x128xi32, #tpu.memory_space<vmem>> -> memref<1x128xi32, #tpu.memory_space<vmem>>
    %dma_wait3A_206 = tpu.memref_squeeze %dma_wait3A_205 : memref<1x128xi32, #tpu.memory_space<vmem>> -> memref<128xi32, #tpu.memory_space<vmem>>
    %dma_wait3A_207 = arith.constant 0 : i32
    %dma_wait3A_208 = arith.constant 0 : i32
    %dma_wait3A_209 = tpu.memref_slice %arg13[%dma_wait3A_207, %dma_wait3A_208] : memref<10112x16xf32, #tpu.memory_space<vmem_shared>> -> memref<10112x16xf32, #tpu.memory_space<vmem_shared>>
    tpu.wait_indirect_dma semaphore(%arg16 : memref<!tpu.dma_semaphore, #tpu.memory_space<semaphore_mem>>) src(%dma_wait3A_203 : memref<128x16xf32, #tpu.memory_space<vmem>>) dst(%dma_wait3A_209 : memref<10112x16xf32, #tpu.memory_space<vmem_shared>>)
    %dma_start3A_210 = arith.constant 1 : i32
    %dma_start3A_211 = arith.constant 1 : i32
    %dma_start3A_212 = arith.constant 0 : i32
    %dma_start3A_213 = arith.constant 0 : i32
    %dma_start3A_214 = tpu.memref_slice %arg10[%dma_start3A_210, %dma_start3A_212, %dma_start3A_213] : memref<2x128x128xf32, #tpu.memory_space<vmem>> -> memref<1x128x128xf32, #tpu.memory_space<vmem>>
    %dma_start3A_215 = tpu.memref_squeeze %dma_start3A_214 : memref<1x128x128xf32, #tpu.memory_space<vmem>> -> memref<128x128xf32, #tpu.memory_space<vmem>>
    %dma_start3A_216 = arith.constant 0 : i32
    %dma_start3A_217 = tpu.memref_slice %arg9[%dma_start3A_211, %dma_start3A_216] : memref<2x128xi32, #tpu.memory_space<vmem>> -> memref<1x128xi32, #tpu.memory_space<vmem>>
    %dma_start3A_218 = tpu.memref_squeeze %dma_start3A_217 : memref<1x128xi32, #tpu.memory_space<vmem>> -> memref<128xi32, #tpu.memory_space<vmem>>
    %dma_start3A_219 = arith.constant 0 : i32
    %dma_start3A_220 = arith.constant 0 : i32
    %dma_start3A_221 = tpu.memref_slice %arg12[%dma_start3A_219, %dma_start3A_220] : memref<10112x128xf32, #tpu.memory_space<vmem_shared>> -> memref<10112x128xf32, #tpu.memory_space<vmem_shared>>
    tpu.enqueue_indirect_dma source(%dma_start3A_215 : memref<128x128xf32, #tpu.memory_space<vmem>>) target(%dma_start3A_221 : memref<10112x128xf32, #tpu.memory_space<vmem_shared>>) offsets(%dma_start3A_218 : memref<128xi32, #tpu.memory_space<vmem>>) semaphore(%arg17 : memref<!tpu.dma_semaphore, #tpu.memory_space<semaphore_mem>>) {add = true}
    %dma_start3A_222 = arith.constant 1 : i32
    %dma_start3A_223 = arith.constant 1 : i32
    %dma_start3A_224 = arith.constant 0 : i32
    %dma_start3A_225 = arith.constant 0 : i32
    %dma_start3A_226 = tpu.memref_slice %arg11[%dma_start3A_222, %dma_start3A_224, %dma_start3A_225] : memref<2x128x16xf32, #tpu.memory_space<vmem>> -> memref<1x128x16xf32, #tpu.memory_space<vmem>>
    %dma_start3A_227 = tpu.memref_squeeze %dma_start3A_226 : memref<1x128x16xf32, #tpu.memory_space<vmem>> -> memref<128x16xf32, #tpu.memory_space<vmem>>
    %dma_start3A_228 = arith.constant 0 : i32
    %dma_start3A_229 = tpu.memref_slice %arg9[%dma_start3A_223, %dma_start3A_228] : memref<2x128xi32, #tpu.memory_space<vmem>> -> memref<1x128xi32, #tpu.memory_space<vmem>>
    %dma_start3A_230 = tpu.memref_squeeze %dma_start3A_229 : memref<1x128xi32, #tpu.memory_space<vmem>> -> memref<128xi32, #tpu.memory_space<vmem>>
    %dma_start3A_231 = arith.constant 0 : i32
    %dma_start3A_232 = arith.constant 0 : i32
    %dma_start3A_233 = tpu.memref_slice %arg13[%dma_start3A_231, %dma_start3A_232] : memref<10112x16xf32, #tpu.memory_space<vmem_shared>> -> memref<10112x16xf32, #tpu.memory_space<vmem_shared>>
    tpu.enqueue_indirect_dma source(%dma_start3A_227 : memref<128x16xf32, #tpu.memory_space<vmem>>) target(%dma_start3A_233 : memref<10112x16xf32, #tpu.memory_space<vmem_shared>>) offsets(%dma_start3A_230 : memref<128xi32, #tpu.memory_space<vmem>>) semaphore(%arg17 : memref<!tpu.dma_semaphore, #tpu.memory_space<semaphore_mem>>) {add = true}
    %add3A_234 = arith.constant 256 : i32
    %add3A_235 = arith.addi %mul3A_6, %add3A_234 : i32
    %multiple_of3A_236 = tpu.assume_multiple %add3A_235, 128 : i32
    %dma_start3A_237 = arith.constant 0 : i32
    %dma_start3A_238 = arith.constant 0 : i32
    %dma_start3A_239 = tpu.memref_slice %arg9[%dma_start3A_237, %dma_start3A_238] : memref<2x128xi32, #tpu.memory_space<vmem>> -> memref<1x128xi32, #tpu.memory_space<vmem>>
    %dma_start3A_240 = tpu.memref_squeeze %dma_start3A_239 : memref<1x128xi32, #tpu.memory_space<vmem>> -> memref<128xi32, #tpu.memory_space<vmem>>
    %dma_start3A_241 = tpu.memref_slice %arg4[%multiple_of3A_236] : memref<327680xi32, #tpu.memory_space<hbm>> -> memref<128xi32, #tpu.memory_space<hbm>>
    %dma_start3A_242 = arith.constant 0 : i32
    %dma_start3A_243 = tpu.memref_slice %arg9[%dma_start3A_237, %dma_start3A_242] : memref<2x128xi32, #tpu.memory_space<vmem>> -> memref<1x128xi32, #tpu.memory_space<vmem>>
    %dma_start3A_244 = tpu.memref_squeeze %dma_start3A_243 : memref<1x128xi32, #tpu.memory_space<vmem>> -> memref<128xi32, #tpu.memory_space<vmem>>
    %dma_start3A_245 = tpu.memref_slice %arg4[%multiple_of3A_236] : memref<327680xi32, #tpu.memory_space<hbm>> -> memref<128xi32, #tpu.memory_space<hbm>>
    tpu.enqueue_dma source(%dma_start3A_245 : memref<128xi32, #tpu.memory_space<hbm>>) target(%dma_start3A_244 : memref<128xi32, #tpu.memory_space<vmem>>) target_semaphore(%arg14 : memref<!tpu.dma_semaphore, #tpu.memory_space<semaphore_mem>>)
    %dma_start3A_246 = arith.constant 0 : i32
    %dma_start3A_247 = arith.constant 0 : i32
    %dma_start3A_248 = arith.constant 0 : i32
    %dma_start3A_249 = tpu.memref_slice %arg10[%dma_start3A_246, %dma_start3A_247, %dma_start3A_248] : memref<2x128x128xf32, #tpu.memory_space<vmem>> -> memref<1x128x128xf32, #tpu.memory_space<vmem>>
    %dma_start3A_250 = tpu.memref_squeeze %dma_start3A_249 : memref<1x128x128xf32, #tpu.memory_space<vmem>> -> memref<128x128xf32, #tpu.memory_space<vmem>>
    %dma_start3A_251 = arith.constant 0 : i32
    %dma_start3A_252 = tpu.memref_slice %arg2[%multiple_of3A_236, %dma_start3A_251] : memref<327680x128xf32, #tpu.memory_space<hbm>> -> memref<128x128xf32, #tpu.memory_space<hbm>>
    %dma_start3A_253 = arith.constant 0 : i32
    %dma_start3A_254 = arith.constant 0 : i32
    %dma_start3A_255 = tpu.memref_slice %arg10[%dma_start3A_246, %dma_start3A_253, %dma_start3A_254] : memref<2x128x128xf32, #tpu.memory_space<vmem>> -> memref<1x128x128xf32, #tpu.memory_space<vmem>>
    %dma_start3A_256 = tpu.memref_squeeze %dma_start3A_255 : memref<1x128x128xf32, #tpu.memory_space<vmem>> -> memref<128x128xf32, #tpu.memory_space<vmem>>
    %dma_start3A_257 = arith.constant 0 : i32
    %dma_start3A_258 = tpu.memref_slice %arg2[%multiple_of3A_236, %dma_start3A_257] : memref<327680x128xf32, #tpu.memory_space<hbm>> -> memref<128x128xf32, #tpu.memory_space<hbm>>
    tpu.enqueue_dma source(%dma_start3A_258 : memref<128x128xf32, #tpu.memory_space<hbm>>) target(%dma_start3A_256 : memref<128x128xf32, #tpu.memory_space<vmem>>) target_semaphore(%arg14 : memref<!tpu.dma_semaphore, #tpu.memory_space<semaphore_mem>>)
    %dma_start3A_259 = arith.constant 0 : i32
    %dma_start3A_260 = arith.constant 0 : i32
    %dma_start3A_261 = arith.constant 0 : i32
    %dma_start3A_262 = tpu.memref_slice %arg11[%dma_start3A_259, %dma_start3A_260, %dma_start3A_261] : memref<2x128x16xf32, #tpu.memory_space<vmem>> -> memref<1x128x16xf32, #tpu.memory_space<vmem>>
    %dma_start3A_263 = tpu.memref_squeeze %dma_start3A_262 : memref<1x128x16xf32, #tpu.memory_space<vmem>> -> memref<128x16xf32, #tpu.memory_space<vmem>>
    %dma_start3A_264 = arith.constant 0 : i32
    %dma_start3A_265 = tpu.memref_slice %arg3[%multiple_of3A_236, %dma_start3A_264] : memref<327680x16xf32, #tpu.memory_space<hbm>> -> memref<128x16xf32, #tpu.memory_space<hbm>>
    %dma_start3A_266 = arith.constant 0 : i32
    %dma_start3A_267 = arith.constant 0 : i32
    %dma_start3A_268 = tpu.memref_slice %arg11[%dma_start3A_259, %dma_start3A_266, %dma_start3A_267] : memref<2x128x16xf32, #tpu.memory_space<vmem>> -> memref<1x128x16xf32, #tpu.memory_space<vmem>>
    %dma_start3A_269 = tpu.memref_squeeze %dma_start3A_268 : memref<1x128x16xf32, #tpu.memory_space<vmem>> -> memref<128x16xf32, #tpu.memory_space<vmem>>
    %dma_start3A_270 = arith.constant 0 : i32
    %dma_start3A_271 = tpu.memref_slice %arg3[%multiple_of3A_236, %dma_start3A_270] : memref<327680x16xf32, #tpu.memory_space<hbm>> -> memref<128x16xf32, #tpu.memory_space<hbm>>
    tpu.enqueue_dma source(%dma_start3A_271 : memref<128x16xf32, #tpu.memory_space<hbm>>) target(%dma_start3A_269 : memref<128x16xf32, #tpu.memory_space<vmem>>) target_semaphore(%arg14 : memref<!tpu.dma_semaphore, #tpu.memory_space<semaphore_mem>>)
    %scan3A = arith.constant 0 : i32
    %scan3A_272 = arith.constant 1 : i32
    %scan3A_273 = arith.constant 39 : i32
    %scan3A_274 = arith.addi %scan3A_272, %scan3A_273 : i32
    %scan3A_275 = arith.constant 1 : i32
    scf.for %scan3A_351 = %scan3A_272 to %scan3A_274 step %scan3A_275  : i32 {
      %mul3A_352 = arith.constant 2 : i32
      %mul3A_353 = arith.muli %mul3A_352, %scan3A_351 : i32
      %add3A_354 = arith.constant 0 : i32
      %add3A_355 = arith.addi %mul3A_353, %add3A_354 : i32
      %dma_wait3A_356 = arith.constant 0 : i32
      %dma_wait3A_357 = arith.constant 0 : i32
      %dma_wait3A_358 = tpu.memref_slice %arg9[%dma_wait3A_356, %dma_wait3A_357] : memref<2x128xi32, #tpu.memory_space<vmem>> -> memref<1x128xi32, #tpu.memory_space<vmem>>
      %dma_wait3A_359 = tpu.memref_squeeze %dma_wait3A_358 : memref<1x128xi32, #tpu.memory_space<vmem>> -> memref<128xi32, #tpu.memory_space<vmem>>
      %dma_wait3A_360 = arith.constant 0 : i32
      %dma_wait3A_361 = tpu.memref_slice %arg4[%dma_wait3A_360] : memref<327680xi32, #tpu.memory_space<hbm>> -> memref<128xi32, #tpu.memory_space<hbm>>
      %dma_wait3A_362 = arith.constant 0 : i32
      %dma_wait3A_363 = tpu.memref_slice %arg9[%dma_wait3A_356, %dma_wait3A_362] : memref<2x128xi32, #tpu.memory_space<vmem>> -> memref<1x128xi32, #tpu.memory_space<vmem>>
      %dma_wait3A_364 = tpu.memref_squeeze %dma_wait3A_363 : memref<1x128xi32, #tpu.memory_space<vmem>> -> memref<128xi32, #tpu.memory_space<vmem>>
      %dma_wait3A_365 = arith.constant 0 : i32
      %dma_wait3A_366 = tpu.memref_slice %arg4[%dma_wait3A_365] : memref<327680xi32, #tpu.memory_space<hbm>> -> memref<128xi32, #tpu.memory_space<hbm>>
      tpu.wait_dma2 semaphore(%arg14 : memref<!tpu.dma_semaphore, #tpu.memory_space<semaphore_mem>>) src(%dma_wait3A_366 : memref<128xi32, #tpu.memory_space<hbm>>) dst(%dma_wait3A_364 : memref<128xi32, #tpu.memory_space<vmem>>)
      %dma_wait3A_367 = arith.constant 0 : i32
      %dma_wait3A_368 = arith.constant 0 : i32
      %dma_wait3A_369 = arith.constant 0 : i32
      %dma_wait3A_370 = tpu.memref_slice %arg10[%dma_wait3A_367, %dma_wait3A_368, %dma_wait3A_369] : memref<2x128x128xf32, #tpu.memory_space<vmem>> -> memref<1x128x128xf32, #tpu.memory_space<vmem>>
      %dma_wait3A_371 = tpu.memref_squeeze %dma_wait3A_370 : memref<1x128x128xf32, #tpu.memory_space<vmem>> -> memref<128x128xf32, #tpu.memory_space<vmem>>
      %dma_wait3A_372 = arith.constant 0 : i32
      %dma_wait3A_373 = arith.constant 0 : i32
      %dma_wait3A_374 = tpu.memref_slice %arg2[%dma_wait3A_372, %dma_wait3A_373] : memref<327680x128xf32, #tpu.memory_space<hbm>> -> memref<128x128xf32, #tpu.memory_space<hbm>>
      %dma_wait3A_375 = arith.constant 0 : i32
      %dma_wait3A_376 = arith.constant 0 : i32
      %dma_wait3A_377 = tpu.memref_slice %arg10[%dma_wait3A_367, %dma_wait3A_375, %dma_wait3A_376] : memref<2x128x128xf32, #tpu.memory_space<vmem>> -> memref<1x128x128xf32, #tpu.memory_space<vmem>>
      %dma_wait3A_378 = tpu.memref_squeeze %dma_wait3A_377 : memref<1x128x128xf32, #tpu.memory_space<vmem>> -> memref<128x128xf32, #tpu.memory_space<vmem>>
      %dma_wait3A_379 = arith.constant 0 : i32
      %dma_wait3A_380 = arith.constant 0 : i32
      %dma_wait3A_381 = tpu.memref_slice %arg2[%dma_wait3A_379, %dma_wait3A_380] : memref<327680x128xf32, #tpu.memory_space<hbm>> -> memref<128x128xf32, #tpu.memory_space<hbm>>
      tpu.wait_dma2 semaphore(%arg14 : memref<!tpu.dma_semaphore, #tpu.memory_space<semaphore_mem>>) src(%dma_wait3A_381 : memref<128x128xf32, #tpu.memory_space<hbm>>) dst(%dma_wait3A_378 : memref<128x128xf32, #tpu.memory_space<vmem>>)
      %dma_wait3A_382 = arith.constant 0 : i32
      %dma_wait3A_383 = arith.constant 0 : i32
      %dma_wait3A_384 = arith.constant 0 : i32
      %dma_wait3A_385 = tpu.memref_slice %arg11[%dma_wait3A_382, %dma_wait3A_383, %dma_wait3A_384] : memref<2x128x16xf32, #tpu.memory_space<vmem>> -> memref<1x128x16xf32, #tpu.memory_space<vmem>>
      %dma_wait3A_386 = tpu.memref_squeeze %dma_wait3A_385 : memref<1x128x16xf32, #tpu.memory_space<vmem>> -> memref<128x16xf32, #tpu.memory_space<vmem>>
      %dma_wait3A_387 = arith.constant 0 : i32
      %dma_wait3A_388 = arith.constant 0 : i32
      %dma_wait3A_389 = tpu.memref_slice %arg3[%dma_wait3A_387, %dma_wait3A_388] : memref<327680x16xf32, #tpu.memory_space<hbm>> -> memref<128x16xf32, #tpu.memory_space<hbm>>
      %dma_wait3A_390 = arith.constant 0 : i32
      %dma_wait3A_391 = arith.constant 0 : i32
      %dma_wait3A_392 = tpu.memref_slice %arg11[%dma_wait3A_382, %dma_wait3A_390, %dma_wait3A_391] : memref<2x128x16xf32, #tpu.memory_space<vmem>> -> memref<1x128x16xf32, #tpu.memory_space<vmem>>
      %dma_wait3A_393 = tpu.memref_squeeze %dma_wait3A_392 : memref<1x128x16xf32, #tpu.memory_space<vmem>> -> memref<128x16xf32, #tpu.memory_space<vmem>>
      %dma_wait3A_394 = arith.constant 0 : i32
      %dma_wait3A_395 = arith.constant 0 : i32
      %dma_wait3A_396 = tpu.memref_slice %arg3[%dma_wait3A_394, %dma_wait3A_395] : memref<327680x16xf32, #tpu.memory_space<hbm>> -> memref<128x16xf32, #tpu.memory_space<hbm>>
      tpu.wait_dma2 semaphore(%arg14 : memref<!tpu.dma_semaphore, #tpu.memory_space<semaphore_mem>>) src(%dma_wait3A_396 : memref<128x16xf32, #tpu.memory_space<hbm>>) dst(%dma_wait3A_393 : memref<128x16xf32, #tpu.memory_space<vmem>>)
      %dma_wait3A_397 = arith.constant 1 : i32
      %dma_wait3A_398 = arith.constant 1 : i32
      %dma_wait3A_399 = arith.constant 0 : i32
      %dma_wait3A_400 = arith.constant 0 : i32
      %dma_wait3A_401 = tpu.memref_slice %arg10[%dma_wait3A_397, %dma_wait3A_399, %dma_wait3A_400] : memref<2x128x128xf32, #tpu.memory_space<vmem>> -> memref<1x128x128xf32, #tpu.memory_space<vmem>>
      %dma_wait3A_402 = tpu.memref_squeeze %dma_wait3A_401 : memref<1x128x128xf32, #tpu.memory_space<vmem>> -> memref<128x128xf32, #tpu.memory_space<vmem>>
      %dma_wait3A_403 = arith.constant 0 : i32
      %dma_wait3A_404 = tpu.memref_slice %arg9[%dma_wait3A_398, %dma_wait3A_403] : memref<2x128xi32, #tpu.memory_space<vmem>> -> memref<1x128xi32, #tpu.memory_space<vmem>>
      %dma_wait3A_405 = tpu.memref_squeeze %dma_wait3A_404 : memref<1x128xi32, #tpu.memory_space<vmem>> -> memref<128xi32, #tpu.memory_space<vmem>>
      %dma_wait3A_406 = arith.constant 0 : i32
      %dma_wait3A_407 = arith.constant 0 : i32
      %dma_wait3A_408 = tpu.memref_slice %arg12[%dma_wait3A_406, %dma_wait3A_407] : memref<10112x128xf32, #tpu.memory_space<vmem_shared>> -> memref<10112x128xf32, #tpu.memory_space<vmem_shared>>
      tpu.wait_indirect_dma semaphore(%arg17 : memref<!tpu.dma_semaphore, #tpu.memory_space<semaphore_mem>>) src(%dma_wait3A_402 : memref<128x128xf32, #tpu.memory_space<vmem>>) dst(%dma_wait3A_408 : memref<10112x128xf32, #tpu.memory_space<vmem_shared>>)
      %dma_wait3A_409 = arith.constant 1 : i32
      %dma_wait3A_410 = arith.constant 1 : i32
      %dma_wait3A_411 = arith.constant 0 : i32
      %dma_wait3A_412 = arith.constant 0 : i32
      %dma_wait3A_413 = tpu.memref_slice %arg11[%dma_wait3A_409, %dma_wait3A_411, %dma_wait3A_412] : memref<2x128x16xf32, #tpu.memory_space<vmem>> -> memref<1x128x16xf32, #tpu.memory_space<vmem>>
      %dma_wait3A_414 = tpu.memref_squeeze %dma_wait3A_413 : memref<1x128x16xf32, #tpu.memory_space<vmem>> -> memref<128x16xf32, #tpu.memory_space<vmem>>
      %dma_wait3A_415 = arith.constant 0 : i32
      %dma_wait3A_416 = tpu.memref_slice %arg9[%dma_wait3A_410, %dma_wait3A_415] : memref<2x128xi32, #tpu.memory_space<vmem>> -> memref<1x128xi32, #tpu.memory_space<vmem>>
      %dma_wait3A_417 = tpu.memref_squeeze %dma_wait3A_416 : memref<1x128xi32, #tpu.memory_space<vmem>> -> memref<128xi32, #tpu.memory_space<vmem>>
      %dma_wait3A_418 = arith.constant 0 : i32
      %dma_wait3A_419 = arith.constant 0 : i32
      %dma_wait3A_420 = tpu.memref_slice %arg13[%dma_wait3A_418, %dma_wait3A_419] : memref<10112x16xf32, #tpu.memory_space<vmem_shared>> -> memref<10112x16xf32, #tpu.memory_space<vmem_shared>>
      tpu.wait_indirect_dma semaphore(%arg17 : memref<!tpu.dma_semaphore, #tpu.memory_space<semaphore_mem>>) src(%dma_wait3A_414 : memref<128x16xf32, #tpu.memory_space<vmem>>) dst(%dma_wait3A_420 : memref<10112x16xf32, #tpu.memory_space<vmem_shared>>)
      %dma_start3A_421 = arith.constant 0 : i32
      %dma_start3A_422 = arith.constant 0 : i32
      %dma_start3A_423 = arith.constant 0 : i32
      %dma_start3A_424 = arith.constant 0 : i32
      %dma_start3A_425 = tpu.memref_slice %arg10[%dma_start3A_421, %dma_start3A_423, %dma_start3A_424] : memref<2x128x128xf32, #tpu.memory_space<vmem>> -> memref<1x128x128xf32, #tpu.memory_space<vmem>>
      %dma_start3A_426 = tpu.memref_squeeze %dma_start3A_425 : memref<1x128x128xf32, #tpu.memory_space<vmem>> -> memref<128x128xf32, #tpu.memory_space<vmem>>
      %dma_start3A_427 = arith.constant 0 : i32
      %dma_start3A_428 = tpu.memref_slice %arg9[%dma_start3A_422, %dma_start3A_427] : memref<2x128xi32, #tpu.memory_space<vmem>> -> memref<1x128xi32, #tpu.memory_space<vmem>>
      %dma_start3A_429 = tpu.memref_squeeze %dma_start3A_428 : memref<1x128xi32, #tpu.memory_space<vmem>> -> memref<128xi32, #tpu.memory_space<vmem>>
      %dma_start3A_430 = arith.constant 0 : i32
      %dma_start3A_431 = arith.constant 0 : i32
      %dma_start3A_432 = tpu.memref_slice %arg12[%dma_start3A_430, %dma_start3A_431] : memref<10112x128xf32, #tpu.memory_space<vmem_shared>> -> memref<10112x128xf32, #tpu.memory_space<vmem_shared>>
      tpu.enqueue_indirect_dma source(%dma_start3A_426 : memref<128x128xf32, #tpu.memory_space<vmem>>) target(%dma_start3A_432 : memref<10112x128xf32, #tpu.memory_space<vmem_shared>>) offsets(%dma_start3A_429 : memref<128xi32, #tpu.memory_space<vmem>>) semaphore(%arg16 : memref<!tpu.dma_semaphore, #tpu.memory_space<semaphore_mem>>) {add = true}
      %dma_start3A_433 = arith.constant 0 : i32
      %dma_start3A_434 = arith.constant 0 : i32
      %dma_start3A_435 = arith.constant 0 : i32
      %dma_start3A_436 = arith.constant 0 : i32
      %dma_start3A_437 = tpu.memref_slice %arg11[%dma_start3A_433, %dma_start3A_435, %dma_start3A_436] : memref<2x128x16xf32, #tpu.memory_space<vmem>> -> memref<1x128x16xf32, #tpu.memory_space<vmem>>
      %dma_start3A_438 = tpu.memref_squeeze %dma_start3A_437 : memref<1x128x16xf32, #tpu.memory_space<vmem>> -> memref<128x16xf32, #tpu.memory_space<vmem>>
      %dma_start3A_439 = arith.constant 0 : i32
      %dma_start3A_440 = tpu.memref_slice %arg9[%dma_start3A_434, %dma_start3A_439] : memref<2x128xi32, #tpu.memory_space<vmem>> -> memref<1x128xi32, #tpu.memory_space<vmem>>
      %dma_start3A_441 = tpu.memref_squeeze %dma_start3A_440 : memref<1x128xi32, #tpu.memory_space<vmem>> -> memref<128xi32, #tpu.memory_space<vmem>>
      %dma_start3A_442 = arith.constant 0 : i32
      %dma_start3A_443 = arith.constant 0 : i32
      %dma_start3A_444 = tpu.memref_slice %arg13[%dma_start3A_442, %dma_start3A_443] : memref<10112x16xf32, #tpu.memory_space<vmem_shared>> -> memref<10112x16xf32, #tpu.memory_space<vmem_shared>>
      tpu.enqueue_indirect_dma source(%dma_start3A_438 : memref<128x16xf32, #tpu.memory_space<vmem>>) target(%dma_start3A_444 : memref<10112x16xf32, #tpu.memory_space<vmem_shared>>) offsets(%dma_start3A_441 : memref<128xi32, #tpu.memory_space<vmem>>) semaphore(%arg16 : memref<!tpu.dma_semaphore, #tpu.memory_space<semaphore_mem>>) {add = true}
      %add3A_445 = arith.constant 1 : i32
      %add3A_446 = arith.addi %add3A_355, %add3A_445 : i32
      %min3A = arith.constant 79 : i32
      %min3A_447 = arith.minsi %add3A_446, %min3A : i32
      %mul3A_448 = arith.constant 128 : i32
      %mul3A_449 = arith.muli %min3A_447, %mul3A_448 : i32
      %add3A_450 = arith.addi %mul3A_6, %mul3A_449 : i32
      %multiple_of3A_451 = tpu.assume_multiple %add3A_450, 128 : i32
      %dma_start3A_452 = arith.constant 1 : i32
      %dma_start3A_453 = arith.constant 0 : i32
      %dma_start3A_454 = tpu.memref_slice %arg9[%dma_start3A_452, %dma_start3A_453] : memref<2x128xi32, #tpu.memory_space<vmem>> -> memref<1x128xi32, #tpu.memory_space<vmem>>
      %dma_start3A_455 = tpu.memref_squeeze %dma_start3A_454 : memref<1x128xi32, #tpu.memory_space<vmem>> -> memref<128xi32, #tpu.memory_space<vmem>>
      %dma_start3A_456 = tpu.memref_slice %arg4[%multiple_of3A_451] : memref<327680xi32, #tpu.memory_space<hbm>> -> memref<128xi32, #tpu.memory_space<hbm>>
      %dma_start3A_457 = arith.constant 0 : i32
      %dma_start3A_458 = tpu.memref_slice %arg9[%dma_start3A_452, %dma_start3A_457] : memref<2x128xi32, #tpu.memory_space<vmem>> -> memref<1x128xi32, #tpu.memory_space<vmem>>
      %dma_start3A_459 = tpu.memref_squeeze %dma_start3A_458 : memref<1x128xi32, #tpu.memory_space<vmem>> -> memref<128xi32, #tpu.memory_space<vmem>>
      %dma_start3A_460 = tpu.memref_slice %arg4[%multiple_of3A_451] : memref<327680xi32, #tpu.memory_space<hbm>> -> memref<128xi32, #tpu.memory_space<hbm>>
      tpu.enqueue_dma source(%dma_start3A_460 : memref<128xi32, #tpu.memory_space<hbm>>) target(%dma_start3A_459 : memref<128xi32, #tpu.memory_space<vmem>>) target_semaphore(%arg15 : memref<!tpu.dma_semaphore, #tpu.memory_space<semaphore_mem>>)
      %dma_start3A_461 = arith.constant 1 : i32
      %dma_start3A_462 = arith.constant 0 : i32
      %dma_start3A_463 = arith.constant 0 : i32
      %dma_start3A_464 = tpu.memref_slice %arg10[%dma_start3A_461, %dma_start3A_462, %dma_start3A_463] : memref<2x128x128xf32, #tpu.memory_space<vmem>> -> memref<1x128x128xf32, #tpu.memory_space<vmem>>
      %dma_start3A_465 = tpu.memref_squeeze %dma_start3A_464 : memref<1x128x128xf32, #tpu.memory_space<vmem>> -> memref<128x128xf32, #tpu.memory_space<vmem>>
      %dma_start3A_466 = arith.constant 0 : i32
      %dma_start3A_467 = tpu.memref_slice %arg2[%multiple_of3A_451, %dma_start3A_466] : memref<327680x128xf32, #tpu.memory_space<hbm>> -> memref<128x128xf32, #tpu.memory_space<hbm>>
      %dma_start3A_468 = arith.constant 0 : i32
      %dma_start3A_469 = arith.constant 0 : i32
      %dma_start3A_470 = tpu.memref_slice %arg10[%dma_start3A_461, %dma_start3A_468, %dma_start3A_469] : memref<2x128x128xf32, #tpu.memory_space<vmem>> -> memref<1x128x128xf32, #tpu.memory_space<vmem>>
      %dma_start3A_471 = tpu.memref_squeeze %dma_start3A_470 : memref<1x128x128xf32, #tpu.memory_space<vmem>> -> memref<128x128xf32, #tpu.memory_space<vmem>>
      %dma_start3A_472 = arith.constant 0 : i32
      %dma_start3A_473 = tpu.memref_slice %arg2[%multiple_of3A_451, %dma_start3A_472] : memref<327680x128xf32, #tpu.memory_space<hbm>> -> memref<128x128xf32, #tpu.memory_space<hbm>>
      tpu.enqueue_dma source(%dma_start3A_473 : memref<128x128xf32, #tpu.memory_space<hbm>>) target(%dma_start3A_471 : memref<128x128xf32, #tpu.memory_space<vmem>>) target_semaphore(%arg15 : memref<!tpu.dma_semaphore, #tpu.memory_space<semaphore_mem>>)
      %dma_start3A_474 = arith.constant 1 : i32
      %dma_start3A_475 = arith.constant 0 : i32
      %dma_start3A_476 = arith.constant 0 : i32
      %dma_start3A_477 = tpu.memref_slice %arg11[%dma_start3A_474, %dma_start3A_475, %dma_start3A_476] : memref<2x128x16xf32, #tpu.memory_space<vmem>> -> memref<1x128x16xf32, #tpu.memory_space<vmem>>
      %dma_start3A_478 = tpu.memref_squeeze %dma_start3A_477 : memref<1x128x16xf32, #tpu.memory_space<vmem>> -> memref<128x16xf32, #tpu.memory_space<vmem>>
      %dma_start3A_479 = arith.constant 0 : i32
      %dma_start3A_480 = tpu.memref_slice %arg3[%multiple_of3A_451, %dma_start3A_479] : memref<327680x16xf32, #tpu.memory_space<hbm>> -> memref<128x16xf32, #tpu.memory_space<hbm>>
      %dma_start3A_481 = arith.constant 0 : i32
      %dma_start3A_482 = arith.constant 0 : i32
      %dma_start3A_483 = tpu.memref_slice %arg11[%dma_start3A_474, %dma_start3A_481, %dma_start3A_482] : memref<2x128x16xf32, #tpu.memory_space<vmem>> -> memref<1x128x16xf32, #tpu.memory_space<vmem>>
      %dma_start3A_484 = tpu.memref_squeeze %dma_start3A_483 : memref<1x128x16xf32, #tpu.memory_space<vmem>> -> memref<128x16xf32, #tpu.memory_space<vmem>>
      %dma_start3A_485 = arith.constant 0 : i32
      %dma_start3A_486 = tpu.memref_slice %arg3[%multiple_of3A_451, %dma_start3A_485] : memref<327680x16xf32, #tpu.memory_space<hbm>> -> memref<128x16xf32, #tpu.memory_space<hbm>>
      tpu.enqueue_dma source(%dma_start3A_486 : memref<128x16xf32, #tpu.memory_space<hbm>>) target(%dma_start3A_484 : memref<128x16xf32, #tpu.memory_space<vmem>>) target_semaphore(%arg15 : memref<!tpu.dma_semaphore, #tpu.memory_space<semaphore_mem>>)
      %add3A_487 = arith.constant 1 : i32
      %add3A_488 = arith.addi %mul3A_353, %add3A_487 : i32
      %dma_wait3A_489 = arith.constant 1 : i32
      %dma_wait3A_490 = arith.constant 0 : i32
      %dma_wait3A_491 = tpu.memref_slice %arg9[%dma_wait3A_489, %dma_wait3A_490] : memref<2x128xi32, #tpu.memory_space<vmem>> -> memref<1x128xi32, #tpu.memory_space<vmem>>
      %dma_wait3A_492 = tpu.memref_squeeze %dma_wait3A_491 : memref<1x128xi32, #tpu.memory_space<vmem>> -> memref<128xi32, #tpu.memory_space<vmem>>
      %dma_wait3A_493 = arith.constant 0 : i32
      %dma_wait3A_494 = tpu.memref_slice %arg4[%dma_wait3A_493] : memref<327680xi32, #tpu.memory_space<hbm>> -> memref<128xi32, #tpu.memory_space<hbm>>
      %dma_wait3A_495 = arith.constant 0 : i32
      %dma_wait3A_496 = tpu.memref_slice %arg9[%dma_wait3A_489, %dma_wait3A_495] : memref<2x128xi32, #tpu.memory_space<vmem>> -> memref<1x128xi32, #tpu.memory_space<vmem>>
      %dma_wait3A_497 = tpu.memref_squeeze %dma_wait3A_496 : memref<1x128xi32, #tpu.memory_space<vmem>> -> memref<128xi32, #tpu.memory_space<vmem>>
      %dma_wait3A_498 = arith.constant 0 : i32
      %dma_wait3A_499 = tpu.memref_slice %arg4[%dma_wait3A_498] : memref<327680xi32, #tpu.memory_space<hbm>> -> memref<128xi32, #tpu.memory_space<hbm>>
      tpu.wait_dma2 semaphore(%arg15 : memref<!tpu.dma_semaphore, #tpu.memory_space<semaphore_mem>>) src(%dma_wait3A_499 : memref<128xi32, #tpu.memory_space<hbm>>) dst(%dma_wait3A_497 : memref<128xi32, #tpu.memory_space<vmem>>)
      %dma_wait3A_500 = arith.constant 1 : i32
      %dma_wait3A_501 = arith.constant 0 : i32
      %dma_wait3A_502 = arith.constant 0 : i32
      %dma_wait3A_503 = tpu.memref_slice %arg10[%dma_wait3A_500, %dma_wait3A_501, %dma_wait3A_502] : memref<2x128x128xf32, #tpu.memory_space<vmem>> -> memref<1x128x128xf32, #tpu.memory_space<vmem>>
      %dma_wait3A_504 = tpu.memref_squeeze %dma_wait3A_503 : memref<1x128x128xf32, #tpu.memory_space<vmem>> -> memref<128x128xf32, #tpu.memory_space<vmem>>
      %dma_wait3A_505 = arith.constant 0 : i32
      %dma_wait3A_506 = arith.constant 0 : i32
      %dma_wait3A_507 = tpu.memref_slice %arg2[%dma_wait3A_505, %dma_wait3A_506] : memref<327680x128xf32, #tpu.memory_space<hbm>> -> memref<128x128xf32, #tpu.memory_space<hbm>>
      %dma_wait3A_508 = arith.constant 0 : i32
      %dma_wait3A_509 = arith.constant 0 : i32
      %dma_wait3A_510 = tpu.memref_slice %arg10[%dma_wait3A_500, %dma_wait3A_508, %dma_wait3A_509] : memref<2x128x128xf32, #tpu.memory_space<vmem>> -> memref<1x128x128xf32, #tpu.memory_space<vmem>>
      %dma_wait3A_511 = tpu.memref_squeeze %dma_wait3A_510 : memref<1x128x128xf32, #tpu.memory_space<vmem>> -> memref<128x128xf32, #tpu.memory_space<vmem>>
      %dma_wait3A_512 = arith.constant 0 : i32
      %dma_wait3A_513 = arith.constant 0 : i32
      %dma_wait3A_514 = tpu.memref_slice %arg2[%dma_wait3A_512, %dma_wait3A_513] : memref<327680x128xf32, #tpu.memory_space<hbm>> -> memref<128x128xf32, #tpu.memory_space<hbm>>
      tpu.wait_dma2 semaphore(%arg15 : memref<!tpu.dma_semaphore, #tpu.memory_space<semaphore_mem>>) src(%dma_wait3A_514 : memref<128x128xf32, #tpu.memory_space<hbm>>) dst(%dma_wait3A_511 : memref<128x128xf32, #tpu.memory_space<vmem>>)
      %dma_wait3A_515 = arith.constant 1 : i32
      %dma_wait3A_516 = arith.constant 0 : i32
      %dma_wait3A_517 = arith.constant 0 : i32
      %dma_wait3A_518 = tpu.memref_slice %arg11[%dma_wait3A_515, %dma_wait3A_516, %dma_wait3A_517] : memref<2x128x16xf32, #tpu.memory_space<vmem>> -> memref<1x128x16xf32, #tpu.memory_space<vmem>>
      %dma_wait3A_519 = tpu.memref_squeeze %dma_wait3A_518 : memref<1x128x16xf32, #tpu.memory_space<vmem>> -> memref<128x16xf32, #tpu.memory_space<vmem>>
      %dma_wait3A_520 = arith.constant 0 : i32
      %dma_wait3A_521 = arith.constant 0 : i32
      %dma_wait3A_522 = tpu.memref_slice %arg3[%dma_wait3A_520, %dma_wait3A_521] : memref<327680x16xf32, #tpu.memory_space<hbm>> -> memref<128x16xf32, #tpu.memory_space<hbm>>
      %dma_wait3A_523 = arith.constant 0 : i32
      %dma_wait3A_524 = arith.constant 0 : i32
      %dma_wait3A_525 = tpu.memref_slice %arg11[%dma_wait3A_515, %dma_wait3A_523, %dma_wait3A_524] : memref<2x128x16xf32, #tpu.memory_space<vmem>> -> memref<1x128x16xf32, #tpu.memory_space<vmem>>
      %dma_wait3A_526 = tpu.memref_squeeze %dma_wait3A_525 : memref<1x128x16xf32, #tpu.memory_space<vmem>> -> memref<128x16xf32, #tpu.memory_space<vmem>>
      %dma_wait3A_527 = arith.constant 0 : i32
      %dma_wait3A_528 = arith.constant 0 : i32
      %dma_wait3A_529 = tpu.memref_slice %arg3[%dma_wait3A_527, %dma_wait3A_528] : memref<327680x16xf32, #tpu.memory_space<hbm>> -> memref<128x16xf32, #tpu.memory_space<hbm>>
      tpu.wait_dma2 semaphore(%arg15 : memref<!tpu.dma_semaphore, #tpu.memory_space<semaphore_mem>>) src(%dma_wait3A_529 : memref<128x16xf32, #tpu.memory_space<hbm>>) dst(%dma_wait3A_526 : memref<128x16xf32, #tpu.memory_space<vmem>>)
      %dma_wait3A_530 = arith.constant 0 : i32
      %dma_wait3A_531 = arith.constant 0 : i32
      %dma_wait3A_532 = arith.constant 0 : i32
      %dma_wait3A_533 = arith.constant 0 : i32
      %dma_wait3A_534 = tpu.memref_slice %arg10[%dma_wait3A_530, %dma_wait3A_532, %dma_wait3A_533] : memref<2x128x128xf32, #tpu.memory_space<vmem>> -> memref<1x128x128xf32, #tpu.memory_space<vmem>>
      %dma_wait3A_535 = tpu.memref_squeeze %dma_wait3A_534 : memref<1x128x128xf32, #tpu.memory_space<vmem>> -> memref<128x128xf32, #tpu.memory_space<vmem>>
      %dma_wait3A_536 = arith.constant 0 : i32
      %dma_wait3A_537 = tpu.memref_slice %arg9[%dma_wait3A_531, %dma_wait3A_536] : memref<2x128xi32, #tpu.memory_space<vmem>> -> memref<1x128xi32, #tpu.memory_space<vmem>>
      %dma_wait3A_538 = tpu.memref_squeeze %dma_wait3A_537 : memref<1x128xi32, #tpu.memory_space<vmem>> -> memref<128xi32, #tpu.memory_space<vmem>>
      %dma_wait3A_539 = arith.constant 0 : i32
      %dma_wait3A_540 = arith.constant 0 : i32
      %dma_wait3A_541 = tpu.memref_slice %arg12[%dma_wait3A_539, %dma_wait3A_540] : memref<10112x128xf32, #tpu.memory_space<vmem_shared>> -> memref<10112x128xf32, #tpu.memory_space<vmem_shared>>
      tpu.wait_indirect_dma semaphore(%arg16 : memref<!tpu.dma_semaphore, #tpu.memory_space<semaphore_mem>>) src(%dma_wait3A_535 : memref<128x128xf32, #tpu.memory_space<vmem>>) dst(%dma_wait3A_541 : memref<10112x128xf32, #tpu.memory_space<vmem_shared>>)
      %dma_wait3A_542 = arith.constant 0 : i32
      %dma_wait3A_543 = arith.constant 0 : i32
      %dma_wait3A_544 = arith.constant 0 : i32
      %dma_wait3A_545 = arith.constant 0 : i32
      %dma_wait3A_546 = tpu.memref_slice %arg11[%dma_wait3A_542, %dma_wait3A_544, %dma_wait3A_545] : memref<2x128x16xf32, #tpu.memory_space<vmem>> -> memref<1x128x16xf32, #tpu.memory_space<vmem>>
      %dma_wait3A_547 = tpu.memref_squeeze %dma_wait3A_546 : memref<1x128x16xf32, #tpu.memory_space<vmem>> -> memref<128x16xf32, #tpu.memory_space<vmem>>
      %dma_wait3A_548 = arith.constant 0 : i32
      %dma_wait3A_549 = tpu.memref_slice %arg9[%dma_wait3A_543, %dma_wait3A_548] : memref<2x128xi32, #tpu.memory_space<vmem>> -> memref<1x128xi32, #tpu.memory_space<vmem>>
      %dma_wait3A_550 = tpu.memref_squeeze %dma_wait3A_549 : memref<1x128xi32, #tpu.memory_space<vmem>> -> memref<128xi32, #tpu.memory_space<vmem>>
      %dma_wait3A_551 = arith.constant 0 : i32
      %dma_wait3A_552 = arith.constant 0 : i32
      %dma_wait3A_553 = tpu.memref_slice %arg13[%dma_wait3A_551, %dma_wait3A_552] : memref<10112x16xf32, #tpu.memory_space<vmem_shared>> -> memref<10112x16xf32, #tpu.memory_space<vmem_shared>>
      tpu.wait_indirect_dma semaphore(%arg16 : memref<!tpu.dma_semaphore, #tpu.memory_space<semaphore_mem>>) src(%dma_wait3A_547 : memref<128x16xf32, #tpu.memory_space<vmem>>) dst(%dma_wait3A_553 : memref<10112x16xf32, #tpu.memory_space<vmem_shared>>)
      %dma_start3A_554 = arith.constant 1 : i32
      %dma_start3A_555 = arith.constant 1 : i32
      %dma_start3A_556 = arith.constant 0 : i32
      %dma_start3A_557 = arith.constant 0 : i32
      %dma_start3A_558 = tpu.memref_slice %arg10[%dma_start3A_554, %dma_start3A_556, %dma_start3A_557] : memref<2x128x128xf32, #tpu.memory_space<vmem>> -> memref<1x128x128xf32, #tpu.memory_space<vmem>>
      %dma_start3A_559 = tpu.memref_squeeze %dma_start3A_558 : memref<1x128x128xf32, #tpu.memory_space<vmem>> -> memref<128x128xf32, #tpu.memory_space<vmem>>
      %dma_start3A_560 = arith.constant 0 : i32
      %dma_start3A_561 = tpu.memref_slice %arg9[%dma_start3A_555, %dma_start3A_560] : memref<2x128xi32, #tpu.memory_space<vmem>> -> memref<1x128xi32, #tpu.memory_space<vmem>>
      %dma_start3A_562 = tpu.memref_squeeze %dma_start3A_561 : memref<1x128xi32, #tpu.memory_space<vmem>> -> memref<128xi32, #tpu.memory_space<vmem>>
      %dma_start3A_563 = arith.constant 0 : i32
      %dma_start3A_564 = arith.constant 0 : i32
      %dma_start3A_565 = tpu.memref_slice %arg12[%dma_start3A_563, %dma_start3A_564] : memref<10112x128xf32, #tpu.memory_space<vmem_shared>> -> memref<10112x128xf32, #tpu.memory_space<vmem_shared>>
      tpu.enqueue_indirect_dma source(%dma_start3A_559 : memref<128x128xf32, #tpu.memory_space<vmem>>) target(%dma_start3A_565 : memref<10112x128xf32, #tpu.memory_space<vmem_shared>>) offsets(%dma_start3A_562 : memref<128xi32, #tpu.memory_space<vmem>>) semaphore(%arg17 : memref<!tpu.dma_semaphore, #tpu.memory_space<semaphore_mem>>) {add = true}
      %dma_start3A_566 = arith.constant 1 : i32
      %dma_start3A_567 = arith.constant 1 : i32
      %dma_start3A_568 = arith.constant 0 : i32
      %dma_start3A_569 = arith.constant 0 : i32
      %dma_start3A_570 = tpu.memref_slice %arg11[%dma_start3A_566, %dma_start3A_568, %dma_start3A_569] : memref<2x128x16xf32, #tpu.memory_space<vmem>> -> memref<1x128x16xf32, #tpu.memory_space<vmem>>
      %dma_start3A_571 = tpu.memref_squeeze %dma_start3A_570 : memref<1x128x16xf32, #tpu.memory_space<vmem>> -> memref<128x16xf32, #tpu.memory_space<vmem>>
      %dma_start3A_572 = arith.constant 0 : i32
      %dma_start3A_573 = tpu.memref_slice %arg9[%dma_start3A_567, %dma_start3A_572] : memref<2x128xi32, #tpu.memory_space<vmem>> -> memref<1x128xi32, #tpu.memory_space<vmem>>
      %dma_start3A_574 = tpu.memref_squeeze %dma_start3A_573 : memref<1x128xi32, #tpu.memory_space<vmem>> -> memref<128xi32, #tpu.memory_space<vmem>>
      %dma_start3A_575 = arith.constant 0 : i32
      %dma_start3A_576 = arith.constant 0 : i32
      %dma_start3A_577 = tpu.memref_slice %arg13[%dma_start3A_575, %dma_start3A_576] : memref<10112x16xf32, #tpu.memory_space<vmem_shared>> -> memref<10112x16xf32, #tpu.memory_space<vmem_shared>>
      tpu.enqueue_indirect_dma source(%dma_start3A_571 : memref<128x16xf32, #tpu.memory_space<vmem>>) target(%dma_start3A_577 : memref<10112x16xf32, #tpu.memory_space<vmem_shared>>) offsets(%dma_start3A_574 : memref<128xi32, #tpu.memory_space<vmem>>) semaphore(%arg17 : memref<!tpu.dma_semaphore, #tpu.memory_space<semaphore_mem>>) {add = true}
      %add3A_578 = arith.constant 1 : i32
      %add3A_579 = arith.addi %add3A_488, %add3A_578 : i32
      %min3A_580 = arith.constant 79 : i32
      %min3A_581 = arith.minsi %add3A_579, %min3A_580 : i32
      %mul3A_582 = arith.constant 128 : i32
      %mul3A_583 = arith.muli %min3A_581, %mul3A_582 : i32
      %add3A_584 = arith.addi %mul3A_6, %mul3A_583 : i32
      %multiple_of3A_585 = tpu.assume_multiple %add3A_584, 128 : i32
      %dma_start3A_586 = arith.constant 0 : i32
      %dma_start3A_587 = arith.constant 0 : i32
      %dma_start3A_588 = tpu.memref_slice %arg9[%dma_start3A_586, %dma_start3A_587] : memref<2x128xi32, #tpu.memory_space<vmem>> -> memref<1x128xi32, #tpu.memory_space<vmem>>
      %dma_start3A_589 = tpu.memref_squeeze %dma_start3A_588 : memref<1x128xi32, #tpu.memory_space<vmem>> -> memref<128xi32, #tpu.memory_space<vmem>>
      %dma_start3A_590 = tpu.memref_slice %arg4[%multiple_of3A_585] : memref<327680xi32, #tpu.memory_space<hbm>> -> memref<128xi32, #tpu.memory_space<hbm>>
      %dma_start3A_591 = arith.constant 0 : i32
      %dma_start3A_592 = tpu.memref_slice %arg9[%dma_start3A_586, %dma_start3A_591] : memref<2x128xi32, #tpu.memory_space<vmem>> -> memref<1x128xi32, #tpu.memory_space<vmem>>
      %dma_start3A_593 = tpu.memref_squeeze %dma_start3A_592 : memref<1x128xi32, #tpu.memory_space<vmem>> -> memref<128xi32, #tpu.memory_space<vmem>>
      %dma_start3A_594 = tpu.memref_slice %arg4[%multiple_of3A_585] : memref<327680xi32, #tpu.memory_space<hbm>> -> memref<128xi32, #tpu.memory_space<hbm>>
      tpu.enqueue_dma source(%dma_start3A_594 : memref<128xi32, #tpu.memory_space<hbm>>) target(%dma_start3A_593 : memref<128xi32, #tpu.memory_space<vmem>>) target_semaphore(%arg14 : memref<!tpu.dma_semaphore, #tpu.memory_space<semaphore_mem>>)
      %dma_start3A_595 = arith.constant 0 : i32
      %dma_start3A_596 = arith.constant 0 : i32
      %dma_start3A_597 = arith.constant 0 : i32
      %dma_start3A_598 = tpu.memref_slice %arg10[%dma_start3A_595, %dma_start3A_596, %dma_start3A_597] : memref<2x128x128xf32, #tpu.memory_space<vmem>> -> memref<1x128x128xf32, #tpu.memory_space<vmem>>
      %dma_start3A_599 = tpu.memref_squeeze %dma_start3A_598 : memref<1x128x128xf32, #tpu.memory_space<vmem>> -> memref<128x128xf32, #tpu.memory_space<vmem>>
      %dma_start3A_600 = arith.constant 0 : i32
      %dma_start3A_601 = tpu.memref_slice %arg2[%multiple_of3A_585, %dma_start3A_600] : memref<327680x128xf32, #tpu.memory_space<hbm>> -> memref<128x128xf32, #tpu.memory_space<hbm>>
      %dma_start3A_602 = arith.constant 0 : i32
      %dma_start3A_603 = arith.constant 0 : i32
      %dma_start3A_604 = tpu.memref_slice %arg10[%dma_start3A_595, %dma_start3A_602, %dma_start3A_603] : memref<2x128x128xf32, #tpu.memory_space<vmem>> -> memref<1x128x128xf32, #tpu.memory_space<vmem>>
      %dma_start3A_605 = tpu.memref_squeeze %dma_start3A_604 : memref<1x128x128xf32, #tpu.memory_space<vmem>> -> memref<128x128xf32, #tpu.memory_space<vmem>>
      %dma_start3A_606 = arith.constant 0 : i32
      %dma_start3A_607 = tpu.memref_slice %arg2[%multiple_of3A_585, %dma_start3A_606] : memref<327680x128xf32, #tpu.memory_space<hbm>> -> memref<128x128xf32, #tpu.memory_space<hbm>>
      tpu.enqueue_dma source(%dma_start3A_607 : memref<128x128xf32, #tpu.memory_space<hbm>>) target(%dma_start3A_605 : memref<128x128xf32, #tpu.memory_space<vmem>>) target_semaphore(%arg14 : memref<!tpu.dma_semaphore, #tpu.memory_space<semaphore_mem>>)
      %dma_start3A_608 = arith.constant 0 : i32
      %dma_start3A_609 = arith.constant 0 : i32
      %dma_start3A_610 = arith.constant 0 : i32
      %dma_start3A_611 = tpu.memref_slice %arg11[%dma_start3A_608, %dma_start3A_609, %dma_start3A_610] : memref<2x128x16xf32, #tpu.memory_space<vmem>> -> memref<1x128x16xf32, #tpu.memory_space<vmem>>
      %dma_start3A_612 = tpu.memref_squeeze %dma_start3A_611 : memref<1x128x16xf32, #tpu.memory_space<vmem>> -> memref<128x16xf32, #tpu.memory_space<vmem>>
      %dma_start3A_613 = arith.constant 0 : i32
      %dma_start3A_614 = tpu.memref_slice %arg3[%multiple_of3A_585, %dma_start3A_613] : memref<327680x16xf32, #tpu.memory_space<hbm>> -> memref<128x16xf32, #tpu.memory_space<hbm>>
      %dma_start3A_615 = arith.constant 0 : i32
      %dma_start3A_616 = arith.constant 0 : i32
      %dma_start3A_617 = tpu.memref_slice %arg11[%dma_start3A_608, %dma_start3A_615, %dma_start3A_616] : memref<2x128x16xf32, #tpu.memory_space<vmem>> -> memref<1x128x16xf32, #tpu.memory_space<vmem>>
      %dma_start3A_618 = tpu.memref_squeeze %dma_start3A_617 : memref<1x128x16xf32, #tpu.memory_space<vmem>> -> memref<128x16xf32, #tpu.memory_space<vmem>>
      %dma_start3A_619 = arith.constant 0 : i32
      %dma_start3A_620 = tpu.memref_slice %arg3[%multiple_of3A_585, %dma_start3A_619] : memref<327680x16xf32, #tpu.memory_space<hbm>> -> memref<128x16xf32, #tpu.memory_space<hbm>>
      tpu.enqueue_dma source(%dma_start3A_620 : memref<128x16xf32, #tpu.memory_space<hbm>>) target(%dma_start3A_618 : memref<128x16xf32, #tpu.memory_space<vmem>>) target_semaphore(%arg14 : memref<!tpu.dma_semaphore, #tpu.memory_space<semaphore_mem>>)
    }
    %scan3A_276 = arith.constant 39 : i32
    %dma_wait3A_277 = arith.constant 1 : i32
    %dma_wait3A_278 = arith.constant 1 : i32
    %dma_wait3A_279 = arith.constant 0 : i32
    %dma_wait3A_280 = arith.constant 0 : i32
    %dma_wait3A_281 = tpu.memref_slice %arg10[%dma_wait3A_277, %dma_wait3A_279, %dma_wait3A_280] : memref<2x128x128xf32, #tpu.memory_space<vmem>> -> memref<1x128x128xf32, #tpu.memory_space<vmem>>
    %dma_wait3A_282 = tpu.memref_squeeze %dma_wait3A_281 : memref<1x128x128xf32, #tpu.memory_space<vmem>> -> memref<128x128xf32, #tpu.memory_space<vmem>>
    %dma_wait3A_283 = arith.constant 0 : i32
    %dma_wait3A_284 = tpu.memref_slice %arg9[%dma_wait3A_278, %dma_wait3A_283] : memref<2x128xi32, #tpu.memory_space<vmem>> -> memref<1x128xi32, #tpu.memory_space<vmem>>
    %dma_wait3A_285 = tpu.memref_squeeze %dma_wait3A_284 : memref<1x128xi32, #tpu.memory_space<vmem>> -> memref<128xi32, #tpu.memory_space<vmem>>
    %dma_wait3A_286 = arith.constant 0 : i32
    %dma_wait3A_287 = arith.constant 0 : i32
    %dma_wait3A_288 = tpu.memref_slice %arg12[%dma_wait3A_286, %dma_wait3A_287] : memref<10112x128xf32, #tpu.memory_space<vmem_shared>> -> memref<10112x128xf32, #tpu.memory_space<vmem_shared>>
    tpu.wait_indirect_dma semaphore(%arg17 : memref<!tpu.dma_semaphore, #tpu.memory_space<semaphore_mem>>) src(%dma_wait3A_282 : memref<128x128xf32, #tpu.memory_space<vmem>>) dst(%dma_wait3A_288 : memref<10112x128xf32, #tpu.memory_space<vmem_shared>>)
    %dma_wait3A_289 = arith.constant 1 : i32
    %dma_wait3A_290 = arith.constant 1 : i32
    %dma_wait3A_291 = arith.constant 0 : i32
    %dma_wait3A_292 = arith.constant 0 : i32
    %dma_wait3A_293 = tpu.memref_slice %arg11[%dma_wait3A_289, %dma_wait3A_291, %dma_wait3A_292] : memref<2x128x16xf32, #tpu.memory_space<vmem>> -> memref<1x128x16xf32, #tpu.memory_space<vmem>>
    %dma_wait3A_294 = tpu.memref_squeeze %dma_wait3A_293 : memref<1x128x16xf32, #tpu.memory_space<vmem>> -> memref<128x16xf32, #tpu.memory_space<vmem>>
    %dma_wait3A_295 = arith.constant 0 : i32
    %dma_wait3A_296 = tpu.memref_slice %arg9[%dma_wait3A_290, %dma_wait3A_295] : memref<2x128xi32, #tpu.memory_space<vmem>> -> memref<1x128xi32, #tpu.memory_space<vmem>>
    %dma_wait3A_297 = tpu.memref_squeeze %dma_wait3A_296 : memref<1x128xi32, #tpu.memory_space<vmem>> -> memref<128xi32, #tpu.memory_space<vmem>>
    %dma_wait3A_298 = arith.constant 0 : i32
    %dma_wait3A_299 = arith.constant 0 : i32
    %dma_wait3A_300 = tpu.memref_slice %arg13[%dma_wait3A_298, %dma_wait3A_299] : memref<10112x16xf32, #tpu.memory_space<vmem_shared>> -> memref<10112x16xf32, #tpu.memory_space<vmem_shared>>
    tpu.wait_indirect_dma semaphore(%arg17 : memref<!tpu.dma_semaphore, #tpu.memory_space<semaphore_mem>>) src(%dma_wait3A_294 : memref<128x16xf32, #tpu.memory_space<vmem>>) dst(%dma_wait3A_300 : memref<10112x16xf32, #tpu.memory_space<vmem_shared>>)
    %dma_wait3A_301 = arith.constant 0 : i32
    %dma_wait3A_302 = arith.constant 0 : i32
    %dma_wait3A_303 = tpu.memref_slice %arg9[%dma_wait3A_301, %dma_wait3A_302] : memref<2x128xi32, #tpu.memory_space<vmem>> -> memref<1x128xi32, #tpu.memory_space<vmem>>
    %dma_wait3A_304 = tpu.memref_squeeze %dma_wait3A_303 : memref<1x128xi32, #tpu.memory_space<vmem>> -> memref<128xi32, #tpu.memory_space<vmem>>
    %dma_wait3A_305 = arith.constant 0 : i32
    %dma_wait3A_306 = tpu.memref_slice %arg4[%dma_wait3A_305] : memref<327680xi32, #tpu.memory_space<hbm>> -> memref<128xi32, #tpu.memory_space<hbm>>
    %dma_wait3A_307 = arith.constant 0 : i32
    %dma_wait3A_308 = tpu.memref_slice %arg9[%dma_wait3A_301, %dma_wait3A_307] : memref<2x128xi32, #tpu.memory_space<vmem>> -> memref<1x128xi32, #tpu.memory_space<vmem>>
    %dma_wait3A_309 = tpu.memref_squeeze %dma_wait3A_308 : memref<1x128xi32, #tpu.memory_space<vmem>> -> memref<128xi32, #tpu.memory_space<vmem>>
    %dma_wait3A_310 = arith.constant 0 : i32
    %dma_wait3A_311 = tpu.memref_slice %arg4[%dma_wait3A_310] : memref<327680xi32, #tpu.memory_space<hbm>> -> memref<128xi32, #tpu.memory_space<hbm>>
    tpu.wait_dma2 semaphore(%arg14 : memref<!tpu.dma_semaphore, #tpu.memory_space<semaphore_mem>>) src(%dma_wait3A_311 : memref<128xi32, #tpu.memory_space<hbm>>) dst(%dma_wait3A_309 : memref<128xi32, #tpu.memory_space<vmem>>)
    %dma_wait3A_312 = arith.constant 0 : i32
    %dma_wait3A_313 = arith.constant 0 : i32
    %dma_wait3A_314 = arith.constant 0 : i32
    %dma_wait3A_315 = tpu.memref_slice %arg10[%dma_wait3A_312, %dma_wait3A_313, %dma_wait3A_314] : memref<2x128x128xf32, #tpu.memory_space<vmem>> -> memref<1x128x128xf32, #tpu.memory_space<vmem>>
    %dma_wait3A_316 = tpu.memref_squeeze %dma_wait3A_315 : memref<1x128x128xf32, #tpu.memory_space<vmem>> -> memref<128x128xf32, #tpu.memory_space<vmem>>
    %dma_wait3A_317 = arith.constant 0 : i32
    %dma_wait3A_318 = arith.constant 0 : i32
    %dma_wait3A_319 = tpu.memref_slice %arg2[%dma_wait3A_317, %dma_wait3A_318] : memref<327680x128xf32, #tpu.memory_space<hbm>> -> memref<128x128xf32, #tpu.memory_space<hbm>>
    %dma_wait3A_320 = arith.constant 0 : i32
    %dma_wait3A_321 = arith.constant 0 : i32
    %dma_wait3A_322 = tpu.memref_slice %arg10[%dma_wait3A_312, %dma_wait3A_320, %dma_wait3A_321] : memref<2x128x128xf32, #tpu.memory_space<vmem>> -> memref<1x128x128xf32, #tpu.memory_space<vmem>>
    %dma_wait3A_323 = tpu.memref_squeeze %dma_wait3A_322 : memref<1x128x128xf32, #tpu.memory_space<vmem>> -> memref<128x128xf32, #tpu.memory_space<vmem>>
    %dma_wait3A_324 = arith.constant 0 : i32
    %dma_wait3A_325 = arith.constant 0 : i32
    %dma_wait3A_326 = tpu.memref_slice %arg2[%dma_wait3A_324, %dma_wait3A_325] : memref<327680x128xf32, #tpu.memory_space<hbm>> -> memref<128x128xf32, #tpu.memory_space<hbm>>
    tpu.wait_dma2 semaphore(%arg14 : memref<!tpu.dma_semaphore, #tpu.memory_space<semaphore_mem>>) src(%dma_wait3A_326 : memref<128x128xf32, #tpu.memory_space<hbm>>) dst(%dma_wait3A_323 : memref<128x128xf32, #tpu.memory_space<vmem>>)
    %dma_wait3A_327 = arith.constant 0 : i32
    %dma_wait3A_328 = arith.constant 0 : i32
    %dma_wait3A_329 = arith.constant 0 : i32
    %dma_wait3A_330 = tpu.memref_slice %arg11[%dma_wait3A_327, %dma_wait3A_328, %dma_wait3A_329] : memref<2x128x16xf32, #tpu.memory_space<vmem>> -> memref<1x128x16xf32, #tpu.memory_space<vmem>>
    %dma_wait3A_331 = tpu.memref_squeeze %dma_wait3A_330 : memref<1x128x16xf32, #tpu.memory_space<vmem>> -> memref<128x16xf32, #tpu.memory_space<vmem>>
    %dma_wait3A_332 = arith.constant 0 : i32
    %dma_wait3A_333 = arith.constant 0 : i32
    %dma_wait3A_334 = tpu.memref_slice %arg3[%dma_wait3A_332, %dma_wait3A_333] : memref<327680x16xf32, #tpu.memory_space<hbm>> -> memref<128x16xf32, #tpu.memory_space<hbm>>
    %dma_wait3A_335 = arith.constant 0 : i32
    %dma_wait3A_336 = arith.constant 0 : i32
    %dma_wait3A_337 = tpu.memref_slice %arg11[%dma_wait3A_327, %dma_wait3A_335, %dma_wait3A_336] : memref<2x128x16xf32, #tpu.memory_space<vmem>> -> memref<1x128x16xf32, #tpu.memory_space<vmem>>
    %dma_wait3A_338 = tpu.memref_squeeze %dma_wait3A_337 : memref<1x128x16xf32, #tpu.memory_space<vmem>> -> memref<128x16xf32, #tpu.memory_space<vmem>>
    %dma_wait3A_339 = arith.constant 0 : i32
    %dma_wait3A_340 = arith.constant 0 : i32
    %dma_wait3A_341 = tpu.memref_slice %arg3[%dma_wait3A_339, %dma_wait3A_340] : memref<327680x16xf32, #tpu.memory_space<hbm>> -> memref<128x16xf32, #tpu.memory_space<hbm>>
    tpu.wait_dma2 semaphore(%arg14 : memref<!tpu.dma_semaphore, #tpu.memory_space<semaphore_mem>>) src(%dma_wait3A_341 : memref<128x16xf32, #tpu.memory_space<hbm>>) dst(%dma_wait3A_338 : memref<128x16xf32, #tpu.memory_space<vmem>>)
    %barrier3A_342 = arith.constant 0 : index
    tpu.barrier barrier_id(%barrier3A_342)
    %mul3A_343 = arith.constant 632 : i32
    %mul3A_344 = arith.muli %arg1, %mul3A_343 : i32
    %mul3A_345 = arith.constant 632 : i32
    %mul3A_346 = arith.muli %arg1, %mul3A_345 : i32
    "tpu.region"() ({
      %run_scoped3A = tpu.sem_alloc : memref<!tpu.dma_semaphore, #tpu.memory_space<semaphore_mem>>
      %dma_start3A_351 = arith.constant 0 : i32
      %dma_start3A_352 = tpu.memref_slice %arg7[%arg0, %mul3A_346, %dma_start3A_351] : memref<2x10112x128xf32, #tpu.memory_space<hbm>> -> memref<1x632x128xf32, #tpu.memory_space<hbm>>
      %dma_start3A_353 = tpu.memref_squeeze %dma_start3A_352 : memref<1x632x128xf32, #tpu.memory_space<hbm>> -> memref<632x128xf32, #tpu.memory_space<hbm>>
      %dma_start3A_354 = arith.constant 0 : i32
      %dma_start3A_355 = tpu.memref_slice %arg12[%mul3A_344, %dma_start3A_354] : memref<10112x128xf32, #tpu.memory_space<vmem_shared>> -> memref<632x128xf32, #tpu.memory_space<vmem_shared>>
      tpu.enqueue_dma source(%dma_start3A_355 : memref<632x128xf32, #tpu.memory_space<vmem_shared>>) target(%dma_start3A_353 : memref<632x128xf32, #tpu.memory_space<hbm>>) target_semaphore(%run_scoped3A : memref<!tpu.dma_semaphore, #tpu.memory_space<semaphore_mem>>)
      %dma_wait3A_356 = arith.constant 0 : i32
      %dma_wait3A_357 = tpu.memref_slice %arg7[%arg0, %mul3A_346, %dma_wait3A_356] : memref<2x10112x128xf32, #tpu.memory_space<hbm>> -> memref<1x632x128xf32, #tpu.memory_space<hbm>>
      %dma_wait3A_358 = tpu.memref_squeeze %dma_wait3A_357 : memref<1x632x128xf32, #tpu.memory_space<hbm>> -> memref<632x128xf32, #tpu.memory_space<hbm>>
      %dma_wait3A_359 = arith.constant 0 : i32
      %dma_wait3A_360 = tpu.memref_slice %arg12[%mul3A_344, %dma_wait3A_359] : memref<10112x128xf32, #tpu.memory_space<vmem_shared>> -> memref<632x128xf32, #tpu.memory_space<vmem_shared>>
      tpu.wait_dma2 semaphore(%run_scoped3A : memref<!tpu.dma_semaphore, #tpu.memory_space<semaphore_mem>>) src(%dma_wait3A_360 : memref<632x128xf32, #tpu.memory_space<vmem_shared>>) dst(%dma_wait3A_358 : memref<632x128xf32, #tpu.memory_space<hbm>>)
      tpu.yield
    }) : () -> ()
    %mul3A_347 = arith.constant 632 : i32
    %mul3A_348 = arith.muli %arg1, %mul3A_347 : i32
    %mul3A_349 = arith.constant 632 : i32
    %mul3A_350 = arith.muli %arg1, %mul3A_349 : i32
    "tpu.region"() ({
      %run_scoped3A = tpu.sem_alloc : memref<!tpu.dma_semaphore, #tpu.memory_space<semaphore_mem>>
      %dma_start3A_351 = arith.constant 0 : i32
      %dma_start3A_352 = tpu.memref_slice %arg8[%arg0, %mul3A_350, %dma_start3A_351] : memref<2x10112x16xf32, #tpu.memory_space<hbm>> -> memref<1x632x16xf32, #tpu.memory_space<hbm>>
      %dma_start3A_353 = tpu.memref_squeeze %dma_start3A_352 : memref<1x632x16xf32, #tpu.memory_space<hbm>> -> memref<632x16xf32, #tpu.memory_space<hbm>>
      %dma_start3A_354 = arith.constant 0 : i32
      %dma_start3A_355 = tpu.memref_slice %arg13[%mul3A_348, %dma_start3A_354] : memref<10112x16xf32, #tpu.memory_space<vmem_shared>> -> memref<632x16xf32, #tpu.memory_space<vmem_shared>>
      tpu.enqueue_dma source(%dma_start3A_355 : memref<632x16xf32, #tpu.memory_space<vmem_shared>>) target(%dma_start3A_353 : memref<632x16xf32, #tpu.memory_space<hbm>>) target_semaphore(%run_scoped3A : memref<!tpu.dma_semaphore, #tpu.memory_space<semaphore_mem>>)
      %dma_wait3A_356 = arith.constant 0 : i32
      %dma_wait3A_357 = tpu.memref_slice %arg8[%arg0, %mul3A_350, %dma_wait3A_356] : memref<2x10112x16xf32, #tpu.memory_space<hbm>> -> memref<1x632x16xf32, #tpu.memory_space<hbm>>
      %dma_wait3A_358 = tpu.memref_squeeze %dma_wait3A_357 : memref<1x632x16xf32, #tpu.memory_space<hbm>> -> memref<632x16xf32, #tpu.memory_space<hbm>>
      %dma_wait3A_359 = arith.constant 0 : i32
      %dma_wait3A_360 = tpu.memref_slice %arg13[%mul3A_348, %dma_wait3A_359] : memref<10112x16xf32, #tpu.memory_space<vmem_shared>> -> memref<632x16xf32, #tpu.memory_space<vmem_shared>>
      tpu.wait_dma2 semaphore(%run_scoped3A : memref<!tpu.dma_semaphore, #tpu.memory_space<semaphore_mem>>) src(%dma_wait3A_360 : memref<632x16xf32, #tpu.memory_space<vmem_shared>>) dst(%dma_wait3A_358 : memref<632x16xf32, #tpu.memory_space<hbm>>)
      tpu.yield
    }) : () -> ()
    return
  }
}

#map = affine_map<(d0, d1) -> (0, 0)>
#map1 = affine_map<(d0, d1) -> (0)>
module attributes {stable_mosaic.version = 14 : i64} {
  func.func @gather_k(%arg0: i32, %arg1: i32, %arg2: memref<10000x128xf32, #tpu.memory_space<hbm>>, %arg3: memref<10000x128xf32, #tpu.memory_space<hbm>>, %arg4: memref<10000x16xf32, #tpu.memory_space<hbm>>, %arg5: memref<327680xi32, #tpu.memory_space<hbm>>, %arg6: memref<327680xi32, #tpu.memory_space<hbm>>, %arg7: memref<327680x128xf32, #tpu.memory_space<hbm>>, %arg8: memref<327680x128xf32, #tpu.memory_space<hbm>>, %arg9: memref<327680x16xf32, #tpu.memory_space<hbm>>, %arg10: memref<327680x16xf32, #tpu.memory_space<hbm>>, %arg11: memref<2x128xi32, #tpu.memory_space<vmem>>, %arg12: memref<2x128xi32, #tpu.memory_space<vmem>>, %arg13: memref<2x128x128xf32, #tpu.memory_space<vmem>>, %arg14: memref<2x128x128xf32, #tpu.memory_space<vmem>>, %arg15: memref<2x128x16xf32, #tpu.memory_space<vmem>>, %arg16: memref<2x128x16xf32, #tpu.memory_space<vmem>>, %arg17: memref<!tpu.dma_semaphore, #tpu.memory_space<semaphore_mem>>, %arg18: memref<!tpu.dma_semaphore, #tpu.memory_space<semaphore_mem>>, %arg19: memref<!tpu.dma_semaphore, #tpu.memory_space<semaphore_mem>>, %arg20: memref<!tpu.dma_semaphore, #tpu.memory_space<semaphore_mem>>, %arg21: memref<!tpu.dma_semaphore, #tpu.memory_space<semaphore_mem>>, %arg22: memref<!tpu.dma_semaphore, #tpu.memory_space<semaphore_mem>>) attributes {dimension_semantics = [#tpu.dimension_semantics<core_parallel>, #tpu.dimension_semantics<subcore_parallel>], iteration_bounds = array<i64: 2, 16>, scalar_prefetch = 0 : i64, scratch_operands = 12 : i64, tpu.core_type = #tpu.core_type<sc_vector_subcore>, window_params = [{transform_indices = #map}, {transform_indices = #map}, {transform_indices = #map}, {transform_indices = #map1}, {transform_indices = #map1}, {transform_indices = #map}, {transform_indices = #map}, {transform_indices = #map}, {transform_indices = #map}]} {
    %eq3A = arith.constant 0 : i32
    %eq3A_0 = arith.cmpi eq, %arg0, %eq3A : i32
    %convert_element_type3A = arith.extui %eq3A_0 : i1 to i32
    %cond3A = arith.constant 0 : i32
    %cond3A_1 = arith.cmpi ne, %convert_element_type3A, %cond3A : i32
    scf.if %cond3A_1 {
      %mul3A = arith.constant 14848 : i32
      %mul3A_7 = arith.muli %arg1, %mul3A : i32
      %add3A = arith.constant 0 : i32
      %add3A_8 = arith.addi %mul3A_7, %add3A : i32
      %multiple_of3A = tpu.assume_multiple %add3A_8, 128 : i32
      %dma_start3A = arith.constant 0 : i32
      %dma_start3A_9 = arith.constant 0 : i32
      %dma_start3A_10 = tpu.memref_slice %arg11[%dma_start3A, %dma_start3A_9] : memref<2x128xi32, #tpu.memory_space<vmem>> -> memref<1x128xi32, #tpu.memory_space<vmem>>
      %dma_start3A_11 = tpu.memref_squeeze %dma_start3A_10 : memref<1x128xi32, #tpu.memory_space<vmem>> -> memref<128xi32, #tpu.memory_space<vmem>>
      %dma_start3A_12 = tpu.memref_slice %arg5[%multiple_of3A] : memref<327680xi32, #tpu.memory_space<hbm>> -> memref<128xi32, #tpu.memory_space<hbm>>
      %dma_start3A_13 = arith.constant 0 : i32
      %dma_start3A_14 = tpu.memref_slice %arg11[%dma_start3A, %dma_start3A_13] : memref<2x128xi32, #tpu.memory_space<vmem>> -> memref<1x128xi32, #tpu.memory_space<vmem>>
      %dma_start3A_15 = tpu.memref_squeeze %dma_start3A_14 : memref<1x128xi32, #tpu.memory_space<vmem>> -> memref<128xi32, #tpu.memory_space<vmem>>
      %dma_start3A_16 = tpu.memref_slice %arg5[%multiple_of3A] : memref<327680xi32, #tpu.memory_space<hbm>> -> memref<128xi32, #tpu.memory_space<hbm>>
      tpu.enqueue_dma source(%dma_start3A_16 : memref<128xi32, #tpu.memory_space<hbm>>) target(%dma_start3A_15 : memref<128xi32, #tpu.memory_space<vmem>>) target_semaphore(%arg17 : memref<!tpu.dma_semaphore, #tpu.memory_space<semaphore_mem>>)
      %dma_start3A_17 = arith.constant 0 : i32
      %dma_start3A_18 = arith.constant 0 : i32
      %dma_start3A_19 = tpu.memref_slice %arg12[%dma_start3A_17, %dma_start3A_18] : memref<2x128xi32, #tpu.memory_space<vmem>> -> memref<1x128xi32, #tpu.memory_space<vmem>>
      %dma_start3A_20 = tpu.memref_squeeze %dma_start3A_19 : memref<1x128xi32, #tpu.memory_space<vmem>> -> memref<128xi32, #tpu.memory_space<vmem>>
      %dma_start3A_21 = tpu.memref_slice %arg6[%multiple_of3A] : memref<327680xi32, #tpu.memory_space<hbm>> -> memref<128xi32, #tpu.memory_space<hbm>>
      %dma_start3A_22 = arith.constant 0 : i32
      %dma_start3A_23 = tpu.memref_slice %arg12[%dma_start3A_17, %dma_start3A_22] : memref<2x128xi32, #tpu.memory_space<vmem>> -> memref<1x128xi32, #tpu.memory_space<vmem>>
      %dma_start3A_24 = tpu.memref_squeeze %dma_start3A_23 : memref<1x128xi32, #tpu.memory_space<vmem>> -> memref<128xi32, #tpu.memory_space<vmem>>
      %dma_start3A_25 = tpu.memref_slice %arg6[%multiple_of3A] : memref<327680xi32, #tpu.memory_space<hbm>> -> memref<128xi32, #tpu.memory_space<hbm>>
      tpu.enqueue_dma source(%dma_start3A_25 : memref<128xi32, #tpu.memory_space<hbm>>) target(%dma_start3A_24 : memref<128xi32, #tpu.memory_space<vmem>>) target_semaphore(%arg17 : memref<!tpu.dma_semaphore, #tpu.memory_space<semaphore_mem>>)
      %dma_wait3A = arith.constant 0 : i32
      %dma_wait3A_26 = arith.constant 0 : i32
      %dma_wait3A_27 = tpu.memref_slice %arg11[%dma_wait3A, %dma_wait3A_26] : memref<2x128xi32, #tpu.memory_space<vmem>> -> memref<1x128xi32, #tpu.memory_space<vmem>>
      %dma_wait3A_28 = tpu.memref_squeeze %dma_wait3A_27 : memref<1x128xi32, #tpu.memory_space<vmem>> -> memref<128xi32, #tpu.memory_space<vmem>>
      %dma_wait3A_29 = arith.constant 0 : i32
      %dma_wait3A_30 = tpu.memref_slice %arg5[%dma_wait3A_29] : memref<327680xi32, #tpu.memory_space<hbm>> -> memref<128xi32, #tpu.memory_space<hbm>>
      %dma_wait3A_31 = arith.constant 0 : i32
      %dma_wait3A_32 = tpu.memref_slice %arg11[%dma_wait3A, %dma_wait3A_31] : memref<2x128xi32, #tpu.memory_space<vmem>> -> memref<1x128xi32, #tpu.memory_space<vmem>>
      %dma_wait3A_33 = tpu.memref_squeeze %dma_wait3A_32 : memref<1x128xi32, #tpu.memory_space<vmem>> -> memref<128xi32, #tpu.memory_space<vmem>>
      %dma_wait3A_34 = arith.constant 0 : i32
      %dma_wait3A_35 = tpu.memref_slice %arg5[%dma_wait3A_34] : memref<327680xi32, #tpu.memory_space<hbm>> -> memref<128xi32, #tpu.memory_space<hbm>>
      tpu.wait_dma2 semaphore(%arg17 : memref<!tpu.dma_semaphore, #tpu.memory_space<semaphore_mem>>) src(%dma_wait3A_35 : memref<128xi32, #tpu.memory_space<hbm>>) dst(%dma_wait3A_33 : memref<128xi32, #tpu.memory_space<vmem>>)
      %dma_wait3A_36 = arith.constant 0 : i32
      %dma_wait3A_37 = arith.constant 0 : i32
      %dma_wait3A_38 = tpu.memref_slice %arg12[%dma_wait3A_36, %dma_wait3A_37] : memref<2x128xi32, #tpu.memory_space<vmem>> -> memref<1x128xi32, #tpu.memory_space<vmem>>
      %dma_wait3A_39 = tpu.memref_squeeze %dma_wait3A_38 : memref<1x128xi32, #tpu.memory_space<vmem>> -> memref<128xi32, #tpu.memory_space<vmem>>
      %dma_wait3A_40 = arith.constant 0 : i32
      %dma_wait3A_41 = tpu.memref_slice %arg6[%dma_wait3A_40] : memref<327680xi32, #tpu.memory_space<hbm>> -> memref<128xi32, #tpu.memory_space<hbm>>
      %dma_wait3A_42 = arith.constant 0 : i32
      %dma_wait3A_43 = tpu.memref_slice %arg12[%dma_wait3A_36, %dma_wait3A_42] : memref<2x128xi32, #tpu.memory_space<vmem>> -> memref<1x128xi32, #tpu.memory_space<vmem>>
      %dma_wait3A_44 = tpu.memref_squeeze %dma_wait3A_43 : memref<1x128xi32, #tpu.memory_space<vmem>> -> memref<128xi32, #tpu.memory_space<vmem>>
      %dma_wait3A_45 = arith.constant 0 : i32
      %dma_wait3A_46 = tpu.memref_slice %arg6[%dma_wait3A_45] : memref<327680xi32, #tpu.memory_space<hbm>> -> memref<128xi32, #tpu.memory_space<hbm>>
      tpu.wait_dma2 semaphore(%arg17 : memref<!tpu.dma_semaphore, #tpu.memory_space<semaphore_mem>>) src(%dma_wait3A_46 : memref<128xi32, #tpu.memory_space<hbm>>) dst(%dma_wait3A_44 : memref<128xi32, #tpu.memory_space<vmem>>)
      %add3A_47 = arith.constant 128 : i32
      %add3A_48 = arith.addi %mul3A_7, %add3A_47 : i32
      %multiple_of3A_49 = tpu.assume_multiple %add3A_48, 128 : i32
      %dma_start3A_50 = arith.constant 1 : i32
      %dma_start3A_51 = arith.constant 0 : i32
      %dma_start3A_52 = tpu.memref_slice %arg11[%dma_start3A_50, %dma_start3A_51] : memref<2x128xi32, #tpu.memory_space<vmem>> -> memref<1x128xi32, #tpu.memory_space<vmem>>
      %dma_start3A_53 = tpu.memref_squeeze %dma_start3A_52 : memref<1x128xi32, #tpu.memory_space<vmem>> -> memref<128xi32, #tpu.memory_space<vmem>>
      %dma_start3A_54 = tpu.memref_slice %arg5[%multiple_of3A_49] : memref<327680xi32, #tpu.memory_space<hbm>> -> memref<128xi32, #tpu.memory_space<hbm>>
      %dma_start3A_55 = arith.constant 0 : i32
      %dma_start3A_56 = tpu.memref_slice %arg11[%dma_start3A_50, %dma_start3A_55] : memref<2x128xi32, #tpu.memory_space<vmem>> -> memref<1x128xi32, #tpu.memory_space<vmem>>
      %dma_start3A_57 = tpu.memref_squeeze %dma_start3A_56 : memref<1x128xi32, #tpu.memory_space<vmem>> -> memref<128xi32, #tpu.memory_space<vmem>>
      %dma_start3A_58 = tpu.memref_slice %arg5[%multiple_of3A_49] : memref<327680xi32, #tpu.memory_space<hbm>> -> memref<128xi32, #tpu.memory_space<hbm>>
      tpu.enqueue_dma source(%dma_start3A_58 : memref<128xi32, #tpu.memory_space<hbm>>) target(%dma_start3A_57 : memref<128xi32, #tpu.memory_space<vmem>>) target_semaphore(%arg18 : memref<!tpu.dma_semaphore, #tpu.memory_space<semaphore_mem>>)
      %dma_start3A_59 = arith.constant 1 : i32
      %dma_start3A_60 = arith.constant 0 : i32
      %dma_start3A_61 = tpu.memref_slice %arg12[%dma_start3A_59, %dma_start3A_60] : memref<2x128xi32, #tpu.memory_space<vmem>> -> memref<1x128xi32, #tpu.memory_space<vmem>>
      %dma_start3A_62 = tpu.memref_squeeze %dma_start3A_61 : memref<1x128xi32, #tpu.memory_space<vmem>> -> memref<128xi32, #tpu.memory_space<vmem>>
      %dma_start3A_63 = tpu.memref_slice %arg6[%multiple_of3A_49] : memref<327680xi32, #tpu.memory_space<hbm>> -> memref<128xi32, #tpu.memory_space<hbm>>
      %dma_start3A_64 = arith.constant 0 : i32
      %dma_start3A_65 = tpu.memref_slice %arg12[%dma_start3A_59, %dma_start3A_64] : memref<2x128xi32, #tpu.memory_space<vmem>> -> memref<1x128xi32, #tpu.memory_space<vmem>>
      %dma_start3A_66 = tpu.memref_squeeze %dma_start3A_65 : memref<1x128xi32, #tpu.memory_space<vmem>> -> memref<128xi32, #tpu.memory_space<vmem>>
      %dma_start3A_67 = tpu.memref_slice %arg6[%multiple_of3A_49] : memref<327680xi32, #tpu.memory_space<hbm>> -> memref<128xi32, #tpu.memory_space<hbm>>
      tpu.enqueue_dma source(%dma_start3A_67 : memref<128xi32, #tpu.memory_space<hbm>>) target(%dma_start3A_66 : memref<128xi32, #tpu.memory_space<vmem>>) target_semaphore(%arg18 : memref<!tpu.dma_semaphore, #tpu.memory_space<semaphore_mem>>)
      %dma_start3A_68 = arith.constant 0 : i32
      %dma_start3A_69 = arith.constant 0 : i32
      %dma_start3A_70 = arith.constant 0 : i32
      %dma_start3A_71 = arith.constant 0 : i32
      %dma_start3A_72 = tpu.memref_slice %arg13[%dma_start3A_69, %dma_start3A_70, %dma_start3A_71] : memref<2x128x128xf32, #tpu.memory_space<vmem>> -> memref<1x128x128xf32, #tpu.memory_space<vmem>>
      %dma_start3A_73 = tpu.memref_squeeze %dma_start3A_72 : memref<1x128x128xf32, #tpu.memory_space<vmem>> -> memref<128x128xf32, #tpu.memory_space<vmem>>
      %dma_start3A_74 = arith.constant 0 : i32
      %dma_start3A_75 = tpu.memref_slice %arg11[%dma_start3A_68, %dma_start3A_74] : memref<2x128xi32, #tpu.memory_space<vmem>> -> memref<1x128xi32, #tpu.memory_space<vmem>>
      %dma_start3A_76 = tpu.memref_squeeze %dma_start3A_75 : memref<1x128xi32, #tpu.memory_space<vmem>> -> memref<128xi32, #tpu.memory_space<vmem>>
      %dma_start3A_77 = arith.constant 0 : i32
      %dma_start3A_78 = arith.constant 0 : i32
      %dma_start3A_79 = tpu.memref_slice %arg2[%dma_start3A_77, %dma_start3A_78] : memref<10000x128xf32, #tpu.memory_space<hbm>> -> memref<10000x128xf32, #tpu.memory_space<hbm>>
      tpu.enqueue_indirect_dma source(%dma_start3A_79 : memref<10000x128xf32, #tpu.memory_space<hbm>>) target(%dma_start3A_73 : memref<128x128xf32, #tpu.memory_space<vmem>>) offsets(%dma_start3A_76 : memref<128xi32, #tpu.memory_space<vmem>>) semaphore(%arg19 : memref<!tpu.dma_semaphore, #tpu.memory_space<semaphore_mem>>)
      %dma_start3A_80 = arith.constant 0 : i32
      %dma_start3A_81 = arith.constant 0 : i32
      %dma_start3A_82 = arith.constant 0 : i32
      %dma_start3A_83 = arith.constant 0 : i32
      %dma_start3A_84 = tpu.memref_slice %arg14[%dma_start3A_81, %dma_start3A_82, %dma_start3A_83] : memref<2x128x128xf32, #tpu.memory_space<vmem>> -> memref<1x128x128xf32, #tpu.memory_space<vmem>>
      %dma_start3A_85 = tpu.memref_squeeze %dma_start3A_84 : memref<1x128x128xf32, #tpu.memory_space<vmem>> -> memref<128x128xf32, #tpu.memory_space<vmem>>
      %dma_start3A_86 = arith.constant 0 : i32
      %dma_start3A_87 = tpu.memref_slice %arg12[%dma_start3A_80, %dma_start3A_86] : memref<2x128xi32, #tpu.memory_space<vmem>> -> memref<1x128xi32, #tpu.memory_space<vmem>>
      %dma_start3A_88 = tpu.memref_squeeze %dma_start3A_87 : memref<1x128xi32, #tpu.memory_space<vmem>> -> memref<128xi32, #tpu.memory_space<vmem>>
      %dma_start3A_89 = arith.constant 0 : i32
      %dma_start3A_90 = arith.constant 0 : i32
      %dma_start3A_91 = tpu.memref_slice %arg3[%dma_start3A_89, %dma_start3A_90] : memref<10000x128xf32, #tpu.memory_space<hbm>> -> memref<10000x128xf32, #tpu.memory_space<hbm>>
      tpu.enqueue_indirect_dma source(%dma_start3A_91 : memref<10000x128xf32, #tpu.memory_space<hbm>>) target(%dma_start3A_85 : memref<128x128xf32, #tpu.memory_space<vmem>>) offsets(%dma_start3A_88 : memref<128xi32, #tpu.memory_space<vmem>>) semaphore(%arg19 : memref<!tpu.dma_semaphore, #tpu.memory_space<semaphore_mem>>)
      %dma_start3A_92 = arith.constant 0 : i32
      %dma_start3A_93 = arith.constant 0 : i32
      %dma_start3A_94 = arith.constant 0 : i32
      %dma_start3A_95 = arith.constant 0 : i32
      %dma_start3A_96 = tpu.memref_slice %arg15[%dma_start3A_93, %dma_start3A_94, %dma_start3A_95] : memref<2x128x16xf32, #tpu.memory_space<vmem>> -> memref<1x128x16xf32, #tpu.memory_space<vmem>>
      %dma_start3A_97 = tpu.memref_squeeze %dma_start3A_96 : memref<1x128x16xf32, #tpu.memory_space<vmem>> -> memref<128x16xf32, #tpu.memory_space<vmem>>
      %dma_start3A_98 = arith.constant 0 : i32
      %dma_start3A_99 = tpu.memref_slice %arg11[%dma_start3A_92, %dma_start3A_98] : memref<2x128xi32, #tpu.memory_space<vmem>> -> memref<1x128xi32, #tpu.memory_space<vmem>>
      %dma_start3A_100 = tpu.memref_squeeze %dma_start3A_99 : memref<1x128xi32, #tpu.memory_space<vmem>> -> memref<128xi32, #tpu.memory_space<vmem>>
      %dma_start3A_101 = arith.constant 0 : i32
      %dma_start3A_102 = arith.constant 0 : i32
      %dma_start3A_103 = tpu.memref_slice %arg4[%dma_start3A_101, %dma_start3A_102] : memref<10000x16xf32, #tpu.memory_space<hbm>> -> memref<10000x16xf32, #tpu.memory_space<hbm>>
      tpu.enqueue_indirect_dma source(%dma_start3A_103 : memref<10000x16xf32, #tpu.memory_space<hbm>>) target(%dma_start3A_97 : memref<128x16xf32, #tpu.memory_space<vmem>>) offsets(%dma_start3A_100 : memref<128xi32, #tpu.memory_space<vmem>>) semaphore(%arg19 : memref<!tpu.dma_semaphore, #tpu.memory_space<semaphore_mem>>)
      %dma_start3A_104 = arith.constant 0 : i32
      %dma_start3A_105 = arith.constant 0 : i32
      %dma_start3A_106 = arith.constant 0 : i32
      %dma_start3A_107 = arith.constant 0 : i32
      %dma_start3A_108 = tpu.memref_slice %arg16[%dma_start3A_105, %dma_start3A_106, %dma_start3A_107] : memref<2x128x16xf32, #tpu.memory_space<vmem>> -> memref<1x128x16xf32, #tpu.memory_space<vmem>>
      %dma_start3A_109 = tpu.memref_squeeze %dma_start3A_108 : memref<1x128x16xf32, #tpu.memory_space<vmem>> -> memref<128x16xf32, #tpu.memory_space<vmem>>
      %dma_start3A_110 = arith.constant 0 : i32
      %dma_start3A_111 = tpu.memref_slice %arg12[%dma_start3A_104, %dma_start3A_110] : memref<2x128xi32, #tpu.memory_space<vmem>> -> memref<1x128xi32, #tpu.memory_space<vmem>>
      %dma_start3A_112 = tpu.memref_squeeze %dma_start3A_111 : memref<1x128xi32, #tpu.memory_space<vmem>> -> memref<128xi32, #tpu.memory_space<vmem>>
      %dma_start3A_113 = arith.constant 0 : i32
      %dma_start3A_114 = arith.constant 0 : i32
      %dma_start3A_115 = tpu.memref_slice %arg4[%dma_start3A_113, %dma_start3A_114] : memref<10000x16xf32, #tpu.memory_space<hbm>> -> memref<10000x16xf32, #tpu.memory_space<hbm>>
      tpu.enqueue_indirect_dma source(%dma_start3A_115 : memref<10000x16xf32, #tpu.memory_space<hbm>>) target(%dma_start3A_109 : memref<128x16xf32, #tpu.memory_space<vmem>>) offsets(%dma_start3A_112 : memref<128xi32, #tpu.memory_space<vmem>>) semaphore(%arg19 : memref<!tpu.dma_semaphore, #tpu.memory_space<semaphore_mem>>)
      %dma_wait3A_116 = arith.constant 0 : i32
      %dma_wait3A_117 = arith.constant 0 : i32
      %dma_wait3A_118 = arith.constant 0 : i32
      %dma_wait3A_119 = arith.constant 0 : i32
      %dma_wait3A_120 = tpu.memref_slice %arg13[%dma_wait3A_117, %dma_wait3A_118, %dma_wait3A_119] : memref<2x128x128xf32, #tpu.memory_space<vmem>> -> memref<1x128x128xf32, #tpu.memory_space<vmem>>
      %dma_wait3A_121 = tpu.memref_squeeze %dma_wait3A_120 : memref<1x128x128xf32, #tpu.memory_space<vmem>> -> memref<128x128xf32, #tpu.memory_space<vmem>>
      %dma_wait3A_122 = arith.constant 0 : i32
      %dma_wait3A_123 = tpu.memref_slice %arg11[%dma_wait3A_116, %dma_wait3A_122] : memref<2x128xi32, #tpu.memory_space<vmem>> -> memref<1x128xi32, #tpu.memory_space<vmem>>
      %dma_wait3A_124 = tpu.memref_squeeze %dma_wait3A_123 : memref<1x128xi32, #tpu.memory_space<vmem>> -> memref<128xi32, #tpu.memory_space<vmem>>
      %dma_wait3A_125 = arith.constant 0 : i32
      %dma_wait3A_126 = arith.constant 0 : i32
      %dma_wait3A_127 = tpu.memref_slice %arg2[%dma_wait3A_125, %dma_wait3A_126] : memref<10000x128xf32, #tpu.memory_space<hbm>> -> memref<10000x128xf32, #tpu.memory_space<hbm>>
      tpu.wait_indirect_dma semaphore(%arg19 : memref<!tpu.dma_semaphore, #tpu.memory_space<semaphore_mem>>) src(%dma_wait3A_127 : memref<10000x128xf32, #tpu.memory_space<hbm>>) dst(%dma_wait3A_121 : memref<128x128xf32, #tpu.memory_space<vmem>>)
      %dma_wait3A_128 = arith.constant 0 : i32
      %dma_wait3A_129 = arith.constant 0 : i32
      %dma_wait3A_130 = arith.constant 0 : i32
      %dma_wait3A_131 = arith.constant 0 : i32
      %dma_wait3A_132 = tpu.memref_slice %arg14[%dma_wait3A_129, %dma_wait3A_130, %dma_wait3A_131] : memref<2x128x128xf32, #tpu.memory_space<vmem>> -> memref<1x128x128xf32, #tpu.memory_space<vmem>>
      %dma_wait3A_133 = tpu.memref_squeeze %dma_wait3A_132 : memref<1x128x128xf32, #tpu.memory_space<vmem>> -> memref<128x128xf32, #tpu.memory_space<vmem>>
      %dma_wait3A_134 = arith.constant 0 : i32
      %dma_wait3A_135 = tpu.memref_slice %arg12[%dma_wait3A_128, %dma_wait3A_134] : memref<2x128xi32, #tpu.memory_space<vmem>> -> memref<1x128xi32, #tpu.memory_space<vmem>>
      %dma_wait3A_136 = tpu.memref_squeeze %dma_wait3A_135 : memref<1x128xi32, #tpu.memory_space<vmem>> -> memref<128xi32, #tpu.memory_space<vmem>>
      %dma_wait3A_137 = arith.constant 0 : i32
      %dma_wait3A_138 = arith.constant 0 : i32
      %dma_wait3A_139 = tpu.memref_slice %arg3[%dma_wait3A_137, %dma_wait3A_138] : memref<10000x128xf32, #tpu.memory_space<hbm>> -> memref<10000x128xf32, #tpu.memory_space<hbm>>
      tpu.wait_indirect_dma semaphore(%arg19 : memref<!tpu.dma_semaphore, #tpu.memory_space<semaphore_mem>>) src(%dma_wait3A_139 : memref<10000x128xf32, #tpu.memory_space<hbm>>) dst(%dma_wait3A_133 : memref<128x128xf32, #tpu.memory_space<vmem>>)
      %dma_wait3A_140 = arith.constant 0 : i32
      %dma_wait3A_141 = arith.constant 0 : i32
      %dma_wait3A_142 = arith.constant 0 : i32
      %dma_wait3A_143 = arith.constant 0 : i32
      %dma_wait3A_144 = tpu.memref_slice %arg15[%dma_wait3A_141, %dma_wait3A_142, %dma_wait3A_143] : memref<2x128x16xf32, #tpu.memory_space<vmem>> -> memref<1x128x16xf32, #tpu.memory_space<vmem>>
      %dma_wait3A_145 = tpu.memref_squeeze %dma_wait3A_144 : memref<1x128x16xf32, #tpu.memory_space<vmem>> -> memref<128x16xf32, #tpu.memory_space<vmem>>
      %dma_wait3A_146 = arith.constant 0 : i32
      %dma_wait3A_147 = tpu.memref_slice %arg11[%dma_wait3A_140, %dma_wait3A_146] : memref<2x128xi32, #tpu.memory_space<vmem>> -> memref<1x128xi32, #tpu.memory_space<vmem>>
      %dma_wait3A_148 = tpu.memref_squeeze %dma_wait3A_147 : memref<1x128xi32, #tpu.memory_space<vmem>> -> memref<128xi32, #tpu.memory_space<vmem>>
      %dma_wait3A_149 = arith.constant 0 : i32
      %dma_wait3A_150 = arith.constant 0 : i32
      %dma_wait3A_151 = tpu.memref_slice %arg4[%dma_wait3A_149, %dma_wait3A_150] : memref<10000x16xf32, #tpu.memory_space<hbm>> -> memref<10000x16xf32, #tpu.memory_space<hbm>>
      tpu.wait_indirect_dma semaphore(%arg19 : memref<!tpu.dma_semaphore, #tpu.memory_space<semaphore_mem>>) src(%dma_wait3A_151 : memref<10000x16xf32, #tpu.memory_space<hbm>>) dst(%dma_wait3A_145 : memref<128x16xf32, #tpu.memory_space<vmem>>)
      %dma_wait3A_152 = arith.constant 0 : i32
      %dma_wait3A_153 = arith.constant 0 : i32
      %dma_wait3A_154 = arith.constant 0 : i32
      %dma_wait3A_155 = arith.constant 0 : i32
      %dma_wait3A_156 = tpu.memref_slice %arg16[%dma_wait3A_153, %dma_wait3A_154, %dma_wait3A_155] : memref<2x128x16xf32, #tpu.memory_space<vmem>> -> memref<1x128x16xf32, #tpu.memory_space<vmem>>
      %dma_wait3A_157 = tpu.memref_squeeze %dma_wait3A_156 : memref<1x128x16xf32, #tpu.memory_space<vmem>> -> memref<128x16xf32, #tpu.memory_space<vmem>>
      %dma_wait3A_158 = arith.constant 0 : i32
      %dma_wait3A_159 = tpu.memref_slice %arg12[%dma_wait3A_152, %dma_wait3A_158] : memref<2x128xi32, #tpu.memory_space<vmem>> -> memref<1x128xi32, #tpu.memory_space<vmem>>
      %dma_wait3A_160 = tpu.memref_squeeze %dma_wait3A_159 : memref<1x128xi32, #tpu.memory_space<vmem>> -> memref<128xi32, #tpu.memory_space<vmem>>
      %dma_wait3A_161 = arith.constant 0 : i32
      %dma_wait3A_162 = arith.constant 0 : i32
      %dma_wait3A_163 = tpu.memref_slice %arg4[%dma_wait3A_161, %dma_wait3A_162] : memref<10000x16xf32, #tpu.memory_space<hbm>> -> memref<10000x16xf32, #tpu.memory_space<hbm>>
      tpu.wait_indirect_dma semaphore(%arg19 : memref<!tpu.dma_semaphore, #tpu.memory_space<semaphore_mem>>) src(%dma_wait3A_163 : memref<10000x16xf32, #tpu.memory_space<hbm>>) dst(%dma_wait3A_157 : memref<128x16xf32, #tpu.memory_space<vmem>>)
      %add3A_164 = arith.constant 0 : i32
      %add3A_165 = arith.addi %mul3A_7, %add3A_164 : i32
      %multiple_of3A_166 = tpu.assume_multiple %add3A_165, 128 : i32
      %dma_start3A_167 = arith.constant 0 : i32
      %dma_start3A_168 = arith.constant 0 : i32
      %dma_start3A_169 = arith.constant 0 : i32
      %dma_start3A_170 = tpu.memref_slice %arg13[%dma_start3A_167, %dma_start3A_168, %dma_start3A_169] : memref<2x128x128xf32, #tpu.memory_space<vmem>> -> memref<1x128x128xf32, #tpu.memory_space<vmem>>
      %dma_start3A_171 = tpu.memref_squeeze %dma_start3A_170 : memref<1x128x128xf32, #tpu.memory_space<vmem>> -> memref<128x128xf32, #tpu.memory_space<vmem>>
      %dma_start3A_172 = arith.constant 0 : i32
      %dma_start3A_173 = tpu.memref_slice %arg7[%multiple_of3A_166, %dma_start3A_172] : memref<327680x128xf32, #tpu.memory_space<hbm>> -> memref<128x128xf32, #tpu.memory_space<hbm>>
      %dma_start3A_174 = arith.constant 0 : i32
      %dma_start3A_175 = tpu.memref_slice %arg7[%multiple_of3A_166, %dma_start3A_174] : memref<327680x128xf32, #tpu.memory_space<hbm>> -> memref<128x128xf32, #tpu.memory_space<hbm>>
      %dma_start3A_176 = arith.constant 0 : i32
      %dma_start3A_177 = arith.constant 0 : i32
      %dma_start3A_178 = tpu.memref_slice %arg13[%dma_start3A_167, %dma_start3A_176, %dma_start3A_177] : memref<2x128x128xf32, #tpu.memory_space<vmem>> -> memref<1x128x128xf32, #tpu.memory_space<vmem>>
      %dma_start3A_179 = tpu.memref_squeeze %dma_start3A_178 : memref<1x128x128xf32, #tpu.memory_space<vmem>> -> memref<128x128xf32, #tpu.memory_space<vmem>>
      tpu.enqueue_dma source(%dma_start3A_179 : memref<128x128xf32, #tpu.memory_space<vmem>>) target(%dma_start3A_175 : memref<128x128xf32, #tpu.memory_space<hbm>>) target_semaphore(%arg21 : memref<!tpu.dma_semaphore, #tpu.memory_space<semaphore_mem>>)
      %dma_start3A_180 = arith.constant 0 : i32
      %dma_start3A_181 = arith.constant 0 : i32
      %dma_start3A_182 = arith.constant 0 : i32
      %dma_start3A_183 = tpu.memref_slice %arg14[%dma_start3A_180, %dma_start3A_181, %dma_start3A_182] : memref<2x128x128xf32, #tpu.memory_space<vmem>> -> memref<1x128x128xf32, #tpu.memory_space<vmem>>
      %dma_start3A_184 = tpu.memref_squeeze %dma_start3A_183 : memref<1x128x128xf32, #tpu.memory_space<vmem>> -> memref<128x128xf32, #tpu.memory_space<vmem>>
      %dma_start3A_185 = arith.constant 0 : i32
      %dma_start3A_186 = tpu.memref_slice %arg8[%multiple_of3A_166, %dma_start3A_185] : memref<327680x128xf32, #tpu.memory_space<hbm>> -> memref<128x128xf32, #tpu.memory_space<hbm>>
      %dma_start3A_187 = arith.constant 0 : i32
      %dma_start3A_188 = tpu.memref_slice %arg8[%multiple_of3A_166, %dma_start3A_187] : memref<327680x128xf32, #tpu.memory_space<hbm>> -> memref<128x128xf32, #tpu.memory_space<hbm>>
      %dma_start3A_189 = arith.constant 0 : i32
      %dma_start3A_190 = arith.constant 0 : i32
      %dma_start3A_191 = tpu.memref_slice %arg14[%dma_start3A_180, %dma_start3A_189, %dma_start3A_190] : memref<2x128x128xf32, #tpu.memory_space<vmem>> -> memref<1x128x128xf32, #tpu.memory_space<vmem>>
      %dma_start3A_192 = tpu.memref_squeeze %dma_start3A_191 : memref<1x128x128xf32, #tpu.memory_space<vmem>> -> memref<128x128xf32, #tpu.memory_space<vmem>>
      tpu.enqueue_dma source(%dma_start3A_192 : memref<128x128xf32, #tpu.memory_space<vmem>>) target(%dma_start3A_188 : memref<128x128xf32, #tpu.memory_space<hbm>>) target_semaphore(%arg21 : memref<!tpu.dma_semaphore, #tpu.memory_space<semaphore_mem>>)
      %dma_start3A_193 = arith.constant 0 : i32
      %dma_start3A_194 = arith.constant 0 : i32
      %dma_start3A_195 = arith.constant 0 : i32
      %dma_start3A_196 = tpu.memref_slice %arg15[%dma_start3A_193, %dma_start3A_194, %dma_start3A_195] : memref<2x128x16xf32, #tpu.memory_space<vmem>> -> memref<1x128x16xf32, #tpu.memory_space<vmem>>
      %dma_start3A_197 = tpu.memref_squeeze %dma_start3A_196 : memref<1x128x16xf32, #tpu.memory_space<vmem>> -> memref<128x16xf32, #tpu.memory_space<vmem>>
      %dma_start3A_198 = arith.constant 0 : i32
      %dma_start3A_199 = tpu.memref_slice %arg9[%multiple_of3A_166, %dma_start3A_198] : memref<327680x16xf32, #tpu.memory_space<hbm>> -> memref<128x16xf32, #tpu.memory_space<hbm>>
      %dma_start3A_200 = arith.constant 0 : i32
      %dma_start3A_201 = tpu.memref_slice %arg9[%multiple_of3A_166, %dma_start3A_200] : memref<327680x16xf32, #tpu.memory_space<hbm>> -> memref<128x16xf32, #tpu.memory_space<hbm>>
      %dma_start3A_202 = arith.constant 0 : i32
      %dma_start3A_203 = arith.constant 0 : i32
      %dma_start3A_204 = tpu.memref_slice %arg15[%dma_start3A_193, %dma_start3A_202, %dma_start3A_203] : memref<2x128x16xf32, #tpu.memory_space<vmem>> -> memref<1x128x16xf32, #tpu.memory_space<vmem>>
      %dma_start3A_205 = tpu.memref_squeeze %dma_start3A_204 : memref<1x128x16xf32, #tpu.memory_space<vmem>> -> memref<128x16xf32, #tpu.memory_space<vmem>>
      tpu.enqueue_dma source(%dma_start3A_205 : memref<128x16xf32, #tpu.memory_space<vmem>>) target(%dma_start3A_201 : memref<128x16xf32, #tpu.memory_space<hbm>>) target_semaphore(%arg21 : memref<!tpu.dma_semaphore, #tpu.memory_space<semaphore_mem>>)
      %dma_start3A_206 = arith.constant 0 : i32
      %dma_start3A_207 = arith.constant 0 : i32
      %dma_start3A_208 = arith.constant 0 : i32
      %dma_start3A_209 = tpu.memref_slice %arg16[%dma_start3A_206, %dma_start3A_207, %dma_start3A_208] : memref<2x128x16xf32, #tpu.memory_space<vmem>> -> memref<1x128x16xf32, #tpu.memory_space<vmem>>
      %dma_start3A_210 = tpu.memref_squeeze %dma_start3A_209 : memref<1x128x16xf32, #tpu.memory_space<vmem>> -> memref<128x16xf32, #tpu.memory_space<vmem>>
      %dma_start3A_211 = arith.constant 0 : i32
      %dma_start3A_212 = tpu.memref_slice %arg10[%multiple_of3A_166, %dma_start3A_211] : memref<327680x16xf32, #tpu.memory_space<hbm>> -> memref<128x16xf32, #tpu.memory_space<hbm>>
      %dma_start3A_213 = arith.constant 0 : i32
      %dma_start3A_214 = tpu.memref_slice %arg10[%multiple_of3A_166, %dma_start3A_213] : memref<327680x16xf32, #tpu.memory_space<hbm>> -> memref<128x16xf32, #tpu.memory_space<hbm>>
      %dma_start3A_215 = arith.constant 0 : i32
      %dma_start3A_216 = arith.constant 0 : i32
      %dma_start3A_217 = tpu.memref_slice %arg16[%dma_start3A_206, %dma_start3A_215, %dma_start3A_216] : memref<2x128x16xf32, #tpu.memory_space<vmem>> -> memref<1x128x16xf32, #tpu.memory_space<vmem>>
      %dma_start3A_218 = tpu.memref_squeeze %dma_start3A_217 : memref<1x128x16xf32, #tpu.memory_space<vmem>> -> memref<128x16xf32, #tpu.memory_space<vmem>>
      tpu.enqueue_dma source(%dma_start3A_218 : memref<128x16xf32, #tpu.memory_space<vmem>>) target(%dma_start3A_214 : memref<128x16xf32, #tpu.memory_space<hbm>>) target_semaphore(%arg21 : memref<!tpu.dma_semaphore, #tpu.memory_space<semaphore_mem>>)
      %dma_wait3A_219 = arith.constant 1 : i32
      %dma_wait3A_220 = arith.constant 0 : i32
      %dma_wait3A_221 = tpu.memref_slice %arg11[%dma_wait3A_219, %dma_wait3A_220] : memref<2x128xi32, #tpu.memory_space<vmem>> -> memref<1x128xi32, #tpu.memory_space<vmem>>
      %dma_wait3A_222 = tpu.memref_squeeze %dma_wait3A_221 : memref<1x128xi32, #tpu.memory_space<vmem>> -> memref<128xi32, #tpu.memory_space<vmem>>
      %dma_wait3A_223 = arith.constant 0 : i32
      %dma_wait3A_224 = tpu.memref_slice %arg5[%dma_wait3A_223] : memref<327680xi32, #tpu.memory_space<hbm>> -> memref<128xi32, #tpu.memory_space<hbm>>
      %dma_wait3A_225 = arith.constant 0 : i32
      %dma_wait3A_226 = tpu.memref_slice %arg11[%dma_wait3A_219, %dma_wait3A_225] : memref<2x128xi32, #tpu.memory_space<vmem>> -> memref<1x128xi32, #tpu.memory_space<vmem>>
      %dma_wait3A_227 = tpu.memref_squeeze %dma_wait3A_226 : memref<1x128xi32, #tpu.memory_space<vmem>> -> memref<128xi32, #tpu.memory_space<vmem>>
      %dma_wait3A_228 = arith.constant 0 : i32
      %dma_wait3A_229 = tpu.memref_slice %arg5[%dma_wait3A_228] : memref<327680xi32, #tpu.memory_space<hbm>> -> memref<128xi32, #tpu.memory_space<hbm>>
      tpu.wait_dma2 semaphore(%arg18 : memref<!tpu.dma_semaphore, #tpu.memory_space<semaphore_mem>>) src(%dma_wait3A_229 : memref<128xi32, #tpu.memory_space<hbm>>) dst(%dma_wait3A_227 : memref<128xi32, #tpu.memory_space<vmem>>)
      %dma_wait3A_230 = arith.constant 1 : i32
      %dma_wait3A_231 = arith.constant 0 : i32
      %dma_wait3A_232 = tpu.memref_slice %arg12[%dma_wait3A_230, %dma_wait3A_231] : memref<2x128xi32, #tpu.memory_space<vmem>> -> memref<1x128xi32, #tpu.memory_space<vmem>>
      %dma_wait3A_233 = tpu.memref_squeeze %dma_wait3A_232 : memref<1x128xi32, #tpu.memory_space<vmem>> -> memref<128xi32, #tpu.memory_space<vmem>>
      %dma_wait3A_234 = arith.constant 0 : i32
      %dma_wait3A_235 = tpu.memref_slice %arg6[%dma_wait3A_234] : memref<327680xi32, #tpu.memory_space<hbm>> -> memref<128xi32, #tpu.memory_space<hbm>>
      %dma_wait3A_236 = arith.constant 0 : i32
      %dma_wait3A_237 = tpu.memref_slice %arg12[%dma_wait3A_230, %dma_wait3A_236] : memref<2x128xi32, #tpu.memory_space<vmem>> -> memref<1x128xi32, #tpu.memory_space<vmem>>
      %dma_wait3A_238 = tpu.memref_squeeze %dma_wait3A_237 : memref<1x128xi32, #tpu.memory_space<vmem>> -> memref<128xi32, #tpu.memory_space<vmem>>
      %dma_wait3A_239 = arith.constant 0 : i32
      %dma_wait3A_240 = tpu.memref_slice %arg6[%dma_wait3A_239] : memref<327680xi32, #tpu.memory_space<hbm>> -> memref<128xi32, #tpu.memory_space<hbm>>
      tpu.wait_dma2 semaphore(%arg18 : memref<!tpu.dma_semaphore, #tpu.memory_space<semaphore_mem>>) src(%dma_wait3A_240 : memref<128xi32, #tpu.memory_space<hbm>>) dst(%dma_wait3A_238 : memref<128xi32, #tpu.memory_space<vmem>>)
      %add3A_241 = arith.constant 256 : i32
      %add3A_242 = arith.addi %mul3A_7, %add3A_241 : i32
      %multiple_of3A_243 = tpu.assume_multiple %add3A_242, 128 : i32
      %dma_start3A_244 = arith.constant 0 : i32
      %dma_start3A_245 = arith.constant 0 : i32
      %dma_start3A_246 = tpu.memref_slice %arg11[%dma_start3A_244, %dma_start3A_245] : memref<2x128xi32, #tpu.memory_space<vmem>> -> memref<1x128xi32, #tpu.memory_space<vmem>>
      %dma_start3A_247 = tpu.memref_squeeze %dma_start3A_246 : memref<1x128xi32, #tpu.memory_space<vmem>> -> memref<128xi32, #tpu.memory_space<vmem>>
      %dma_start3A_248 = tpu.memref_slice %arg5[%multiple_of3A_243] : memref<327680xi32, #tpu.memory_space<hbm>> -> memref<128xi32, #tpu.memory_space<hbm>>
      %dma_start3A_249 = arith.constant 0 : i32
      %dma_start3A_250 = tpu.memref_slice %arg11[%dma_start3A_244, %dma_start3A_249] : memref<2x128xi32, #tpu.memory_space<vmem>> -> memref<1x128xi32, #tpu.memory_space<vmem>>
      %dma_start3A_251 = tpu.memref_squeeze %dma_start3A_250 : memref<1x128xi32, #tpu.memory_space<vmem>> -> memref<128xi32, #tpu.memory_space<vmem>>
      %dma_start3A_252 = tpu.memref_slice %arg5[%multiple_of3A_243] : memref<327680xi32, #tpu.memory_space<hbm>> -> memref<128xi32, #tpu.memory_space<hbm>>
      tpu.enqueue_dma source(%dma_start3A_252 : memref<128xi32, #tpu.memory_space<hbm>>) target(%dma_start3A_251 : memref<128xi32, #tpu.memory_space<vmem>>) target_semaphore(%arg17 : memref<!tpu.dma_semaphore, #tpu.memory_space<semaphore_mem>>)
      %dma_start3A_253 = arith.constant 0 : i32
      %dma_start3A_254 = arith.constant 0 : i32
      %dma_start3A_255 = tpu.memref_slice %arg12[%dma_start3A_253, %dma_start3A_254] : memref<2x128xi32, #tpu.memory_space<vmem>> -> memref<1x128xi32, #tpu.memory_space<vmem>>
      %dma_start3A_256 = tpu.memref_squeeze %dma_start3A_255 : memref<1x128xi32, #tpu.memory_space<vmem>> -> memref<128xi32, #tpu.memory_space<vmem>>
      %dma_start3A_257 = tpu.memref_slice %arg6[%multiple_of3A_243] : memref<327680xi32, #tpu.memory_space<hbm>> -> memref<128xi32, #tpu.memory_space<hbm>>
      %dma_start3A_258 = arith.constant 0 : i32
      %dma_start3A_259 = tpu.memref_slice %arg12[%dma_start3A_253, %dma_start3A_258] : memref<2x128xi32, #tpu.memory_space<vmem>> -> memref<1x128xi32, #tpu.memory_space<vmem>>
      %dma_start3A_260 = tpu.memref_squeeze %dma_start3A_259 : memref<1x128xi32, #tpu.memory_space<vmem>> -> memref<128xi32, #tpu.memory_space<vmem>>
      %dma_start3A_261 = tpu.memref_slice %arg6[%multiple_of3A_243] : memref<327680xi32, #tpu.memory_space<hbm>> -> memref<128xi32, #tpu.memory_space<hbm>>
      tpu.enqueue_dma source(%dma_start3A_261 : memref<128xi32, #tpu.memory_space<hbm>>) target(%dma_start3A_260 : memref<128xi32, #tpu.memory_space<vmem>>) target_semaphore(%arg17 : memref<!tpu.dma_semaphore, #tpu.memory_space<semaphore_mem>>)
      %dma_start3A_262 = arith.constant 1 : i32
      %dma_start3A_263 = arith.constant 1 : i32
      %dma_start3A_264 = arith.constant 0 : i32
      %dma_start3A_265 = arith.constant 0 : i32
      %dma_start3A_266 = tpu.memref_slice %arg13[%dma_start3A_263, %dma_start3A_264, %dma_start3A_265] : memref<2x128x128xf32, #tpu.memory_space<vmem>> -> memref<1x128x128xf32, #tpu.memory_space<vmem>>
      %dma_start3A_267 = tpu.memref_squeeze %dma_start3A_266 : memref<1x128x128xf32, #tpu.memory_space<vmem>> -> memref<128x128xf32, #tpu.memory_space<vmem>>
      %dma_start3A_268 = arith.constant 0 : i32
      %dma_start3A_269 = tpu.memref_slice %arg11[%dma_start3A_262, %dma_start3A_268] : memref<2x128xi32, #tpu.memory_space<vmem>> -> memref<1x128xi32, #tpu.memory_space<vmem>>
      %dma_start3A_270 = tpu.memref_squeeze %dma_start3A_269 : memref<1x128xi32, #tpu.memory_space<vmem>> -> memref<128xi32, #tpu.memory_space<vmem>>
      %dma_start3A_271 = arith.constant 0 : i32
      %dma_start3A_272 = arith.constant 0 : i32
      %dma_start3A_273 = tpu.memref_slice %arg2[%dma_start3A_271, %dma_start3A_272] : memref<10000x128xf32, #tpu.memory_space<hbm>> -> memref<10000x128xf32, #tpu.memory_space<hbm>>
      tpu.enqueue_indirect_dma source(%dma_start3A_273 : memref<10000x128xf32, #tpu.memory_space<hbm>>) target(%dma_start3A_267 : memref<128x128xf32, #tpu.memory_space<vmem>>) offsets(%dma_start3A_270 : memref<128xi32, #tpu.memory_space<vmem>>) semaphore(%arg20 : memref<!tpu.dma_semaphore, #tpu.memory_space<semaphore_mem>>)
      %dma_start3A_274 = arith.constant 1 : i32
      %dma_start3A_275 = arith.constant 1 : i32
      %dma_start3A_276 = arith.constant 0 : i32
      %dma_start3A_277 = arith.constant 0 : i32
      %dma_start3A_278 = tpu.memref_slice %arg14[%dma_start3A_275, %dma_start3A_276, %dma_start3A_277] : memref<2x128x128xf32, #tpu.memory_space<vmem>> -> memref<1x128x128xf32, #tpu.memory_space<vmem>>
      %dma_start3A_279 = tpu.memref_squeeze %dma_start3A_278 : memref<1x128x128xf32, #tpu.memory_space<vmem>> -> memref<128x128xf32, #tpu.memory_space<vmem>>
      %dma_start3A_280 = arith.constant 0 : i32
      %dma_start3A_281 = tpu.memref_slice %arg12[%dma_start3A_274, %dma_start3A_280] : memref<2x128xi32, #tpu.memory_space<vmem>> -> memref<1x128xi32, #tpu.memory_space<vmem>>
      %dma_start3A_282 = tpu.memref_squeeze %dma_start3A_281 : memref<1x128xi32, #tpu.memory_space<vmem>> -> memref<128xi32, #tpu.memory_space<vmem>>
      %dma_start3A_283 = arith.constant 0 : i32
      %dma_start3A_284 = arith.constant 0 : i32
      %dma_start3A_285 = tpu.memref_slice %arg3[%dma_start3A_283, %dma_start3A_284] : memref<10000x128xf32, #tpu.memory_space<hbm>> -> memref<10000x128xf32, #tpu.memory_space<hbm>>
      tpu.enqueue_indirect_dma source(%dma_start3A_285 : memref<10000x128xf32, #tpu.memory_space<hbm>>) target(%dma_start3A_279 : memref<128x128xf32, #tpu.memory_space<vmem>>) offsets(%dma_start3A_282 : memref<128xi32, #tpu.memory_space<vmem>>) semaphore(%arg20 : memref<!tpu.dma_semaphore, #tpu.memory_space<semaphore_mem>>)
      %dma_start3A_286 = arith.constant 1 : i32
      %dma_start3A_287 = arith.constant 1 : i32
      %dma_start3A_288 = arith.constant 0 : i32
      %dma_start3A_289 = arith.constant 0 : i32
      %dma_start3A_290 = tpu.memref_slice %arg15[%dma_start3A_287, %dma_start3A_288, %dma_start3A_289] : memref<2x128x16xf32, #tpu.memory_space<vmem>> -> memref<1x128x16xf32, #tpu.memory_space<vmem>>
      %dma_start3A_291 = tpu.memref_squeeze %dma_start3A_290 : memref<1x128x16xf32, #tpu.memory_space<vmem>> -> memref<128x16xf32, #tpu.memory_space<vmem>>
      %dma_start3A_292 = arith.constant 0 : i32
      %dma_start3A_293 = tpu.memref_slice %arg11[%dma_start3A_286, %dma_start3A_292] : memref<2x128xi32, #tpu.memory_space<vmem>> -> memref<1x128xi32, #tpu.memory_space<vmem>>
      %dma_start3A_294 = tpu.memref_squeeze %dma_start3A_293 : memref<1x128xi32, #tpu.memory_space<vmem>> -> memref<128xi32, #tpu.memory_space<vmem>>
      %dma_start3A_295 = arith.constant 0 : i32
      %dma_start3A_296 = arith.constant 0 : i32
      %dma_start3A_297 = tpu.memref_slice %arg4[%dma_start3A_295, %dma_start3A_296] : memref<10000x16xf32, #tpu.memory_space<hbm>> -> memref<10000x16xf32, #tpu.memory_space<hbm>>
      tpu.enqueue_indirect_dma source(%dma_start3A_297 : memref<10000x16xf32, #tpu.memory_space<hbm>>) target(%dma_start3A_291 : memref<128x16xf32, #tpu.memory_space<vmem>>) offsets(%dma_start3A_294 : memref<128xi32, #tpu.memory_space<vmem>>) semaphore(%arg20 : memref<!tpu.dma_semaphore, #tpu.memory_space<semaphore_mem>>)
      %dma_start3A_298 = arith.constant 1 : i32
      %dma_start3A_299 = arith.constant 1 : i32
      %dma_start3A_300 = arith.constant 0 : i32
      %dma_start3A_301 = arith.constant 0 : i32
      %dma_start3A_302 = tpu.memref_slice %arg16[%dma_start3A_299, %dma_start3A_300, %dma_start3A_301] : memref<2x128x16xf32, #tpu.memory_space<vmem>> -> memref<1x128x16xf32, #tpu.memory_space<vmem>>
      %dma_start3A_303 = tpu.memref_squeeze %dma_start3A_302 : memref<1x128x16xf32, #tpu.memory_space<vmem>> -> memref<128x16xf32, #tpu.memory_space<vmem>>
      %dma_start3A_304 = arith.constant 0 : i32
      %dma_start3A_305 = tpu.memref_slice %arg12[%dma_start3A_298, %dma_start3A_304] : memref<2x128xi32, #tpu.memory_space<vmem>> -> memref<1x128xi32, #tpu.memory_space<vmem>>
      %dma_start3A_306 = tpu.memref_squeeze %dma_start3A_305 : memref<1x128xi32, #tpu.memory_space<vmem>> -> memref<128xi32, #tpu.memory_space<vmem>>
      %dma_start3A_307 = arith.constant 0 : i32
      %dma_start3A_308 = arith.constant 0 : i32
      %dma_start3A_309 = tpu.memref_slice %arg4[%dma_start3A_307, %dma_start3A_308] : memref<10000x16xf32, #tpu.memory_space<hbm>> -> memref<10000x16xf32, #tpu.memory_space<hbm>>
      tpu.enqueue_indirect_dma source(%dma_start3A_309 : memref<10000x16xf32, #tpu.memory_space<hbm>>) target(%dma_start3A_303 : memref<128x16xf32, #tpu.memory_space<vmem>>) offsets(%dma_start3A_306 : memref<128xi32, #tpu.memory_space<vmem>>) semaphore(%arg20 : memref<!tpu.dma_semaphore, #tpu.memory_space<semaphore_mem>>)
      %scan3A = arith.constant 0 : i32
      %scan3A_310 = arith.constant 1 : i32
      %scan3A_311 = arith.constant 57 : i32
      %scan3A_312 = arith.addi %scan3A_310, %scan3A_311 : i32
      %scan3A_313 = arith.constant 1 : i32
      scf.for %scan3A_560 = %scan3A_310 to %scan3A_312 step %scan3A_313  : i32 {
        %mul3A_561 = arith.constant 2 : i32
        %mul3A_562 = arith.muli %mul3A_561, %scan3A_560 : i32
        %add3A_563 = arith.constant 0 : i32
        %add3A_564 = arith.addi %mul3A_562, %add3A_563 : i32
        %dma_wait3A_565 = arith.constant 0 : i32
        %dma_wait3A_566 = arith.constant 0 : i32
        %dma_wait3A_567 = arith.constant 0 : i32
        %dma_wait3A_568 = tpu.memref_slice %arg13[%dma_wait3A_565, %dma_wait3A_566, %dma_wait3A_567] : memref<2x128x128xf32, #tpu.memory_space<vmem>> -> memref<1x128x128xf32, #tpu.memory_space<vmem>>
        %dma_wait3A_569 = tpu.memref_squeeze %dma_wait3A_568 : memref<1x128x128xf32, #tpu.memory_space<vmem>> -> memref<128x128xf32, #tpu.memory_space<vmem>>
        %dma_wait3A_570 = arith.constant 0 : i32
        %dma_wait3A_571 = arith.constant 0 : i32
        %dma_wait3A_572 = tpu.memref_slice %arg7[%dma_wait3A_570, %dma_wait3A_571] : memref<327680x128xf32, #tpu.memory_space<hbm>> -> memref<128x128xf32, #tpu.memory_space<hbm>>
        %dma_wait3A_573 = arith.constant 0 : i32
        %dma_wait3A_574 = arith.constant 0 : i32
        %dma_wait3A_575 = tpu.memref_slice %arg7[%dma_wait3A_573, %dma_wait3A_574] : memref<327680x128xf32, #tpu.memory_space<hbm>> -> memref<128x128xf32, #tpu.memory_space<hbm>>
        %dma_wait3A_576 = arith.constant 0 : i32
        %dma_wait3A_577 = arith.constant 0 : i32
        %dma_wait3A_578 = tpu.memref_slice %arg13[%dma_wait3A_565, %dma_wait3A_576, %dma_wait3A_577] : memref<2x128x128xf32, #tpu.memory_space<vmem>> -> memref<1x128x128xf32, #tpu.memory_space<vmem>>
        %dma_wait3A_579 = tpu.memref_squeeze %dma_wait3A_578 : memref<1x128x128xf32, #tpu.memory_space<vmem>> -> memref<128x128xf32, #tpu.memory_space<vmem>>
        tpu.wait_dma2 semaphore(%arg21 : memref<!tpu.dma_semaphore, #tpu.memory_space<semaphore_mem>>) src(%dma_wait3A_579 : memref<128x128xf32, #tpu.memory_space<vmem>>) dst(%dma_wait3A_575 : memref<128x128xf32, #tpu.memory_space<hbm>>)
        %dma_wait3A_580 = arith.constant 0 : i32
        %dma_wait3A_581 = arith.constant 0 : i32
        %dma_wait3A_582 = arith.constant 0 : i32
        %dma_wait3A_583 = tpu.memref_slice %arg14[%dma_wait3A_580, %dma_wait3A_581, %dma_wait3A_582] : memref<2x128x128xf32, #tpu.memory_space<vmem>> -> memref<1x128x128xf32, #tpu.memory_space<vmem>>
        %dma_wait3A_584 = tpu.memref_squeeze %dma_wait3A_583 : memref<1x128x128xf32, #tpu.memory_space<vmem>> -> memref<128x128xf32, #tpu.memory_space<vmem>>
        %dma_wait3A_585 = arith.constant 0 : i32
        %dma_wait3A_586 = arith.constant 0 : i32
        %dma_wait3A_587 = tpu.memref_slice %arg8[%dma_wait3A_585, %dma_wait3A_586] : memref<327680x128xf32, #tpu.memory_space<hbm>> -> memref<128x128xf32, #tpu.memory_space<hbm>>
        %dma_wait3A_588 = arith.constant 0 : i32
        %dma_wait3A_589 = arith.constant 0 : i32
        %dma_wait3A_590 = tpu.memref_slice %arg8[%dma_wait3A_588, %dma_wait3A_589] : memref<327680x128xf32, #tpu.memory_space<hbm>> -> memref<128x128xf32, #tpu.memory_space<hbm>>
        %dma_wait3A_591 = arith.constant 0 : i32
        %dma_wait3A_592 = arith.constant 0 : i32
        %dma_wait3A_593 = tpu.memref_slice %arg14[%dma_wait3A_580, %dma_wait3A_591, %dma_wait3A_592] : memref<2x128x128xf32, #tpu.memory_space<vmem>> -> memref<1x128x128xf32, #tpu.memory_space<vmem>>
        %dma_wait3A_594 = tpu.memref_squeeze %dma_wait3A_593 : memref<1x128x128xf32, #tpu.memory_space<vmem>> -> memref<128x128xf32, #tpu.memory_space<vmem>>
        tpu.wait_dma2 semaphore(%arg21 : memref<!tpu.dma_semaphore, #tpu.memory_space<semaphore_mem>>) src(%dma_wait3A_594 : memref<128x128xf32, #tpu.memory_space<vmem>>) dst(%dma_wait3A_590 : memref<128x128xf32, #tpu.memory_space<hbm>>)
        %dma_wait3A_595 = arith.constant 0 : i32
        %dma_wait3A_596 = arith.constant 0 : i32
        %dma_wait3A_597 = arith.constant 0 : i32
        %dma_wait3A_598 = tpu.memref_slice %arg15[%dma_wait3A_595, %dma_wait3A_596, %dma_wait3A_597] : memref<2x128x16xf32, #tpu.memory_space<vmem>> -> memref<1x128x16xf32, #tpu.memory_space<vmem>>
        %dma_wait3A_599 = tpu.memref_squeeze %dma_wait3A_598 : memref<1x128x16xf32, #tpu.memory_space<vmem>> -> memref<128x16xf32, #tpu.memory_space<vmem>>
        %dma_wait3A_600 = arith.constant 0 : i32
        %dma_wait3A_601 = arith.constant 0 : i32
        %dma_wait3A_602 = tpu.memref_slice %arg9[%dma_wait3A_600, %dma_wait3A_601] : memref<327680x16xf32, #tpu.memory_space<hbm>> -> memref<128x16xf32, #tpu.memory_space<hbm>>
        %dma_wait3A_603 = arith.constant 0 : i32
        %dma_wait3A_604 = arith.constant 0 : i32
        %dma_wait3A_605 = tpu.memref_slice %arg9[%dma_wait3A_603, %dma_wait3A_604] : memref<327680x16xf32, #tpu.memory_space<hbm>> -> memref<128x16xf32, #tpu.memory_space<hbm>>
        %dma_wait3A_606 = arith.constant 0 : i32
        %dma_wait3A_607 = arith.constant 0 : i32
        %dma_wait3A_608 = tpu.memref_slice %arg15[%dma_wait3A_595, %dma_wait3A_606, %dma_wait3A_607] : memref<2x128x16xf32, #tpu.memory_space<vmem>> -> memref<1x128x16xf32, #tpu.memory_space<vmem>>
        %dma_wait3A_609 = tpu.memref_squeeze %dma_wait3A_608 : memref<1x128x16xf32, #tpu.memory_space<vmem>> -> memref<128x16xf32, #tpu.memory_space<vmem>>
        tpu.wait_dma2 semaphore(%arg21 : memref<!tpu.dma_semaphore, #tpu.memory_space<semaphore_mem>>) src(%dma_wait3A_609 : memref<128x16xf32, #tpu.memory_space<vmem>>) dst(%dma_wait3A_605 : memref<128x16xf32, #tpu.memory_space<hbm>>)
        %dma_wait3A_610 = arith.constant 0 : i32
        %dma_wait3A_611 = arith.constant 0 : i32
        %dma_wait3A_612 = arith.constant 0 : i32
        %dma_wait3A_613 = tpu.memref_slice %arg16[%dma_wait3A_610, %dma_wait3A_611, %dma_wait3A_612] : memref<2x128x16xf32, #tpu.memory_space<vmem>> -> memref<1x128x16xf32, #tpu.memory_space<vmem>>
        %dma_wait3A_614 = tpu.memref_squeeze %dma_wait3A_613 : memref<1x128x16xf32, #tpu.memory_space<vmem>> -> memref<128x16xf32, #tpu.memory_space<vmem>>
        %dma_wait3A_615 = arith.constant 0 : i32
        %dma_wait3A_616 = arith.constant 0 : i32
        %dma_wait3A_617 = tpu.memref_slice %arg10[%dma_wait3A_615, %dma_wait3A_616] : memref<327680x16xf32, #tpu.memory_space<hbm>> -> memref<128x16xf32, #tpu.memory_space<hbm>>
        %dma_wait3A_618 = arith.constant 0 : i32
        %dma_wait3A_619 = arith.constant 0 : i32
        %dma_wait3A_620 = tpu.memref_slice %arg10[%dma_wait3A_618, %dma_wait3A_619] : memref<327680x16xf32, #tpu.memory_space<hbm>> -> memref<128x16xf32, #tpu.memory_space<hbm>>
        %dma_wait3A_621 = arith.constant 0 : i32
        %dma_wait3A_622 = arith.constant 0 : i32
        %dma_wait3A_623 = tpu.memref_slice %arg16[%dma_wait3A_610, %dma_wait3A_621, %dma_wait3A_622] : memref<2x128x16xf32, #tpu.memory_space<vmem>> -> memref<1x128x16xf32, #tpu.memory_space<vmem>>
        %dma_wait3A_624 = tpu.memref_squeeze %dma_wait3A_623 : memref<1x128x16xf32, #tpu.memory_space<vmem>> -> memref<128x16xf32, #tpu.memory_space<vmem>>
        tpu.wait_dma2 semaphore(%arg21 : memref<!tpu.dma_semaphore, #tpu.memory_space<semaphore_mem>>) src(%dma_wait3A_624 : memref<128x16xf32, #tpu.memory_space<vmem>>) dst(%dma_wait3A_620 : memref<128x16xf32, #tpu.memory_space<hbm>>)
        %dma_wait3A_625 = arith.constant 1 : i32
        %dma_wait3A_626 = arith.constant 1 : i32
        %dma_wait3A_627 = arith.constant 0 : i32
        %dma_wait3A_628 = arith.constant 0 : i32
        %dma_wait3A_629 = tpu.memref_slice %arg13[%dma_wait3A_626, %dma_wait3A_627, %dma_wait3A_628] : memref<2x128x128xf32, #tpu.memory_space<vmem>> -> memref<1x128x128xf32, #tpu.memory_space<vmem>>
        %dma_wait3A_630 = tpu.memref_squeeze %dma_wait3A_629 : memref<1x128x128xf32, #tpu.memory_space<vmem>> -> memref<128x128xf32, #tpu.memory_space<vmem>>
        %dma_wait3A_631 = arith.constant 0 : i32
        %dma_wait3A_632 = tpu.memref_slice %arg11[%dma_wait3A_625, %dma_wait3A_631] : memref<2x128xi32, #tpu.memory_space<vmem>> -> memref<1x128xi32, #tpu.memory_space<vmem>>
        %dma_wait3A_633 = tpu.memref_squeeze %dma_wait3A_632 : memref<1x128xi32, #tpu.memory_space<vmem>> -> memref<128xi32, #tpu.memory_space<vmem>>
        %dma_wait3A_634 = arith.constant 0 : i32
        %dma_wait3A_635 = arith.constant 0 : i32
        %dma_wait3A_636 = tpu.memref_slice %arg2[%dma_wait3A_634, %dma_wait3A_635] : memref<10000x128xf32, #tpu.memory_space<hbm>> -> memref<10000x128xf32, #tpu.memory_space<hbm>>
        tpu.wait_indirect_dma semaphore(%arg20 : memref<!tpu.dma_semaphore, #tpu.memory_space<semaphore_mem>>) src(%dma_wait3A_636 : memref<10000x128xf32, #tpu.memory_space<hbm>>) dst(%dma_wait3A_630 : memref<128x128xf32, #tpu.memory_space<vmem>>)
        %dma_wait3A_637 = arith.constant 1 : i32
        %dma_wait3A_638 = arith.constant 1 : i32
        %dma_wait3A_639 = arith.constant 0 : i32
        %dma_wait3A_640 = arith.constant 0 : i32
        %dma_wait3A_641 = tpu.memref_slice %arg14[%dma_wait3A_638, %dma_wait3A_639, %dma_wait3A_640] : memref<2x128x128xf32, #tpu.memory_space<vmem>> -> memref<1x128x128xf32, #tpu.memory_space<vmem>>
        %dma_wait3A_642 = tpu.memref_squeeze %dma_wait3A_641 : memref<1x128x128xf32, #tpu.memory_space<vmem>> -> memref<128x128xf32, #tpu.memory_space<vmem>>
        %dma_wait3A_643 = arith.constant 0 : i32
        %dma_wait3A_644 = tpu.memref_slice %arg12[%dma_wait3A_637, %dma_wait3A_643] : memref<2x128xi32, #tpu.memory_space<vmem>> -> memref<1x128xi32, #tpu.memory_space<vmem>>
        %dma_wait3A_645 = tpu.memref_squeeze %dma_wait3A_644 : memref<1x128xi32, #tpu.memory_space<vmem>> -> memref<128xi32, #tpu.memory_space<vmem>>
        %dma_wait3A_646 = arith.constant 0 : i32
        %dma_wait3A_647 = arith.constant 0 : i32
        %dma_wait3A_648 = tpu.memref_slice %arg3[%dma_wait3A_646, %dma_wait3A_647] : memref<10000x128xf32, #tpu.memory_space<hbm>> -> memref<10000x128xf32, #tpu.memory_space<hbm>>
        tpu.wait_indirect_dma semaphore(%arg20 : memref<!tpu.dma_semaphore, #tpu.memory_space<semaphore_mem>>) src(%dma_wait3A_648 : memref<10000x128xf32, #tpu.memory_space<hbm>>) dst(%dma_wait3A_642 : memref<128x128xf32, #tpu.memory_space<vmem>>)
        %dma_wait3A_649 = arith.constant 1 : i32
        %dma_wait3A_650 = arith.constant 1 : i32
        %dma_wait3A_651 = arith.constant 0 : i32
        %dma_wait3A_652 = arith.constant 0 : i32
        %dma_wait3A_653 = tpu.memref_slice %arg15[%dma_wait3A_650, %dma_wait3A_651, %dma_wait3A_652] : memref<2x128x16xf32, #tpu.memory_space<vmem>> -> memref<1x128x16xf32, #tpu.memory_space<vmem>>
        %dma_wait3A_654 = tpu.memref_squeeze %dma_wait3A_653 : memref<1x128x16xf32, #tpu.memory_space<vmem>> -> memref<128x16xf32, #tpu.memory_space<vmem>>
        %dma_wait3A_655 = arith.constant 0 : i32
        %dma_wait3A_656 = tpu.memref_slice %arg11[%dma_wait3A_649, %dma_wait3A_655] : memref<2x128xi32, #tpu.memory_space<vmem>> -> memref<1x128xi32, #tpu.memory_space<vmem>>
        %dma_wait3A_657 = tpu.memref_squeeze %dma_wait3A_656 : memref<1x128xi32, #tpu.memory_space<vmem>> -> memref<128xi32, #tpu.memory_space<vmem>>
        %dma_wait3A_658 = arith.constant 0 : i32
        %dma_wait3A_659 = arith.constant 0 : i32
        %dma_wait3A_660 = tpu.memref_slice %arg4[%dma_wait3A_658, %dma_wait3A_659] : memref<10000x16xf32, #tpu.memory_space<hbm>> -> memref<10000x16xf32, #tpu.memory_space<hbm>>
        tpu.wait_indirect_dma semaphore(%arg20 : memref<!tpu.dma_semaphore, #tpu.memory_space<semaphore_mem>>) src(%dma_wait3A_660 : memref<10000x16xf32, #tpu.memory_space<hbm>>) dst(%dma_wait3A_654 : memref<128x16xf32, #tpu.memory_space<vmem>>)
        %dma_wait3A_661 = arith.constant 1 : i32
        %dma_wait3A_662 = arith.constant 1 : i32
        %dma_wait3A_663 = arith.constant 0 : i32
        %dma_wait3A_664 = arith.constant 0 : i32
        %dma_wait3A_665 = tpu.memref_slice %arg16[%dma_wait3A_662, %dma_wait3A_663, %dma_wait3A_664] : memref<2x128x16xf32, #tpu.memory_space<vmem>> -> memref<1x128x16xf32, #tpu.memory_space<vmem>>
        %dma_wait3A_666 = tpu.memref_squeeze %dma_wait3A_665 : memref<1x128x16xf32, #tpu.memory_space<vmem>> -> memref<128x16xf32, #tpu.memory_space<vmem>>
        %dma_wait3A_667 = arith.constant 0 : i32
        %dma_wait3A_668 = tpu.memref_slice %arg12[%dma_wait3A_661, %dma_wait3A_667] : memref<2x128xi32, #tpu.memory_space<vmem>> -> memref<1x128xi32, #tpu.memory_space<vmem>>
        %dma_wait3A_669 = tpu.memref_squeeze %dma_wait3A_668 : memref<1x128xi32, #tpu.memory_space<vmem>> -> memref<128xi32, #tpu.memory_space<vmem>>
        %dma_wait3A_670 = arith.constant 0 : i32
        %dma_wait3A_671 = arith.constant 0 : i32
        %dma_wait3A_672 = tpu.memref_slice %arg4[%dma_wait3A_670, %dma_wait3A_671] : memref<10000x16xf32, #tpu.memory_space<hbm>> -> memref<10000x16xf32, #tpu.memory_space<hbm>>
        tpu.wait_indirect_dma semaphore(%arg20 : memref<!tpu.dma_semaphore, #tpu.memory_space<semaphore_mem>>) src(%dma_wait3A_672 : memref<10000x16xf32, #tpu.memory_space<hbm>>) dst(%dma_wait3A_666 : memref<128x16xf32, #tpu.memory_space<vmem>>)
        %sub3A = arith.constant 1 : i32
        %sub3A_673 = arith.subi %add3A_564, %sub3A : i32
        %mul3A_674 = arith.constant 128 : i32
        %mul3A_675 = arith.muli %sub3A_673, %mul3A_674 : i32
        %add3A_676 = arith.addi %mul3A_7, %mul3A_675 : i32
        %multiple_of3A_677 = tpu.assume_multiple %add3A_676, 128 : i32
        %dma_start3A_678 = arith.constant 1 : i32
        %dma_start3A_679 = arith.constant 0 : i32
        %dma_start3A_680 = arith.constant 0 : i32
        %dma_start3A_681 = tpu.memref_slice %arg13[%dma_start3A_678, %dma_start3A_679, %dma_start3A_680] : memref<2x128x128xf32, #tpu.memory_space<vmem>> -> memref<1x128x128xf32, #tpu.memory_space<vmem>>
        %dma_start3A_682 = tpu.memref_squeeze %dma_start3A_681 : memref<1x128x128xf32, #tpu.memory_space<vmem>> -> memref<128x128xf32, #tpu.memory_space<vmem>>
        %dma_start3A_683 = arith.constant 0 : i32
        %dma_start3A_684 = tpu.memref_slice %arg7[%multiple_of3A_677, %dma_start3A_683] : memref<327680x128xf32, #tpu.memory_space<hbm>> -> memref<128x128xf32, #tpu.memory_space<hbm>>
        %dma_start3A_685 = arith.constant 0 : i32
        %dma_start3A_686 = tpu.memref_slice %arg7[%multiple_of3A_677, %dma_start3A_685] : memref<327680x128xf32, #tpu.memory_space<hbm>> -> memref<128x128xf32, #tpu.memory_space<hbm>>
        %dma_start3A_687 = arith.constant 0 : i32
        %dma_start3A_688 = arith.constant 0 : i32
        %dma_start3A_689 = tpu.memref_slice %arg13[%dma_start3A_678, %dma_start3A_687, %dma_start3A_688] : memref<2x128x128xf32, #tpu.memory_space<vmem>> -> memref<1x128x128xf32, #tpu.memory_space<vmem>>
        %dma_start3A_690 = tpu.memref_squeeze %dma_start3A_689 : memref<1x128x128xf32, #tpu.memory_space<vmem>> -> memref<128x128xf32, #tpu.memory_space<vmem>>
        tpu.enqueue_dma source(%dma_start3A_690 : memref<128x128xf32, #tpu.memory_space<vmem>>) target(%dma_start3A_686 : memref<128x128xf32, #tpu.memory_space<hbm>>) target_semaphore(%arg22 : memref<!tpu.dma_semaphore, #tpu.memory_space<semaphore_mem>>)
        %dma_start3A_691 = arith.constant 1 : i32
        %dma_start3A_692 = arith.constant 0 : i32
        %dma_start3A_693 = arith.constant 0 : i32
        %dma_start3A_694 = tpu.memref_slice %arg14[%dma_start3A_691, %dma_start3A_692, %dma_start3A_693] : memref<2x128x128xf32, #tpu.memory_space<vmem>> -> memref<1x128x128xf32, #tpu.memory_space<vmem>>
        %dma_start3A_695 = tpu.memref_squeeze %dma_start3A_694 : memref<1x128x128xf32, #tpu.memory_space<vmem>> -> memref<128x128xf32, #tpu.memory_space<vmem>>
        %dma_start3A_696 = arith.constant 0 : i32
        %dma_start3A_697 = tpu.memref_slice %arg8[%multiple_of3A_677, %dma_start3A_696] : memref<327680x128xf32, #tpu.memory_space<hbm>> -> memref<128x128xf32, #tpu.memory_space<hbm>>
        %dma_start3A_698 = arith.constant 0 : i32
        %dma_start3A_699 = tpu.memref_slice %arg8[%multiple_of3A_677, %dma_start3A_698] : memref<327680x128xf32, #tpu.memory_space<hbm>> -> memref<128x128xf32, #tpu.memory_space<hbm>>
        %dma_start3A_700 = arith.constant 0 : i32
        %dma_start3A_701 = arith.constant 0 : i32
        %dma_start3A_702 = tpu.memref_slice %arg14[%dma_start3A_691, %dma_start3A_700, %dma_start3A_701] : memref<2x128x128xf32, #tpu.memory_space<vmem>> -> memref<1x128x128xf32, #tpu.memory_space<vmem>>
        %dma_start3A_703 = tpu.memref_squeeze %dma_start3A_702 : memref<1x128x128xf32, #tpu.memory_space<vmem>> -> memref<128x128xf32, #tpu.memory_space<vmem>>
        tpu.enqueue_dma source(%dma_start3A_703 : memref<128x128xf32, #tpu.memory_space<vmem>>) target(%dma_start3A_699 : memref<128x128xf32, #tpu.memory_space<hbm>>) target_semaphore(%arg22 : memref<!tpu.dma_semaphore, #tpu.memory_space<semaphore_mem>>)
        %dma_start3A_704 = arith.constant 1 : i32
        %dma_start3A_705 = arith.constant 0 : i32
        %dma_start3A_706 = arith.constant 0 : i32
        %dma_start3A_707 = tpu.memref_slice %arg15[%dma_start3A_704, %dma_start3A_705, %dma_start3A_706] : memref<2x128x16xf32, #tpu.memory_space<vmem>> -> memref<1x128x16xf32, #tpu.memory_space<vmem>>
        %dma_start3A_708 = tpu.memref_squeeze %dma_start3A_707 : memref<1x128x16xf32, #tpu.memory_space<vmem>> -> memref<128x16xf32, #tpu.memory_space<vmem>>
        %dma_start3A_709 = arith.constant 0 : i32
        %dma_start3A_710 = tpu.memref_slice %arg9[%multiple_of3A_677, %dma_start3A_709] : memref<327680x16xf32, #tpu.memory_space<hbm>> -> memref<128x16xf32, #tpu.memory_space<hbm>>
        %dma_start3A_711 = arith.constant 0 : i32
        %dma_start3A_712 = tpu.memref_slice %arg9[%multiple_of3A_677, %dma_start3A_711] : memref<327680x16xf32, #tpu.memory_space<hbm>> -> memref<128x16xf32, #tpu.memory_space<hbm>>
        %dma_start3A_713 = arith.constant 0 : i32
        %dma_start3A_714 = arith.constant 0 : i32
        %dma_start3A_715 = tpu.memref_slice %arg15[%dma_start3A_704, %dma_start3A_713, %dma_start3A_714] : memref<2x128x16xf32, #tpu.memory_space<vmem>> -> memref<1x128x16xf32, #tpu.memory_space<vmem>>
        %dma_start3A_716 = tpu.memref_squeeze %dma_start3A_715 : memref<1x128x16xf32, #tpu.memory_space<vmem>> -> memref<128x16xf32, #tpu.memory_space<vmem>>
        tpu.enqueue_dma source(%dma_start3A_716 : memref<128x16xf32, #tpu.memory_space<vmem>>) target(%dma_start3A_712 : memref<128x16xf32, #tpu.memory_space<hbm>>) target_semaphore(%arg22 : memref<!tpu.dma_semaphore, #tpu.memory_space<semaphore_mem>>)
        %dma_start3A_717 = arith.constant 1 : i32
        %dma_start3A_718 = arith.constant 0 : i32
        %dma_start3A_719 = arith.constant 0 : i32
        %dma_start3A_720 = tpu.memref_slice %arg16[%dma_start3A_717, %dma_start3A_718, %dma_start3A_719] : memref<2x128x16xf32, #tpu.memory_space<vmem>> -> memref<1x128x16xf32, #tpu.memory_space<vmem>>
        %dma_start3A_721 = tpu.memref_squeeze %dma_start3A_720 : memref<1x128x16xf32, #tpu.memory_space<vmem>> -> memref<128x16xf32, #tpu.memory_space<vmem>>
        %dma_start3A_722 = arith.constant 0 : i32
        %dma_start3A_723 = tpu.memref_slice %arg10[%multiple_of3A_677, %dma_start3A_722] : memref<327680x16xf32, #tpu.memory_space<hbm>> -> memref<128x16xf32, #tpu.memory_space<hbm>>
        %dma_start3A_724 = arith.constant 0 : i32
        %dma_start3A_725 = tpu.memref_slice %arg10[%multiple_of3A_677, %dma_start3A_724] : memref<327680x16xf32, #tpu.memory_space<hbm>> -> memref<128x16xf32, #tpu.memory_space<hbm>>
        %dma_start3A_726 = arith.constant 0 : i32
        %dma_start3A_727 = arith.constant 0 : i32
        %dma_start3A_728 = tpu.memref_slice %arg16[%dma_start3A_717, %dma_start3A_726, %dma_start3A_727] : memref<2x128x16xf32, #tpu.memory_space<vmem>> -> memref<1x128x16xf32, #tpu.memory_space<vmem>>
        %dma_start3A_729 = tpu.memref_squeeze %dma_start3A_728 : memref<1x128x16xf32, #tpu.memory_space<vmem>> -> memref<128x16xf32, #tpu.memory_space<vmem>>
        tpu.enqueue_dma source(%dma_start3A_729 : memref<128x16xf32, #tpu.memory_space<vmem>>) target(%dma_start3A_725 : memref<128x16xf32, #tpu.memory_space<hbm>>) target_semaphore(%arg22 : memref<!tpu.dma_semaphore, #tpu.memory_space<semaphore_mem>>)
        %dma_wait3A_730 = arith.constant 0 : i32
        %dma_wait3A_731 = arith.constant 0 : i32
        %dma_wait3A_732 = tpu.memref_slice %arg11[%dma_wait3A_730, %dma_wait3A_731] : memref<2x128xi32, #tpu.memory_space<vmem>> -> memref<1x128xi32, #tpu.memory_space<vmem>>
        %dma_wait3A_733 = tpu.memref_squeeze %dma_wait3A_732 : memref<1x128xi32, #tpu.memory_space<vmem>> -> memref<128xi32, #tpu.memory_space<vmem>>
        %dma_wait3A_734 = arith.constant 0 : i32
        %dma_wait3A_735 = tpu.memref_slice %arg5[%dma_wait3A_734] : memref<327680xi32, #tpu.memory_space<hbm>> -> memref<128xi32, #tpu.memory_space<hbm>>
        %dma_wait3A_736 = arith.constant 0 : i32
        %dma_wait3A_737 = tpu.memref_slice %arg11[%dma_wait3A_730, %dma_wait3A_736] : memref<2x128xi32, #tpu.memory_space<vmem>> -> memref<1x128xi32, #tpu.memory_space<vmem>>
        %dma_wait3A_738 = tpu.memref_squeeze %dma_wait3A_737 : memref<1x128xi32, #tpu.memory_space<vmem>> -> memref<128xi32, #tpu.memory_space<vmem>>
        %dma_wait3A_739 = arith.constant 0 : i32
        %dma_wait3A_740 = tpu.memref_slice %arg5[%dma_wait3A_739] : memref<327680xi32, #tpu.memory_space<hbm>> -> memref<128xi32, #tpu.memory_space<hbm>>
        tpu.wait_dma2 semaphore(%arg17 : memref<!tpu.dma_semaphore, #tpu.memory_space<semaphore_mem>>) src(%dma_wait3A_740 : memref<128xi32, #tpu.memory_space<hbm>>) dst(%dma_wait3A_738 : memref<128xi32, #tpu.memory_space<vmem>>)
        %dma_wait3A_741 = arith.constant 0 : i32
        %dma_wait3A_742 = arith.constant 0 : i32
        %dma_wait3A_743 = tpu.memref_slice %arg12[%dma_wait3A_741, %dma_wait3A_742] : memref<2x128xi32, #tpu.memory_space<vmem>> -> memref<1x128xi32, #tpu.memory_space<vmem>>
        %dma_wait3A_744 = tpu.memref_squeeze %dma_wait3A_743 : memref<1x128xi32, #tpu.memory_space<vmem>> -> memref<128xi32, #tpu.memory_space<vmem>>
        %dma_wait3A_745 = arith.constant 0 : i32
        %dma_wait3A_746 = tpu.memref_slice %arg6[%dma_wait3A_745] : memref<327680xi32, #tpu.memory_space<hbm>> -> memref<128xi32, #tpu.memory_space<hbm>>
        %dma_wait3A_747 = arith.constant 0 : i32
        %dma_wait3A_748 = tpu.memref_slice %arg12[%dma_wait3A_741, %dma_wait3A_747] : memref<2x128xi32, #tpu.memory_space<vmem>> -> memref<1x128xi32, #tpu.memory_space<vmem>>
        %dma_wait3A_749 = tpu.memref_squeeze %dma_wait3A_748 : memref<1x128xi32, #tpu.memory_space<vmem>> -> memref<128xi32, #tpu.memory_space<vmem>>
        %dma_wait3A_750 = arith.constant 0 : i32
        %dma_wait3A_751 = tpu.memref_slice %arg6[%dma_wait3A_750] : memref<327680xi32, #tpu.memory_space<hbm>> -> memref<128xi32, #tpu.memory_space<hbm>>
        tpu.wait_dma2 semaphore(%arg17 : memref<!tpu.dma_semaphore, #tpu.memory_space<semaphore_mem>>) src(%dma_wait3A_751 : memref<128xi32, #tpu.memory_space<hbm>>) dst(%dma_wait3A_749 : memref<128xi32, #tpu.memory_space<vmem>>)
        %add3A_752 = arith.constant 1 : i32
        %add3A_753 = arith.addi %add3A_564, %add3A_752 : i32
        %min3A = arith.constant 115 : i32
        %min3A_754 = arith.minsi %add3A_753, %min3A : i32
        %mul3A_755 = arith.constant 128 : i32
        %mul3A_756 = arith.muli %min3A_754, %mul3A_755 : i32
        %add3A_757 = arith.addi %mul3A_7, %mul3A_756 : i32
        %multiple_of3A_758 = tpu.assume_multiple %add3A_757, 128 : i32
        %dma_start3A_759 = arith.constant 1 : i32
        %dma_start3A_760 = arith.constant 0 : i32
        %dma_start3A_761 = tpu.memref_slice %arg11[%dma_start3A_759, %dma_start3A_760] : memref<2x128xi32, #tpu.memory_space<vmem>> -> memref<1x128xi32, #tpu.memory_space<vmem>>
        %dma_start3A_762 = tpu.memref_squeeze %dma_start3A_761 : memref<1x128xi32, #tpu.memory_space<vmem>> -> memref<128xi32, #tpu.memory_space<vmem>>
        %dma_start3A_763 = tpu.memref_slice %arg5[%multiple_of3A_758] : memref<327680xi32, #tpu.memory_space<hbm>> -> memref<128xi32, #tpu.memory_space<hbm>>
        %dma_start3A_764 = arith.constant 0 : i32
        %dma_start3A_765 = tpu.memref_slice %arg11[%dma_start3A_759, %dma_start3A_764] : memref<2x128xi32, #tpu.memory_space<vmem>> -> memref<1x128xi32, #tpu.memory_space<vmem>>
        %dma_start3A_766 = tpu.memref_squeeze %dma_start3A_765 : memref<1x128xi32, #tpu.memory_space<vmem>> -> memref<128xi32, #tpu.memory_space<vmem>>
        %dma_start3A_767 = tpu.memref_slice %arg5[%multiple_of3A_758] : memref<327680xi32, #tpu.memory_space<hbm>> -> memref<128xi32, #tpu.memory_space<hbm>>
        tpu.enqueue_dma source(%dma_start3A_767 : memref<128xi32, #tpu.memory_space<hbm>>) target(%dma_start3A_766 : memref<128xi32, #tpu.memory_space<vmem>>) target_semaphore(%arg18 : memref<!tpu.dma_semaphore, #tpu.memory_space<semaphore_mem>>)
        %dma_start3A_768 = arith.constant 1 : i32
        %dma_start3A_769 = arith.constant 0 : i32
        %dma_start3A_770 = tpu.memref_slice %arg12[%dma_start3A_768, %dma_start3A_769] : memref<2x128xi32, #tpu.memory_space<vmem>> -> memref<1x128xi32, #tpu.memory_space<vmem>>
        %dma_start3A_771 = tpu.memref_squeeze %dma_start3A_770 : memref<1x128xi32, #tpu.memory_space<vmem>> -> memref<128xi32, #tpu.memory_space<vmem>>
        %dma_start3A_772 = tpu.memref_slice %arg6[%multiple_of3A_758] : memref<327680xi32, #tpu.memory_space<hbm>> -> memref<128xi32, #tpu.memory_space<hbm>>
        %dma_start3A_773 = arith.constant 0 : i32
        %dma_start3A_774 = tpu.memref_slice %arg12[%dma_start3A_768, %dma_start3A_773] : memref<2x128xi32, #tpu.memory_space<vmem>> -> memref<1x128xi32, #tpu.memory_space<vmem>>
        %dma_start3A_775 = tpu.memref_squeeze %dma_start3A_774 : memref<1x128xi32, #tpu.memory_space<vmem>> -> memref<128xi32, #tpu.memory_space<vmem>>
        %dma_start3A_776 = tpu.memref_slice %arg6[%multiple_of3A_758] : memref<327680xi32, #tpu.memory_space<hbm>> -> memref<128xi32, #tpu.memory_space<hbm>>
        tpu.enqueue_dma source(%dma_start3A_776 : memref<128xi32, #tpu.memory_space<hbm>>) target(%dma_start3A_775 : memref<128xi32, #tpu.memory_space<vmem>>) target_semaphore(%arg18 : memref<!tpu.dma_semaphore, #tpu.memory_space<semaphore_mem>>)
        %dma_start3A_777 = arith.constant 0 : i32
        %dma_start3A_778 = arith.constant 0 : i32
        %dma_start3A_779 = arith.constant 0 : i32
        %dma_start3A_780 = arith.constant 0 : i32
        %dma_start3A_781 = tpu.memref_slice %arg13[%dma_start3A_778, %dma_start3A_779, %dma_start3A_780] : memref<2x128x128xf32, #tpu.memory_space<vmem>> -> memref<1x128x128xf32, #tpu.memory_space<vmem>>
        %dma_start3A_782 = tpu.memref_squeeze %dma_start3A_781 : memref<1x128x128xf32, #tpu.memory_space<vmem>> -> memref<128x128xf32, #tpu.memory_space<vmem>>
        %dma_start3A_783 = arith.constant 0 : i32
        %dma_start3A_784 = tpu.memref_slice %arg11[%dma_start3A_777, %dma_start3A_783] : memref<2x128xi32, #tpu.memory_space<vmem>> -> memref<1x128xi32, #tpu.memory_space<vmem>>
        %dma_start3A_785 = tpu.memref_squeeze %dma_start3A_784 : memref<1x128xi32, #tpu.memory_space<vmem>> -> memref<128xi32, #tpu.memory_space<vmem>>
        %dma_start3A_786 = arith.constant 0 : i32
        %dma_start3A_787 = arith.constant 0 : i32
        %dma_start3A_788 = tpu.memref_slice %arg2[%dma_start3A_786, %dma_start3A_787] : memref<10000x128xf32, #tpu.memory_space<hbm>> -> memref<10000x128xf32, #tpu.memory_space<hbm>>
        tpu.enqueue_indirect_dma source(%dma_start3A_788 : memref<10000x128xf32, #tpu.memory_space<hbm>>) target(%dma_start3A_782 : memref<128x128xf32, #tpu.memory_space<vmem>>) offsets(%dma_start3A_785 : memref<128xi32, #tpu.memory_space<vmem>>) semaphore(%arg19 : memref<!tpu.dma_semaphore, #tpu.memory_space<semaphore_mem>>)
        %dma_start3A_789 = arith.constant 0 : i32
        %dma_start3A_790 = arith.constant 0 : i32
        %dma_start3A_791 = arith.constant 0 : i32
        %dma_start3A_792 = arith.constant 0 : i32
        %dma_start3A_793 = tpu.memref_slice %arg14[%dma_start3A_790, %dma_start3A_791, %dma_start3A_792] : memref<2x128x128xf32, #tpu.memory_space<vmem>> -> memref<1x128x128xf32, #tpu.memory_space<vmem>>
        %dma_start3A_794 = tpu.memref_squeeze %dma_start3A_793 : memref<1x128x128xf32, #tpu.memory_space<vmem>> -> memref<128x128xf32, #tpu.memory_space<vmem>>
        %dma_start3A_795 = arith.constant 0 : i32
        %dma_start3A_796 = tpu.memref_slice %arg12[%dma_start3A_789, %dma_start3A_795] : memref<2x128xi32, #tpu.memory_space<vmem>> -> memref<1x128xi32, #tpu.memory_space<vmem>>
        %dma_start3A_797 = tpu.memref_squeeze %dma_start3A_796 : memref<1x128xi32, #tpu.memory_space<vmem>> -> memref<128xi32, #tpu.memory_space<vmem>>
        %dma_start3A_798 = arith.constant 0 : i32
        %dma_start3A_799 = arith.constant 0 : i32
        %dma_start3A_800 = tpu.memref_slice %arg3[%dma_start3A_798, %dma_start3A_799] : memref<10000x128xf32, #tpu.memory_space<hbm>> -> memref<10000x128xf32, #tpu.memory_space<hbm>>
        tpu.enqueue_indirect_dma source(%dma_start3A_800 : memref<10000x128xf32, #tpu.memory_space<hbm>>) target(%dma_start3A_794 : memref<128x128xf32, #tpu.memory_space<vmem>>) offsets(%dma_start3A_797 : memref<128xi32, #tpu.memory_space<vmem>>) semaphore(%arg19 : memref<!tpu.dma_semaphore, #tpu.memory_space<semaphore_mem>>)
        %dma_start3A_801 = arith.constant 0 : i32
        %dma_start3A_802 = arith.constant 0 : i32
        %dma_start3A_803 = arith.constant 0 : i32
        %dma_start3A_804 = arith.constant 0 : i32
        %dma_start3A_805 = tpu.memref_slice %arg15[%dma_start3A_802, %dma_start3A_803, %dma_start3A_804] : memref<2x128x16xf32, #tpu.memory_space<vmem>> -> memref<1x128x16xf32, #tpu.memory_space<vmem>>
        %dma_start3A_806 = tpu.memref_squeeze %dma_start3A_805 : memref<1x128x16xf32, #tpu.memory_space<vmem>> -> memref<128x16xf32, #tpu.memory_space<vmem>>
        %dma_start3A_807 = arith.constant 0 : i32
        %dma_start3A_808 = tpu.memref_slice %arg11[%dma_start3A_801, %dma_start3A_807] : memref<2x128xi32, #tpu.memory_space<vmem>> -> memref<1x128xi32, #tpu.memory_space<vmem>>
        %dma_start3A_809 = tpu.memref_squeeze %dma_start3A_808 : memref<1x128xi32, #tpu.memory_space<vmem>> -> memref<128xi32, #tpu.memory_space<vmem>>
        %dma_start3A_810 = arith.constant 0 : i32
        %dma_start3A_811 = arith.constant 0 : i32
        %dma_start3A_812 = tpu.memref_slice %arg4[%dma_start3A_810, %dma_start3A_811] : memref<10000x16xf32, #tpu.memory_space<hbm>> -> memref<10000x16xf32, #tpu.memory_space<hbm>>
        tpu.enqueue_indirect_dma source(%dma_start3A_812 : memref<10000x16xf32, #tpu.memory_space<hbm>>) target(%dma_start3A_806 : memref<128x16xf32, #tpu.memory_space<vmem>>) offsets(%dma_start3A_809 : memref<128xi32, #tpu.memory_space<vmem>>) semaphore(%arg19 : memref<!tpu.dma_semaphore, #tpu.memory_space<semaphore_mem>>)
        %dma_start3A_813 = arith.constant 0 : i32
        %dma_start3A_814 = arith.constant 0 : i32
        %dma_start3A_815 = arith.constant 0 : i32
        %dma_start3A_816 = arith.constant 0 : i32
        %dma_start3A_817 = tpu.memref_slice %arg16[%dma_start3A_814, %dma_start3A_815, %dma_start3A_816] : memref<2x128x16xf32, #tpu.memory_space<vmem>> -> memref<1x128x16xf32, #tpu.memory_space<vmem>>
        %dma_start3A_818 = tpu.memref_squeeze %dma_start3A_817 : memref<1x128x16xf32, #tpu.memory_space<vmem>> -> memref<128x16xf32, #tpu.memory_space<vmem>>
        %dma_start3A_819 = arith.constant 0 : i32
        %dma_start3A_820 = tpu.memref_slice %arg12[%dma_start3A_813, %dma_start3A_819] : memref<2x128xi32, #tpu.memory_space<vmem>> -> memref<1x128xi32, #tpu.memory_space<vmem>>
        %dma_start3A_821 = tpu.memref_squeeze %dma_start3A_820 : memref<1x128xi32, #tpu.memory_space<vmem>> -> memref<128xi32, #tpu.memory_space<vmem>>
        %dma_start3A_822 = arith.constant 0 : i32
        %dma_start3A_823 = arith.constant 0 : i32
        %dma_start3A_824 = tpu.memref_slice %arg4[%dma_start3A_822, %dma_start3A_823] : memref<10000x16xf32, #tpu.memory_space<hbm>> -> memref<10000x16xf32, #tpu.memory_space<hbm>>
        tpu.enqueue_indirect_dma source(%dma_start3A_824 : memref<10000x16xf32, #tpu.memory_space<hbm>>) target(%dma_start3A_818 : memref<128x16xf32, #tpu.memory_space<vmem>>) offsets(%dma_start3A_821 : memref<128xi32, #tpu.memory_space<vmem>>) semaphore(%arg19 : memref<!tpu.dma_semaphore, #tpu.memory_space<semaphore_mem>>)
        %add3A_825 = arith.constant 1 : i32
        %add3A_826 = arith.addi %mul3A_562, %add3A_825 : i32
        %dma_wait3A_827 = arith.constant 1 : i32
        %dma_wait3A_828 = arith.constant 0 : i32
        %dma_wait3A_829 = arith.constant 0 : i32
        %dma_wait3A_830 = tpu.memref_slice %arg13[%dma_wait3A_827, %dma_wait3A_828, %dma_wait3A_829] : memref<2x128x128xf32, #tpu.memory_space<vmem>> -> memref<1x128x128xf32, #tpu.memory_space<vmem>>
        %dma_wait3A_831 = tpu.memref_squeeze %dma_wait3A_830 : memref<1x128x128xf32, #tpu.memory_space<vmem>> -> memref<128x128xf32, #tpu.memory_space<vmem>>
        %dma_wait3A_832 = arith.constant 0 : i32
        %dma_wait3A_833 = arith.constant 0 : i32
        %dma_wait3A_834 = tpu.memref_slice %arg7[%dma_wait3A_832, %dma_wait3A_833] : memref<327680x128xf32, #tpu.memory_space<hbm>> -> memref<128x128xf32, #tpu.memory_space<hbm>>
        %dma_wait3A_835 = arith.constant 0 : i32
        %dma_wait3A_836 = arith.constant 0 : i32
        %dma_wait3A_837 = tpu.memref_slice %arg7[%dma_wait3A_835, %dma_wait3A_836] : memref<327680x128xf32, #tpu.memory_space<hbm>> -> memref<128x128xf32, #tpu.memory_space<hbm>>
        %dma_wait3A_838 = arith.constant 0 : i32
        %dma_wait3A_839 = arith.constant 0 : i32
        %dma_wait3A_840 = tpu.memref_slice %arg13[%dma_wait3A_827, %dma_wait3A_838, %dma_wait3A_839] : memref<2x128x128xf32, #tpu.memory_space<vmem>> -> memref<1x128x128xf32, #tpu.memory_space<vmem>>
        %dma_wait3A_841 = tpu.memref_squeeze %dma_wait3A_840 : memref<1x128x128xf32, #tpu.memory_space<vmem>> -> memref<128x128xf32, #tpu.memory_space<vmem>>
        tpu.wait_dma2 semaphore(%arg22 : memref<!tpu.dma_semaphore, #tpu.memory_space<semaphore_mem>>) src(%dma_wait3A_841 : memref<128x128xf32, #tpu.memory_space<vmem>>) dst(%dma_wait3A_837 : memref<128x128xf32, #tpu.memory_space<hbm>>)
        %dma_wait3A_842 = arith.constant 1 : i32
        %dma_wait3A_843 = arith.constant 0 : i32
        %dma_wait3A_844 = arith.constant 0 : i32
        %dma_wait3A_845 = tpu.memref_slice %arg14[%dma_wait3A_842, %dma_wait3A_843, %dma_wait3A_844] : memref<2x128x128xf32, #tpu.memory_space<vmem>> -> memref<1x128x128xf32, #tpu.memory_space<vmem>>
        %dma_wait3A_846 = tpu.memref_squeeze %dma_wait3A_845 : memref<1x128x128xf32, #tpu.memory_space<vmem>> -> memref<128x128xf32, #tpu.memory_space<vmem>>
        %dma_wait3A_847 = arith.constant 0 : i32
        %dma_wait3A_848 = arith.constant 0 : i32
        %dma_wait3A_849 = tpu.memref_slice %arg8[%dma_wait3A_847, %dma_wait3A_848] : memref<327680x128xf32, #tpu.memory_space<hbm>> -> memref<128x128xf32, #tpu.memory_space<hbm>>
        %dma_wait3A_850 = arith.constant 0 : i32
        %dma_wait3A_851 = arith.constant 0 : i32
        %dma_wait3A_852 = tpu.memref_slice %arg8[%dma_wait3A_850, %dma_wait3A_851] : memref<327680x128xf32, #tpu.memory_space<hbm>> -> memref<128x128xf32, #tpu.memory_space<hbm>>
        %dma_wait3A_853 = arith.constant 0 : i32
        %dma_wait3A_854 = arith.constant 0 : i32
        %dma_wait3A_855 = tpu.memref_slice %arg14[%dma_wait3A_842, %dma_wait3A_853, %dma_wait3A_854] : memref<2x128x128xf32, #tpu.memory_space<vmem>> -> memref<1x128x128xf32, #tpu.memory_space<vmem>>
        %dma_wait3A_856 = tpu.memref_squeeze %dma_wait3A_855 : memref<1x128x128xf32, #tpu.memory_space<vmem>> -> memref<128x128xf32, #tpu.memory_space<vmem>>
        tpu.wait_dma2 semaphore(%arg22 : memref<!tpu.dma_semaphore, #tpu.memory_space<semaphore_mem>>) src(%dma_wait3A_856 : memref<128x128xf32, #tpu.memory_space<vmem>>) dst(%dma_wait3A_852 : memref<128x128xf32, #tpu.memory_space<hbm>>)
        %dma_wait3A_857 = arith.constant 1 : i32
        %dma_wait3A_858 = arith.constant 0 : i32
        %dma_wait3A_859 = arith.constant 0 : i32
        %dma_wait3A_860 = tpu.memref_slice %arg15[%dma_wait3A_857, %dma_wait3A_858, %dma_wait3A_859] : memref<2x128x16xf32, #tpu.memory_space<vmem>> -> memref<1x128x16xf32, #tpu.memory_space<vmem>>
        %dma_wait3A_861 = tpu.memref_squeeze %dma_wait3A_860 : memref<1x128x16xf32, #tpu.memory_space<vmem>> -> memref<128x16xf32, #tpu.memory_space<vmem>>
        %dma_wait3A_862 = arith.constant 0 : i32
        %dma_wait3A_863 = arith.constant 0 : i32
        %dma_wait3A_864 = tpu.memref_slice %arg9[%dma_wait3A_862, %dma_wait3A_863] : memref<327680x16xf32, #tpu.memory_space<hbm>> -> memref<128x16xf32, #tpu.memory_space<hbm>>
        %dma_wait3A_865 = arith.constant 0 : i32
        %dma_wait3A_866 = arith.constant 0 : i32
        %dma_wait3A_867 = tpu.memref_slice %arg9[%dma_wait3A_865, %dma_wait3A_866] : memref<327680x16xf32, #tpu.memory_space<hbm>> -> memref<128x16xf32, #tpu.memory_space<hbm>>
        %dma_wait3A_868 = arith.constant 0 : i32
        %dma_wait3A_869 = arith.constant 0 : i32
        %dma_wait3A_870 = tpu.memref_slice %arg15[%dma_wait3A_857, %dma_wait3A_868, %dma_wait3A_869] : memref<2x128x16xf32, #tpu.memory_space<vmem>> -> memref<1x128x16xf32, #tpu.memory_space<vmem>>
        %dma_wait3A_871 = tpu.memref_squeeze %dma_wait3A_870 : memref<1x128x16xf32, #tpu.memory_space<vmem>> -> memref<128x16xf32, #tpu.memory_space<vmem>>
        tpu.wait_dma2 semaphore(%arg22 : memref<!tpu.dma_semaphore, #tpu.memory_space<semaphore_mem>>) src(%dma_wait3A_871 : memref<128x16xf32, #tpu.memory_space<vmem>>) dst(%dma_wait3A_867 : memref<128x16xf32, #tpu.memory_space<hbm>>)
        %dma_wait3A_872 = arith.constant 1 : i32
        %dma_wait3A_873 = arith.constant 0 : i32
        %dma_wait3A_874 = arith.constant 0 : i32
        %dma_wait3A_875 = tpu.memref_slice %arg16[%dma_wait3A_872, %dma_wait3A_873, %dma_wait3A_874] : memref<2x128x16xf32, #tpu.memory_space<vmem>> -> memref<1x128x16xf32, #tpu.memory_space<vmem>>
        %dma_wait3A_876 = tpu.memref_squeeze %dma_wait3A_875 : memref<1x128x16xf32, #tpu.memory_space<vmem>> -> memref<128x16xf32, #tpu.memory_space<vmem>>
        %dma_wait3A_877 = arith.constant 0 : i32
        %dma_wait3A_878 = arith.constant 0 : i32
        %dma_wait3A_879 = tpu.memref_slice %arg10[%dma_wait3A_877, %dma_wait3A_878] : memref<327680x16xf32, #tpu.memory_space<hbm>> -> memref<128x16xf32, #tpu.memory_space<hbm>>
        %dma_wait3A_880 = arith.constant 0 : i32
        %dma_wait3A_881 = arith.constant 0 : i32
        %dma_wait3A_882 = tpu.memref_slice %arg10[%dma_wait3A_880, %dma_wait3A_881] : memref<327680x16xf32, #tpu.memory_space<hbm>> -> memref<128x16xf32, #tpu.memory_space<hbm>>
        %dma_wait3A_883 = arith.constant 0 : i32
        %dma_wait3A_884 = arith.constant 0 : i32
        %dma_wait3A_885 = tpu.memref_slice %arg16[%dma_wait3A_872, %dma_wait3A_883, %dma_wait3A_884] : memref<2x128x16xf32, #tpu.memory_space<vmem>> -> memref<1x128x16xf32, #tpu.memory_space<vmem>>
        %dma_wait3A_886 = tpu.memref_squeeze %dma_wait3A_885 : memref<1x128x16xf32, #tpu.memory_space<vmem>> -> memref<128x16xf32, #tpu.memory_space<vmem>>
        tpu.wait_dma2 semaphore(%arg22 : memref<!tpu.dma_semaphore, #tpu.memory_space<semaphore_mem>>) src(%dma_wait3A_886 : memref<128x16xf32, #tpu.memory_space<vmem>>) dst(%dma_wait3A_882 : memref<128x16xf32, #tpu.memory_space<hbm>>)
        %dma_wait3A_887 = arith.constant 0 : i32
        %dma_wait3A_888 = arith.constant 0 : i32
        %dma_wait3A_889 = arith.constant 0 : i32
        %dma_wait3A_890 = arith.constant 0 : i32
        %dma_wait3A_891 = tpu.memref_slice %arg13[%dma_wait3A_888, %dma_wait3A_889, %dma_wait3A_890] : memref<2x128x128xf32, #tpu.memory_space<vmem>> -> memref<1x128x128xf32, #tpu.memory_space<vmem>>
        %dma_wait3A_892 = tpu.memref_squeeze %dma_wait3A_891 : memref<1x128x128xf32, #tpu.memory_space<vmem>> -> memref<128x128xf32, #tpu.memory_space<vmem>>
        %dma_wait3A_893 = arith.constant 0 : i32
        %dma_wait3A_894 = tpu.memref_slice %arg11[%dma_wait3A_887, %dma_wait3A_893] : memref<2x128xi32, #tpu.memory_space<vmem>> -> memref<1x128xi32, #tpu.memory_space<vmem>>
        %dma_wait3A_895 = tpu.memref_squeeze %dma_wait3A_894 : memref<1x128xi32, #tpu.memory_space<vmem>> -> memref<128xi32, #tpu.memory_space<vmem>>
        %dma_wait3A_896 = arith.constant 0 : i32
        %dma_wait3A_897 = arith.constant 0 : i32
        %dma_wait3A_898 = tpu.memref_slice %arg2[%dma_wait3A_896, %dma_wait3A_897] : memref<10000x128xf32, #tpu.memory_space<hbm>> -> memref<10000x128xf32, #tpu.memory_space<hbm>>
        tpu.wait_indirect_dma semaphore(%arg19 : memref<!tpu.dma_semaphore, #tpu.memory_space<semaphore_mem>>) src(%dma_wait3A_898 : memref<10000x128xf32, #tpu.memory_space<hbm>>) dst(%dma_wait3A_892 : memref<128x128xf32, #tpu.memory_space<vmem>>)
        %dma_wait3A_899 = arith.constant 0 : i32
        %dma_wait3A_900 = arith.constant 0 : i32
        %dma_wait3A_901 = arith.constant 0 : i32
        %dma_wait3A_902 = arith.constant 0 : i32
        %dma_wait3A_903 = tpu.memref_slice %arg14[%dma_wait3A_900, %dma_wait3A_901, %dma_wait3A_902] : memref<2x128x128xf32, #tpu.memory_space<vmem>> -> memref<1x128x128xf32, #tpu.memory_space<vmem>>
        %dma_wait3A_904 = tpu.memref_squeeze %dma_wait3A_903 : memref<1x128x128xf32, #tpu.memory_space<vmem>> -> memref<128x128xf32, #tpu.memory_space<vmem>>
        %dma_wait3A_905 = arith.constant 0 : i32
        %dma_wait3A_906 = tpu.memref_slice %arg12[%dma_wait3A_899, %dma_wait3A_905] : memref<2x128xi32, #tpu.memory_space<vmem>> -> memref<1x128xi32, #tpu.memory_space<vmem>>
        %dma_wait3A_907 = tpu.memref_squeeze %dma_wait3A_906 : memref<1x128xi32, #tpu.memory_space<vmem>> -> memref<128xi32, #tpu.memory_space<vmem>>
        %dma_wait3A_908 = arith.constant 0 : i32
        %dma_wait3A_909 = arith.constant 0 : i32
        %dma_wait3A_910 = tpu.memref_slice %arg3[%dma_wait3A_908, %dma_wait3A_909] : memref<10000x128xf32, #tpu.memory_space<hbm>> -> memref<10000x128xf32, #tpu.memory_space<hbm>>
        tpu.wait_indirect_dma semaphore(%arg19 : memref<!tpu.dma_semaphore, #tpu.memory_space<semaphore_mem>>) src(%dma_wait3A_910 : memref<10000x128xf32, #tpu.memory_space<hbm>>) dst(%dma_wait3A_904 : memref<128x128xf32, #tpu.memory_space<vmem>>)
        %dma_wait3A_911 = arith.constant 0 : i32
        %dma_wait3A_912 = arith.constant 0 : i32
        %dma_wait3A_913 = arith.constant 0 : i32
        %dma_wait3A_914 = arith.constant 0 : i32
        %dma_wait3A_915 = tpu.memref_slice %arg15[%dma_wait3A_912, %dma_wait3A_913, %dma_wait3A_914] : memref<2x128x16xf32, #tpu.memory_space<vmem>> -> memref<1x128x16xf32, #tpu.memory_space<vmem>>
        %dma_wait3A_916 = tpu.memref_squeeze %dma_wait3A_915 : memref<1x128x16xf32, #tpu.memory_space<vmem>> -> memref<128x16xf32, #tpu.memory_space<vmem>>
        %dma_wait3A_917 = arith.constant 0 : i32
        %dma_wait3A_918 = tpu.memref_slice %arg11[%dma_wait3A_911, %dma_wait3A_917] : memref<2x128xi32, #tpu.memory_space<vmem>> -> memref<1x128xi32, #tpu.memory_space<vmem>>
        %dma_wait3A_919 = tpu.memref_squeeze %dma_wait3A_918 : memref<1x128xi32, #tpu.memory_space<vmem>> -> memref<128xi32, #tpu.memory_space<vmem>>
        %dma_wait3A_920 = arith.constant 0 : i32
        %dma_wait3A_921 = arith.constant 0 : i32
        %dma_wait3A_922 = tpu.memref_slice %arg4[%dma_wait3A_920, %dma_wait3A_921] : memref<10000x16xf32, #tpu.memory_space<hbm>> -> memref<10000x16xf32, #tpu.memory_space<hbm>>
        tpu.wait_indirect_dma semaphore(%arg19 : memref<!tpu.dma_semaphore, #tpu.memory_space<semaphore_mem>>) src(%dma_wait3A_922 : memref<10000x16xf32, #tpu.memory_space<hbm>>) dst(%dma_wait3A_916 : memref<128x16xf32, #tpu.memory_space<vmem>>)
        %dma_wait3A_923 = arith.constant 0 : i32
        %dma_wait3A_924 = arith.constant 0 : i32
        %dma_wait3A_925 = arith.constant 0 : i32
        %dma_wait3A_926 = arith.constant 0 : i32
        %dma_wait3A_927 = tpu.memref_slice %arg16[%dma_wait3A_924, %dma_wait3A_925, %dma_wait3A_926] : memref<2x128x16xf32, #tpu.memory_space<vmem>> -> memref<1x128x16xf32, #tpu.memory_space<vmem>>
        %dma_wait3A_928 = tpu.memref_squeeze %dma_wait3A_927 : memref<1x128x16xf32, #tpu.memory_space<vmem>> -> memref<128x16xf32, #tpu.memory_space<vmem>>
        %dma_wait3A_929 = arith.constant 0 : i32
        %dma_wait3A_930 = tpu.memref_slice %arg12[%dma_wait3A_923, %dma_wait3A_929] : memref<2x128xi32, #tpu.memory_space<vmem>> -> memref<1x128xi32, #tpu.memory_space<vmem>>
        %dma_wait3A_931 = tpu.memref_squeeze %dma_wait3A_930 : memref<1x128xi32, #tpu.memory_space<vmem>> -> memref<128xi32, #tpu.memory_space<vmem>>
        %dma_wait3A_932 = arith.constant 0 : i32
        %dma_wait3A_933 = arith.constant 0 : i32
        %dma_wait3A_934 = tpu.memref_slice %arg4[%dma_wait3A_932, %dma_wait3A_933] : memref<10000x16xf32, #tpu.memory_space<hbm>> -> memref<10000x16xf32, #tpu.memory_space<hbm>>
        tpu.wait_indirect_dma semaphore(%arg19 : memref<!tpu.dma_semaphore, #tpu.memory_space<semaphore_mem>>) src(%dma_wait3A_934 : memref<10000x16xf32, #tpu.memory_space<hbm>>) dst(%dma_wait3A_928 : memref<128x16xf32, #tpu.memory_space<vmem>>)
        %sub3A_935 = arith.constant 1 : i32
        %sub3A_936 = arith.subi %add3A_826, %sub3A_935 : i32
        %mul3A_937 = arith.constant 128 : i32
        %mul3A_938 = arith.muli %sub3A_936, %mul3A_937 : i32
        %add3A_939 = arith.addi %mul3A_7, %mul3A_938 : i32
        %multiple_of3A_940 = tpu.assume_multiple %add3A_939, 128 : i32
        %dma_start3A_941 = arith.constant 0 : i32
        %dma_start3A_942 = arith.constant 0 : i32
        %dma_start3A_943 = arith.constant 0 : i32
        %dma_start3A_944 = tpu.memref_slice %arg13[%dma_start3A_941, %dma_start3A_942, %dma_start3A_943] : memref<2x128x128xf32, #tpu.memory_space<vmem>> -> memref<1x128x128xf32, #tpu.memory_space<vmem>>
        %dma_start3A_945 = tpu.memref_squeeze %dma_start3A_944 : memref<1x128x128xf32, #tpu.memory_space<vmem>> -> memref<128x128xf32, #tpu.memory_space<vmem>>
        %dma_start3A_946 = arith.constant 0 : i32
        %dma_start3A_947 = tpu.memref_slice %arg7[%multiple_of3A_940, %dma_start3A_946] : memref<327680x128xf32, #tpu.memory_space<hbm>> -> memref<128x128xf32, #tpu.memory_space<hbm>>
        %dma_start3A_948 = arith.constant 0 : i32
        %dma_start3A_949 = tpu.memref_slice %arg7[%multiple_of3A_940, %dma_start3A_948] : memref<327680x128xf32, #tpu.memory_space<hbm>> -> memref<128x128xf32, #tpu.memory_space<hbm>>
        %dma_start3A_950 = arith.constant 0 : i32
        %dma_start3A_951 = arith.constant 0 : i32
        %dma_start3A_952 = tpu.memref_slice %arg13[%dma_start3A_941, %dma_start3A_950, %dma_start3A_951] : memref<2x128x128xf32, #tpu.memory_space<vmem>> -> memref<1x128x128xf32, #tpu.memory_space<vmem>>
        %dma_start3A_953 = tpu.memref_squeeze %dma_start3A_952 : memref<1x128x128xf32, #tpu.memory_space<vmem>> -> memref<128x128xf32, #tpu.memory_space<vmem>>
        tpu.enqueue_dma source(%dma_start3A_953 : memref<128x128xf32, #tpu.memory_space<vmem>>) target(%dma_start3A_949 : memref<128x128xf32, #tpu.memory_space<hbm>>) target_semaphore(%arg21 : memref<!tpu.dma_semaphore, #tpu.memory_space<semaphore_mem>>)
        %dma_start3A_954 = arith.constant 0 : i32
        %dma_start3A_955 = arith.constant 0 : i32
        %dma_start3A_956 = arith.constant 0 : i32
        %dma_start3A_957 = tpu.memref_slice %arg14[%dma_start3A_954, %dma_start3A_955, %dma_start3A_956] : memref<2x128x128xf32, #tpu.memory_space<vmem>> -> memref<1x128x128xf32, #tpu.memory_space<vmem>>
        %dma_start3A_958 = tpu.memref_squeeze %dma_start3A_957 : memref<1x128x128xf32, #tpu.memory_space<vmem>> -> memref<128x128xf32, #tpu.memory_space<vmem>>
        %dma_start3A_959 = arith.constant 0 : i32
        %dma_start3A_960 = tpu.memref_slice %arg8[%multiple_of3A_940, %dma_start3A_959] : memref<327680x128xf32, #tpu.memory_space<hbm>> -> memref<128x128xf32, #tpu.memory_space<hbm>>
        %dma_start3A_961 = arith.constant 0 : i32
        %dma_start3A_962 = tpu.memref_slice %arg8[%multiple_of3A_940, %dma_start3A_961] : memref<327680x128xf32, #tpu.memory_space<hbm>> -> memref<128x128xf32, #tpu.memory_space<hbm>>
        %dma_start3A_963 = arith.constant 0 : i32
        %dma_start3A_964 = arith.constant 0 : i32
        %dma_start3A_965 = tpu.memref_slice %arg14[%dma_start3A_954, %dma_start3A_963, %dma_start3A_964] : memref<2x128x128xf32, #tpu.memory_space<vmem>> -> memref<1x128x128xf32, #tpu.memory_space<vmem>>
        %dma_start3A_966 = tpu.memref_squeeze %dma_start3A_965 : memref<1x128x128xf32, #tpu.memory_space<vmem>> -> memref<128x128xf32, #tpu.memory_space<vmem>>
        tpu.enqueue_dma source(%dma_start3A_966 : memref<128x128xf32, #tpu.memory_space<vmem>>) target(%dma_start3A_962 : memref<128x128xf32, #tpu.memory_space<hbm>>) target_semaphore(%arg21 : memref<!tpu.dma_semaphore, #tpu.memory_space<semaphore_mem>>)
        %dma_start3A_967 = arith.constant 0 : i32
        %dma_start3A_968 = arith.constant 0 : i32
        %dma_start3A_969 = arith.constant 0 : i32
        %dma_start3A_970 = tpu.memref_slice %arg15[%dma_start3A_967, %dma_start3A_968, %dma_start3A_969] : memref<2x128x16xf32, #tpu.memory_space<vmem>> -> memref<1x128x16xf32, #tpu.memory_space<vmem>>
        %dma_start3A_971 = tpu.memref_squeeze %dma_start3A_970 : memref<1x128x16xf32, #tpu.memory_space<vmem>> -> memref<128x16xf32, #tpu.memory_space<vmem>>
        %dma_start3A_972 = arith.constant 0 : i32
        %dma_start3A_973 = tpu.memref_slice %arg9[%multiple_of3A_940, %dma_start3A_972] : memref<327680x16xf32, #tpu.memory_space<hbm>> -> memref<128x16xf32, #tpu.memory_space<hbm>>
        %dma_start3A_974 = arith.constant 0 : i32
        %dma_start3A_975 = tpu.memref_slice %arg9[%multiple_of3A_940, %dma_start3A_974] : memref<327680x16xf32, #tpu.memory_space<hbm>> -> memref<128x16xf32, #tpu.memory_space<hbm>>
        %dma_start3A_976 = arith.constant 0 : i32
        %dma_start3A_977 = arith.constant 0 : i32
        %dma_start3A_978 = tpu.memref_slice %arg15[%dma_start3A_967, %dma_start3A_976, %dma_start3A_977] : memref<2x128x16xf32, #tpu.memory_space<vmem>> -> memref<1x128x16xf32, #tpu.memory_space<vmem>>
        %dma_start3A_979 = tpu.memref_squeeze %dma_start3A_978 : memref<1x128x16xf32, #tpu.memory_space<vmem>> -> memref<128x16xf32, #tpu.memory_space<vmem>>
        tpu.enqueue_dma source(%dma_start3A_979 : memref<128x16xf32, #tpu.memory_space<vmem>>) target(%dma_start3A_975 : memref<128x16xf32, #tpu.memory_space<hbm>>) target_semaphore(%arg21 : memref<!tpu.dma_semaphore, #tpu.memory_space<semaphore_mem>>)
        %dma_start3A_980 = arith.constant 0 : i32
        %dma_start3A_981 = arith.constant 0 : i32
        %dma_start3A_982 = arith.constant 0 : i32
        %dma_start3A_983 = tpu.memref_slice %arg16[%dma_start3A_980, %dma_start3A_981, %dma_start3A_982] : memref<2x128x16xf32, #tpu.memory_space<vmem>> -> memref<1x128x16xf32, #tpu.memory_space<vmem>>
        %dma_start3A_984 = tpu.memref_squeeze %dma_start3A_983 : memref<1x128x16xf32, #tpu.memory_space<vmem>> -> memref<128x16xf32, #tpu.memory_space<vmem>>
        %dma_start3A_985 = arith.constant 0 : i32
        %dma_start3A_986 = tpu.memref_slice %arg10[%multiple_of3A_940, %dma_start3A_985] : memref<327680x16xf32, #tpu.memory_space<hbm>> -> memref<128x16xf32, #tpu.memory_space<hbm>>
        %dma_start3A_987 = arith.constant 0 : i32
        %dma_start3A_988 = tpu.memref_slice %arg10[%multiple_of3A_940, %dma_start3A_987] : memref<327680x16xf32, #tpu.memory_space<hbm>> -> memref<128x16xf32, #tpu.memory_space<hbm>>
        %dma_start3A_989 = arith.constant 0 : i32
        %dma_start3A_990 = arith.constant 0 : i32
        %dma_start3A_991 = tpu.memref_slice %arg16[%dma_start3A_980, %dma_start3A_989, %dma_start3A_990] : memref<2x128x16xf32, #tpu.memory_space<vmem>> -> memref<1x128x16xf32, #tpu.memory_space<vmem>>
        %dma_start3A_992 = tpu.memref_squeeze %dma_start3A_991 : memref<1x128x16xf32, #tpu.memory_space<vmem>> -> memref<128x16xf32, #tpu.memory_space<vmem>>
        tpu.enqueue_dma source(%dma_start3A_992 : memref<128x16xf32, #tpu.memory_space<vmem>>) target(%dma_start3A_988 : memref<128x16xf32, #tpu.memory_space<hbm>>) target_semaphore(%arg21 : memref<!tpu.dma_semaphore, #tpu.memory_space<semaphore_mem>>)
        %dma_wait3A_993 = arith.constant 1 : i32
        %dma_wait3A_994 = arith.constant 0 : i32
        %dma_wait3A_995 = tpu.memref_slice %arg11[%dma_wait3A_993, %dma_wait3A_994] : memref<2x128xi32, #tpu.memory_space<vmem>> -> memref<1x128xi32, #tpu.memory_space<vmem>>
        %dma_wait3A_996 = tpu.memref_squeeze %dma_wait3A_995 : memref<1x128xi32, #tpu.memory_space<vmem>> -> memref<128xi32, #tpu.memory_space<vmem>>
        %dma_wait3A_997 = arith.constant 0 : i32
        %dma_wait3A_998 = tpu.memref_slice %arg5[%dma_wait3A_997] : memref<327680xi32, #tpu.memory_space<hbm>> -> memref<128xi32, #tpu.memory_space<hbm>>
        %dma_wait3A_999 = arith.constant 0 : i32
        %dma_wait3A_1000 = tpu.memref_slice %arg11[%dma_wait3A_993, %dma_wait3A_999] : memref<2x128xi32, #tpu.memory_space<vmem>> -> memref<1x128xi32, #tpu.memory_space<vmem>>
        %dma_wait3A_1001 = tpu.memref_squeeze %dma_wait3A_1000 : memref<1x128xi32, #tpu.memory_space<vmem>> -> memref<128xi32, #tpu.memory_space<vmem>>
        %dma_wait3A_1002 = arith.constant 0 : i32
        %dma_wait3A_1003 = tpu.memref_slice %arg5[%dma_wait3A_1002] : memref<327680xi32, #tpu.memory_space<hbm>> -> memref<128xi32, #tpu.memory_space<hbm>>
        tpu.wait_dma2 semaphore(%arg18 : memref<!tpu.dma_semaphore, #tpu.memory_space<semaphore_mem>>) src(%dma_wait3A_1003 : memref<128xi32, #tpu.memory_space<hbm>>) dst(%dma_wait3A_1001 : memref<128xi32, #tpu.memory_space<vmem>>)
        %dma_wait3A_1004 = arith.constant 1 : i32
        %dma_wait3A_1005 = arith.constant 0 : i32
        %dma_wait3A_1006 = tpu.memref_slice %arg12[%dma_wait3A_1004, %dma_wait3A_1005] : memref<2x128xi32, #tpu.memory_space<vmem>> -> memref<1x128xi32, #tpu.memory_space<vmem>>
        %dma_wait3A_1007 = tpu.memref_squeeze %dma_wait3A_1006 : memref<1x128xi32, #tpu.memory_space<vmem>> -> memref<128xi32, #tpu.memory_space<vmem>>
        %dma_wait3A_1008 = arith.constant 0 : i32
        %dma_wait3A_1009 = tpu.memref_slice %arg6[%dma_wait3A_1008] : memref<327680xi32, #tpu.memory_space<hbm>> -> memref<128xi32, #tpu.memory_space<hbm>>
        %dma_wait3A_1010 = arith.constant 0 : i32
        %dma_wait3A_1011 = tpu.memref_slice %arg12[%dma_wait3A_1004, %dma_wait3A_1010] : memref<2x128xi32, #tpu.memory_space<vmem>> -> memref<1x128xi32, #tpu.memory_space<vmem>>
        %dma_wait3A_1012 = tpu.memref_squeeze %dma_wait3A_1011 : memref<1x128xi32, #tpu.memory_space<vmem>> -> memref<128xi32, #tpu.memory_space<vmem>>
        %dma_wait3A_1013 = arith.constant 0 : i32
        %dma_wait3A_1014 = tpu.memref_slice %arg6[%dma_wait3A_1013] : memref<327680xi32, #tpu.memory_space<hbm>> -> memref<128xi32, #tpu.memory_space<hbm>>
        tpu.wait_dma2 semaphore(%arg18 : memref<!tpu.dma_semaphore, #tpu.memory_space<semaphore_mem>>) src(%dma_wait3A_1014 : memref<128xi32, #tpu.memory_space<hbm>>) dst(%dma_wait3A_1012 : memref<128xi32, #tpu.memory_space<vmem>>)
        %add3A_1015 = arith.constant 1 : i32
        %add3A_1016 = arith.addi %add3A_826, %add3A_1015 : i32
        %min3A_1017 = arith.constant 115 : i32
        %min3A_1018 = arith.minsi %add3A_1016, %min3A_1017 : i32
        %mul3A_1019 = arith.constant 128 : i32
        %mul3A_1020 = arith.muli %min3A_1018, %mul3A_1019 : i32
        %add3A_1021 = arith.addi %mul3A_7, %mul3A_1020 : i32
        %multiple_of3A_1022 = tpu.assume_multiple %add3A_1021, 128 : i32
        %dma_start3A_1023 = arith.constant 0 : i32
        %dma_start3A_1024 = arith.constant 0 : i32
        %dma_start3A_1025 = tpu.memref_slice %arg11[%dma_start3A_1023, %dma_start3A_1024] : memref<2x128xi32, #tpu.memory_space<vmem>> -> memref<1x128xi32, #tpu.memory_space<vmem>>
        %dma_start3A_1026 = tpu.memref_squeeze %dma_start3A_1025 : memref<1x128xi32, #tpu.memory_space<vmem>> -> memref<128xi32, #tpu.memory_space<vmem>>
        %dma_start3A_1027 = tpu.memref_slice %arg5[%multiple_of3A_1022] : memref<327680xi32, #tpu.memory_space<hbm>> -> memref<128xi32, #tpu.memory_space<hbm>>
        %dma_start3A_1028 = arith.constant 0 : i32
        %dma_start3A_1029 = tpu.memref_slice %arg11[%dma_start3A_1023, %dma_start3A_1028] : memref<2x128xi32, #tpu.memory_space<vmem>> -> memref<1x128xi32, #tpu.memory_space<vmem>>
        %dma_start3A_1030 = tpu.memref_squeeze %dma_start3A_1029 : memref<1x128xi32, #tpu.memory_space<vmem>> -> memref<128xi32, #tpu.memory_space<vmem>>
        %dma_start3A_1031 = tpu.memref_slice %arg5[%multiple_of3A_1022] : memref<327680xi32, #tpu.memory_space<hbm>> -> memref<128xi32, #tpu.memory_space<hbm>>
        tpu.enqueue_dma source(%dma_start3A_1031 : memref<128xi32, #tpu.memory_space<hbm>>) target(%dma_start3A_1030 : memref<128xi32, #tpu.memory_space<vmem>>) target_semaphore(%arg17 : memref<!tpu.dma_semaphore, #tpu.memory_space<semaphore_mem>>)
        %dma_start3A_1032 = arith.constant 0 : i32
        %dma_start3A_1033 = arith.constant 0 : i32
        %dma_start3A_1034 = tpu.memref_slice %arg12[%dma_start3A_1032, %dma_start3A_1033] : memref<2x128xi32, #tpu.memory_space<vmem>> -> memref<1x128xi32, #tpu.memory_space<vmem>>
        %dma_start3A_1035 = tpu.memref_squeeze %dma_start3A_1034 : memref<1x128xi32, #tpu.memory_space<vmem>> -> memref<128xi32, #tpu.memory_space<vmem>>
        %dma_start3A_1036 = tpu.memref_slice %arg6[%multiple_of3A_1022] : memref<327680xi32, #tpu.memory_space<hbm>> -> memref<128xi32, #tpu.memory_space<hbm>>
        %dma_start3A_1037 = arith.constant 0 : i32
        %dma_start3A_1038 = tpu.memref_slice %arg12[%dma_start3A_1032, %dma_start3A_1037] : memref<2x128xi32, #tpu.memory_space<vmem>> -> memref<1x128xi32, #tpu.memory_space<vmem>>
        %dma_start3A_1039 = tpu.memref_squeeze %dma_start3A_1038 : memref<1x128xi32, #tpu.memory_space<vmem>> -> memref<128xi32, #tpu.memory_space<vmem>>
        %dma_start3A_1040 = tpu.memref_slice %arg6[%multiple_of3A_1022] : memref<327680xi32, #tpu.memory_space<hbm>> -> memref<128xi32, #tpu.memory_space<hbm>>
        tpu.enqueue_dma source(%dma_start3A_1040 : memref<128xi32, #tpu.memory_space<hbm>>) target(%dma_start3A_1039 : memref<128xi32, #tpu.memory_space<vmem>>) target_semaphore(%arg17 : memref<!tpu.dma_semaphore, #tpu.memory_space<semaphore_mem>>)
        %dma_start3A_1041 = arith.constant 1 : i32
        %dma_start3A_1042 = arith.constant 1 : i32
        %dma_start3A_1043 = arith.constant 0 : i32
        %dma_start3A_1044 = arith.constant 0 : i32
        %dma_start3A_1045 = tpu.memref_slice %arg13[%dma_start3A_1042, %dma_start3A_1043, %dma_start3A_1044] : memref<2x128x128xf32, #tpu.memory_space<vmem>> -> memref<1x128x128xf32, #tpu.memory_space<vmem>>
        %dma_start3A_1046 = tpu.memref_squeeze %dma_start3A_1045 : memref<1x128x128xf32, #tpu.memory_space<vmem>> -> memref<128x128xf32, #tpu.memory_space<vmem>>
        %dma_start3A_1047 = arith.constant 0 : i32
        %dma_start3A_1048 = tpu.memref_slice %arg11[%dma_start3A_1041, %dma_start3A_1047] : memref<2x128xi32, #tpu.memory_space<vmem>> -> memref<1x128xi32, #tpu.memory_space<vmem>>
        %dma_start3A_1049 = tpu.memref_squeeze %dma_start3A_1048 : memref<1x128xi32, #tpu.memory_space<vmem>> -> memref<128xi32, #tpu.memory_space<vmem>>
        %dma_start3A_1050 = arith.constant 0 : i32
        %dma_start3A_1051 = arith.constant 0 : i32
        %dma_start3A_1052 = tpu.memref_slice %arg2[%dma_start3A_1050, %dma_start3A_1051] : memref<10000x128xf32, #tpu.memory_space<hbm>> -> memref<10000x128xf32, #tpu.memory_space<hbm>>
        tpu.enqueue_indirect_dma source(%dma_start3A_1052 : memref<10000x128xf32, #tpu.memory_space<hbm>>) target(%dma_start3A_1046 : memref<128x128xf32, #tpu.memory_space<vmem>>) offsets(%dma_start3A_1049 : memref<128xi32, #tpu.memory_space<vmem>>) semaphore(%arg20 : memref<!tpu.dma_semaphore, #tpu.memory_space<semaphore_mem>>)
        %dma_start3A_1053 = arith.constant 1 : i32
        %dma_start3A_1054 = arith.constant 1 : i32
        %dma_start3A_1055 = arith.constant 0 : i32
        %dma_start3A_1056 = arith.constant 0 : i32
        %dma_start3A_1057 = tpu.memref_slice %arg14[%dma_start3A_1054, %dma_start3A_1055, %dma_start3A_1056] : memref<2x128x128xf32, #tpu.memory_space<vmem>> -> memref<1x128x128xf32, #tpu.memory_space<vmem>>
        %dma_start3A_1058 = tpu.memref_squeeze %dma_start3A_1057 : memref<1x128x128xf32, #tpu.memory_space<vmem>> -> memref<128x128xf32, #tpu.memory_space<vmem>>
        %dma_start3A_1059 = arith.constant 0 : i32
        %dma_start3A_1060 = tpu.memref_slice %arg12[%dma_start3A_1053, %dma_start3A_1059] : memref<2x128xi32, #tpu.memory_space<vmem>> -> memref<1x128xi32, #tpu.memory_space<vmem>>
        %dma_start3A_1061 = tpu.memref_squeeze %dma_start3A_1060 : memref<1x128xi32, #tpu.memory_space<vmem>> -> memref<128xi32, #tpu.memory_space<vmem>>
        %dma_start3A_1062 = arith.constant 0 : i32
        %dma_start3A_1063 = arith.constant 0 : i32
        %dma_start3A_1064 = tpu.memref_slice %arg3[%dma_start3A_1062, %dma_start3A_1063] : memref<10000x128xf32, #tpu.memory_space<hbm>> -> memref<10000x128xf32, #tpu.memory_space<hbm>>
        tpu.enqueue_indirect_dma source(%dma_start3A_1064 : memref<10000x128xf32, #tpu.memory_space<hbm>>) target(%dma_start3A_1058 : memref<128x128xf32, #tpu.memory_space<vmem>>) offsets(%dma_start3A_1061 : memref<128xi32, #tpu.memory_space<vmem>>) semaphore(%arg20 : memref<!tpu.dma_semaphore, #tpu.memory_space<semaphore_mem>>)
        %dma_start3A_1065 = arith.constant 1 : i32
        %dma_start3A_1066 = arith.constant 1 : i32
        %dma_start3A_1067 = arith.constant 0 : i32
        %dma_start3A_1068 = arith.constant 0 : i32
        %dma_start3A_1069 = tpu.memref_slice %arg15[%dma_start3A_1066, %dma_start3A_1067, %dma_start3A_1068] : memref<2x128x16xf32, #tpu.memory_space<vmem>> -> memref<1x128x16xf32, #tpu.memory_space<vmem>>
        %dma_start3A_1070 = tpu.memref_squeeze %dma_start3A_1069 : memref<1x128x16xf32, #tpu.memory_space<vmem>> -> memref<128x16xf32, #tpu.memory_space<vmem>>
        %dma_start3A_1071 = arith.constant 0 : i32
        %dma_start3A_1072 = tpu.memref_slice %arg11[%dma_start3A_1065, %dma_start3A_1071] : memref<2x128xi32, #tpu.memory_space<vmem>> -> memref<1x128xi32, #tpu.memory_space<vmem>>
        %dma_start3A_1073 = tpu.memref_squeeze %dma_start3A_1072 : memref<1x128xi32, #tpu.memory_space<vmem>> -> memref<128xi32, #tpu.memory_space<vmem>>
        %dma_start3A_1074 = arith.constant 0 : i32
        %dma_start3A_1075 = arith.constant 0 : i32
        %dma_start3A_1076 = tpu.memref_slice %arg4[%dma_start3A_1074, %dma_start3A_1075] : memref<10000x16xf32, #tpu.memory_space<hbm>> -> memref<10000x16xf32, #tpu.memory_space<hbm>>
        tpu.enqueue_indirect_dma source(%dma_start3A_1076 : memref<10000x16xf32, #tpu.memory_space<hbm>>) target(%dma_start3A_1070 : memref<128x16xf32, #tpu.memory_space<vmem>>) offsets(%dma_start3A_1073 : memref<128xi32, #tpu.memory_space<vmem>>) semaphore(%arg20 : memref<!tpu.dma_semaphore, #tpu.memory_space<semaphore_mem>>)
        %dma_start3A_1077 = arith.constant 1 : i32
        %dma_start3A_1078 = arith.constant 1 : i32
        %dma_start3A_1079 = arith.constant 0 : i32
        %dma_start3A_1080 = arith.constant 0 : i32
        %dma_start3A_1081 = tpu.memref_slice %arg16[%dma_start3A_1078, %dma_start3A_1079, %dma_start3A_1080] : memref<2x128x16xf32, #tpu.memory_space<vmem>> -> memref<1x128x16xf32, #tpu.memory_space<vmem>>
        %dma_start3A_1082 = tpu.memref_squeeze %dma_start3A_1081 : memref<1x128x16xf32, #tpu.memory_space<vmem>> -> memref<128x16xf32, #tpu.memory_space<vmem>>
        %dma_start3A_1083 = arith.constant 0 : i32
        %dma_start3A_1084 = tpu.memref_slice %arg12[%dma_start3A_1077, %dma_start3A_1083] : memref<2x128xi32, #tpu.memory_space<vmem>> -> memref<1x128xi32, #tpu.memory_space<vmem>>
        %dma_start3A_1085 = tpu.memref_squeeze %dma_start3A_1084 : memref<1x128xi32, #tpu.memory_space<vmem>> -> memref<128xi32, #tpu.memory_space<vmem>>
        %dma_start3A_1086 = arith.constant 0 : i32
        %dma_start3A_1087 = arith.constant 0 : i32
        %dma_start3A_1088 = tpu.memref_slice %arg4[%dma_start3A_1086, %dma_start3A_1087] : memref<10000x16xf32, #tpu.memory_space<hbm>> -> memref<10000x16xf32, #tpu.memory_space<hbm>>
        tpu.enqueue_indirect_dma source(%dma_start3A_1088 : memref<10000x16xf32, #tpu.memory_space<hbm>>) target(%dma_start3A_1082 : memref<128x16xf32, #tpu.memory_space<vmem>>) offsets(%dma_start3A_1085 : memref<128xi32, #tpu.memory_space<vmem>>) semaphore(%arg20 : memref<!tpu.dma_semaphore, #tpu.memory_space<semaphore_mem>>)
      }
      %scan3A_314 = arith.constant 57 : i32
      %dma_wait3A_315 = arith.constant 1 : i32
      %dma_wait3A_316 = arith.constant 1 : i32
      %dma_wait3A_317 = arith.constant 0 : i32
      %dma_wait3A_318 = arith.constant 0 : i32
      %dma_wait3A_319 = tpu.memref_slice %arg13[%dma_wait3A_316, %dma_wait3A_317, %dma_wait3A_318] : memref<2x128x128xf32, #tpu.memory_space<vmem>> -> memref<1x128x128xf32, #tpu.memory_space<vmem>>
      %dma_wait3A_320 = tpu.memref_squeeze %dma_wait3A_319 : memref<1x128x128xf32, #tpu.memory_space<vmem>> -> memref<128x128xf32, #tpu.memory_space<vmem>>
      %dma_wait3A_321 = arith.constant 0 : i32
      %dma_wait3A_322 = tpu.memref_slice %arg11[%dma_wait3A_315, %dma_wait3A_321] : memref<2x128xi32, #tpu.memory_space<vmem>> -> memref<1x128xi32, #tpu.memory_space<vmem>>
      %dma_wait3A_323 = tpu.memref_squeeze %dma_wait3A_322 : memref<1x128xi32, #tpu.memory_space<vmem>> -> memref<128xi32, #tpu.memory_space<vmem>>
      %dma_wait3A_324 = arith.constant 0 : i32
      %dma_wait3A_325 = arith.constant 0 : i32
      %dma_wait3A_326 = tpu.memref_slice %arg2[%dma_wait3A_324, %dma_wait3A_325] : memref<10000x128xf32, #tpu.memory_space<hbm>> -> memref<10000x128xf32, #tpu.memory_space<hbm>>
      tpu.wait_indirect_dma semaphore(%arg20 : memref<!tpu.dma_semaphore, #tpu.memory_space<semaphore_mem>>) src(%dma_wait3A_326 : memref<10000x128xf32, #tpu.memory_space<hbm>>) dst(%dma_wait3A_320 : memref<128x128xf32, #tpu.memory_space<vmem>>)
      %dma_wait3A_327 = arith.constant 1 : i32
      %dma_wait3A_328 = arith.constant 1 : i32
      %dma_wait3A_329 = arith.constant 0 : i32
      %dma_wait3A_330 = arith.constant 0 : i32
      %dma_wait3A_331 = tpu.memref_slice %arg14[%dma_wait3A_328, %dma_wait3A_329, %dma_wait3A_330] : memref<2x128x128xf32, #tpu.memory_space<vmem>> -> memref<1x128x128xf32, #tpu.memory_space<vmem>>
      %dma_wait3A_332 = tpu.memref_squeeze %dma_wait3A_331 : memref<1x128x128xf32, #tpu.memory_space<vmem>> -> memref<128x128xf32, #tpu.memory_space<vmem>>
      %dma_wait3A_333 = arith.constant 0 : i32
      %dma_wait3A_334 = tpu.memref_slice %arg12[%dma_wait3A_327, %dma_wait3A_333] : memref<2x128xi32, #tpu.memory_space<vmem>> -> memref<1x128xi32, #tpu.memory_space<vmem>>
      %dma_wait3A_335 = tpu.memref_squeeze %dma_wait3A_334 : memref<1x128xi32, #tpu.memory_space<vmem>> -> memref<128xi32, #tpu.memory_space<vmem>>
      %dma_wait3A_336 = arith.constant 0 : i32
      %dma_wait3A_337 = arith.constant 0 : i32
      %dma_wait3A_338 = tpu.memref_slice %arg3[%dma_wait3A_336, %dma_wait3A_337] : memref<10000x128xf32, #tpu.memory_space<hbm>> -> memref<10000x128xf32, #tpu.memory_space<hbm>>
      tpu.wait_indirect_dma semaphore(%arg20 : memref<!tpu.dma_semaphore, #tpu.memory_space<semaphore_mem>>) src(%dma_wait3A_338 : memref<10000x128xf32, #tpu.memory_space<hbm>>) dst(%dma_wait3A_332 : memref<128x128xf32, #tpu.memory_space<vmem>>)
      %dma_wait3A_339 = arith.constant 1 : i32
      %dma_wait3A_340 = arith.constant 1 : i32
      %dma_wait3A_341 = arith.constant 0 : i32
      %dma_wait3A_342 = arith.constant 0 : i32
      %dma_wait3A_343 = tpu.memref_slice %arg15[%dma_wait3A_340, %dma_wait3A_341, %dma_wait3A_342] : memref<2x128x16xf32, #tpu.memory_space<vmem>> -> memref<1x128x16xf32, #tpu.memory_space<vmem>>
      %dma_wait3A_344 = tpu.memref_squeeze %dma_wait3A_343 : memref<1x128x16xf32, #tpu.memory_space<vmem>> -> memref<128x16xf32, #tpu.memory_space<vmem>>
      %dma_wait3A_345 = arith.constant 0 : i32
      %dma_wait3A_346 = tpu.memref_slice %arg11[%dma_wait3A_339, %dma_wait3A_345] : memref<2x128xi32, #tpu.memory_space<vmem>> -> memref<1x128xi32, #tpu.memory_space<vmem>>
      %dma_wait3A_347 = tpu.memref_squeeze %dma_wait3A_346 : memref<1x128xi32, #tpu.memory_space<vmem>> -> memref<128xi32, #tpu.memory_space<vmem>>
      %dma_wait3A_348 = arith.constant 0 : i32
      %dma_wait3A_349 = arith.constant 0 : i32
      %dma_wait3A_350 = tpu.memref_slice %arg4[%dma_wait3A_348, %dma_wait3A_349] : memref<10000x16xf32, #tpu.memory_space<hbm>> -> memref<10000x16xf32, #tpu.memory_space<hbm>>
      tpu.wait_indirect_dma semaphore(%arg20 : memref<!tpu.dma_semaphore, #tpu.memory_space<semaphore_mem>>) src(%dma_wait3A_350 : memref<10000x16xf32, #tpu.memory_space<hbm>>) dst(%dma_wait3A_344 : memref<128x16xf32, #tpu.memory_space<vmem>>)
      %dma_wait3A_351 = arith.constant 1 : i32
      %dma_wait3A_352 = arith.constant 1 : i32
      %dma_wait3A_353 = arith.constant 0 : i32
      %dma_wait3A_354 = arith.constant 0 : i32
      %dma_wait3A_355 = tpu.memref_slice %arg16[%dma_wait3A_352, %dma_wait3A_353, %dma_wait3A_354] : memref<2x128x16xf32, #tpu.memory_space<vmem>> -> memref<1x128x16xf32, #tpu.memory_space<vmem>>
      %dma_wait3A_356 = tpu.memref_squeeze %dma_wait3A_355 : memref<1x128x16xf32, #tpu.memory_space<vmem>> -> memref<128x16xf32, #tpu.memory_space<vmem>>
      %dma_wait3A_357 = arith.constant 0 : i32
      %dma_wait3A_358 = tpu.memref_slice %arg12[%dma_wait3A_351, %dma_wait3A_357] : memref<2x128xi32, #tpu.memory_space<vmem>> -> memref<1x128xi32, #tpu.memory_space<vmem>>
      %dma_wait3A_359 = tpu.memref_squeeze %dma_wait3A_358 : memref<1x128xi32, #tpu.memory_space<vmem>> -> memref<128xi32, #tpu.memory_space<vmem>>
      %dma_wait3A_360 = arith.constant 0 : i32
      %dma_wait3A_361 = arith.constant 0 : i32
      %dma_wait3A_362 = tpu.memref_slice %arg4[%dma_wait3A_360, %dma_wait3A_361] : memref<10000x16xf32, #tpu.memory_space<hbm>> -> memref<10000x16xf32, #tpu.memory_space<hbm>>
      tpu.wait_indirect_dma semaphore(%arg20 : memref<!tpu.dma_semaphore, #tpu.memory_space<semaphore_mem>>) src(%dma_wait3A_362 : memref<10000x16xf32, #tpu.memory_space<hbm>>) dst(%dma_wait3A_356 : memref<128x16xf32, #tpu.memory_space<vmem>>)
      %add3A_363 = arith.constant 14720 : i32
      %add3A_364 = arith.addi %mul3A_7, %add3A_363 : i32
      %multiple_of3A_365 = tpu.assume_multiple %add3A_364, 128 : i32
      %dma_start3A_366 = arith.constant 1 : i32
      %dma_start3A_367 = arith.constant 0 : i32
      %dma_start3A_368 = arith.constant 0 : i32
      %dma_start3A_369 = tpu.memref_slice %arg13[%dma_start3A_366, %dma_start3A_367, %dma_start3A_368] : memref<2x128x128xf32, #tpu.memory_space<vmem>> -> memref<1x128x128xf32, #tpu.memory_space<vmem>>
      %dma_start3A_370 = tpu.memref_squeeze %dma_start3A_369 : memref<1x128x128xf32, #tpu.memory_space<vmem>> -> memref<128x128xf32, #tpu.memory_space<vmem>>
      %dma_start3A_371 = arith.constant 0 : i32
      %dma_start3A_372 = tpu.memref_slice %arg7[%multiple_of3A_365, %dma_start3A_371] : memref<327680x128xf32, #tpu.memory_space<hbm>> -> memref<128x128xf32, #tpu.memory_space<hbm>>
      %dma_start3A_373 = arith.constant 0 : i32
      %dma_start3A_374 = tpu.memref_slice %arg7[%multiple_of3A_365, %dma_start3A_373] : memref<327680x128xf32, #tpu.memory_space<hbm>> -> memref<128x128xf32, #tpu.memory_space<hbm>>
      %dma_start3A_375 = arith.constant 0 : i32
      %dma_start3A_376 = arith.constant 0 : i32
      %dma_start3A_377 = tpu.memref_slice %arg13[%dma_start3A_366, %dma_start3A_375, %dma_start3A_376] : memref<2x128x128xf32, #tpu.memory_space<vmem>> -> memref<1x128x128xf32, #tpu.memory_space<vmem>>
      %dma_start3A_378 = tpu.memref_squeeze %dma_start3A_377 : memref<1x128x128xf32, #tpu.memory_space<vmem>> -> memref<128x128xf32, #tpu.memory_space<vmem>>
      tpu.enqueue_dma source(%dma_start3A_378 : memref<128x128xf32, #tpu.memory_space<vmem>>) target(%dma_start3A_374 : memref<128x128xf32, #tpu.memory_space<hbm>>) target_semaphore(%arg22 : memref<!tpu.dma_semaphore, #tpu.memory_space<semaphore_mem>>)
      %dma_start3A_379 = arith.constant 1 : i32
      %dma_start3A_380 = arith.constant 0 : i32
      %dma_start3A_381 = arith.constant 0 : i32
      %dma_start3A_382 = tpu.memref_slice %arg14[%dma_start3A_379, %dma_start3A_380, %dma_start3A_381] : memref<2x128x128xf32, #tpu.memory_space<vmem>> -> memref<1x128x128xf32, #tpu.memory_space<vmem>>
      %dma_start3A_383 = tpu.memref_squeeze %dma_start3A_382 : memref<1x128x128xf32, #tpu.memory_space<vmem>> -> memref<128x128xf32, #tpu.memory_space<vmem>>
      %dma_start3A_384 = arith.constant 0 : i32
      %dma_start3A_385 = tpu.memref_slice %arg8[%multiple_of3A_365, %dma_start3A_384] : memref<327680x128xf32, #tpu.memory_space<hbm>> -> memref<128x128xf32, #tpu.memory_space<hbm>>
      %dma_start3A_386 = arith.constant 0 : i32
      %dma_start3A_387 = tpu.memref_slice %arg8[%multiple_of3A_365, %dma_start3A_386] : memref<327680x128xf32, #tpu.memory_space<hbm>> -> memref<128x128xf32, #tpu.memory_space<hbm>>
      %dma_start3A_388 = arith.constant 0 : i32
      %dma_start3A_389 = arith.constant 0 : i32
      %dma_start3A_390 = tpu.memref_slice %arg14[%dma_start3A_379, %dma_start3A_388, %dma_start3A_389] : memref<2x128x128xf32, #tpu.memory_space<vmem>> -> memref<1x128x128xf32, #tpu.memory_space<vmem>>
      %dma_start3A_391 = tpu.memref_squeeze %dma_start3A_390 : memref<1x128x128xf32, #tpu.memory_space<vmem>> -> memref<128x128xf32, #tpu.memory_space<vmem>>
      tpu.enqueue_dma source(%dma_start3A_391 : memref<128x128xf32, #tpu.memory_space<vmem>>) target(%dma_start3A_387 : memref<128x128xf32, #tpu.memory_space<hbm>>) target_semaphore(%arg22 : memref<!tpu.dma_semaphore, #tpu.memory_space<semaphore_mem>>)
      %dma_start3A_392 = arith.constant 1 : i32
      %dma_start3A_393 = arith.constant 0 : i32
      %dma_start3A_394 = arith.constant 0 : i32
      %dma_start3A_395 = tpu.memref_slice %arg15[%dma_start3A_392, %dma_start3A_393, %dma_start3A_394] : memref<2x128x16xf32, #tpu.memory_space<vmem>> -> memref<1x128x16xf32, #tpu.memory_space<vmem>>
      %dma_start3A_396 = tpu.memref_squeeze %dma_start3A_395 : memref<1x128x16xf32, #tpu.memory_space<vmem>> -> memref<128x16xf32, #tpu.memory_space<vmem>>
      %dma_start3A_397 = arith.constant 0 : i32
      %dma_start3A_398 = tpu.memref_slice %arg9[%multiple_of3A_365, %dma_start3A_397] : memref<327680x16xf32, #tpu.memory_space<hbm>> -> memref<128x16xf32, #tpu.memory_space<hbm>>
      %dma_start3A_399 = arith.constant 0 : i32
      %dma_start3A_400 = tpu.memref_slice %arg9[%multiple_of3A_365, %dma_start3A_399] : memref<327680x16xf32, #tpu.memory_space<hbm>> -> memref<128x16xf32, #tpu.memory_space<hbm>>
      %dma_start3A_401 = arith.constant 0 : i32
      %dma_start3A_402 = arith.constant 0 : i32
      %dma_start3A_403 = tpu.memref_slice %arg15[%dma_start3A_392, %dma_start3A_401, %dma_start3A_402] : memref<2x128x16xf32, #tpu.memory_space<vmem>> -> memref<1x128x16xf32, #tpu.memory_space<vmem>>
      %dma_start3A_404 = tpu.memref_squeeze %dma_start3A_403 : memref<1x128x16xf32, #tpu.memory_space<vmem>> -> memref<128x16xf32, #tpu.memory_space<vmem>>
      tpu.enqueue_dma source(%dma_start3A_404 : memref<128x16xf32, #tpu.memory_space<vmem>>) target(%dma_start3A_400 : memref<128x16xf32, #tpu.memory_space<hbm>>) target_semaphore(%arg22 : memref<!tpu.dma_semaphore, #tpu.memory_space<semaphore_mem>>)
      %dma_start3A_405 = arith.constant 1 : i32
      %dma_start3A_406 = arith.constant 0 : i32
      %dma_start3A_407 = arith.constant 0 : i32
      %dma_start3A_408 = tpu.memref_slice %arg16[%dma_start3A_405, %dma_start3A_406, %dma_start3A_407] : memref<2x128x16xf32, #tpu.memory_space<vmem>> -> memref<1x128x16xf32, #tpu.memory_space<vmem>>
      %dma_start3A_409 = tpu.memref_squeeze %dma_start3A_408 : memref<1x128x16xf32, #tpu.memory_space<vmem>> -> memref<128x16xf32, #tpu.memory_space<vmem>>
      %dma_start3A_410 = arith.constant 0 : i32
      %dma_start3A_411 = tpu.memref_slice %arg10[%multiple_of3A_365, %dma_start3A_410] : memref<327680x16xf32, #tpu.memory_space<hbm>> -> memref<128x16xf32, #tpu.memory_space<hbm>>
      %dma_start3A_412 = arith.constant 0 : i32
      %dma_start3A_413 = tpu.memref_slice %arg10[%multiple_of3A_365, %dma_start3A_412] : memref<327680x16xf32, #tpu.memory_space<hbm>> -> memref<128x16xf32, #tpu.memory_space<hbm>>
      %dma_start3A_414 = arith.constant 0 : i32
      %dma_start3A_415 = arith.constant 0 : i32
      %dma_start3A_416 = tpu.memref_slice %arg16[%dma_start3A_405, %dma_start3A_414, %dma_start3A_415] : memref<2x128x16xf32, #tpu.memory_space<vmem>> -> memref<1x128x16xf32, #tpu.memory_space<vmem>>
      %dma_start3A_417 = tpu.memref_squeeze %dma_start3A_416 : memref<1x128x16xf32, #tpu.memory_space<vmem>> -> memref<128x16xf32, #tpu.memory_space<vmem>>
      tpu.enqueue_dma source(%dma_start3A_417 : memref<128x16xf32, #tpu.memory_space<vmem>>) target(%dma_start3A_413 : memref<128x16xf32, #tpu.memory_space<hbm>>) target_semaphore(%arg22 : memref<!tpu.dma_semaphore, #tpu.memory_space<semaphore_mem>>)
      %dma_wait3A_418 = arith.constant 0 : i32
      %dma_wait3A_419 = arith.constant 0 : i32
      %dma_wait3A_420 = arith.constant 0 : i32
      %dma_wait3A_421 = tpu.memref_slice %arg13[%dma_wait3A_418, %dma_wait3A_419, %dma_wait3A_420] : memref<2x128x128xf32, #tpu.memory_space<vmem>> -> memref<1x128x128xf32, #tpu.memory_space<vmem>>
      %dma_wait3A_422 = tpu.memref_squeeze %dma_wait3A_421 : memref<1x128x128xf32, #tpu.memory_space<vmem>> -> memref<128x128xf32, #tpu.memory_space<vmem>>
      %dma_wait3A_423 = arith.constant 0 : i32
      %dma_wait3A_424 = arith.constant 0 : i32
      %dma_wait3A_425 = tpu.memref_slice %arg7[%dma_wait3A_423, %dma_wait3A_424] : memref<327680x128xf32, #tpu.memory_space<hbm>> -> memref<128x128xf32, #tpu.memory_space<hbm>>
      %dma_wait3A_426 = arith.constant 0 : i32
      %dma_wait3A_427 = arith.constant 0 : i32
      %dma_wait3A_428 = tpu.memref_slice %arg7[%dma_wait3A_426, %dma_wait3A_427] : memref<327680x128xf32, #tpu.memory_space<hbm>> -> memref<128x128xf32, #tpu.memory_space<hbm>>
      %dma_wait3A_429 = arith.constant 0 : i32
      %dma_wait3A_430 = arith.constant 0 : i32
      %dma_wait3A_431 = tpu.memref_slice %arg13[%dma_wait3A_418, %dma_wait3A_429, %dma_wait3A_430] : memref<2x128x128xf32, #tpu.memory_space<vmem>> -> memref<1x128x128xf32, #tpu.memory_space<vmem>>
      %dma_wait3A_432 = tpu.memref_squeeze %dma_wait3A_431 : memref<1x128x128xf32, #tpu.memory_space<vmem>> -> memref<128x128xf32, #tpu.memory_space<vmem>>
      tpu.wait_dma2 semaphore(%arg21 : memref<!tpu.dma_semaphore, #tpu.memory_space<semaphore_mem>>) src(%dma_wait3A_432 : memref<128x128xf32, #tpu.memory_space<vmem>>) dst(%dma_wait3A_428 : memref<128x128xf32, #tpu.memory_space<hbm>>)
      %dma_wait3A_433 = arith.constant 0 : i32
      %dma_wait3A_434 = arith.constant 0 : i32
      %dma_wait3A_435 = arith.constant 0 : i32
      %dma_wait3A_436 = tpu.memref_slice %arg14[%dma_wait3A_433, %dma_wait3A_434, %dma_wait3A_435] : memref<2x128x128xf32, #tpu.memory_space<vmem>> -> memref<1x128x128xf32, #tpu.memory_space<vmem>>
      %dma_wait3A_437 = tpu.memref_squeeze %dma_wait3A_436 : memref<1x128x128xf32, #tpu.memory_space<vmem>> -> memref<128x128xf32, #tpu.memory_space<vmem>>
      %dma_wait3A_438 = arith.constant 0 : i32
      %dma_wait3A_439 = arith.constant 0 : i32
      %dma_wait3A_440 = tpu.memref_slice %arg8[%dma_wait3A_438, %dma_wait3A_439] : memref<327680x128xf32, #tpu.memory_space<hbm>> -> memref<128x128xf32, #tpu.memory_space<hbm>>
      %dma_wait3A_441 = arith.constant 0 : i32
      %dma_wait3A_442 = arith.constant 0 : i32
      %dma_wait3A_443 = tpu.memref_slice %arg8[%dma_wait3A_441, %dma_wait3A_442] : memref<327680x128xf32, #tpu.memory_space<hbm>> -> memref<128x128xf32, #tpu.memory_space<hbm>>
      %dma_wait3A_444 = arith.constant 0 : i32
      %dma_wait3A_445 = arith.constant 0 : i32
      %dma_wait3A_446 = tpu.memref_slice %arg14[%dma_wait3A_433, %dma_wait3A_444, %dma_wait3A_445] : memref<2x128x128xf32, #tpu.memory_space<vmem>> -> memref<1x128x128xf32, #tpu.memory_space<vmem>>
      %dma_wait3A_447 = tpu.memref_squeeze %dma_wait3A_446 : memref<1x128x128xf32, #tpu.memory_space<vmem>> -> memref<128x128xf32, #tpu.memory_space<vmem>>
      tpu.wait_dma2 semaphore(%arg21 : memref<!tpu.dma_semaphore, #tpu.memory_space<semaphore_mem>>) src(%dma_wait3A_447 : memref<128x128xf32, #tpu.memory_space<vmem>>) dst(%dma_wait3A_443 : memref<128x128xf32, #tpu.memory_space<hbm>>)
      %dma_wait3A_448 = arith.constant 0 : i32
      %dma_wait3A_449 = arith.constant 0 : i32
      %dma_wait3A_450 = arith.constant 0 : i32
      %dma_wait3A_451 = tpu.memref_slice %arg15[%dma_wait3A_448, %dma_wait3A_449, %dma_wait3A_450] : memref<2x128x16xf32, #tpu.memory_space<vmem>> -> memref<1x128x16xf32, #tpu.memory_space<vmem>>
      %dma_wait3A_452 = tpu.memref_squeeze %dma_wait3A_451 : memref<1x128x16xf32, #tpu.memory_space<vmem>> -> memref<128x16xf32, #tpu.memory_space<vmem>>
      %dma_wait3A_453 = arith.constant 0 : i32
      %dma_wait3A_454 = arith.constant 0 : i32
      %dma_wait3A_455 = tpu.memref_slice %arg9[%dma_wait3A_453, %dma_wait3A_454] : memref<327680x16xf32, #tpu.memory_space<hbm>> -> memref<128x16xf32, #tpu.memory_space<hbm>>
      %dma_wait3A_456 = arith.constant 0 : i32
      %dma_wait3A_457 = arith.constant 0 : i32
      %dma_wait3A_458 = tpu.memref_slice %arg9[%dma_wait3A_456, %dma_wait3A_457] : memref<327680x16xf32, #tpu.memory_space<hbm>> -> memref<128x16xf32, #tpu.memory_space<hbm>>
      %dma_wait3A_459 = arith.constant 0 : i32
      %dma_wait3A_460 = arith.constant 0 : i32
      %dma_wait3A_461 = tpu.memref_slice %arg15[%dma_wait3A_448, %dma_wait3A_459, %dma_wait3A_460] : memref<2x128x16xf32, #tpu.memory_space<vmem>> -> memref<1x128x16xf32, #tpu.memory_space<vmem>>
      %dma_wait3A_462 = tpu.memref_squeeze %dma_wait3A_461 : memref<1x128x16xf32, #tpu.memory_space<vmem>> -> memref<128x16xf32, #tpu.memory_space<vmem>>
      tpu.wait_dma2 semaphore(%arg21 : memref<!tpu.dma_semaphore, #tpu.memory_space<semaphore_mem>>) src(%dma_wait3A_462 : memref<128x16xf32, #tpu.memory_space<vmem>>) dst(%dma_wait3A_458 : memref<128x16xf32, #tpu.memory_space<hbm>>)
      %dma_wait3A_463 = arith.constant 0 : i32
      %dma_wait3A_464 = arith.constant 0 : i32
      %dma_wait3A_465 = arith.constant 0 : i32
      %dma_wait3A_466 = tpu.memref_slice %arg16[%dma_wait3A_463, %dma_wait3A_464, %dma_wait3A_465] : memref<2x128x16xf32, #tpu.memory_space<vmem>> -> memref<1x128x16xf32, #tpu.memory_space<vmem>>
      %dma_wait3A_467 = tpu.memref_squeeze %dma_wait3A_466 : memref<1x128x16xf32, #tpu.memory_space<vmem>> -> memref<128x16xf32, #tpu.memory_space<vmem>>
      %dma_wait3A_468 = arith.constant 0 : i32
      %dma_wait3A_469 = arith.constant 0 : i32
      %dma_wait3A_470 = tpu.memref_slice %arg10[%dma_wait3A_468, %dma_wait3A_469] : memref<327680x16xf32, #tpu.memory_space<hbm>> -> memref<128x16xf32, #tpu.memory_space<hbm>>
      %dma_wait3A_471 = arith.constant 0 : i32
      %dma_wait3A_472 = arith.constant 0 : i32
      %dma_wait3A_473 = tpu.memref_slice %arg10[%dma_wait3A_471, %dma_wait3A_472] : memref<327680x16xf32, #tpu.memory_space<hbm>> -> memref<128x16xf32, #tpu.memory_space<hbm>>
      %dma_wait3A_474 = arith.constant 0 : i32
      %dma_wait3A_475 = arith.constant 0 : i32
      %dma_wait3A_476 = tpu.memref_slice %arg16[%dma_wait3A_463, %dma_wait3A_474, %dma_wait3A_475] : memref<2x128x16xf32, #tpu.memory_space<vmem>> -> memref<1x128x16xf32, #tpu.memory_space<vmem>>
      %dma_wait3A_477 = tpu.memref_squeeze %dma_wait3A_476 : memref<1x128x16xf32, #tpu.memory_space<vmem>> -> memref<128x16xf32, #tpu.memory_space<vmem>>
      tpu.wait_dma2 semaphore(%arg21 : memref<!tpu.dma_semaphore, #tpu.memory_space<semaphore_mem>>) src(%dma_wait3A_477 : memref<128x16xf32, #tpu.memory_space<vmem>>) dst(%dma_wait3A_473 : memref<128x16xf32, #tpu.memory_space<hbm>>)
      %dma_wait3A_478 = arith.constant 1 : i32
      %dma_wait3A_479 = arith.constant 0 : i32
      %dma_wait3A_480 = arith.constant 0 : i32
      %dma_wait3A_481 = tpu.memref_slice %arg13[%dma_wait3A_478, %dma_wait3A_479, %dma_wait3A_480] : memref<2x128x128xf32, #tpu.memory_space<vmem>> -> memref<1x128x128xf32, #tpu.memory_space<vmem>>
      %dma_wait3A_482 = tpu.memref_squeeze %dma_wait3A_481 : memref<1x128x128xf32, #tpu.memory_space<vmem>> -> memref<128x128xf32, #tpu.memory_space<vmem>>
      %dma_wait3A_483 = arith.constant 0 : i32
      %dma_wait3A_484 = arith.constant 0 : i32
      %dma_wait3A_485 = tpu.memref_slice %arg7[%dma_wait3A_483, %dma_wait3A_484] : memref<327680x128xf32, #tpu.memory_space<hbm>> -> memref<128x128xf32, #tpu.memory_space<hbm>>
      %dma_wait3A_486 = arith.constant 0 : i32
      %dma_wait3A_487 = arith.constant 0 : i32
      %dma_wait3A_488 = tpu.memref_slice %arg7[%dma_wait3A_486, %dma_wait3A_487] : memref<327680x128xf32, #tpu.memory_space<hbm>> -> memref<128x128xf32, #tpu.memory_space<hbm>>
      %dma_wait3A_489 = arith.constant 0 : i32
      %dma_wait3A_490 = arith.constant 0 : i32
      %dma_wait3A_491 = tpu.memref_slice %arg13[%dma_wait3A_478, %dma_wait3A_489, %dma_wait3A_490] : memref<2x128x128xf32, #tpu.memory_space<vmem>> -> memref<1x128x128xf32, #tpu.memory_space<vmem>>
      %dma_wait3A_492 = tpu.memref_squeeze %dma_wait3A_491 : memref<1x128x128xf32, #tpu.memory_space<vmem>> -> memref<128x128xf32, #tpu.memory_space<vmem>>
      tpu.wait_dma2 semaphore(%arg22 : memref<!tpu.dma_semaphore, #tpu.memory_space<semaphore_mem>>) src(%dma_wait3A_492 : memref<128x128xf32, #tpu.memory_space<vmem>>) dst(%dma_wait3A_488 : memref<128x128xf32, #tpu.memory_space<hbm>>)
      %dma_wait3A_493 = arith.constant 1 : i32
      %dma_wait3A_494 = arith.constant 0 : i32
      %dma_wait3A_495 = arith.constant 0 : i32
      %dma_wait3A_496 = tpu.memref_slice %arg14[%dma_wait3A_493, %dma_wait3A_494, %dma_wait3A_495] : memref<2x128x128xf32, #tpu.memory_space<vmem>> -> memref<1x128x128xf32, #tpu.memory_space<vmem>>
      %dma_wait3A_497 = tpu.memref_squeeze %dma_wait3A_496 : memref<1x128x128xf32, #tpu.memory_space<vmem>> -> memref<128x128xf32, #tpu.memory_space<vmem>>
      %dma_wait3A_498 = arith.constant 0 : i32
      %dma_wait3A_499 = arith.constant 0 : i32
      %dma_wait3A_500 = tpu.memref_slice %arg8[%dma_wait3A_498, %dma_wait3A_499] : memref<327680x128xf32, #tpu.memory_space<hbm>> -> memref<128x128xf32, #tpu.memory_space<hbm>>
      %dma_wait3A_501 = arith.constant 0 : i32
      %dma_wait3A_502 = arith.constant 0 : i32
      %dma_wait3A_503 = tpu.memref_slice %arg8[%dma_wait3A_501, %dma_wait3A_502] : memref<327680x128xf32, #tpu.memory_space<hbm>> -> memref<128x128xf32, #tpu.memory_space<hbm>>
      %dma_wait3A_504 = arith.constant 0 : i32
      %dma_wait3A_505 = arith.constant 0 : i32
      %dma_wait3A_506 = tpu.memref_slice %arg14[%dma_wait3A_493, %dma_wait3A_504, %dma_wait3A_505] : memref<2x128x128xf32, #tpu.memory_space<vmem>> -> memref<1x128x128xf32, #tpu.memory_space<vmem>>
      %dma_wait3A_507 = tpu.memref_squeeze %dma_wait3A_506 : memref<1x128x128xf32, #tpu.memory_space<vmem>> -> memref<128x128xf32, #tpu.memory_space<vmem>>
      tpu.wait_dma2 semaphore(%arg22 : memref<!tpu.dma_semaphore, #tpu.memory_space<semaphore_mem>>) src(%dma_wait3A_507 : memref<128x128xf32, #tpu.memory_space<vmem>>) dst(%dma_wait3A_503 : memref<128x128xf32, #tpu.memory_space<hbm>>)
      %dma_wait3A_508 = arith.constant 1 : i32
      %dma_wait3A_509 = arith.constant 0 : i32
      %dma_wait3A_510 = arith.constant 0 : i32
      %dma_wait3A_511 = tpu.memref_slice %arg15[%dma_wait3A_508, %dma_wait3A_509, %dma_wait3A_510] : memref<2x128x16xf32, #tpu.memory_space<vmem>> -> memref<1x128x16xf32, #tpu.memory_space<vmem>>
      %dma_wait3A_512 = tpu.memref_squeeze %dma_wait3A_511 : memref<1x128x16xf32, #tpu.memory_space<vmem>> -> memref<128x16xf32, #tpu.memory_space<vmem>>
      %dma_wait3A_513 = arith.constant 0 : i32
      %dma_wait3A_514 = arith.constant 0 : i32
      %dma_wait3A_515 = tpu.memref_slice %arg9[%dma_wait3A_513, %dma_wait3A_514] : memref<327680x16xf32, #tpu.memory_space<hbm>> -> memref<128x16xf32, #tpu.memory_space<hbm>>
      %dma_wait3A_516 = arith.constant 0 : i32
      %dma_wait3A_517 = arith.constant 0 : i32
      %dma_wait3A_518 = tpu.memref_slice %arg9[%dma_wait3A_516, %dma_wait3A_517] : memref<327680x16xf32, #tpu.memory_space<hbm>> -> memref<128x16xf32, #tpu.memory_space<hbm>>
      %dma_wait3A_519 = arith.constant 0 : i32
      %dma_wait3A_520 = arith.constant 0 : i32
      %dma_wait3A_521 = tpu.memref_slice %arg15[%dma_wait3A_508, %dma_wait3A_519, %dma_wait3A_520] : memref<2x128x16xf32, #tpu.memory_space<vmem>> -> memref<1x128x16xf32, #tpu.memory_space<vmem>>
      %dma_wait3A_522 = tpu.memref_squeeze %dma_wait3A_521 : memref<1x128x16xf32, #tpu.memory_space<vmem>> -> memref<128x16xf32, #tpu.memory_space<vmem>>
      tpu.wait_dma2 semaphore(%arg22 : memref<!tpu.dma_semaphore, #tpu.memory_space<semaphore_mem>>) src(%dma_wait3A_522 : memref<128x16xf32, #tpu.memory_space<vmem>>) dst(%dma_wait3A_518 : memref<128x16xf32, #tpu.memory_space<hbm>>)
      %dma_wait3A_523 = arith.constant 1 : i32
      %dma_wait3A_524 = arith.constant 0 : i32
      %dma_wait3A_525 = arith.constant 0 : i32
      %dma_wait3A_526 = tpu.memref_slice %arg16[%dma_wait3A_523, %dma_wait3A_524, %dma_wait3A_525] : memref<2x128x16xf32, #tpu.memory_space<vmem>> -> memref<1x128x16xf32, #tpu.memory_space<vmem>>
      %dma_wait3A_527 = tpu.memref_squeeze %dma_wait3A_526 : memref<1x128x16xf32, #tpu.memory_space<vmem>> -> memref<128x16xf32, #tpu.memory_space<vmem>>
      %dma_wait3A_528 = arith.constant 0 : i32
      %dma_wait3A_529 = arith.constant 0 : i32
      %dma_wait3A_530 = tpu.memref_slice %arg10[%dma_wait3A_528, %dma_wait3A_529] : memref<327680x16xf32, #tpu.memory_space<hbm>> -> memref<128x16xf32, #tpu.memory_space<hbm>>
      %dma_wait3A_531 = arith.constant 0 : i32
      %dma_wait3A_532 = arith.constant 0 : i32
      %dma_wait3A_533 = tpu.memref_slice %arg10[%dma_wait3A_531, %dma_wait3A_532] : memref<327680x16xf32, #tpu.memory_space<hbm>> -> memref<128x16xf32, #tpu.memory_space<hbm>>
      %dma_wait3A_534 = arith.constant 0 : i32
      %dma_wait3A_535 = arith.constant 0 : i32
      %dma_wait3A_536 = tpu.memref_slice %arg16[%dma_wait3A_523, %dma_wait3A_534, %dma_wait3A_535] : memref<2x128x16xf32, #tpu.memory_space<vmem>> -> memref<1x128x16xf32, #tpu.memory_space<vmem>>
      %dma_wait3A_537 = tpu.memref_squeeze %dma_wait3A_536 : memref<1x128x16xf32, #tpu.memory_space<vmem>> -> memref<128x16xf32, #tpu.memory_space<vmem>>
      tpu.wait_dma2 semaphore(%arg22 : memref<!tpu.dma_semaphore, #tpu.memory_space<semaphore_mem>>) src(%dma_wait3A_537 : memref<128x16xf32, #tpu.memory_space<vmem>>) dst(%dma_wait3A_533 : memref<128x16xf32, #tpu.memory_space<hbm>>)
      %dma_wait3A_538 = arith.constant 0 : i32
      %dma_wait3A_539 = arith.constant 0 : i32
      %dma_wait3A_540 = tpu.memref_slice %arg11[%dma_wait3A_538, %dma_wait3A_539] : memref<2x128xi32, #tpu.memory_space<vmem>> -> memref<1x128xi32, #tpu.memory_space<vmem>>
      %dma_wait3A_541 = tpu.memref_squeeze %dma_wait3A_540 : memref<1x128xi32, #tpu.memory_space<vmem>> -> memref<128xi32, #tpu.memory_space<vmem>>
      %dma_wait3A_542 = arith.constant 0 : i32
      %dma_wait3A_543 = tpu.memref_slice %arg5[%dma_wait3A_542] : memref<327680xi32, #tpu.memory_space<hbm>> -> memref<128xi32, #tpu.memory_space<hbm>>
      %dma_wait3A_544 = arith.constant 0 : i32
      %dma_wait3A_545 = tpu.memref_slice %arg11[%dma_wait3A_538, %dma_wait3A_544] : memref<2x128xi32, #tpu.memory_space<vmem>> -> memref<1x128xi32, #tpu.memory_space<vmem>>
      %dma_wait3A_546 = tpu.memref_squeeze %dma_wait3A_545 : memref<1x128xi32, #tpu.memory_space<vmem>> -> memref<128xi32, #tpu.memory_space<vmem>>
      %dma_wait3A_547 = arith.constant 0 : i32
      %dma_wait3A_548 = tpu.memref_slice %arg5[%dma_wait3A_547] : memref<327680xi32, #tpu.memory_space<hbm>> -> memref<128xi32, #tpu.memory_space<hbm>>
      tpu.wait_dma2 semaphore(%arg17 : memref<!tpu.dma_semaphore, #tpu.memory_space<semaphore_mem>>) src(%dma_wait3A_548 : memref<128xi32, #tpu.memory_space<hbm>>) dst(%dma_wait3A_546 : memref<128xi32, #tpu.memory_space<vmem>>)
      %dma_wait3A_549 = arith.constant 0 : i32
      %dma_wait3A_550 = arith.constant 0 : i32
      %dma_wait3A_551 = tpu.memref_slice %arg12[%dma_wait3A_549, %dma_wait3A_550] : memref<2x128xi32, #tpu.memory_space<vmem>> -> memref<1x128xi32, #tpu.memory_space<vmem>>
      %dma_wait3A_552 = tpu.memref_squeeze %dma_wait3A_551 : memref<1x128xi32, #tpu.memory_space<vmem>> -> memref<128xi32, #tpu.memory_space<vmem>>
      %dma_wait3A_553 = arith.constant 0 : i32
      %dma_wait3A_554 = tpu.memref_slice %arg6[%dma_wait3A_553] : memref<327680xi32, #tpu.memory_space<hbm>> -> memref<128xi32, #tpu.memory_space<hbm>>
      %dma_wait3A_555 = arith.constant 0 : i32
      %dma_wait3A_556 = tpu.memref_slice %arg12[%dma_wait3A_549, %dma_wait3A_555] : memref<2x128xi32, #tpu.memory_space<vmem>> -> memref<1x128xi32, #tpu.memory_space<vmem>>
      %dma_wait3A_557 = tpu.memref_squeeze %dma_wait3A_556 : memref<1x128xi32, #tpu.memory_space<vmem>> -> memref<128xi32, #tpu.memory_space<vmem>>
      %dma_wait3A_558 = arith.constant 0 : i32
      %dma_wait3A_559 = tpu.memref_slice %arg6[%dma_wait3A_558] : memref<327680xi32, #tpu.memory_space<hbm>> -> memref<128xi32, #tpu.memory_space<hbm>>
      tpu.wait_dma2 semaphore(%arg17 : memref<!tpu.dma_semaphore, #tpu.memory_space<semaphore_mem>>) src(%dma_wait3A_559 : memref<128xi32, #tpu.memory_space<hbm>>) dst(%dma_wait3A_557 : memref<128xi32, #tpu.memory_space<vmem>>)
    } else {
    }
    %eq3A_2 = arith.constant 1 : i32
    %eq3A_3 = arith.cmpi eq, %arg0, %eq3A_2 : i32
    %convert_element_type3A_4 = arith.extui %eq3A_3 : i1 to i32
    %cond3A_5 = arith.constant 0 : i32
    %cond3A_6 = arith.cmpi ne, %convert_element_type3A_4, %cond3A_5 : i32
    scf.if %cond3A_6 {
      %mul3A = arith.constant 5632 : i32
      %mul3A_7 = arith.muli %arg1, %mul3A : i32
      %add3A = arith.constant 237568 : i32
      %add3A_8 = arith.addi %add3A, %mul3A_7 : i32
      %add3A_9 = arith.constant 0 : i32
      %add3A_10 = arith.addi %add3A_8, %add3A_9 : i32
      %multiple_of3A = tpu.assume_multiple %add3A_10, 128 : i32
      %dma_start3A = arith.constant 0 : i32
      %dma_start3A_11 = arith.constant 0 : i32
      %dma_start3A_12 = tpu.memref_slice %arg11[%dma_start3A, %dma_start3A_11] : memref<2x128xi32, #tpu.memory_space<vmem>> -> memref<1x128xi32, #tpu.memory_space<vmem>>
      %dma_start3A_13 = tpu.memref_squeeze %dma_start3A_12 : memref<1x128xi32, #tpu.memory_space<vmem>> -> memref<128xi32, #tpu.memory_space<vmem>>
      %dma_start3A_14 = tpu.memref_slice %arg5[%multiple_of3A] : memref<327680xi32, #tpu.memory_space<hbm>> -> memref<128xi32, #tpu.memory_space<hbm>>
      %dma_start3A_15 = arith.constant 0 : i32
      %dma_start3A_16 = tpu.memref_slice %arg11[%dma_start3A, %dma_start3A_15] : memref<2x128xi32, #tpu.memory_space<vmem>> -> memref<1x128xi32, #tpu.memory_space<vmem>>
      %dma_start3A_17 = tpu.memref_squeeze %dma_start3A_16 : memref<1x128xi32, #tpu.memory_space<vmem>> -> memref<128xi32, #tpu.memory_space<vmem>>
      %dma_start3A_18 = tpu.memref_slice %arg5[%multiple_of3A] : memref<327680xi32, #tpu.memory_space<hbm>> -> memref<128xi32, #tpu.memory_space<hbm>>
      tpu.enqueue_dma source(%dma_start3A_18 : memref<128xi32, #tpu.memory_space<hbm>>) target(%dma_start3A_17 : memref<128xi32, #tpu.memory_space<vmem>>) target_semaphore(%arg17 : memref<!tpu.dma_semaphore, #tpu.memory_space<semaphore_mem>>)
      %dma_start3A_19 = arith.constant 0 : i32
      %dma_start3A_20 = arith.constant 0 : i32
      %dma_start3A_21 = tpu.memref_slice %arg12[%dma_start3A_19, %dma_start3A_20] : memref<2x128xi32, #tpu.memory_space<vmem>> -> memref<1x128xi32, #tpu.memory_space<vmem>>
      %dma_start3A_22 = tpu.memref_squeeze %dma_start3A_21 : memref<1x128xi32, #tpu.memory_space<vmem>> -> memref<128xi32, #tpu.memory_space<vmem>>
      %dma_start3A_23 = tpu.memref_slice %arg6[%multiple_of3A] : memref<327680xi32, #tpu.memory_space<hbm>> -> memref<128xi32, #tpu.memory_space<hbm>>
      %dma_start3A_24 = arith.constant 0 : i32
      %dma_start3A_25 = tpu.memref_slice %arg12[%dma_start3A_19, %dma_start3A_24] : memref<2x128xi32, #tpu.memory_space<vmem>> -> memref<1x128xi32, #tpu.memory_space<vmem>>
      %dma_start3A_26 = tpu.memref_squeeze %dma_start3A_25 : memref<1x128xi32, #tpu.memory_space<vmem>> -> memref<128xi32, #tpu.memory_space<vmem>>
      %dma_start3A_27 = tpu.memref_slice %arg6[%multiple_of3A] : memref<327680xi32, #tpu.memory_space<hbm>> -> memref<128xi32, #tpu.memory_space<hbm>>
      tpu.enqueue_dma source(%dma_start3A_27 : memref<128xi32, #tpu.memory_space<hbm>>) target(%dma_start3A_26 : memref<128xi32, #tpu.memory_space<vmem>>) target_semaphore(%arg17 : memref<!tpu.dma_semaphore, #tpu.memory_space<semaphore_mem>>)
      %dma_wait3A = arith.constant 0 : i32
      %dma_wait3A_28 = arith.constant 0 : i32
      %dma_wait3A_29 = tpu.memref_slice %arg11[%dma_wait3A, %dma_wait3A_28] : memref<2x128xi32, #tpu.memory_space<vmem>> -> memref<1x128xi32, #tpu.memory_space<vmem>>
      %dma_wait3A_30 = tpu.memref_squeeze %dma_wait3A_29 : memref<1x128xi32, #tpu.memory_space<vmem>> -> memref<128xi32, #tpu.memory_space<vmem>>
      %dma_wait3A_31 = arith.constant 0 : i32
      %dma_wait3A_32 = tpu.memref_slice %arg5[%dma_wait3A_31] : memref<327680xi32, #tpu.memory_space<hbm>> -> memref<128xi32, #tpu.memory_space<hbm>>
      %dma_wait3A_33 = arith.constant 0 : i32
      %dma_wait3A_34 = tpu.memref_slice %arg11[%dma_wait3A, %dma_wait3A_33] : memref<2x128xi32, #tpu.memory_space<vmem>> -> memref<1x128xi32, #tpu.memory_space<vmem>>
      %dma_wait3A_35 = tpu.memref_squeeze %dma_wait3A_34 : memref<1x128xi32, #tpu.memory_space<vmem>> -> memref<128xi32, #tpu.memory_space<vmem>>
      %dma_wait3A_36 = arith.constant 0 : i32
      %dma_wait3A_37 = tpu.memref_slice %arg5[%dma_wait3A_36] : memref<327680xi32, #tpu.memory_space<hbm>> -> memref<128xi32, #tpu.memory_space<hbm>>
      tpu.wait_dma2 semaphore(%arg17 : memref<!tpu.dma_semaphore, #tpu.memory_space<semaphore_mem>>) src(%dma_wait3A_37 : memref<128xi32, #tpu.memory_space<hbm>>) dst(%dma_wait3A_35 : memref<128xi32, #tpu.memory_space<vmem>>)
      %dma_wait3A_38 = arith.constant 0 : i32
      %dma_wait3A_39 = arith.constant 0 : i32
      %dma_wait3A_40 = tpu.memref_slice %arg12[%dma_wait3A_38, %dma_wait3A_39] : memref<2x128xi32, #tpu.memory_space<vmem>> -> memref<1x128xi32, #tpu.memory_space<vmem>>
      %dma_wait3A_41 = tpu.memref_squeeze %dma_wait3A_40 : memref<1x128xi32, #tpu.memory_space<vmem>> -> memref<128xi32, #tpu.memory_space<vmem>>
      %dma_wait3A_42 = arith.constant 0 : i32
      %dma_wait3A_43 = tpu.memref_slice %arg6[%dma_wait3A_42] : memref<327680xi32, #tpu.memory_space<hbm>> -> memref<128xi32, #tpu.memory_space<hbm>>
      %dma_wait3A_44 = arith.constant 0 : i32
      %dma_wait3A_45 = tpu.memref_slice %arg12[%dma_wait3A_38, %dma_wait3A_44] : memref<2x128xi32, #tpu.memory_space<vmem>> -> memref<1x128xi32, #tpu.memory_space<vmem>>
      %dma_wait3A_46 = tpu.memref_squeeze %dma_wait3A_45 : memref<1x128xi32, #tpu.memory_space<vmem>> -> memref<128xi32, #tpu.memory_space<vmem>>
      %dma_wait3A_47 = arith.constant 0 : i32
      %dma_wait3A_48 = tpu.memref_slice %arg6[%dma_wait3A_47] : memref<327680xi32, #tpu.memory_space<hbm>> -> memref<128xi32, #tpu.memory_space<hbm>>
      tpu.wait_dma2 semaphore(%arg17 : memref<!tpu.dma_semaphore, #tpu.memory_space<semaphore_mem>>) src(%dma_wait3A_48 : memref<128xi32, #tpu.memory_space<hbm>>) dst(%dma_wait3A_46 : memref<128xi32, #tpu.memory_space<vmem>>)
      %add3A_49 = arith.constant 128 : i32
      %add3A_50 = arith.addi %add3A_8, %add3A_49 : i32
      %multiple_of3A_51 = tpu.assume_multiple %add3A_50, 128 : i32
      %dma_start3A_52 = arith.constant 1 : i32
      %dma_start3A_53 = arith.constant 0 : i32
      %dma_start3A_54 = tpu.memref_slice %arg11[%dma_start3A_52, %dma_start3A_53] : memref<2x128xi32, #tpu.memory_space<vmem>> -> memref<1x128xi32, #tpu.memory_space<vmem>>
      %dma_start3A_55 = tpu.memref_squeeze %dma_start3A_54 : memref<1x128xi32, #tpu.memory_space<vmem>> -> memref<128xi32, #tpu.memory_space<vmem>>
      %dma_start3A_56 = tpu.memref_slice %arg5[%multiple_of3A_51] : memref<327680xi32, #tpu.memory_space<hbm>> -> memref<128xi32, #tpu.memory_space<hbm>>
      %dma_start3A_57 = arith.constant 0 : i32
      %dma_start3A_58 = tpu.memref_slice %arg11[%dma_start3A_52, %dma_start3A_57] : memref<2x128xi32, #tpu.memory_space<vmem>> -> memref<1x128xi32, #tpu.memory_space<vmem>>
      %dma_start3A_59 = tpu.memref_squeeze %dma_start3A_58 : memref<1x128xi32, #tpu.memory_space<vmem>> -> memref<128xi32, #tpu.memory_space<vmem>>
      %dma_start3A_60 = tpu.memref_slice %arg5[%multiple_of3A_51] : memref<327680xi32, #tpu.memory_space<hbm>> -> memref<128xi32, #tpu.memory_space<hbm>>
      tpu.enqueue_dma source(%dma_start3A_60 : memref<128xi32, #tpu.memory_space<hbm>>) target(%dma_start3A_59 : memref<128xi32, #tpu.memory_space<vmem>>) target_semaphore(%arg18 : memref<!tpu.dma_semaphore, #tpu.memory_space<semaphore_mem>>)
      %dma_start3A_61 = arith.constant 1 : i32
      %dma_start3A_62 = arith.constant 0 : i32
      %dma_start3A_63 = tpu.memref_slice %arg12[%dma_start3A_61, %dma_start3A_62] : memref<2x128xi32, #tpu.memory_space<vmem>> -> memref<1x128xi32, #tpu.memory_space<vmem>>
      %dma_start3A_64 = tpu.memref_squeeze %dma_start3A_63 : memref<1x128xi32, #tpu.memory_space<vmem>> -> memref<128xi32, #tpu.memory_space<vmem>>
      %dma_start3A_65 = tpu.memref_slice %arg6[%multiple_of3A_51] : memref<327680xi32, #tpu.memory_space<hbm>> -> memref<128xi32, #tpu.memory_space<hbm>>
      %dma_start3A_66 = arith.constant 0 : i32
      %dma_start3A_67 = tpu.memref_slice %arg12[%dma_start3A_61, %dma_start3A_66] : memref<2x128xi32, #tpu.memory_space<vmem>> -> memref<1x128xi32, #tpu.memory_space<vmem>>
      %dma_start3A_68 = tpu.memref_squeeze %dma_start3A_67 : memref<1x128xi32, #tpu.memory_space<vmem>> -> memref<128xi32, #tpu.memory_space<vmem>>
      %dma_start3A_69 = tpu.memref_slice %arg6[%multiple_of3A_51] : memref<327680xi32, #tpu.memory_space<hbm>> -> memref<128xi32, #tpu.memory_space<hbm>>
      tpu.enqueue_dma source(%dma_start3A_69 : memref<128xi32, #tpu.memory_space<hbm>>) target(%dma_start3A_68 : memref<128xi32, #tpu.memory_space<vmem>>) target_semaphore(%arg18 : memref<!tpu.dma_semaphore, #tpu.memory_space<semaphore_mem>>)
      %dma_start3A_70 = arith.constant 0 : i32
      %dma_start3A_71 = arith.constant 0 : i32
      %dma_start3A_72 = arith.constant 0 : i32
      %dma_start3A_73 = arith.constant 0 : i32
      %dma_start3A_74 = tpu.memref_slice %arg13[%dma_start3A_71, %dma_start3A_72, %dma_start3A_73] : memref<2x128x128xf32, #tpu.memory_space<vmem>> -> memref<1x128x128xf32, #tpu.memory_space<vmem>>
      %dma_start3A_75 = tpu.memref_squeeze %dma_start3A_74 : memref<1x128x128xf32, #tpu.memory_space<vmem>> -> memref<128x128xf32, #tpu.memory_space<vmem>>
      %dma_start3A_76 = arith.constant 0 : i32
      %dma_start3A_77 = tpu.memref_slice %arg11[%dma_start3A_70, %dma_start3A_76] : memref<2x128xi32, #tpu.memory_space<vmem>> -> memref<1x128xi32, #tpu.memory_space<vmem>>
      %dma_start3A_78 = tpu.memref_squeeze %dma_start3A_77 : memref<1x128xi32, #tpu.memory_space<vmem>> -> memref<128xi32, #tpu.memory_space<vmem>>
      %dma_start3A_79 = arith.constant 0 : i32
      %dma_start3A_80 = arith.constant 0 : i32
      %dma_start3A_81 = tpu.memref_slice %arg2[%dma_start3A_79, %dma_start3A_80] : memref<10000x128xf32, #tpu.memory_space<hbm>> -> memref<10000x128xf32, #tpu.memory_space<hbm>>
      tpu.enqueue_indirect_dma source(%dma_start3A_81 : memref<10000x128xf32, #tpu.memory_space<hbm>>) target(%dma_start3A_75 : memref<128x128xf32, #tpu.memory_space<vmem>>) offsets(%dma_start3A_78 : memref<128xi32, #tpu.memory_space<vmem>>) semaphore(%arg19 : memref<!tpu.dma_semaphore, #tpu.memory_space<semaphore_mem>>)
      %dma_start3A_82 = arith.constant 0 : i32
      %dma_start3A_83 = arith.constant 0 : i32
      %dma_start3A_84 = arith.constant 0 : i32
      %dma_start3A_85 = arith.constant 0 : i32
      %dma_start3A_86 = tpu.memref_slice %arg14[%dma_start3A_83, %dma_start3A_84, %dma_start3A_85] : memref<2x128x128xf32, #tpu.memory_space<vmem>> -> memref<1x128x128xf32, #tpu.memory_space<vmem>>
      %dma_start3A_87 = tpu.memref_squeeze %dma_start3A_86 : memref<1x128x128xf32, #tpu.memory_space<vmem>> -> memref<128x128xf32, #tpu.memory_space<vmem>>
      %dma_start3A_88 = arith.constant 0 : i32
      %dma_start3A_89 = tpu.memref_slice %arg12[%dma_start3A_82, %dma_start3A_88] : memref<2x128xi32, #tpu.memory_space<vmem>> -> memref<1x128xi32, #tpu.memory_space<vmem>>
      %dma_start3A_90 = tpu.memref_squeeze %dma_start3A_89 : memref<1x128xi32, #tpu.memory_space<vmem>> -> memref<128xi32, #tpu.memory_space<vmem>>
      %dma_start3A_91 = arith.constant 0 : i32
      %dma_start3A_92 = arith.constant 0 : i32
      %dma_start3A_93 = tpu.memref_slice %arg3[%dma_start3A_91, %dma_start3A_92] : memref<10000x128xf32, #tpu.memory_space<hbm>> -> memref<10000x128xf32, #tpu.memory_space<hbm>>
      tpu.enqueue_indirect_dma source(%dma_start3A_93 : memref<10000x128xf32, #tpu.memory_space<hbm>>) target(%dma_start3A_87 : memref<128x128xf32, #tpu.memory_space<vmem>>) offsets(%dma_start3A_90 : memref<128xi32, #tpu.memory_space<vmem>>) semaphore(%arg19 : memref<!tpu.dma_semaphore, #tpu.memory_space<semaphore_mem>>)
      %dma_start3A_94 = arith.constant 0 : i32
      %dma_start3A_95 = arith.constant 0 : i32
      %dma_start3A_96 = arith.constant 0 : i32
      %dma_start3A_97 = arith.constant 0 : i32
      %dma_start3A_98 = tpu.memref_slice %arg15[%dma_start3A_95, %dma_start3A_96, %dma_start3A_97] : memref<2x128x16xf32, #tpu.memory_space<vmem>> -> memref<1x128x16xf32, #tpu.memory_space<vmem>>
      %dma_start3A_99 = tpu.memref_squeeze %dma_start3A_98 : memref<1x128x16xf32, #tpu.memory_space<vmem>> -> memref<128x16xf32, #tpu.memory_space<vmem>>
      %dma_start3A_100 = arith.constant 0 : i32
      %dma_start3A_101 = tpu.memref_slice %arg11[%dma_start3A_94, %dma_start3A_100] : memref<2x128xi32, #tpu.memory_space<vmem>> -> memref<1x128xi32, #tpu.memory_space<vmem>>
      %dma_start3A_102 = tpu.memref_squeeze %dma_start3A_101 : memref<1x128xi32, #tpu.memory_space<vmem>> -> memref<128xi32, #tpu.memory_space<vmem>>
      %dma_start3A_103 = arith.constant 0 : i32
      %dma_start3A_104 = arith.constant 0 : i32
      %dma_start3A_105 = tpu.memref_slice %arg4[%dma_start3A_103, %dma_start3A_104] : memref<10000x16xf32, #tpu.memory_space<hbm>> -> memref<10000x16xf32, #tpu.memory_space<hbm>>
      tpu.enqueue_indirect_dma source(%dma_start3A_105 : memref<10000x16xf32, #tpu.memory_space<hbm>>) target(%dma_start3A_99 : memref<128x16xf32, #tpu.memory_space<vmem>>) offsets(%dma_start3A_102 : memref<128xi32, #tpu.memory_space<vmem>>) semaphore(%arg19 : memref<!tpu.dma_semaphore, #tpu.memory_space<semaphore_mem>>)
      %dma_start3A_106 = arith.constant 0 : i32
      %dma_start3A_107 = arith.constant 0 : i32
      %dma_start3A_108 = arith.constant 0 : i32
      %dma_start3A_109 = arith.constant 0 : i32
      %dma_start3A_110 = tpu.memref_slice %arg16[%dma_start3A_107, %dma_start3A_108, %dma_start3A_109] : memref<2x128x16xf32, #tpu.memory_space<vmem>> -> memref<1x128x16xf32, #tpu.memory_space<vmem>>
      %dma_start3A_111 = tpu.memref_squeeze %dma_start3A_110 : memref<1x128x16xf32, #tpu.memory_space<vmem>> -> memref<128x16xf32, #tpu.memory_space<vmem>>
      %dma_start3A_112 = arith.constant 0 : i32
      %dma_start3A_113 = tpu.memref_slice %arg12[%dma_start3A_106, %dma_start3A_112] : memref<2x128xi32, #tpu.memory_space<vmem>> -> memref<1x128xi32, #tpu.memory_space<vmem>>
      %dma_start3A_114 = tpu.memref_squeeze %dma_start3A_113 : memref<1x128xi32, #tpu.memory_space<vmem>> -> memref<128xi32, #tpu.memory_space<vmem>>
      %dma_start3A_115 = arith.constant 0 : i32
      %dma_start3A_116 = arith.constant 0 : i32
      %dma_start3A_117 = tpu.memref_slice %arg4[%dma_start3A_115, %dma_start3A_116] : memref<10000x16xf32, #tpu.memory_space<hbm>> -> memref<10000x16xf32, #tpu.memory_space<hbm>>
      tpu.enqueue_indirect_dma source(%dma_start3A_117 : memref<10000x16xf32, #tpu.memory_space<hbm>>) target(%dma_start3A_111 : memref<128x16xf32, #tpu.memory_space<vmem>>) offsets(%dma_start3A_114 : memref<128xi32, #tpu.memory_space<vmem>>) semaphore(%arg19 : memref<!tpu.dma_semaphore, #tpu.memory_space<semaphore_mem>>)
      %dma_wait3A_118 = arith.constant 0 : i32
      %dma_wait3A_119 = arith.constant 0 : i32
      %dma_wait3A_120 = arith.constant 0 : i32
      %dma_wait3A_121 = arith.constant 0 : i32
      %dma_wait3A_122 = tpu.memref_slice %arg13[%dma_wait3A_119, %dma_wait3A_120, %dma_wait3A_121] : memref<2x128x128xf32, #tpu.memory_space<vmem>> -> memref<1x128x128xf32, #tpu.memory_space<vmem>>
      %dma_wait3A_123 = tpu.memref_squeeze %dma_wait3A_122 : memref<1x128x128xf32, #tpu.memory_space<vmem>> -> memref<128x128xf32, #tpu.memory_space<vmem>>
      %dma_wait3A_124 = arith.constant 0 : i32
      %dma_wait3A_125 = tpu.memref_slice %arg11[%dma_wait3A_118, %dma_wait3A_124] : memref<2x128xi32, #tpu.memory_space<vmem>> -> memref<1x128xi32, #tpu.memory_space<vmem>>
      %dma_wait3A_126 = tpu.memref_squeeze %dma_wait3A_125 : memref<1x128xi32, #tpu.memory_space<vmem>> -> memref<128xi32, #tpu.memory_space<vmem>>
      %dma_wait3A_127 = arith.constant 0 : i32
      %dma_wait3A_128 = arith.constant 0 : i32
      %dma_wait3A_129 = tpu.memref_slice %arg2[%dma_wait3A_127, %dma_wait3A_128] : memref<10000x128xf32, #tpu.memory_space<hbm>> -> memref<10000x128xf32, #tpu.memory_space<hbm>>
      tpu.wait_indirect_dma semaphore(%arg19 : memref<!tpu.dma_semaphore, #tpu.memory_space<semaphore_mem>>) src(%dma_wait3A_129 : memref<10000x128xf32, #tpu.memory_space<hbm>>) dst(%dma_wait3A_123 : memref<128x128xf32, #tpu.memory_space<vmem>>)
      %dma_wait3A_130 = arith.constant 0 : i32
      %dma_wait3A_131 = arith.constant 0 : i32
      %dma_wait3A_132 = arith.constant 0 : i32
      %dma_wait3A_133 = arith.constant 0 : i32
      %dma_wait3A_134 = tpu.memref_slice %arg14[%dma_wait3A_131, %dma_wait3A_132, %dma_wait3A_133] : memref<2x128x128xf32, #tpu.memory_space<vmem>> -> memref<1x128x128xf32, #tpu.memory_space<vmem>>
      %dma_wait3A_135 = tpu.memref_squeeze %dma_wait3A_134 : memref<1x128x128xf32, #tpu.memory_space<vmem>> -> memref<128x128xf32, #tpu.memory_space<vmem>>
      %dma_wait3A_136 = arith.constant 0 : i32
      %dma_wait3A_137 = tpu.memref_slice %arg12[%dma_wait3A_130, %dma_wait3A_136] : memref<2x128xi32, #tpu.memory_space<vmem>> -> memref<1x128xi32, #tpu.memory_space<vmem>>
      %dma_wait3A_138 = tpu.memref_squeeze %dma_wait3A_137 : memref<1x128xi32, #tpu.memory_space<vmem>> -> memref<128xi32, #tpu.memory_space<vmem>>
      %dma_wait3A_139 = arith.constant 0 : i32
      %dma_wait3A_140 = arith.constant 0 : i32
      %dma_wait3A_141 = tpu.memref_slice %arg3[%dma_wait3A_139, %dma_wait3A_140] : memref<10000x128xf32, #tpu.memory_space<hbm>> -> memref<10000x128xf32, #tpu.memory_space<hbm>>
      tpu.wait_indirect_dma semaphore(%arg19 : memref<!tpu.dma_semaphore, #tpu.memory_space<semaphore_mem>>) src(%dma_wait3A_141 : memref<10000x128xf32, #tpu.memory_space<hbm>>) dst(%dma_wait3A_135 : memref<128x128xf32, #tpu.memory_space<vmem>>)
      %dma_wait3A_142 = arith.constant 0 : i32
      %dma_wait3A_143 = arith.constant 0 : i32
      %dma_wait3A_144 = arith.constant 0 : i32
      %dma_wait3A_145 = arith.constant 0 : i32
      %dma_wait3A_146 = tpu.memref_slice %arg15[%dma_wait3A_143, %dma_wait3A_144, %dma_wait3A_145] : memref<2x128x16xf32, #tpu.memory_space<vmem>> -> memref<1x128x16xf32, #tpu.memory_space<vmem>>
      %dma_wait3A_147 = tpu.memref_squeeze %dma_wait3A_146 : memref<1x128x16xf32, #tpu.memory_space<vmem>> -> memref<128x16xf32, #tpu.memory_space<vmem>>
      %dma_wait3A_148 = arith.constant 0 : i32
      %dma_wait3A_149 = tpu.memref_slice %arg11[%dma_wait3A_142, %dma_wait3A_148] : memref<2x128xi32, #tpu.memory_space<vmem>> -> memref<1x128xi32, #tpu.memory_space<vmem>>
      %dma_wait3A_150 = tpu.memref_squeeze %dma_wait3A_149 : memref<1x128xi32, #tpu.memory_space<vmem>> -> memref<128xi32, #tpu.memory_space<vmem>>
      %dma_wait3A_151 = arith.constant 0 : i32
      %dma_wait3A_152 = arith.constant 0 : i32
      %dma_wait3A_153 = tpu.memref_slice %arg4[%dma_wait3A_151, %dma_wait3A_152] : memref<10000x16xf32, #tpu.memory_space<hbm>> -> memref<10000x16xf32, #tpu.memory_space<hbm>>
      tpu.wait_indirect_dma semaphore(%arg19 : memref<!tpu.dma_semaphore, #tpu.memory_space<semaphore_mem>>) src(%dma_wait3A_153 : memref<10000x16xf32, #tpu.memory_space<hbm>>) dst(%dma_wait3A_147 : memref<128x16xf32, #tpu.memory_space<vmem>>)
      %dma_wait3A_154 = arith.constant 0 : i32
      %dma_wait3A_155 = arith.constant 0 : i32
      %dma_wait3A_156 = arith.constant 0 : i32
      %dma_wait3A_157 = arith.constant 0 : i32
      %dma_wait3A_158 = tpu.memref_slice %arg16[%dma_wait3A_155, %dma_wait3A_156, %dma_wait3A_157] : memref<2x128x16xf32, #tpu.memory_space<vmem>> -> memref<1x128x16xf32, #tpu.memory_space<vmem>>
      %dma_wait3A_159 = tpu.memref_squeeze %dma_wait3A_158 : memref<1x128x16xf32, #tpu.memory_space<vmem>> -> memref<128x16xf32, #tpu.memory_space<vmem>>
      %dma_wait3A_160 = arith.constant 0 : i32
      %dma_wait3A_161 = tpu.memref_slice %arg12[%dma_wait3A_154, %dma_wait3A_160] : memref<2x128xi32, #tpu.memory_space<vmem>> -> memref<1x128xi32, #tpu.memory_space<vmem>>
      %dma_wait3A_162 = tpu.memref_squeeze %dma_wait3A_161 : memref<1x128xi32, #tpu.memory_space<vmem>> -> memref<128xi32, #tpu.memory_space<vmem>>
      %dma_wait3A_163 = arith.constant 0 : i32
      %dma_wait3A_164 = arith.constant 0 : i32
      %dma_wait3A_165 = tpu.memref_slice %arg4[%dma_wait3A_163, %dma_wait3A_164] : memref<10000x16xf32, #tpu.memory_space<hbm>> -> memref<10000x16xf32, #tpu.memory_space<hbm>>
      tpu.wait_indirect_dma semaphore(%arg19 : memref<!tpu.dma_semaphore, #tpu.memory_space<semaphore_mem>>) src(%dma_wait3A_165 : memref<10000x16xf32, #tpu.memory_space<hbm>>) dst(%dma_wait3A_159 : memref<128x16xf32, #tpu.memory_space<vmem>>)
      %add3A_166 = arith.constant 0 : i32
      %add3A_167 = arith.addi %add3A_8, %add3A_166 : i32
      %multiple_of3A_168 = tpu.assume_multiple %add3A_167, 128 : i32
      %dma_start3A_169 = arith.constant 0 : i32
      %dma_start3A_170 = arith.constant 0 : i32
      %dma_start3A_171 = arith.constant 0 : i32
      %dma_start3A_172 = tpu.memref_slice %arg13[%dma_start3A_169, %dma_start3A_170, %dma_start3A_171] : memref<2x128x128xf32, #tpu.memory_space<vmem>> -> memref<1x128x128xf32, #tpu.memory_space<vmem>>
      %dma_start3A_173 = tpu.memref_squeeze %dma_start3A_172 : memref<1x128x128xf32, #tpu.memory_space<vmem>> -> memref<128x128xf32, #tpu.memory_space<vmem>>
      %dma_start3A_174 = arith.constant 0 : i32
      %dma_start3A_175 = tpu.memref_slice %arg7[%multiple_of3A_168, %dma_start3A_174] : memref<327680x128xf32, #tpu.memory_space<hbm>> -> memref<128x128xf32, #tpu.memory_space<hbm>>
      %dma_start3A_176 = arith.constant 0 : i32
      %dma_start3A_177 = tpu.memref_slice %arg7[%multiple_of3A_168, %dma_start3A_176] : memref<327680x128xf32, #tpu.memory_space<hbm>> -> memref<128x128xf32, #tpu.memory_space<hbm>>
      %dma_start3A_178 = arith.constant 0 : i32
      %dma_start3A_179 = arith.constant 0 : i32
      %dma_start3A_180 = tpu.memref_slice %arg13[%dma_start3A_169, %dma_start3A_178, %dma_start3A_179] : memref<2x128x128xf32, #tpu.memory_space<vmem>> -> memref<1x128x128xf32, #tpu.memory_space<vmem>>
      %dma_start3A_181 = tpu.memref_squeeze %dma_start3A_180 : memref<1x128x128xf32, #tpu.memory_space<vmem>> -> memref<128x128xf32, #tpu.memory_space<vmem>>
      tpu.enqueue_dma source(%dma_start3A_181 : memref<128x128xf32, #tpu.memory_space<vmem>>) target(%dma_start3A_177 : memref<128x128xf32, #tpu.memory_space<hbm>>) target_semaphore(%arg21 : memref<!tpu.dma_semaphore, #tpu.memory_space<semaphore_mem>>)
      %dma_start3A_182 = arith.constant 0 : i32
      %dma_start3A_183 = arith.constant 0 : i32
      %dma_start3A_184 = arith.constant 0 : i32
      %dma_start3A_185 = tpu.memref_slice %arg14[%dma_start3A_182, %dma_start3A_183, %dma_start3A_184] : memref<2x128x128xf32, #tpu.memory_space<vmem>> -> memref<1x128x128xf32, #tpu.memory_space<vmem>>
      %dma_start3A_186 = tpu.memref_squeeze %dma_start3A_185 : memref<1x128x128xf32, #tpu.memory_space<vmem>> -> memref<128x128xf32, #tpu.memory_space<vmem>>
      %dma_start3A_187 = arith.constant 0 : i32
      %dma_start3A_188 = tpu.memref_slice %arg8[%multiple_of3A_168, %dma_start3A_187] : memref<327680x128xf32, #tpu.memory_space<hbm>> -> memref<128x128xf32, #tpu.memory_space<hbm>>
      %dma_start3A_189 = arith.constant 0 : i32
      %dma_start3A_190 = tpu.memref_slice %arg8[%multiple_of3A_168, %dma_start3A_189] : memref<327680x128xf32, #tpu.memory_space<hbm>> -> memref<128x128xf32, #tpu.memory_space<hbm>>
      %dma_start3A_191 = arith.constant 0 : i32
      %dma_start3A_192 = arith.constant 0 : i32
      %dma_start3A_193 = tpu.memref_slice %arg14[%dma_start3A_182, %dma_start3A_191, %dma_start3A_192] : memref<2x128x128xf32, #tpu.memory_space<vmem>> -> memref<1x128x128xf32, #tpu.memory_space<vmem>>
      %dma_start3A_194 = tpu.memref_squeeze %dma_start3A_193 : memref<1x128x128xf32, #tpu.memory_space<vmem>> -> memref<128x128xf32, #tpu.memory_space<vmem>>
      tpu.enqueue_dma source(%dma_start3A_194 : memref<128x128xf32, #tpu.memory_space<vmem>>) target(%dma_start3A_190 : memref<128x128xf32, #tpu.memory_space<hbm>>) target_semaphore(%arg21 : memref<!tpu.dma_semaphore, #tpu.memory_space<semaphore_mem>>)
      %dma_start3A_195 = arith.constant 0 : i32
      %dma_start3A_196 = arith.constant 0 : i32
      %dma_start3A_197 = arith.constant 0 : i32
      %dma_start3A_198 = tpu.memref_slice %arg15[%dma_start3A_195, %dma_start3A_196, %dma_start3A_197] : memref<2x128x16xf32, #tpu.memory_space<vmem>> -> memref<1x128x16xf32, #tpu.memory_space<vmem>>
      %dma_start3A_199 = tpu.memref_squeeze %dma_start3A_198 : memref<1x128x16xf32, #tpu.memory_space<vmem>> -> memref<128x16xf32, #tpu.memory_space<vmem>>
      %dma_start3A_200 = arith.constant 0 : i32
      %dma_start3A_201 = tpu.memref_slice %arg9[%multiple_of3A_168, %dma_start3A_200] : memref<327680x16xf32, #tpu.memory_space<hbm>> -> memref<128x16xf32, #tpu.memory_space<hbm>>
      %dma_start3A_202 = arith.constant 0 : i32
      %dma_start3A_203 = tpu.memref_slice %arg9[%multiple_of3A_168, %dma_start3A_202] : memref<327680x16xf32, #tpu.memory_space<hbm>> -> memref<128x16xf32, #tpu.memory_space<hbm>>
      %dma_start3A_204 = arith.constant 0 : i32
      %dma_start3A_205 = arith.constant 0 : i32
      %dma_start3A_206 = tpu.memref_slice %arg15[%dma_start3A_195, %dma_start3A_204, %dma_start3A_205] : memref<2x128x16xf32, #tpu.memory_space<vmem>> -> memref<1x128x16xf32, #tpu.memory_space<vmem>>
      %dma_start3A_207 = tpu.memref_squeeze %dma_start3A_206 : memref<1x128x16xf32, #tpu.memory_space<vmem>> -> memref<128x16xf32, #tpu.memory_space<vmem>>
      tpu.enqueue_dma source(%dma_start3A_207 : memref<128x16xf32, #tpu.memory_space<vmem>>) target(%dma_start3A_203 : memref<128x16xf32, #tpu.memory_space<hbm>>) target_semaphore(%arg21 : memref<!tpu.dma_semaphore, #tpu.memory_space<semaphore_mem>>)
      %dma_start3A_208 = arith.constant 0 : i32
      %dma_start3A_209 = arith.constant 0 : i32
      %dma_start3A_210 = arith.constant 0 : i32
      %dma_start3A_211 = tpu.memref_slice %arg16[%dma_start3A_208, %dma_start3A_209, %dma_start3A_210] : memref<2x128x16xf32, #tpu.memory_space<vmem>> -> memref<1x128x16xf32, #tpu.memory_space<vmem>>
      %dma_start3A_212 = tpu.memref_squeeze %dma_start3A_211 : memref<1x128x16xf32, #tpu.memory_space<vmem>> -> memref<128x16xf32, #tpu.memory_space<vmem>>
      %dma_start3A_213 = arith.constant 0 : i32
      %dma_start3A_214 = tpu.memref_slice %arg10[%multiple_of3A_168, %dma_start3A_213] : memref<327680x16xf32, #tpu.memory_space<hbm>> -> memref<128x16xf32, #tpu.memory_space<hbm>>
      %dma_start3A_215 = arith.constant 0 : i32
      %dma_start3A_216 = tpu.memref_slice %arg10[%multiple_of3A_168, %dma_start3A_215] : memref<327680x16xf32, #tpu.memory_space<hbm>> -> memref<128x16xf32, #tpu.memory_space<hbm>>
      %dma_start3A_217 = arith.constant 0 : i32
      %dma_start3A_218 = arith.constant 0 : i32
      %dma_start3A_219 = tpu.memref_slice %arg16[%dma_start3A_208, %dma_start3A_217, %dma_start3A_218] : memref<2x128x16xf32, #tpu.memory_space<vmem>> -> memref<1x128x16xf32, #tpu.memory_space<vmem>>
      %dma_start3A_220 = tpu.memref_squeeze %dma_start3A_219 : memref<1x128x16xf32, #tpu.memory_space<vmem>> -> memref<128x16xf32, #tpu.memory_space<vmem>>
      tpu.enqueue_dma source(%dma_start3A_220 : memref<128x16xf32, #tpu.memory_space<vmem>>) target(%dma_start3A_216 : memref<128x16xf32, #tpu.memory_space<hbm>>) target_semaphore(%arg21 : memref<!tpu.dma_semaphore, #tpu.memory_space<semaphore_mem>>)
      %dma_wait3A_221 = arith.constant 1 : i32
      %dma_wait3A_222 = arith.constant 0 : i32
      %dma_wait3A_223 = tpu.memref_slice %arg11[%dma_wait3A_221, %dma_wait3A_222] : memref<2x128xi32, #tpu.memory_space<vmem>> -> memref<1x128xi32, #tpu.memory_space<vmem>>
      %dma_wait3A_224 = tpu.memref_squeeze %dma_wait3A_223 : memref<1x128xi32, #tpu.memory_space<vmem>> -> memref<128xi32, #tpu.memory_space<vmem>>
      %dma_wait3A_225 = arith.constant 0 : i32
      %dma_wait3A_226 = tpu.memref_slice %arg5[%dma_wait3A_225] : memref<327680xi32, #tpu.memory_space<hbm>> -> memref<128xi32, #tpu.memory_space<hbm>>
      %dma_wait3A_227 = arith.constant 0 : i32
      %dma_wait3A_228 = tpu.memref_slice %arg11[%dma_wait3A_221, %dma_wait3A_227] : memref<2x128xi32, #tpu.memory_space<vmem>> -> memref<1x128xi32, #tpu.memory_space<vmem>>
      %dma_wait3A_229 = tpu.memref_squeeze %dma_wait3A_228 : memref<1x128xi32, #tpu.memory_space<vmem>> -> memref<128xi32, #tpu.memory_space<vmem>>
      %dma_wait3A_230 = arith.constant 0 : i32
      %dma_wait3A_231 = tpu.memref_slice %arg5[%dma_wait3A_230] : memref<327680xi32, #tpu.memory_space<hbm>> -> memref<128xi32, #tpu.memory_space<hbm>>
      tpu.wait_dma2 semaphore(%arg18 : memref<!tpu.dma_semaphore, #tpu.memory_space<semaphore_mem>>) src(%dma_wait3A_231 : memref<128xi32, #tpu.memory_space<hbm>>) dst(%dma_wait3A_229 : memref<128xi32, #tpu.memory_space<vmem>>)
      %dma_wait3A_232 = arith.constant 1 : i32
      %dma_wait3A_233 = arith.constant 0 : i32
      %dma_wait3A_234 = tpu.memref_slice %arg12[%dma_wait3A_232, %dma_wait3A_233] : memref<2x128xi32, #tpu.memory_space<vmem>> -> memref<1x128xi32, #tpu.memory_space<vmem>>
      %dma_wait3A_235 = tpu.memref_squeeze %dma_wait3A_234 : memref<1x128xi32, #tpu.memory_space<vmem>> -> memref<128xi32, #tpu.memory_space<vmem>>
      %dma_wait3A_236 = arith.constant 0 : i32
      %dma_wait3A_237 = tpu.memref_slice %arg6[%dma_wait3A_236] : memref<327680xi32, #tpu.memory_space<hbm>> -> memref<128xi32, #tpu.memory_space<hbm>>
      %dma_wait3A_238 = arith.constant 0 : i32
      %dma_wait3A_239 = tpu.memref_slice %arg12[%dma_wait3A_232, %dma_wait3A_238] : memref<2x128xi32, #tpu.memory_space<vmem>> -> memref<1x128xi32, #tpu.memory_space<vmem>>
      %dma_wait3A_240 = tpu.memref_squeeze %dma_wait3A_239 : memref<1x128xi32, #tpu.memory_space<vmem>> -> memref<128xi32, #tpu.memory_space<vmem>>
      %dma_wait3A_241 = arith.constant 0 : i32
      %dma_wait3A_242 = tpu.memref_slice %arg6[%dma_wait3A_241] : memref<327680xi32, #tpu.memory_space<hbm>> -> memref<128xi32, #tpu.memory_space<hbm>>
      tpu.wait_dma2 semaphore(%arg18 : memref<!tpu.dma_semaphore, #tpu.memory_space<semaphore_mem>>) src(%dma_wait3A_242 : memref<128xi32, #tpu.memory_space<hbm>>) dst(%dma_wait3A_240 : memref<128xi32, #tpu.memory_space<vmem>>)
      %add3A_243 = arith.constant 256 : i32
      %add3A_244 = arith.addi %add3A_8, %add3A_243 : i32
      %multiple_of3A_245 = tpu.assume_multiple %add3A_244, 128 : i32
      %dma_start3A_246 = arith.constant 0 : i32
      %dma_start3A_247 = arith.constant 0 : i32
      %dma_start3A_248 = tpu.memref_slice %arg11[%dma_start3A_246, %dma_start3A_247] : memref<2x128xi32, #tpu.memory_space<vmem>> -> memref<1x128xi32, #tpu.memory_space<vmem>>
      %dma_start3A_249 = tpu.memref_squeeze %dma_start3A_248 : memref<1x128xi32, #tpu.memory_space<vmem>> -> memref<128xi32, #tpu.memory_space<vmem>>
      %dma_start3A_250 = tpu.memref_slice %arg5[%multiple_of3A_245] : memref<327680xi32, #tpu.memory_space<hbm>> -> memref<128xi32, #tpu.memory_space<hbm>>
      %dma_start3A_251 = arith.constant 0 : i32
      %dma_start3A_252 = tpu.memref_slice %arg11[%dma_start3A_246, %dma_start3A_251] : memref<2x128xi32, #tpu.memory_space<vmem>> -> memref<1x128xi32, #tpu.memory_space<vmem>>
      %dma_start3A_253 = tpu.memref_squeeze %dma_start3A_252 : memref<1x128xi32, #tpu.memory_space<vmem>> -> memref<128xi32, #tpu.memory_space<vmem>>
      %dma_start3A_254 = tpu.memref_slice %arg5[%multiple_of3A_245] : memref<327680xi32, #tpu.memory_space<hbm>> -> memref<128xi32, #tpu.memory_space<hbm>>
      tpu.enqueue_dma source(%dma_start3A_254 : memref<128xi32, #tpu.memory_space<hbm>>) target(%dma_start3A_253 : memref<128xi32, #tpu.memory_space<vmem>>) target_semaphore(%arg17 : memref<!tpu.dma_semaphore, #tpu.memory_space<semaphore_mem>>)
      %dma_start3A_255 = arith.constant 0 : i32
      %dma_start3A_256 = arith.constant 0 : i32
      %dma_start3A_257 = tpu.memref_slice %arg12[%dma_start3A_255, %dma_start3A_256] : memref<2x128xi32, #tpu.memory_space<vmem>> -> memref<1x128xi32, #tpu.memory_space<vmem>>
      %dma_start3A_258 = tpu.memref_squeeze %dma_start3A_257 : memref<1x128xi32, #tpu.memory_space<vmem>> -> memref<128xi32, #tpu.memory_space<vmem>>
      %dma_start3A_259 = tpu.memref_slice %arg6[%multiple_of3A_245] : memref<327680xi32, #tpu.memory_space<hbm>> -> memref<128xi32, #tpu.memory_space<hbm>>
      %dma_start3A_260 = arith.constant 0 : i32
      %dma_start3A_261 = tpu.memref_slice %arg12[%dma_start3A_255, %dma_start3A_260] : memref<2x128xi32, #tpu.memory_space<vmem>> -> memref<1x128xi32, #tpu.memory_space<vmem>>
      %dma_start3A_262 = tpu.memref_squeeze %dma_start3A_261 : memref<1x128xi32, #tpu.memory_space<vmem>> -> memref<128xi32, #tpu.memory_space<vmem>>
      %dma_start3A_263 = tpu.memref_slice %arg6[%multiple_of3A_245] : memref<327680xi32, #tpu.memory_space<hbm>> -> memref<128xi32, #tpu.memory_space<hbm>>
      tpu.enqueue_dma source(%dma_start3A_263 : memref<128xi32, #tpu.memory_space<hbm>>) target(%dma_start3A_262 : memref<128xi32, #tpu.memory_space<vmem>>) target_semaphore(%arg17 : memref<!tpu.dma_semaphore, #tpu.memory_space<semaphore_mem>>)
      %dma_start3A_264 = arith.constant 1 : i32
      %dma_start3A_265 = arith.constant 1 : i32
      %dma_start3A_266 = arith.constant 0 : i32
      %dma_start3A_267 = arith.constant 0 : i32
      %dma_start3A_268 = tpu.memref_slice %arg13[%dma_start3A_265, %dma_start3A_266, %dma_start3A_267] : memref<2x128x128xf32, #tpu.memory_space<vmem>> -> memref<1x128x128xf32, #tpu.memory_space<vmem>>
      %dma_start3A_269 = tpu.memref_squeeze %dma_start3A_268 : memref<1x128x128xf32, #tpu.memory_space<vmem>> -> memref<128x128xf32, #tpu.memory_space<vmem>>
      %dma_start3A_270 = arith.constant 0 : i32
      %dma_start3A_271 = tpu.memref_slice %arg11[%dma_start3A_264, %dma_start3A_270] : memref<2x128xi32, #tpu.memory_space<vmem>> -> memref<1x128xi32, #tpu.memory_space<vmem>>
      %dma_start3A_272 = tpu.memref_squeeze %dma_start3A_271 : memref<1x128xi32, #tpu.memory_space<vmem>> -> memref<128xi32, #tpu.memory_space<vmem>>
      %dma_start3A_273 = arith.constant 0 : i32
      %dma_start3A_274 = arith.constant 0 : i32
      %dma_start3A_275 = tpu.memref_slice %arg2[%dma_start3A_273, %dma_start3A_274] : memref<10000x128xf32, #tpu.memory_space<hbm>> -> memref<10000x128xf32, #tpu.memory_space<hbm>>
      tpu.enqueue_indirect_dma source(%dma_start3A_275 : memref<10000x128xf32, #tpu.memory_space<hbm>>) target(%dma_start3A_269 : memref<128x128xf32, #tpu.memory_space<vmem>>) offsets(%dma_start3A_272 : memref<128xi32, #tpu.memory_space<vmem>>) semaphore(%arg20 : memref<!tpu.dma_semaphore, #tpu.memory_space<semaphore_mem>>)
      %dma_start3A_276 = arith.constant 1 : i32
      %dma_start3A_277 = arith.constant 1 : i32
      %dma_start3A_278 = arith.constant 0 : i32
      %dma_start3A_279 = arith.constant 0 : i32
      %dma_start3A_280 = tpu.memref_slice %arg14[%dma_start3A_277, %dma_start3A_278, %dma_start3A_279] : memref<2x128x128xf32, #tpu.memory_space<vmem>> -> memref<1x128x128xf32, #tpu.memory_space<vmem>>
      %dma_start3A_281 = tpu.memref_squeeze %dma_start3A_280 : memref<1x128x128xf32, #tpu.memory_space<vmem>> -> memref<128x128xf32, #tpu.memory_space<vmem>>
      %dma_start3A_282 = arith.constant 0 : i32
      %dma_start3A_283 = tpu.memref_slice %arg12[%dma_start3A_276, %dma_start3A_282] : memref<2x128xi32, #tpu.memory_space<vmem>> -> memref<1x128xi32, #tpu.memory_space<vmem>>
      %dma_start3A_284 = tpu.memref_squeeze %dma_start3A_283 : memref<1x128xi32, #tpu.memory_space<vmem>> -> memref<128xi32, #tpu.memory_space<vmem>>
      %dma_start3A_285 = arith.constant 0 : i32
      %dma_start3A_286 = arith.constant 0 : i32
      %dma_start3A_287 = tpu.memref_slice %arg3[%dma_start3A_285, %dma_start3A_286] : memref<10000x128xf32, #tpu.memory_space<hbm>> -> memref<10000x128xf32, #tpu.memory_space<hbm>>
      tpu.enqueue_indirect_dma source(%dma_start3A_287 : memref<10000x128xf32, #tpu.memory_space<hbm>>) target(%dma_start3A_281 : memref<128x128xf32, #tpu.memory_space<vmem>>) offsets(%dma_start3A_284 : memref<128xi32, #tpu.memory_space<vmem>>) semaphore(%arg20 : memref<!tpu.dma_semaphore, #tpu.memory_space<semaphore_mem>>)
      %dma_start3A_288 = arith.constant 1 : i32
      %dma_start3A_289 = arith.constant 1 : i32
      %dma_start3A_290 = arith.constant 0 : i32
      %dma_start3A_291 = arith.constant 0 : i32
      %dma_start3A_292 = tpu.memref_slice %arg15[%dma_start3A_289, %dma_start3A_290, %dma_start3A_291] : memref<2x128x16xf32, #tpu.memory_space<vmem>> -> memref<1x128x16xf32, #tpu.memory_space<vmem>>
      %dma_start3A_293 = tpu.memref_squeeze %dma_start3A_292 : memref<1x128x16xf32, #tpu.memory_space<vmem>> -> memref<128x16xf32, #tpu.memory_space<vmem>>
      %dma_start3A_294 = arith.constant 0 : i32
      %dma_start3A_295 = tpu.memref_slice %arg11[%dma_start3A_288, %dma_start3A_294] : memref<2x128xi32, #tpu.memory_space<vmem>> -> memref<1x128xi32, #tpu.memory_space<vmem>>
      %dma_start3A_296 = tpu.memref_squeeze %dma_start3A_295 : memref<1x128xi32, #tpu.memory_space<vmem>> -> memref<128xi32, #tpu.memory_space<vmem>>
      %dma_start3A_297 = arith.constant 0 : i32
      %dma_start3A_298 = arith.constant 0 : i32
      %dma_start3A_299 = tpu.memref_slice %arg4[%dma_start3A_297, %dma_start3A_298] : memref<10000x16xf32, #tpu.memory_space<hbm>> -> memref<10000x16xf32, #tpu.memory_space<hbm>>
      tpu.enqueue_indirect_dma source(%dma_start3A_299 : memref<10000x16xf32, #tpu.memory_space<hbm>>) target(%dma_start3A_293 : memref<128x16xf32, #tpu.memory_space<vmem>>) offsets(%dma_start3A_296 : memref<128xi32, #tpu.memory_space<vmem>>) semaphore(%arg20 : memref<!tpu.dma_semaphore, #tpu.memory_space<semaphore_mem>>)
      %dma_start3A_300 = arith.constant 1 : i32
      %dma_start3A_301 = arith.constant 1 : i32
      %dma_start3A_302 = arith.constant 0 : i32
      %dma_start3A_303 = arith.constant 0 : i32
      %dma_start3A_304 = tpu.memref_slice %arg16[%dma_start3A_301, %dma_start3A_302, %dma_start3A_303] : memref<2x128x16xf32, #tpu.memory_space<vmem>> -> memref<1x128x16xf32, #tpu.memory_space<vmem>>
      %dma_start3A_305 = tpu.memref_squeeze %dma_start3A_304 : memref<1x128x16xf32, #tpu.memory_space<vmem>> -> memref<128x16xf32, #tpu.memory_space<vmem>>
      %dma_start3A_306 = arith.constant 0 : i32
      %dma_start3A_307 = tpu.memref_slice %arg12[%dma_start3A_300, %dma_start3A_306] : memref<2x128xi32, #tpu.memory_space<vmem>> -> memref<1x128xi32, #tpu.memory_space<vmem>>
      %dma_start3A_308 = tpu.memref_squeeze %dma_start3A_307 : memref<1x128xi32, #tpu.memory_space<vmem>> -> memref<128xi32, #tpu.memory_space<vmem>>
      %dma_start3A_309 = arith.constant 0 : i32
      %dma_start3A_310 = arith.constant 0 : i32
      %dma_start3A_311 = tpu.memref_slice %arg4[%dma_start3A_309, %dma_start3A_310] : memref<10000x16xf32, #tpu.memory_space<hbm>> -> memref<10000x16xf32, #tpu.memory_space<hbm>>
      tpu.enqueue_indirect_dma source(%dma_start3A_311 : memref<10000x16xf32, #tpu.memory_space<hbm>>) target(%dma_start3A_305 : memref<128x16xf32, #tpu.memory_space<vmem>>) offsets(%dma_start3A_308 : memref<128xi32, #tpu.memory_space<vmem>>) semaphore(%arg20 : memref<!tpu.dma_semaphore, #tpu.memory_space<semaphore_mem>>)
      %scan3A = arith.constant 0 : i32
      %scan3A_312 = arith.constant 1 : i32
      %scan3A_313 = arith.constant 21 : i32
      %scan3A_314 = arith.addi %scan3A_312, %scan3A_313 : i32
      %scan3A_315 = arith.constant 1 : i32
      scf.for %scan3A_562 = %scan3A_312 to %scan3A_314 step %scan3A_315  : i32 {
        %mul3A_563 = arith.constant 2 : i32
        %mul3A_564 = arith.muli %mul3A_563, %scan3A_562 : i32
        %add3A_565 = arith.constant 0 : i32
        %add3A_566 = arith.addi %mul3A_564, %add3A_565 : i32
        %dma_wait3A_567 = arith.constant 0 : i32
        %dma_wait3A_568 = arith.constant 0 : i32
        %dma_wait3A_569 = arith.constant 0 : i32
        %dma_wait3A_570 = tpu.memref_slice %arg13[%dma_wait3A_567, %dma_wait3A_568, %dma_wait3A_569] : memref<2x128x128xf32, #tpu.memory_space<vmem>> -> memref<1x128x128xf32, #tpu.memory_space<vmem>>
        %dma_wait3A_571 = tpu.memref_squeeze %dma_wait3A_570 : memref<1x128x128xf32, #tpu.memory_space<vmem>> -> memref<128x128xf32, #tpu.memory_space<vmem>>
        %dma_wait3A_572 = arith.constant 0 : i32
        %dma_wait3A_573 = arith.constant 0 : i32
        %dma_wait3A_574 = tpu.memref_slice %arg7[%dma_wait3A_572, %dma_wait3A_573] : memref<327680x128xf32, #tpu.memory_space<hbm>> -> memref<128x128xf32, #tpu.memory_space<hbm>>
        %dma_wait3A_575 = arith.constant 0 : i32
        %dma_wait3A_576 = arith.constant 0 : i32
        %dma_wait3A_577 = tpu.memref_slice %arg7[%dma_wait3A_575, %dma_wait3A_576] : memref<327680x128xf32, #tpu.memory_space<hbm>> -> memref<128x128xf32, #tpu.memory_space<hbm>>
        %dma_wait3A_578 = arith.constant 0 : i32
        %dma_wait3A_579 = arith.constant 0 : i32
        %dma_wait3A_580 = tpu.memref_slice %arg13[%dma_wait3A_567, %dma_wait3A_578, %dma_wait3A_579] : memref<2x128x128xf32, #tpu.memory_space<vmem>> -> memref<1x128x128xf32, #tpu.memory_space<vmem>>
        %dma_wait3A_581 = tpu.memref_squeeze %dma_wait3A_580 : memref<1x128x128xf32, #tpu.memory_space<vmem>> -> memref<128x128xf32, #tpu.memory_space<vmem>>
        tpu.wait_dma2 semaphore(%arg21 : memref<!tpu.dma_semaphore, #tpu.memory_space<semaphore_mem>>) src(%dma_wait3A_581 : memref<128x128xf32, #tpu.memory_space<vmem>>) dst(%dma_wait3A_577 : memref<128x128xf32, #tpu.memory_space<hbm>>)
        %dma_wait3A_582 = arith.constant 0 : i32
        %dma_wait3A_583 = arith.constant 0 : i32
        %dma_wait3A_584 = arith.constant 0 : i32
        %dma_wait3A_585 = tpu.memref_slice %arg14[%dma_wait3A_582, %dma_wait3A_583, %dma_wait3A_584] : memref<2x128x128xf32, #tpu.memory_space<vmem>> -> memref<1x128x128xf32, #tpu.memory_space<vmem>>
        %dma_wait3A_586 = tpu.memref_squeeze %dma_wait3A_585 : memref<1x128x128xf32, #tpu.memory_space<vmem>> -> memref<128x128xf32, #tpu.memory_space<vmem>>
        %dma_wait3A_587 = arith.constant 0 : i32
        %dma_wait3A_588 = arith.constant 0 : i32
        %dma_wait3A_589 = tpu.memref_slice %arg8[%dma_wait3A_587, %dma_wait3A_588] : memref<327680x128xf32, #tpu.memory_space<hbm>> -> memref<128x128xf32, #tpu.memory_space<hbm>>
        %dma_wait3A_590 = arith.constant 0 : i32
        %dma_wait3A_591 = arith.constant 0 : i32
        %dma_wait3A_592 = tpu.memref_slice %arg8[%dma_wait3A_590, %dma_wait3A_591] : memref<327680x128xf32, #tpu.memory_space<hbm>> -> memref<128x128xf32, #tpu.memory_space<hbm>>
        %dma_wait3A_593 = arith.constant 0 : i32
        %dma_wait3A_594 = arith.constant 0 : i32
        %dma_wait3A_595 = tpu.memref_slice %arg14[%dma_wait3A_582, %dma_wait3A_593, %dma_wait3A_594] : memref<2x128x128xf32, #tpu.memory_space<vmem>> -> memref<1x128x128xf32, #tpu.memory_space<vmem>>
        %dma_wait3A_596 = tpu.memref_squeeze %dma_wait3A_595 : memref<1x128x128xf32, #tpu.memory_space<vmem>> -> memref<128x128xf32, #tpu.memory_space<vmem>>
        tpu.wait_dma2 semaphore(%arg21 : memref<!tpu.dma_semaphore, #tpu.memory_space<semaphore_mem>>) src(%dma_wait3A_596 : memref<128x128xf32, #tpu.memory_space<vmem>>) dst(%dma_wait3A_592 : memref<128x128xf32, #tpu.memory_space<hbm>>)
        %dma_wait3A_597 = arith.constant 0 : i32
        %dma_wait3A_598 = arith.constant 0 : i32
        %dma_wait3A_599 = arith.constant 0 : i32
        %dma_wait3A_600 = tpu.memref_slice %arg15[%dma_wait3A_597, %dma_wait3A_598, %dma_wait3A_599] : memref<2x128x16xf32, #tpu.memory_space<vmem>> -> memref<1x128x16xf32, #tpu.memory_space<vmem>>
        %dma_wait3A_601 = tpu.memref_squeeze %dma_wait3A_600 : memref<1x128x16xf32, #tpu.memory_space<vmem>> -> memref<128x16xf32, #tpu.memory_space<vmem>>
        %dma_wait3A_602 = arith.constant 0 : i32
        %dma_wait3A_603 = arith.constant 0 : i32
        %dma_wait3A_604 = tpu.memref_slice %arg9[%dma_wait3A_602, %dma_wait3A_603] : memref<327680x16xf32, #tpu.memory_space<hbm>> -> memref<128x16xf32, #tpu.memory_space<hbm>>
        %dma_wait3A_605 = arith.constant 0 : i32
        %dma_wait3A_606 = arith.constant 0 : i32
        %dma_wait3A_607 = tpu.memref_slice %arg9[%dma_wait3A_605, %dma_wait3A_606] : memref<327680x16xf32, #tpu.memory_space<hbm>> -> memref<128x16xf32, #tpu.memory_space<hbm>>
        %dma_wait3A_608 = arith.constant 0 : i32
        %dma_wait3A_609 = arith.constant 0 : i32
        %dma_wait3A_610 = tpu.memref_slice %arg15[%dma_wait3A_597, %dma_wait3A_608, %dma_wait3A_609] : memref<2x128x16xf32, #tpu.memory_space<vmem>> -> memref<1x128x16xf32, #tpu.memory_space<vmem>>
        %dma_wait3A_611 = tpu.memref_squeeze %dma_wait3A_610 : memref<1x128x16xf32, #tpu.memory_space<vmem>> -> memref<128x16xf32, #tpu.memory_space<vmem>>
        tpu.wait_dma2 semaphore(%arg21 : memref<!tpu.dma_semaphore, #tpu.memory_space<semaphore_mem>>) src(%dma_wait3A_611 : memref<128x16xf32, #tpu.memory_space<vmem>>) dst(%dma_wait3A_607 : memref<128x16xf32, #tpu.memory_space<hbm>>)
        %dma_wait3A_612 = arith.constant 0 : i32
        %dma_wait3A_613 = arith.constant 0 : i32
        %dma_wait3A_614 = arith.constant 0 : i32
        %dma_wait3A_615 = tpu.memref_slice %arg16[%dma_wait3A_612, %dma_wait3A_613, %dma_wait3A_614] : memref<2x128x16xf32, #tpu.memory_space<vmem>> -> memref<1x128x16xf32, #tpu.memory_space<vmem>>
        %dma_wait3A_616 = tpu.memref_squeeze %dma_wait3A_615 : memref<1x128x16xf32, #tpu.memory_space<vmem>> -> memref<128x16xf32, #tpu.memory_space<vmem>>
        %dma_wait3A_617 = arith.constant 0 : i32
        %dma_wait3A_618 = arith.constant 0 : i32
        %dma_wait3A_619 = tpu.memref_slice %arg10[%dma_wait3A_617, %dma_wait3A_618] : memref<327680x16xf32, #tpu.memory_space<hbm>> -> memref<128x16xf32, #tpu.memory_space<hbm>>
        %dma_wait3A_620 = arith.constant 0 : i32
        %dma_wait3A_621 = arith.constant 0 : i32
        %dma_wait3A_622 = tpu.memref_slice %arg10[%dma_wait3A_620, %dma_wait3A_621] : memref<327680x16xf32, #tpu.memory_space<hbm>> -> memref<128x16xf32, #tpu.memory_space<hbm>>
        %dma_wait3A_623 = arith.constant 0 : i32
        %dma_wait3A_624 = arith.constant 0 : i32
        %dma_wait3A_625 = tpu.memref_slice %arg16[%dma_wait3A_612, %dma_wait3A_623, %dma_wait3A_624] : memref<2x128x16xf32, #tpu.memory_space<vmem>> -> memref<1x128x16xf32, #tpu.memory_space<vmem>>
        %dma_wait3A_626 = tpu.memref_squeeze %dma_wait3A_625 : memref<1x128x16xf32, #tpu.memory_space<vmem>> -> memref<128x16xf32, #tpu.memory_space<vmem>>
        tpu.wait_dma2 semaphore(%arg21 : memref<!tpu.dma_semaphore, #tpu.memory_space<semaphore_mem>>) src(%dma_wait3A_626 : memref<128x16xf32, #tpu.memory_space<vmem>>) dst(%dma_wait3A_622 : memref<128x16xf32, #tpu.memory_space<hbm>>)
        %dma_wait3A_627 = arith.constant 1 : i32
        %dma_wait3A_628 = arith.constant 1 : i32
        %dma_wait3A_629 = arith.constant 0 : i32
        %dma_wait3A_630 = arith.constant 0 : i32
        %dma_wait3A_631 = tpu.memref_slice %arg13[%dma_wait3A_628, %dma_wait3A_629, %dma_wait3A_630] : memref<2x128x128xf32, #tpu.memory_space<vmem>> -> memref<1x128x128xf32, #tpu.memory_space<vmem>>
        %dma_wait3A_632 = tpu.memref_squeeze %dma_wait3A_631 : memref<1x128x128xf32, #tpu.memory_space<vmem>> -> memref<128x128xf32, #tpu.memory_space<vmem>>
        %dma_wait3A_633 = arith.constant 0 : i32
        %dma_wait3A_634 = tpu.memref_slice %arg11[%dma_wait3A_627, %dma_wait3A_633] : memref<2x128xi32, #tpu.memory_space<vmem>> -> memref<1x128xi32, #tpu.memory_space<vmem>>
        %dma_wait3A_635 = tpu.memref_squeeze %dma_wait3A_634 : memref<1x128xi32, #tpu.memory_space<vmem>> -> memref<128xi32, #tpu.memory_space<vmem>>
        %dma_wait3A_636 = arith.constant 0 : i32
        %dma_wait3A_637 = arith.constant 0 : i32
        %dma_wait3A_638 = tpu.memref_slice %arg2[%dma_wait3A_636, %dma_wait3A_637] : memref<10000x128xf32, #tpu.memory_space<hbm>> -> memref<10000x128xf32, #tpu.memory_space<hbm>>
        tpu.wait_indirect_dma semaphore(%arg20 : memref<!tpu.dma_semaphore, #tpu.memory_space<semaphore_mem>>) src(%dma_wait3A_638 : memref<10000x128xf32, #tpu.memory_space<hbm>>) dst(%dma_wait3A_632 : memref<128x128xf32, #tpu.memory_space<vmem>>)
        %dma_wait3A_639 = arith.constant 1 : i32
        %dma_wait3A_640 = arith.constant 1 : i32
        %dma_wait3A_641 = arith.constant 0 : i32
        %dma_wait3A_642 = arith.constant 0 : i32
        %dma_wait3A_643 = tpu.memref_slice %arg14[%dma_wait3A_640, %dma_wait3A_641, %dma_wait3A_642] : memref<2x128x128xf32, #tpu.memory_space<vmem>> -> memref<1x128x128xf32, #tpu.memory_space<vmem>>
        %dma_wait3A_644 = tpu.memref_squeeze %dma_wait3A_643 : memref<1x128x128xf32, #tpu.memory_space<vmem>> -> memref<128x128xf32, #tpu.memory_space<vmem>>
        %dma_wait3A_645 = arith.constant 0 : i32
        %dma_wait3A_646 = tpu.memref_slice %arg12[%dma_wait3A_639, %dma_wait3A_645] : memref<2x128xi32, #tpu.memory_space<vmem>> -> memref<1x128xi32, #tpu.memory_space<vmem>>
        %dma_wait3A_647 = tpu.memref_squeeze %dma_wait3A_646 : memref<1x128xi32, #tpu.memory_space<vmem>> -> memref<128xi32, #tpu.memory_space<vmem>>
        %dma_wait3A_648 = arith.constant 0 : i32
        %dma_wait3A_649 = arith.constant 0 : i32
        %dma_wait3A_650 = tpu.memref_slice %arg3[%dma_wait3A_648, %dma_wait3A_649] : memref<10000x128xf32, #tpu.memory_space<hbm>> -> memref<10000x128xf32, #tpu.memory_space<hbm>>
        tpu.wait_indirect_dma semaphore(%arg20 : memref<!tpu.dma_semaphore, #tpu.memory_space<semaphore_mem>>) src(%dma_wait3A_650 : memref<10000x128xf32, #tpu.memory_space<hbm>>) dst(%dma_wait3A_644 : memref<128x128xf32, #tpu.memory_space<vmem>>)
        %dma_wait3A_651 = arith.constant 1 : i32
        %dma_wait3A_652 = arith.constant 1 : i32
        %dma_wait3A_653 = arith.constant 0 : i32
        %dma_wait3A_654 = arith.constant 0 : i32
        %dma_wait3A_655 = tpu.memref_slice %arg15[%dma_wait3A_652, %dma_wait3A_653, %dma_wait3A_654] : memref<2x128x16xf32, #tpu.memory_space<vmem>> -> memref<1x128x16xf32, #tpu.memory_space<vmem>>
        %dma_wait3A_656 = tpu.memref_squeeze %dma_wait3A_655 : memref<1x128x16xf32, #tpu.memory_space<vmem>> -> memref<128x16xf32, #tpu.memory_space<vmem>>
        %dma_wait3A_657 = arith.constant 0 : i32
        %dma_wait3A_658 = tpu.memref_slice %arg11[%dma_wait3A_651, %dma_wait3A_657] : memref<2x128xi32, #tpu.memory_space<vmem>> -> memref<1x128xi32, #tpu.memory_space<vmem>>
        %dma_wait3A_659 = tpu.memref_squeeze %dma_wait3A_658 : memref<1x128xi32, #tpu.memory_space<vmem>> -> memref<128xi32, #tpu.memory_space<vmem>>
        %dma_wait3A_660 = arith.constant 0 : i32
        %dma_wait3A_661 = arith.constant 0 : i32
        %dma_wait3A_662 = tpu.memref_slice %arg4[%dma_wait3A_660, %dma_wait3A_661] : memref<10000x16xf32, #tpu.memory_space<hbm>> -> memref<10000x16xf32, #tpu.memory_space<hbm>>
        tpu.wait_indirect_dma semaphore(%arg20 : memref<!tpu.dma_semaphore, #tpu.memory_space<semaphore_mem>>) src(%dma_wait3A_662 : memref<10000x16xf32, #tpu.memory_space<hbm>>) dst(%dma_wait3A_656 : memref<128x16xf32, #tpu.memory_space<vmem>>)
        %dma_wait3A_663 = arith.constant 1 : i32
        %dma_wait3A_664 = arith.constant 1 : i32
        %dma_wait3A_665 = arith.constant 0 : i32
        %dma_wait3A_666 = arith.constant 0 : i32
        %dma_wait3A_667 = tpu.memref_slice %arg16[%dma_wait3A_664, %dma_wait3A_665, %dma_wait3A_666] : memref<2x128x16xf32, #tpu.memory_space<vmem>> -> memref<1x128x16xf32, #tpu.memory_space<vmem>>
        %dma_wait3A_668 = tpu.memref_squeeze %dma_wait3A_667 : memref<1x128x16xf32, #tpu.memory_space<vmem>> -> memref<128x16xf32, #tpu.memory_space<vmem>>
        %dma_wait3A_669 = arith.constant 0 : i32
        %dma_wait3A_670 = tpu.memref_slice %arg12[%dma_wait3A_663, %dma_wait3A_669] : memref<2x128xi32, #tpu.memory_space<vmem>> -> memref<1x128xi32, #tpu.memory_space<vmem>>
        %dma_wait3A_671 = tpu.memref_squeeze %dma_wait3A_670 : memref<1x128xi32, #tpu.memory_space<vmem>> -> memref<128xi32, #tpu.memory_space<vmem>>
        %dma_wait3A_672 = arith.constant 0 : i32
        %dma_wait3A_673 = arith.constant 0 : i32
        %dma_wait3A_674 = tpu.memref_slice %arg4[%dma_wait3A_672, %dma_wait3A_673] : memref<10000x16xf32, #tpu.memory_space<hbm>> -> memref<10000x16xf32, #tpu.memory_space<hbm>>
        tpu.wait_indirect_dma semaphore(%arg20 : memref<!tpu.dma_semaphore, #tpu.memory_space<semaphore_mem>>) src(%dma_wait3A_674 : memref<10000x16xf32, #tpu.memory_space<hbm>>) dst(%dma_wait3A_668 : memref<128x16xf32, #tpu.memory_space<vmem>>)
        %sub3A = arith.constant 1 : i32
        %sub3A_675 = arith.subi %add3A_566, %sub3A : i32
        %mul3A_676 = arith.constant 128 : i32
        %mul3A_677 = arith.muli %sub3A_675, %mul3A_676 : i32
        %add3A_678 = arith.addi %add3A_8, %mul3A_677 : i32
        %multiple_of3A_679 = tpu.assume_multiple %add3A_678, 128 : i32
        %dma_start3A_680 = arith.constant 1 : i32
        %dma_start3A_681 = arith.constant 0 : i32
        %dma_start3A_682 = arith.constant 0 : i32
        %dma_start3A_683 = tpu.memref_slice %arg13[%dma_start3A_680, %dma_start3A_681, %dma_start3A_682] : memref<2x128x128xf32, #tpu.memory_space<vmem>> -> memref<1x128x128xf32, #tpu.memory_space<vmem>>
        %dma_start3A_684 = tpu.memref_squeeze %dma_start3A_683 : memref<1x128x128xf32, #tpu.memory_space<vmem>> -> memref<128x128xf32, #tpu.memory_space<vmem>>
        %dma_start3A_685 = arith.constant 0 : i32
        %dma_start3A_686 = tpu.memref_slice %arg7[%multiple_of3A_679, %dma_start3A_685] : memref<327680x128xf32, #tpu.memory_space<hbm>> -> memref<128x128xf32, #tpu.memory_space<hbm>>
        %dma_start3A_687 = arith.constant 0 : i32
        %dma_start3A_688 = tpu.memref_slice %arg7[%multiple_of3A_679, %dma_start3A_687] : memref<327680x128xf32, #tpu.memory_space<hbm>> -> memref<128x128xf32, #tpu.memory_space<hbm>>
        %dma_start3A_689 = arith.constant 0 : i32
        %dma_start3A_690 = arith.constant 0 : i32
        %dma_start3A_691 = tpu.memref_slice %arg13[%dma_start3A_680, %dma_start3A_689, %dma_start3A_690] : memref<2x128x128xf32, #tpu.memory_space<vmem>> -> memref<1x128x128xf32, #tpu.memory_space<vmem>>
        %dma_start3A_692 = tpu.memref_squeeze %dma_start3A_691 : memref<1x128x128xf32, #tpu.memory_space<vmem>> -> memref<128x128xf32, #tpu.memory_space<vmem>>
        tpu.enqueue_dma source(%dma_start3A_692 : memref<128x128xf32, #tpu.memory_space<vmem>>) target(%dma_start3A_688 : memref<128x128xf32, #tpu.memory_space<hbm>>) target_semaphore(%arg22 : memref<!tpu.dma_semaphore, #tpu.memory_space<semaphore_mem>>)
        %dma_start3A_693 = arith.constant 1 : i32
        %dma_start3A_694 = arith.constant 0 : i32
        %dma_start3A_695 = arith.constant 0 : i32
        %dma_start3A_696 = tpu.memref_slice %arg14[%dma_start3A_693, %dma_start3A_694, %dma_start3A_695] : memref<2x128x128xf32, #tpu.memory_space<vmem>> -> memref<1x128x128xf32, #tpu.memory_space<vmem>>
        %dma_start3A_697 = tpu.memref_squeeze %dma_start3A_696 : memref<1x128x128xf32, #tpu.memory_space<vmem>> -> memref<128x128xf32, #tpu.memory_space<vmem>>
        %dma_start3A_698 = arith.constant 0 : i32
        %dma_start3A_699 = tpu.memref_slice %arg8[%multiple_of3A_679, %dma_start3A_698] : memref<327680x128xf32, #tpu.memory_space<hbm>> -> memref<128x128xf32, #tpu.memory_space<hbm>>
        %dma_start3A_700 = arith.constant 0 : i32
        %dma_start3A_701 = tpu.memref_slice %arg8[%multiple_of3A_679, %dma_start3A_700] : memref<327680x128xf32, #tpu.memory_space<hbm>> -> memref<128x128xf32, #tpu.memory_space<hbm>>
        %dma_start3A_702 = arith.constant 0 : i32
        %dma_start3A_703 = arith.constant 0 : i32
        %dma_start3A_704 = tpu.memref_slice %arg14[%dma_start3A_693, %dma_start3A_702, %dma_start3A_703] : memref<2x128x128xf32, #tpu.memory_space<vmem>> -> memref<1x128x128xf32, #tpu.memory_space<vmem>>
        %dma_start3A_705 = tpu.memref_squeeze %dma_start3A_704 : memref<1x128x128xf32, #tpu.memory_space<vmem>> -> memref<128x128xf32, #tpu.memory_space<vmem>>
        tpu.enqueue_dma source(%dma_start3A_705 : memref<128x128xf32, #tpu.memory_space<vmem>>) target(%dma_start3A_701 : memref<128x128xf32, #tpu.memory_space<hbm>>) target_semaphore(%arg22 : memref<!tpu.dma_semaphore, #tpu.memory_space<semaphore_mem>>)
        %dma_start3A_706 = arith.constant 1 : i32
        %dma_start3A_707 = arith.constant 0 : i32
        %dma_start3A_708 = arith.constant 0 : i32
        %dma_start3A_709 = tpu.memref_slice %arg15[%dma_start3A_706, %dma_start3A_707, %dma_start3A_708] : memref<2x128x16xf32, #tpu.memory_space<vmem>> -> memref<1x128x16xf32, #tpu.memory_space<vmem>>
        %dma_start3A_710 = tpu.memref_squeeze %dma_start3A_709 : memref<1x128x16xf32, #tpu.memory_space<vmem>> -> memref<128x16xf32, #tpu.memory_space<vmem>>
        %dma_start3A_711 = arith.constant 0 : i32
        %dma_start3A_712 = tpu.memref_slice %arg9[%multiple_of3A_679, %dma_start3A_711] : memref<327680x16xf32, #tpu.memory_space<hbm>> -> memref<128x16xf32, #tpu.memory_space<hbm>>
        %dma_start3A_713 = arith.constant 0 : i32
        %dma_start3A_714 = tpu.memref_slice %arg9[%multiple_of3A_679, %dma_start3A_713] : memref<327680x16xf32, #tpu.memory_space<hbm>> -> memref<128x16xf32, #tpu.memory_space<hbm>>
        %dma_start3A_715 = arith.constant 0 : i32
        %dma_start3A_716 = arith.constant 0 : i32
        %dma_start3A_717 = tpu.memref_slice %arg15[%dma_start3A_706, %dma_start3A_715, %dma_start3A_716] : memref<2x128x16xf32, #tpu.memory_space<vmem>> -> memref<1x128x16xf32, #tpu.memory_space<vmem>>
        %dma_start3A_718 = tpu.memref_squeeze %dma_start3A_717 : memref<1x128x16xf32, #tpu.memory_space<vmem>> -> memref<128x16xf32, #tpu.memory_space<vmem>>
        tpu.enqueue_dma source(%dma_start3A_718 : memref<128x16xf32, #tpu.memory_space<vmem>>) target(%dma_start3A_714 : memref<128x16xf32, #tpu.memory_space<hbm>>) target_semaphore(%arg22 : memref<!tpu.dma_semaphore, #tpu.memory_space<semaphore_mem>>)
        %dma_start3A_719 = arith.constant 1 : i32
        %dma_start3A_720 = arith.constant 0 : i32
        %dma_start3A_721 = arith.constant 0 : i32
        %dma_start3A_722 = tpu.memref_slice %arg16[%dma_start3A_719, %dma_start3A_720, %dma_start3A_721] : memref<2x128x16xf32, #tpu.memory_space<vmem>> -> memref<1x128x16xf32, #tpu.memory_space<vmem>>
        %dma_start3A_723 = tpu.memref_squeeze %dma_start3A_722 : memref<1x128x16xf32, #tpu.memory_space<vmem>> -> memref<128x16xf32, #tpu.memory_space<vmem>>
        %dma_start3A_724 = arith.constant 0 : i32
        %dma_start3A_725 = tpu.memref_slice %arg10[%multiple_of3A_679, %dma_start3A_724] : memref<327680x16xf32, #tpu.memory_space<hbm>> -> memref<128x16xf32, #tpu.memory_space<hbm>>
        %dma_start3A_726 = arith.constant 0 : i32
        %dma_start3A_727 = tpu.memref_slice %arg10[%multiple_of3A_679, %dma_start3A_726] : memref<327680x16xf32, #tpu.memory_space<hbm>> -> memref<128x16xf32, #tpu.memory_space<hbm>>
        %dma_start3A_728 = arith.constant 0 : i32
        %dma_start3A_729 = arith.constant 0 : i32
        %dma_start3A_730 = tpu.memref_slice %arg16[%dma_start3A_719, %dma_start3A_728, %dma_start3A_729] : memref<2x128x16xf32, #tpu.memory_space<vmem>> -> memref<1x128x16xf32, #tpu.memory_space<vmem>>
        %dma_start3A_731 = tpu.memref_squeeze %dma_start3A_730 : memref<1x128x16xf32, #tpu.memory_space<vmem>> -> memref<128x16xf32, #tpu.memory_space<vmem>>
        tpu.enqueue_dma source(%dma_start3A_731 : memref<128x16xf32, #tpu.memory_space<vmem>>) target(%dma_start3A_727 : memref<128x16xf32, #tpu.memory_space<hbm>>) target_semaphore(%arg22 : memref<!tpu.dma_semaphore, #tpu.memory_space<semaphore_mem>>)
        %dma_wait3A_732 = arith.constant 0 : i32
        %dma_wait3A_733 = arith.constant 0 : i32
        %dma_wait3A_734 = tpu.memref_slice %arg11[%dma_wait3A_732, %dma_wait3A_733] : memref<2x128xi32, #tpu.memory_space<vmem>> -> memref<1x128xi32, #tpu.memory_space<vmem>>
        %dma_wait3A_735 = tpu.memref_squeeze %dma_wait3A_734 : memref<1x128xi32, #tpu.memory_space<vmem>> -> memref<128xi32, #tpu.memory_space<vmem>>
        %dma_wait3A_736 = arith.constant 0 : i32
        %dma_wait3A_737 = tpu.memref_slice %arg5[%dma_wait3A_736] : memref<327680xi32, #tpu.memory_space<hbm>> -> memref<128xi32, #tpu.memory_space<hbm>>
        %dma_wait3A_738 = arith.constant 0 : i32
        %dma_wait3A_739 = tpu.memref_slice %arg11[%dma_wait3A_732, %dma_wait3A_738] : memref<2x128xi32, #tpu.memory_space<vmem>> -> memref<1x128xi32, #tpu.memory_space<vmem>>
        %dma_wait3A_740 = tpu.memref_squeeze %dma_wait3A_739 : memref<1x128xi32, #tpu.memory_space<vmem>> -> memref<128xi32, #tpu.memory_space<vmem>>
        %dma_wait3A_741 = arith.constant 0 : i32
        %dma_wait3A_742 = tpu.memref_slice %arg5[%dma_wait3A_741] : memref<327680xi32, #tpu.memory_space<hbm>> -> memref<128xi32, #tpu.memory_space<hbm>>
        tpu.wait_dma2 semaphore(%arg17 : memref<!tpu.dma_semaphore, #tpu.memory_space<semaphore_mem>>) src(%dma_wait3A_742 : memref<128xi32, #tpu.memory_space<hbm>>) dst(%dma_wait3A_740 : memref<128xi32, #tpu.memory_space<vmem>>)
        %dma_wait3A_743 = arith.constant 0 : i32
        %dma_wait3A_744 = arith.constant 0 : i32
        %dma_wait3A_745 = tpu.memref_slice %arg12[%dma_wait3A_743, %dma_wait3A_744] : memref<2x128xi32, #tpu.memory_space<vmem>> -> memref<1x128xi32, #tpu.memory_space<vmem>>
        %dma_wait3A_746 = tpu.memref_squeeze %dma_wait3A_745 : memref<1x128xi32, #tpu.memory_space<vmem>> -> memref<128xi32, #tpu.memory_space<vmem>>
        %dma_wait3A_747 = arith.constant 0 : i32
        %dma_wait3A_748 = tpu.memref_slice %arg6[%dma_wait3A_747] : memref<327680xi32, #tpu.memory_space<hbm>> -> memref<128xi32, #tpu.memory_space<hbm>>
        %dma_wait3A_749 = arith.constant 0 : i32
        %dma_wait3A_750 = tpu.memref_slice %arg12[%dma_wait3A_743, %dma_wait3A_749] : memref<2x128xi32, #tpu.memory_space<vmem>> -> memref<1x128xi32, #tpu.memory_space<vmem>>
        %dma_wait3A_751 = tpu.memref_squeeze %dma_wait3A_750 : memref<1x128xi32, #tpu.memory_space<vmem>> -> memref<128xi32, #tpu.memory_space<vmem>>
        %dma_wait3A_752 = arith.constant 0 : i32
        %dma_wait3A_753 = tpu.memref_slice %arg6[%dma_wait3A_752] : memref<327680xi32, #tpu.memory_space<hbm>> -> memref<128xi32, #tpu.memory_space<hbm>>
        tpu.wait_dma2 semaphore(%arg17 : memref<!tpu.dma_semaphore, #tpu.memory_space<semaphore_mem>>) src(%dma_wait3A_753 : memref<128xi32, #tpu.memory_space<hbm>>) dst(%dma_wait3A_751 : memref<128xi32, #tpu.memory_space<vmem>>)
        %add3A_754 = arith.constant 1 : i32
        %add3A_755 = arith.addi %add3A_566, %add3A_754 : i32
        %min3A = arith.constant 43 : i32
        %min3A_756 = arith.minsi %add3A_755, %min3A : i32
        %mul3A_757 = arith.constant 128 : i32
        %mul3A_758 = arith.muli %min3A_756, %mul3A_757 : i32
        %add3A_759 = arith.addi %add3A_8, %mul3A_758 : i32
        %multiple_of3A_760 = tpu.assume_multiple %add3A_759, 128 : i32
        %dma_start3A_761 = arith.constant 1 : i32
        %dma_start3A_762 = arith.constant 0 : i32
        %dma_start3A_763 = tpu.memref_slice %arg11[%dma_start3A_761, %dma_start3A_762] : memref<2x128xi32, #tpu.memory_space<vmem>> -> memref<1x128xi32, #tpu.memory_space<vmem>>
        %dma_start3A_764 = tpu.memref_squeeze %dma_start3A_763 : memref<1x128xi32, #tpu.memory_space<vmem>> -> memref<128xi32, #tpu.memory_space<vmem>>
        %dma_start3A_765 = tpu.memref_slice %arg5[%multiple_of3A_760] : memref<327680xi32, #tpu.memory_space<hbm>> -> memref<128xi32, #tpu.memory_space<hbm>>
        %dma_start3A_766 = arith.constant 0 : i32
        %dma_start3A_767 = tpu.memref_slice %arg11[%dma_start3A_761, %dma_start3A_766] : memref<2x128xi32, #tpu.memory_space<vmem>> -> memref<1x128xi32, #tpu.memory_space<vmem>>
        %dma_start3A_768 = tpu.memref_squeeze %dma_start3A_767 : memref<1x128xi32, #tpu.memory_space<vmem>> -> memref<128xi32, #tpu.memory_space<vmem>>
        %dma_start3A_769 = tpu.memref_slice %arg5[%multiple_of3A_760] : memref<327680xi32, #tpu.memory_space<hbm>> -> memref<128xi32, #tpu.memory_space<hbm>>
        tpu.enqueue_dma source(%dma_start3A_769 : memref<128xi32, #tpu.memory_space<hbm>>) target(%dma_start3A_768 : memref<128xi32, #tpu.memory_space<vmem>>) target_semaphore(%arg18 : memref<!tpu.dma_semaphore, #tpu.memory_space<semaphore_mem>>)
        %dma_start3A_770 = arith.constant 1 : i32
        %dma_start3A_771 = arith.constant 0 : i32
        %dma_start3A_772 = tpu.memref_slice %arg12[%dma_start3A_770, %dma_start3A_771] : memref<2x128xi32, #tpu.memory_space<vmem>> -> memref<1x128xi32, #tpu.memory_space<vmem>>
        %dma_start3A_773 = tpu.memref_squeeze %dma_start3A_772 : memref<1x128xi32, #tpu.memory_space<vmem>> -> memref<128xi32, #tpu.memory_space<vmem>>
        %dma_start3A_774 = tpu.memref_slice %arg6[%multiple_of3A_760] : memref<327680xi32, #tpu.memory_space<hbm>> -> memref<128xi32, #tpu.memory_space<hbm>>
        %dma_start3A_775 = arith.constant 0 : i32
        %dma_start3A_776 = tpu.memref_slice %arg12[%dma_start3A_770, %dma_start3A_775] : memref<2x128xi32, #tpu.memory_space<vmem>> -> memref<1x128xi32, #tpu.memory_space<vmem>>
        %dma_start3A_777 = tpu.memref_squeeze %dma_start3A_776 : memref<1x128xi32, #tpu.memory_space<vmem>> -> memref<128xi32, #tpu.memory_space<vmem>>
        %dma_start3A_778 = tpu.memref_slice %arg6[%multiple_of3A_760] : memref<327680xi32, #tpu.memory_space<hbm>> -> memref<128xi32, #tpu.memory_space<hbm>>
        tpu.enqueue_dma source(%dma_start3A_778 : memref<128xi32, #tpu.memory_space<hbm>>) target(%dma_start3A_777 : memref<128xi32, #tpu.memory_space<vmem>>) target_semaphore(%arg18 : memref<!tpu.dma_semaphore, #tpu.memory_space<semaphore_mem>>)
        %dma_start3A_779 = arith.constant 0 : i32
        %dma_start3A_780 = arith.constant 0 : i32
        %dma_start3A_781 = arith.constant 0 : i32
        %dma_start3A_782 = arith.constant 0 : i32
        %dma_start3A_783 = tpu.memref_slice %arg13[%dma_start3A_780, %dma_start3A_781, %dma_start3A_782] : memref<2x128x128xf32, #tpu.memory_space<vmem>> -> memref<1x128x128xf32, #tpu.memory_space<vmem>>
        %dma_start3A_784 = tpu.memref_squeeze %dma_start3A_783 : memref<1x128x128xf32, #tpu.memory_space<vmem>> -> memref<128x128xf32, #tpu.memory_space<vmem>>
        %dma_start3A_785 = arith.constant 0 : i32
        %dma_start3A_786 = tpu.memref_slice %arg11[%dma_start3A_779, %dma_start3A_785] : memref<2x128xi32, #tpu.memory_space<vmem>> -> memref<1x128xi32, #tpu.memory_space<vmem>>
        %dma_start3A_787 = tpu.memref_squeeze %dma_start3A_786 : memref<1x128xi32, #tpu.memory_space<vmem>> -> memref<128xi32, #tpu.memory_space<vmem>>
        %dma_start3A_788 = arith.constant 0 : i32
        %dma_start3A_789 = arith.constant 0 : i32
        %dma_start3A_790 = tpu.memref_slice %arg2[%dma_start3A_788, %dma_start3A_789] : memref<10000x128xf32, #tpu.memory_space<hbm>> -> memref<10000x128xf32, #tpu.memory_space<hbm>>
        tpu.enqueue_indirect_dma source(%dma_start3A_790 : memref<10000x128xf32, #tpu.memory_space<hbm>>) target(%dma_start3A_784 : memref<128x128xf32, #tpu.memory_space<vmem>>) offsets(%dma_start3A_787 : memref<128xi32, #tpu.memory_space<vmem>>) semaphore(%arg19 : memref<!tpu.dma_semaphore, #tpu.memory_space<semaphore_mem>>)
        %dma_start3A_791 = arith.constant 0 : i32
        %dma_start3A_792 = arith.constant 0 : i32
        %dma_start3A_793 = arith.constant 0 : i32
        %dma_start3A_794 = arith.constant 0 : i32
        %dma_start3A_795 = tpu.memref_slice %arg14[%dma_start3A_792, %dma_start3A_793, %dma_start3A_794] : memref<2x128x128xf32, #tpu.memory_space<vmem>> -> memref<1x128x128xf32, #tpu.memory_space<vmem>>
        %dma_start3A_796 = tpu.memref_squeeze %dma_start3A_795 : memref<1x128x128xf32, #tpu.memory_space<vmem>> -> memref<128x128xf32, #tpu.memory_space<vmem>>
        %dma_start3A_797 = arith.constant 0 : i32
        %dma_start3A_798 = tpu.memref_slice %arg12[%dma_start3A_791, %dma_start3A_797] : memref<2x128xi32, #tpu.memory_space<vmem>> -> memref<1x128xi32, #tpu.memory_space<vmem>>
        %dma_start3A_799 = tpu.memref_squeeze %dma_start3A_798 : memref<1x128xi32, #tpu.memory_space<vmem>> -> memref<128xi32, #tpu.memory_space<vmem>>
        %dma_start3A_800 = arith.constant 0 : i32
        %dma_start3A_801 = arith.constant 0 : i32
        %dma_start3A_802 = tpu.memref_slice %arg3[%dma_start3A_800, %dma_start3A_801] : memref<10000x128xf32, #tpu.memory_space<hbm>> -> memref<10000x128xf32, #tpu.memory_space<hbm>>
        tpu.enqueue_indirect_dma source(%dma_start3A_802 : memref<10000x128xf32, #tpu.memory_space<hbm>>) target(%dma_start3A_796 : memref<128x128xf32, #tpu.memory_space<vmem>>) offsets(%dma_start3A_799 : memref<128xi32, #tpu.memory_space<vmem>>) semaphore(%arg19 : memref<!tpu.dma_semaphore, #tpu.memory_space<semaphore_mem>>)
        %dma_start3A_803 = arith.constant 0 : i32
        %dma_start3A_804 = arith.constant 0 : i32
        %dma_start3A_805 = arith.constant 0 : i32
        %dma_start3A_806 = arith.constant 0 : i32
        %dma_start3A_807 = tpu.memref_slice %arg15[%dma_start3A_804, %dma_start3A_805, %dma_start3A_806] : memref<2x128x16xf32, #tpu.memory_space<vmem>> -> memref<1x128x16xf32, #tpu.memory_space<vmem>>
        %dma_start3A_808 = tpu.memref_squeeze %dma_start3A_807 : memref<1x128x16xf32, #tpu.memory_space<vmem>> -> memref<128x16xf32, #tpu.memory_space<vmem>>
        %dma_start3A_809 = arith.constant 0 : i32
        %dma_start3A_810 = tpu.memref_slice %arg11[%dma_start3A_803, %dma_start3A_809] : memref<2x128xi32, #tpu.memory_space<vmem>> -> memref<1x128xi32, #tpu.memory_space<vmem>>
        %dma_start3A_811 = tpu.memref_squeeze %dma_start3A_810 : memref<1x128xi32, #tpu.memory_space<vmem>> -> memref<128xi32, #tpu.memory_space<vmem>>
        %dma_start3A_812 = arith.constant 0 : i32
        %dma_start3A_813 = arith.constant 0 : i32
        %dma_start3A_814 = tpu.memref_slice %arg4[%dma_start3A_812, %dma_start3A_813] : memref<10000x16xf32, #tpu.memory_space<hbm>> -> memref<10000x16xf32, #tpu.memory_space<hbm>>
        tpu.enqueue_indirect_dma source(%dma_start3A_814 : memref<10000x16xf32, #tpu.memory_space<hbm>>) target(%dma_start3A_808 : memref<128x16xf32, #tpu.memory_space<vmem>>) offsets(%dma_start3A_811 : memref<128xi32, #tpu.memory_space<vmem>>) semaphore(%arg19 : memref<!tpu.dma_semaphore, #tpu.memory_space<semaphore_mem>>)
        %dma_start3A_815 = arith.constant 0 : i32
        %dma_start3A_816 = arith.constant 0 : i32
        %dma_start3A_817 = arith.constant 0 : i32
        %dma_start3A_818 = arith.constant 0 : i32
        %dma_start3A_819 = tpu.memref_slice %arg16[%dma_start3A_816, %dma_start3A_817, %dma_start3A_818] : memref<2x128x16xf32, #tpu.memory_space<vmem>> -> memref<1x128x16xf32, #tpu.memory_space<vmem>>
        %dma_start3A_820 = tpu.memref_squeeze %dma_start3A_819 : memref<1x128x16xf32, #tpu.memory_space<vmem>> -> memref<128x16xf32, #tpu.memory_space<vmem>>
        %dma_start3A_821 = arith.constant 0 : i32
        %dma_start3A_822 = tpu.memref_slice %arg12[%dma_start3A_815, %dma_start3A_821] : memref<2x128xi32, #tpu.memory_space<vmem>> -> memref<1x128xi32, #tpu.memory_space<vmem>>
        %dma_start3A_823 = tpu.memref_squeeze %dma_start3A_822 : memref<1x128xi32, #tpu.memory_space<vmem>> -> memref<128xi32, #tpu.memory_space<vmem>>
        %dma_start3A_824 = arith.constant 0 : i32
        %dma_start3A_825 = arith.constant 0 : i32
        %dma_start3A_826 = tpu.memref_slice %arg4[%dma_start3A_824, %dma_start3A_825] : memref<10000x16xf32, #tpu.memory_space<hbm>> -> memref<10000x16xf32, #tpu.memory_space<hbm>>
        tpu.enqueue_indirect_dma source(%dma_start3A_826 : memref<10000x16xf32, #tpu.memory_space<hbm>>) target(%dma_start3A_820 : memref<128x16xf32, #tpu.memory_space<vmem>>) offsets(%dma_start3A_823 : memref<128xi32, #tpu.memory_space<vmem>>) semaphore(%arg19 : memref<!tpu.dma_semaphore, #tpu.memory_space<semaphore_mem>>)
        %add3A_827 = arith.constant 1 : i32
        %add3A_828 = arith.addi %mul3A_564, %add3A_827 : i32
        %dma_wait3A_829 = arith.constant 1 : i32
        %dma_wait3A_830 = arith.constant 0 : i32
        %dma_wait3A_831 = arith.constant 0 : i32
        %dma_wait3A_832 = tpu.memref_slice %arg13[%dma_wait3A_829, %dma_wait3A_830, %dma_wait3A_831] : memref<2x128x128xf32, #tpu.memory_space<vmem>> -> memref<1x128x128xf32, #tpu.memory_space<vmem>>
        %dma_wait3A_833 = tpu.memref_squeeze %dma_wait3A_832 : memref<1x128x128xf32, #tpu.memory_space<vmem>> -> memref<128x128xf32, #tpu.memory_space<vmem>>
        %dma_wait3A_834 = arith.constant 0 : i32
        %dma_wait3A_835 = arith.constant 0 : i32
        %dma_wait3A_836 = tpu.memref_slice %arg7[%dma_wait3A_834, %dma_wait3A_835] : memref<327680x128xf32, #tpu.memory_space<hbm>> -> memref<128x128xf32, #tpu.memory_space<hbm>>
        %dma_wait3A_837 = arith.constant 0 : i32
        %dma_wait3A_838 = arith.constant 0 : i32
        %dma_wait3A_839 = tpu.memref_slice %arg7[%dma_wait3A_837, %dma_wait3A_838] : memref<327680x128xf32, #tpu.memory_space<hbm>> -> memref<128x128xf32, #tpu.memory_space<hbm>>
        %dma_wait3A_840 = arith.constant 0 : i32
        %dma_wait3A_841 = arith.constant 0 : i32
        %dma_wait3A_842 = tpu.memref_slice %arg13[%dma_wait3A_829, %dma_wait3A_840, %dma_wait3A_841] : memref<2x128x128xf32, #tpu.memory_space<vmem>> -> memref<1x128x128xf32, #tpu.memory_space<vmem>>
        %dma_wait3A_843 = tpu.memref_squeeze %dma_wait3A_842 : memref<1x128x128xf32, #tpu.memory_space<vmem>> -> memref<128x128xf32, #tpu.memory_space<vmem>>
        tpu.wait_dma2 semaphore(%arg22 : memref<!tpu.dma_semaphore, #tpu.memory_space<semaphore_mem>>) src(%dma_wait3A_843 : memref<128x128xf32, #tpu.memory_space<vmem>>) dst(%dma_wait3A_839 : memref<128x128xf32, #tpu.memory_space<hbm>>)
        %dma_wait3A_844 = arith.constant 1 : i32
        %dma_wait3A_845 = arith.constant 0 : i32
        %dma_wait3A_846 = arith.constant 0 : i32
        %dma_wait3A_847 = tpu.memref_slice %arg14[%dma_wait3A_844, %dma_wait3A_845, %dma_wait3A_846] : memref<2x128x128xf32, #tpu.memory_space<vmem>> -> memref<1x128x128xf32, #tpu.memory_space<vmem>>
        %dma_wait3A_848 = tpu.memref_squeeze %dma_wait3A_847 : memref<1x128x128xf32, #tpu.memory_space<vmem>> -> memref<128x128xf32, #tpu.memory_space<vmem>>
        %dma_wait3A_849 = arith.constant 0 : i32
        %dma_wait3A_850 = arith.constant 0 : i32
        %dma_wait3A_851 = tpu.memref_slice %arg8[%dma_wait3A_849, %dma_wait3A_850] : memref<327680x128xf32, #tpu.memory_space<hbm>> -> memref<128x128xf32, #tpu.memory_space<hbm>>
        %dma_wait3A_852 = arith.constant 0 : i32
        %dma_wait3A_853 = arith.constant 0 : i32
        %dma_wait3A_854 = tpu.memref_slice %arg8[%dma_wait3A_852, %dma_wait3A_853] : memref<327680x128xf32, #tpu.memory_space<hbm>> -> memref<128x128xf32, #tpu.memory_space<hbm>>
        %dma_wait3A_855 = arith.constant 0 : i32
        %dma_wait3A_856 = arith.constant 0 : i32
        %dma_wait3A_857 = tpu.memref_slice %arg14[%dma_wait3A_844, %dma_wait3A_855, %dma_wait3A_856] : memref<2x128x128xf32, #tpu.memory_space<vmem>> -> memref<1x128x128xf32, #tpu.memory_space<vmem>>
        %dma_wait3A_858 = tpu.memref_squeeze %dma_wait3A_857 : memref<1x128x128xf32, #tpu.memory_space<vmem>> -> memref<128x128xf32, #tpu.memory_space<vmem>>
        tpu.wait_dma2 semaphore(%arg22 : memref<!tpu.dma_semaphore, #tpu.memory_space<semaphore_mem>>) src(%dma_wait3A_858 : memref<128x128xf32, #tpu.memory_space<vmem>>) dst(%dma_wait3A_854 : memref<128x128xf32, #tpu.memory_space<hbm>>)
        %dma_wait3A_859 = arith.constant 1 : i32
        %dma_wait3A_860 = arith.constant 0 : i32
        %dma_wait3A_861 = arith.constant 0 : i32
        %dma_wait3A_862 = tpu.memref_slice %arg15[%dma_wait3A_859, %dma_wait3A_860, %dma_wait3A_861] : memref<2x128x16xf32, #tpu.memory_space<vmem>> -> memref<1x128x16xf32, #tpu.memory_space<vmem>>
        %dma_wait3A_863 = tpu.memref_squeeze %dma_wait3A_862 : memref<1x128x16xf32, #tpu.memory_space<vmem>> -> memref<128x16xf32, #tpu.memory_space<vmem>>
        %dma_wait3A_864 = arith.constant 0 : i32
        %dma_wait3A_865 = arith.constant 0 : i32
        %dma_wait3A_866 = tpu.memref_slice %arg9[%dma_wait3A_864, %dma_wait3A_865] : memref<327680x16xf32, #tpu.memory_space<hbm>> -> memref<128x16xf32, #tpu.memory_space<hbm>>
        %dma_wait3A_867 = arith.constant 0 : i32
        %dma_wait3A_868 = arith.constant 0 : i32
        %dma_wait3A_869 = tpu.memref_slice %arg9[%dma_wait3A_867, %dma_wait3A_868] : memref<327680x16xf32, #tpu.memory_space<hbm>> -> memref<128x16xf32, #tpu.memory_space<hbm>>
        %dma_wait3A_870 = arith.constant 0 : i32
        %dma_wait3A_871 = arith.constant 0 : i32
        %dma_wait3A_872 = tpu.memref_slice %arg15[%dma_wait3A_859, %dma_wait3A_870, %dma_wait3A_871] : memref<2x128x16xf32, #tpu.memory_space<vmem>> -> memref<1x128x16xf32, #tpu.memory_space<vmem>>
        %dma_wait3A_873 = tpu.memref_squeeze %dma_wait3A_872 : memref<1x128x16xf32, #tpu.memory_space<vmem>> -> memref<128x16xf32, #tpu.memory_space<vmem>>
        tpu.wait_dma2 semaphore(%arg22 : memref<!tpu.dma_semaphore, #tpu.memory_space<semaphore_mem>>) src(%dma_wait3A_873 : memref<128x16xf32, #tpu.memory_space<vmem>>) dst(%dma_wait3A_869 : memref<128x16xf32, #tpu.memory_space<hbm>>)
        %dma_wait3A_874 = arith.constant 1 : i32
        %dma_wait3A_875 = arith.constant 0 : i32
        %dma_wait3A_876 = arith.constant 0 : i32
        %dma_wait3A_877 = tpu.memref_slice %arg16[%dma_wait3A_874, %dma_wait3A_875, %dma_wait3A_876] : memref<2x128x16xf32, #tpu.memory_space<vmem>> -> memref<1x128x16xf32, #tpu.memory_space<vmem>>
        %dma_wait3A_878 = tpu.memref_squeeze %dma_wait3A_877 : memref<1x128x16xf32, #tpu.memory_space<vmem>> -> memref<128x16xf32, #tpu.memory_space<vmem>>
        %dma_wait3A_879 = arith.constant 0 : i32
        %dma_wait3A_880 = arith.constant 0 : i32
        %dma_wait3A_881 = tpu.memref_slice %arg10[%dma_wait3A_879, %dma_wait3A_880] : memref<327680x16xf32, #tpu.memory_space<hbm>> -> memref<128x16xf32, #tpu.memory_space<hbm>>
        %dma_wait3A_882 = arith.constant 0 : i32
        %dma_wait3A_883 = arith.constant 0 : i32
        %dma_wait3A_884 = tpu.memref_slice %arg10[%dma_wait3A_882, %dma_wait3A_883] : memref<327680x16xf32, #tpu.memory_space<hbm>> -> memref<128x16xf32, #tpu.memory_space<hbm>>
        %dma_wait3A_885 = arith.constant 0 : i32
        %dma_wait3A_886 = arith.constant 0 : i32
        %dma_wait3A_887 = tpu.memref_slice %arg16[%dma_wait3A_874, %dma_wait3A_885, %dma_wait3A_886] : memref<2x128x16xf32, #tpu.memory_space<vmem>> -> memref<1x128x16xf32, #tpu.memory_space<vmem>>
        %dma_wait3A_888 = tpu.memref_squeeze %dma_wait3A_887 : memref<1x128x16xf32, #tpu.memory_space<vmem>> -> memref<128x16xf32, #tpu.memory_space<vmem>>
        tpu.wait_dma2 semaphore(%arg22 : memref<!tpu.dma_semaphore, #tpu.memory_space<semaphore_mem>>) src(%dma_wait3A_888 : memref<128x16xf32, #tpu.memory_space<vmem>>) dst(%dma_wait3A_884 : memref<128x16xf32, #tpu.memory_space<hbm>>)
        %dma_wait3A_889 = arith.constant 0 : i32
        %dma_wait3A_890 = arith.constant 0 : i32
        %dma_wait3A_891 = arith.constant 0 : i32
        %dma_wait3A_892 = arith.constant 0 : i32
        %dma_wait3A_893 = tpu.memref_slice %arg13[%dma_wait3A_890, %dma_wait3A_891, %dma_wait3A_892] : memref<2x128x128xf32, #tpu.memory_space<vmem>> -> memref<1x128x128xf32, #tpu.memory_space<vmem>>
        %dma_wait3A_894 = tpu.memref_squeeze %dma_wait3A_893 : memref<1x128x128xf32, #tpu.memory_space<vmem>> -> memref<128x128xf32, #tpu.memory_space<vmem>>
        %dma_wait3A_895 = arith.constant 0 : i32
        %dma_wait3A_896 = tpu.memref_slice %arg11[%dma_wait3A_889, %dma_wait3A_895] : memref<2x128xi32, #tpu.memory_space<vmem>> -> memref<1x128xi32, #tpu.memory_space<vmem>>
        %dma_wait3A_897 = tpu.memref_squeeze %dma_wait3A_896 : memref<1x128xi32, #tpu.memory_space<vmem>> -> memref<128xi32, #tpu.memory_space<vmem>>
        %dma_wait3A_898 = arith.constant 0 : i32
        %dma_wait3A_899 = arith.constant 0 : i32
        %dma_wait3A_900 = tpu.memref_slice %arg2[%dma_wait3A_898, %dma_wait3A_899] : memref<10000x128xf32, #tpu.memory_space<hbm>> -> memref<10000x128xf32, #tpu.memory_space<hbm>>
        tpu.wait_indirect_dma semaphore(%arg19 : memref<!tpu.dma_semaphore, #tpu.memory_space<semaphore_mem>>) src(%dma_wait3A_900 : memref<10000x128xf32, #tpu.memory_space<hbm>>) dst(%dma_wait3A_894 : memref<128x128xf32, #tpu.memory_space<vmem>>)
        %dma_wait3A_901 = arith.constant 0 : i32
        %dma_wait3A_902 = arith.constant 0 : i32
        %dma_wait3A_903 = arith.constant 0 : i32
        %dma_wait3A_904 = arith.constant 0 : i32
        %dma_wait3A_905 = tpu.memref_slice %arg14[%dma_wait3A_902, %dma_wait3A_903, %dma_wait3A_904] : memref<2x128x128xf32, #tpu.memory_space<vmem>> -> memref<1x128x128xf32, #tpu.memory_space<vmem>>
        %dma_wait3A_906 = tpu.memref_squeeze %dma_wait3A_905 : memref<1x128x128xf32, #tpu.memory_space<vmem>> -> memref<128x128xf32, #tpu.memory_space<vmem>>
        %dma_wait3A_907 = arith.constant 0 : i32
        %dma_wait3A_908 = tpu.memref_slice %arg12[%dma_wait3A_901, %dma_wait3A_907] : memref<2x128xi32, #tpu.memory_space<vmem>> -> memref<1x128xi32, #tpu.memory_space<vmem>>
        %dma_wait3A_909 = tpu.memref_squeeze %dma_wait3A_908 : memref<1x128xi32, #tpu.memory_space<vmem>> -> memref<128xi32, #tpu.memory_space<vmem>>
        %dma_wait3A_910 = arith.constant 0 : i32
        %dma_wait3A_911 = arith.constant 0 : i32
        %dma_wait3A_912 = tpu.memref_slice %arg3[%dma_wait3A_910, %dma_wait3A_911] : memref<10000x128xf32, #tpu.memory_space<hbm>> -> memref<10000x128xf32, #tpu.memory_space<hbm>>
        tpu.wait_indirect_dma semaphore(%arg19 : memref<!tpu.dma_semaphore, #tpu.memory_space<semaphore_mem>>) src(%dma_wait3A_912 : memref<10000x128xf32, #tpu.memory_space<hbm>>) dst(%dma_wait3A_906 : memref<128x128xf32, #tpu.memory_space<vmem>>)
        %dma_wait3A_913 = arith.constant 0 : i32
        %dma_wait3A_914 = arith.constant 0 : i32
        %dma_wait3A_915 = arith.constant 0 : i32
        %dma_wait3A_916 = arith.constant 0 : i32
        %dma_wait3A_917 = tpu.memref_slice %arg15[%dma_wait3A_914, %dma_wait3A_915, %dma_wait3A_916] : memref<2x128x16xf32, #tpu.memory_space<vmem>> -> memref<1x128x16xf32, #tpu.memory_space<vmem>>
        %dma_wait3A_918 = tpu.memref_squeeze %dma_wait3A_917 : memref<1x128x16xf32, #tpu.memory_space<vmem>> -> memref<128x16xf32, #tpu.memory_space<vmem>>
        %dma_wait3A_919 = arith.constant 0 : i32
        %dma_wait3A_920 = tpu.memref_slice %arg11[%dma_wait3A_913, %dma_wait3A_919] : memref<2x128xi32, #tpu.memory_space<vmem>> -> memref<1x128xi32, #tpu.memory_space<vmem>>
        %dma_wait3A_921 = tpu.memref_squeeze %dma_wait3A_920 : memref<1x128xi32, #tpu.memory_space<vmem>> -> memref<128xi32, #tpu.memory_space<vmem>>
        %dma_wait3A_922 = arith.constant 0 : i32
        %dma_wait3A_923 = arith.constant 0 : i32
        %dma_wait3A_924 = tpu.memref_slice %arg4[%dma_wait3A_922, %dma_wait3A_923] : memref<10000x16xf32, #tpu.memory_space<hbm>> -> memref<10000x16xf32, #tpu.memory_space<hbm>>
        tpu.wait_indirect_dma semaphore(%arg19 : memref<!tpu.dma_semaphore, #tpu.memory_space<semaphore_mem>>) src(%dma_wait3A_924 : memref<10000x16xf32, #tpu.memory_space<hbm>>) dst(%dma_wait3A_918 : memref<128x16xf32, #tpu.memory_space<vmem>>)
        %dma_wait3A_925 = arith.constant 0 : i32
        %dma_wait3A_926 = arith.constant 0 : i32
        %dma_wait3A_927 = arith.constant 0 : i32
        %dma_wait3A_928 = arith.constant 0 : i32
        %dma_wait3A_929 = tpu.memref_slice %arg16[%dma_wait3A_926, %dma_wait3A_927, %dma_wait3A_928] : memref<2x128x16xf32, #tpu.memory_space<vmem>> -> memref<1x128x16xf32, #tpu.memory_space<vmem>>
        %dma_wait3A_930 = tpu.memref_squeeze %dma_wait3A_929 : memref<1x128x16xf32, #tpu.memory_space<vmem>> -> memref<128x16xf32, #tpu.memory_space<vmem>>
        %dma_wait3A_931 = arith.constant 0 : i32
        %dma_wait3A_932 = tpu.memref_slice %arg12[%dma_wait3A_925, %dma_wait3A_931] : memref<2x128xi32, #tpu.memory_space<vmem>> -> memref<1x128xi32, #tpu.memory_space<vmem>>
        %dma_wait3A_933 = tpu.memref_squeeze %dma_wait3A_932 : memref<1x128xi32, #tpu.memory_space<vmem>> -> memref<128xi32, #tpu.memory_space<vmem>>
        %dma_wait3A_934 = arith.constant 0 : i32
        %dma_wait3A_935 = arith.constant 0 : i32
        %dma_wait3A_936 = tpu.memref_slice %arg4[%dma_wait3A_934, %dma_wait3A_935] : memref<10000x16xf32, #tpu.memory_space<hbm>> -> memref<10000x16xf32, #tpu.memory_space<hbm>>
        tpu.wait_indirect_dma semaphore(%arg19 : memref<!tpu.dma_semaphore, #tpu.memory_space<semaphore_mem>>) src(%dma_wait3A_936 : memref<10000x16xf32, #tpu.memory_space<hbm>>) dst(%dma_wait3A_930 : memref<128x16xf32, #tpu.memory_space<vmem>>)
        %sub3A_937 = arith.constant 1 : i32
        %sub3A_938 = arith.subi %add3A_828, %sub3A_937 : i32
        %mul3A_939 = arith.constant 128 : i32
        %mul3A_940 = arith.muli %sub3A_938, %mul3A_939 : i32
        %add3A_941 = arith.addi %add3A_8, %mul3A_940 : i32
        %multiple_of3A_942 = tpu.assume_multiple %add3A_941, 128 : i32
        %dma_start3A_943 = arith.constant 0 : i32
        %dma_start3A_944 = arith.constant 0 : i32
        %dma_start3A_945 = arith.constant 0 : i32
        %dma_start3A_946 = tpu.memref_slice %arg13[%dma_start3A_943, %dma_start3A_944, %dma_start3A_945] : memref<2x128x128xf32, #tpu.memory_space<vmem>> -> memref<1x128x128xf32, #tpu.memory_space<vmem>>
        %dma_start3A_947 = tpu.memref_squeeze %dma_start3A_946 : memref<1x128x128xf32, #tpu.memory_space<vmem>> -> memref<128x128xf32, #tpu.memory_space<vmem>>
        %dma_start3A_948 = arith.constant 0 : i32
        %dma_start3A_949 = tpu.memref_slice %arg7[%multiple_of3A_942, %dma_start3A_948] : memref<327680x128xf32, #tpu.memory_space<hbm>> -> memref<128x128xf32, #tpu.memory_space<hbm>>
        %dma_start3A_950 = arith.constant 0 : i32
        %dma_start3A_951 = tpu.memref_slice %arg7[%multiple_of3A_942, %dma_start3A_950] : memref<327680x128xf32, #tpu.memory_space<hbm>> -> memref<128x128xf32, #tpu.memory_space<hbm>>
        %dma_start3A_952 = arith.constant 0 : i32
        %dma_start3A_953 = arith.constant 0 : i32
        %dma_start3A_954 = tpu.memref_slice %arg13[%dma_start3A_943, %dma_start3A_952, %dma_start3A_953] : memref<2x128x128xf32, #tpu.memory_space<vmem>> -> memref<1x128x128xf32, #tpu.memory_space<vmem>>
        %dma_start3A_955 = tpu.memref_squeeze %dma_start3A_954 : memref<1x128x128xf32, #tpu.memory_space<vmem>> -> memref<128x128xf32, #tpu.memory_space<vmem>>
        tpu.enqueue_dma source(%dma_start3A_955 : memref<128x128xf32, #tpu.memory_space<vmem>>) target(%dma_start3A_951 : memref<128x128xf32, #tpu.memory_space<hbm>>) target_semaphore(%arg21 : memref<!tpu.dma_semaphore, #tpu.memory_space<semaphore_mem>>)
        %dma_start3A_956 = arith.constant 0 : i32
        %dma_start3A_957 = arith.constant 0 : i32
        %dma_start3A_958 = arith.constant 0 : i32
        %dma_start3A_959 = tpu.memref_slice %arg14[%dma_start3A_956, %dma_start3A_957, %dma_start3A_958] : memref<2x128x128xf32, #tpu.memory_space<vmem>> -> memref<1x128x128xf32, #tpu.memory_space<vmem>>
        %dma_start3A_960 = tpu.memref_squeeze %dma_start3A_959 : memref<1x128x128xf32, #tpu.memory_space<vmem>> -> memref<128x128xf32, #tpu.memory_space<vmem>>
        %dma_start3A_961 = arith.constant 0 : i32
        %dma_start3A_962 = tpu.memref_slice %arg8[%multiple_of3A_942, %dma_start3A_961] : memref<327680x128xf32, #tpu.memory_space<hbm>> -> memref<128x128xf32, #tpu.memory_space<hbm>>
        %dma_start3A_963 = arith.constant 0 : i32
        %dma_start3A_964 = tpu.memref_slice %arg8[%multiple_of3A_942, %dma_start3A_963] : memref<327680x128xf32, #tpu.memory_space<hbm>> -> memref<128x128xf32, #tpu.memory_space<hbm>>
        %dma_start3A_965 = arith.constant 0 : i32
        %dma_start3A_966 = arith.constant 0 : i32
        %dma_start3A_967 = tpu.memref_slice %arg14[%dma_start3A_956, %dma_start3A_965, %dma_start3A_966] : memref<2x128x128xf32, #tpu.memory_space<vmem>> -> memref<1x128x128xf32, #tpu.memory_space<vmem>>
        %dma_start3A_968 = tpu.memref_squeeze %dma_start3A_967 : memref<1x128x128xf32, #tpu.memory_space<vmem>> -> memref<128x128xf32, #tpu.memory_space<vmem>>
        tpu.enqueue_dma source(%dma_start3A_968 : memref<128x128xf32, #tpu.memory_space<vmem>>) target(%dma_start3A_964 : memref<128x128xf32, #tpu.memory_space<hbm>>) target_semaphore(%arg21 : memref<!tpu.dma_semaphore, #tpu.memory_space<semaphore_mem>>)
        %dma_start3A_969 = arith.constant 0 : i32
        %dma_start3A_970 = arith.constant 0 : i32
        %dma_start3A_971 = arith.constant 0 : i32
        %dma_start3A_972 = tpu.memref_slice %arg15[%dma_start3A_969, %dma_start3A_970, %dma_start3A_971] : memref<2x128x16xf32, #tpu.memory_space<vmem>> -> memref<1x128x16xf32, #tpu.memory_space<vmem>>
        %dma_start3A_973 = tpu.memref_squeeze %dma_start3A_972 : memref<1x128x16xf32, #tpu.memory_space<vmem>> -> memref<128x16xf32, #tpu.memory_space<vmem>>
        %dma_start3A_974 = arith.constant 0 : i32
        %dma_start3A_975 = tpu.memref_slice %arg9[%multiple_of3A_942, %dma_start3A_974] : memref<327680x16xf32, #tpu.memory_space<hbm>> -> memref<128x16xf32, #tpu.memory_space<hbm>>
        %dma_start3A_976 = arith.constant 0 : i32
        %dma_start3A_977 = tpu.memref_slice %arg9[%multiple_of3A_942, %dma_start3A_976] : memref<327680x16xf32, #tpu.memory_space<hbm>> -> memref<128x16xf32, #tpu.memory_space<hbm>>
        %dma_start3A_978 = arith.constant 0 : i32
        %dma_start3A_979 = arith.constant 0 : i32
        %dma_start3A_980 = tpu.memref_slice %arg15[%dma_start3A_969, %dma_start3A_978, %dma_start3A_979] : memref<2x128x16xf32, #tpu.memory_space<vmem>> -> memref<1x128x16xf32, #tpu.memory_space<vmem>>
        %dma_start3A_981 = tpu.memref_squeeze %dma_start3A_980 : memref<1x128x16xf32, #tpu.memory_space<vmem>> -> memref<128x16xf32, #tpu.memory_space<vmem>>
        tpu.enqueue_dma source(%dma_start3A_981 : memref<128x16xf32, #tpu.memory_space<vmem>>) target(%dma_start3A_977 : memref<128x16xf32, #tpu.memory_space<hbm>>) target_semaphore(%arg21 : memref<!tpu.dma_semaphore, #tpu.memory_space<semaphore_mem>>)
        %dma_start3A_982 = arith.constant 0 : i32
        %dma_start3A_983 = arith.constant 0 : i32
        %dma_start3A_984 = arith.constant 0 : i32
        %dma_start3A_985 = tpu.memref_slice %arg16[%dma_start3A_982, %dma_start3A_983, %dma_start3A_984] : memref<2x128x16xf32, #tpu.memory_space<vmem>> -> memref<1x128x16xf32, #tpu.memory_space<vmem>>
        %dma_start3A_986 = tpu.memref_squeeze %dma_start3A_985 : memref<1x128x16xf32, #tpu.memory_space<vmem>> -> memref<128x16xf32, #tpu.memory_space<vmem>>
        %dma_start3A_987 = arith.constant 0 : i32
        %dma_start3A_988 = tpu.memref_slice %arg10[%multiple_of3A_942, %dma_start3A_987] : memref<327680x16xf32, #tpu.memory_space<hbm>> -> memref<128x16xf32, #tpu.memory_space<hbm>>
        %dma_start3A_989 = arith.constant 0 : i32
        %dma_start3A_990 = tpu.memref_slice %arg10[%multiple_of3A_942, %dma_start3A_989] : memref<327680x16xf32, #tpu.memory_space<hbm>> -> memref<128x16xf32, #tpu.memory_space<hbm>>
        %dma_start3A_991 = arith.constant 0 : i32
        %dma_start3A_992 = arith.constant 0 : i32
        %dma_start3A_993 = tpu.memref_slice %arg16[%dma_start3A_982, %dma_start3A_991, %dma_start3A_992] : memref<2x128x16xf32, #tpu.memory_space<vmem>> -> memref<1x128x16xf32, #tpu.memory_space<vmem>>
        %dma_start3A_994 = tpu.memref_squeeze %dma_start3A_993 : memref<1x128x16xf32, #tpu.memory_space<vmem>> -> memref<128x16xf32, #tpu.memory_space<vmem>>
        tpu.enqueue_dma source(%dma_start3A_994 : memref<128x16xf32, #tpu.memory_space<vmem>>) target(%dma_start3A_990 : memref<128x16xf32, #tpu.memory_space<hbm>>) target_semaphore(%arg21 : memref<!tpu.dma_semaphore, #tpu.memory_space<semaphore_mem>>)
        %dma_wait3A_995 = arith.constant 1 : i32
        %dma_wait3A_996 = arith.constant 0 : i32
        %dma_wait3A_997 = tpu.memref_slice %arg11[%dma_wait3A_995, %dma_wait3A_996] : memref<2x128xi32, #tpu.memory_space<vmem>> -> memref<1x128xi32, #tpu.memory_space<vmem>>
        %dma_wait3A_998 = tpu.memref_squeeze %dma_wait3A_997 : memref<1x128xi32, #tpu.memory_space<vmem>> -> memref<128xi32, #tpu.memory_space<vmem>>
        %dma_wait3A_999 = arith.constant 0 : i32
        %dma_wait3A_1000 = tpu.memref_slice %arg5[%dma_wait3A_999] : memref<327680xi32, #tpu.memory_space<hbm>> -> memref<128xi32, #tpu.memory_space<hbm>>
        %dma_wait3A_1001 = arith.constant 0 : i32
        %dma_wait3A_1002 = tpu.memref_slice %arg11[%dma_wait3A_995, %dma_wait3A_1001] : memref<2x128xi32, #tpu.memory_space<vmem>> -> memref<1x128xi32, #tpu.memory_space<vmem>>
        %dma_wait3A_1003 = tpu.memref_squeeze %dma_wait3A_1002 : memref<1x128xi32, #tpu.memory_space<vmem>> -> memref<128xi32, #tpu.memory_space<vmem>>
        %dma_wait3A_1004 = arith.constant 0 : i32
        %dma_wait3A_1005 = tpu.memref_slice %arg5[%dma_wait3A_1004] : memref<327680xi32, #tpu.memory_space<hbm>> -> memref<128xi32, #tpu.memory_space<hbm>>
        tpu.wait_dma2 semaphore(%arg18 : memref<!tpu.dma_semaphore, #tpu.memory_space<semaphore_mem>>) src(%dma_wait3A_1005 : memref<128xi32, #tpu.memory_space<hbm>>) dst(%dma_wait3A_1003 : memref<128xi32, #tpu.memory_space<vmem>>)
        %dma_wait3A_1006 = arith.constant 1 : i32
        %dma_wait3A_1007 = arith.constant 0 : i32
        %dma_wait3A_1008 = tpu.memref_slice %arg12[%dma_wait3A_1006, %dma_wait3A_1007] : memref<2x128xi32, #tpu.memory_space<vmem>> -> memref<1x128xi32, #tpu.memory_space<vmem>>
        %dma_wait3A_1009 = tpu.memref_squeeze %dma_wait3A_1008 : memref<1x128xi32, #tpu.memory_space<vmem>> -> memref<128xi32, #tpu.memory_space<vmem>>
        %dma_wait3A_1010 = arith.constant 0 : i32
        %dma_wait3A_1011 = tpu.memref_slice %arg6[%dma_wait3A_1010] : memref<327680xi32, #tpu.memory_space<hbm>> -> memref<128xi32, #tpu.memory_space<hbm>>
        %dma_wait3A_1012 = arith.constant 0 : i32
        %dma_wait3A_1013 = tpu.memref_slice %arg12[%dma_wait3A_1006, %dma_wait3A_1012] : memref<2x128xi32, #tpu.memory_space<vmem>> -> memref<1x128xi32, #tpu.memory_space<vmem>>
        %dma_wait3A_1014 = tpu.memref_squeeze %dma_wait3A_1013 : memref<1x128xi32, #tpu.memory_space<vmem>> -> memref<128xi32, #tpu.memory_space<vmem>>
        %dma_wait3A_1015 = arith.constant 0 : i32
        %dma_wait3A_1016 = tpu.memref_slice %arg6[%dma_wait3A_1015] : memref<327680xi32, #tpu.memory_space<hbm>> -> memref<128xi32, #tpu.memory_space<hbm>>
        tpu.wait_dma2 semaphore(%arg18 : memref<!tpu.dma_semaphore, #tpu.memory_space<semaphore_mem>>) src(%dma_wait3A_1016 : memref<128xi32, #tpu.memory_space<hbm>>) dst(%dma_wait3A_1014 : memref<128xi32, #tpu.memory_space<vmem>>)
        %add3A_1017 = arith.constant 1 : i32
        %add3A_1018 = arith.addi %add3A_828, %add3A_1017 : i32
        %min3A_1019 = arith.constant 43 : i32
        %min3A_1020 = arith.minsi %add3A_1018, %min3A_1019 : i32
        %mul3A_1021 = arith.constant 128 : i32
        %mul3A_1022 = arith.muli %min3A_1020, %mul3A_1021 : i32
        %add3A_1023 = arith.addi %add3A_8, %mul3A_1022 : i32
        %multiple_of3A_1024 = tpu.assume_multiple %add3A_1023, 128 : i32
        %dma_start3A_1025 = arith.constant 0 : i32
        %dma_start3A_1026 = arith.constant 0 : i32
        %dma_start3A_1027 = tpu.memref_slice %arg11[%dma_start3A_1025, %dma_start3A_1026] : memref<2x128xi32, #tpu.memory_space<vmem>> -> memref<1x128xi32, #tpu.memory_space<vmem>>
        %dma_start3A_1028 = tpu.memref_squeeze %dma_start3A_1027 : memref<1x128xi32, #tpu.memory_space<vmem>> -> memref<128xi32, #tpu.memory_space<vmem>>
        %dma_start3A_1029 = tpu.memref_slice %arg5[%multiple_of3A_1024] : memref<327680xi32, #tpu.memory_space<hbm>> -> memref<128xi32, #tpu.memory_space<hbm>>
        %dma_start3A_1030 = arith.constant 0 : i32
        %dma_start3A_1031 = tpu.memref_slice %arg11[%dma_start3A_1025, %dma_start3A_1030] : memref<2x128xi32, #tpu.memory_space<vmem>> -> memref<1x128xi32, #tpu.memory_space<vmem>>
        %dma_start3A_1032 = tpu.memref_squeeze %dma_start3A_1031 : memref<1x128xi32, #tpu.memory_space<vmem>> -> memref<128xi32, #tpu.memory_space<vmem>>
        %dma_start3A_1033 = tpu.memref_slice %arg5[%multiple_of3A_1024] : memref<327680xi32, #tpu.memory_space<hbm>> -> memref<128xi32, #tpu.memory_space<hbm>>
        tpu.enqueue_dma source(%dma_start3A_1033 : memref<128xi32, #tpu.memory_space<hbm>>) target(%dma_start3A_1032 : memref<128xi32, #tpu.memory_space<vmem>>) target_semaphore(%arg17 : memref<!tpu.dma_semaphore, #tpu.memory_space<semaphore_mem>>)
        %dma_start3A_1034 = arith.constant 0 : i32
        %dma_start3A_1035 = arith.constant 0 : i32
        %dma_start3A_1036 = tpu.memref_slice %arg12[%dma_start3A_1034, %dma_start3A_1035] : memref<2x128xi32, #tpu.memory_space<vmem>> -> memref<1x128xi32, #tpu.memory_space<vmem>>
        %dma_start3A_1037 = tpu.memref_squeeze %dma_start3A_1036 : memref<1x128xi32, #tpu.memory_space<vmem>> -> memref<128xi32, #tpu.memory_space<vmem>>
        %dma_start3A_1038 = tpu.memref_slice %arg6[%multiple_of3A_1024] : memref<327680xi32, #tpu.memory_space<hbm>> -> memref<128xi32, #tpu.memory_space<hbm>>
        %dma_start3A_1039 = arith.constant 0 : i32
        %dma_start3A_1040 = tpu.memref_slice %arg12[%dma_start3A_1034, %dma_start3A_1039] : memref<2x128xi32, #tpu.memory_space<vmem>> -> memref<1x128xi32, #tpu.memory_space<vmem>>
        %dma_start3A_1041 = tpu.memref_squeeze %dma_start3A_1040 : memref<1x128xi32, #tpu.memory_space<vmem>> -> memref<128xi32, #tpu.memory_space<vmem>>
        %dma_start3A_1042 = tpu.memref_slice %arg6[%multiple_of3A_1024] : memref<327680xi32, #tpu.memory_space<hbm>> -> memref<128xi32, #tpu.memory_space<hbm>>
        tpu.enqueue_dma source(%dma_start3A_1042 : memref<128xi32, #tpu.memory_space<hbm>>) target(%dma_start3A_1041 : memref<128xi32, #tpu.memory_space<vmem>>) target_semaphore(%arg17 : memref<!tpu.dma_semaphore, #tpu.memory_space<semaphore_mem>>)
        %dma_start3A_1043 = arith.constant 1 : i32
        %dma_start3A_1044 = arith.constant 1 : i32
        %dma_start3A_1045 = arith.constant 0 : i32
        %dma_start3A_1046 = arith.constant 0 : i32
        %dma_start3A_1047 = tpu.memref_slice %arg13[%dma_start3A_1044, %dma_start3A_1045, %dma_start3A_1046] : memref<2x128x128xf32, #tpu.memory_space<vmem>> -> memref<1x128x128xf32, #tpu.memory_space<vmem>>
        %dma_start3A_1048 = tpu.memref_squeeze %dma_start3A_1047 : memref<1x128x128xf32, #tpu.memory_space<vmem>> -> memref<128x128xf32, #tpu.memory_space<vmem>>
        %dma_start3A_1049 = arith.constant 0 : i32
        %dma_start3A_1050 = tpu.memref_slice %arg11[%dma_start3A_1043, %dma_start3A_1049] : memref<2x128xi32, #tpu.memory_space<vmem>> -> memref<1x128xi32, #tpu.memory_space<vmem>>
        %dma_start3A_1051 = tpu.memref_squeeze %dma_start3A_1050 : memref<1x128xi32, #tpu.memory_space<vmem>> -> memref<128xi32, #tpu.memory_space<vmem>>
        %dma_start3A_1052 = arith.constant 0 : i32
        %dma_start3A_1053 = arith.constant 0 : i32
        %dma_start3A_1054 = tpu.memref_slice %arg2[%dma_start3A_1052, %dma_start3A_1053] : memref<10000x128xf32, #tpu.memory_space<hbm>> -> memref<10000x128xf32, #tpu.memory_space<hbm>>
        tpu.enqueue_indirect_dma source(%dma_start3A_1054 : memref<10000x128xf32, #tpu.memory_space<hbm>>) target(%dma_start3A_1048 : memref<128x128xf32, #tpu.memory_space<vmem>>) offsets(%dma_start3A_1051 : memref<128xi32, #tpu.memory_space<vmem>>) semaphore(%arg20 : memref<!tpu.dma_semaphore, #tpu.memory_space<semaphore_mem>>)
        %dma_start3A_1055 = arith.constant 1 : i32
        %dma_start3A_1056 = arith.constant 1 : i32
        %dma_start3A_1057 = arith.constant 0 : i32
        %dma_start3A_1058 = arith.constant 0 : i32
        %dma_start3A_1059 = tpu.memref_slice %arg14[%dma_start3A_1056, %dma_start3A_1057, %dma_start3A_1058] : memref<2x128x128xf32, #tpu.memory_space<vmem>> -> memref<1x128x128xf32, #tpu.memory_space<vmem>>
        %dma_start3A_1060 = tpu.memref_squeeze %dma_start3A_1059 : memref<1x128x128xf32, #tpu.memory_space<vmem>> -> memref<128x128xf32, #tpu.memory_space<vmem>>
        %dma_start3A_1061 = arith.constant 0 : i32
        %dma_start3A_1062 = tpu.memref_slice %arg12[%dma_start3A_1055, %dma_start3A_1061] : memref<2x128xi32, #tpu.memory_space<vmem>> -> memref<1x128xi32, #tpu.memory_space<vmem>>
        %dma_start3A_1063 = tpu.memref_squeeze %dma_start3A_1062 : memref<1x128xi32, #tpu.memory_space<vmem>> -> memref<128xi32, #tpu.memory_space<vmem>>
        %dma_start3A_1064 = arith.constant 0 : i32
        %dma_start3A_1065 = arith.constant 0 : i32
        %dma_start3A_1066 = tpu.memref_slice %arg3[%dma_start3A_1064, %dma_start3A_1065] : memref<10000x128xf32, #tpu.memory_space<hbm>> -> memref<10000x128xf32, #tpu.memory_space<hbm>>
        tpu.enqueue_indirect_dma source(%dma_start3A_1066 : memref<10000x128xf32, #tpu.memory_space<hbm>>) target(%dma_start3A_1060 : memref<128x128xf32, #tpu.memory_space<vmem>>) offsets(%dma_start3A_1063 : memref<128xi32, #tpu.memory_space<vmem>>) semaphore(%arg20 : memref<!tpu.dma_semaphore, #tpu.memory_space<semaphore_mem>>)
        %dma_start3A_1067 = arith.constant 1 : i32
        %dma_start3A_1068 = arith.constant 1 : i32
        %dma_start3A_1069 = arith.constant 0 : i32
        %dma_start3A_1070 = arith.constant 0 : i32
        %dma_start3A_1071 = tpu.memref_slice %arg15[%dma_start3A_1068, %dma_start3A_1069, %dma_start3A_1070] : memref<2x128x16xf32, #tpu.memory_space<vmem>> -> memref<1x128x16xf32, #tpu.memory_space<vmem>>
        %dma_start3A_1072 = tpu.memref_squeeze %dma_start3A_1071 : memref<1x128x16xf32, #tpu.memory_space<vmem>> -> memref<128x16xf32, #tpu.memory_space<vmem>>
        %dma_start3A_1073 = arith.constant 0 : i32
        %dma_start3A_1074 = tpu.memref_slice %arg11[%dma_start3A_1067, %dma_start3A_1073] : memref<2x128xi32, #tpu.memory_space<vmem>> -> memref<1x128xi32, #tpu.memory_space<vmem>>
        %dma_start3A_1075 = tpu.memref_squeeze %dma_start3A_1074 : memref<1x128xi32, #tpu.memory_space<vmem>> -> memref<128xi32, #tpu.memory_space<vmem>>
        %dma_start3A_1076 = arith.constant 0 : i32
        %dma_start3A_1077 = arith.constant 0 : i32
        %dma_start3A_1078 = tpu.memref_slice %arg4[%dma_start3A_1076, %dma_start3A_1077] : memref<10000x16xf32, #tpu.memory_space<hbm>> -> memref<10000x16xf32, #tpu.memory_space<hbm>>
        tpu.enqueue_indirect_dma source(%dma_start3A_1078 : memref<10000x16xf32, #tpu.memory_space<hbm>>) target(%dma_start3A_1072 : memref<128x16xf32, #tpu.memory_space<vmem>>) offsets(%dma_start3A_1075 : memref<128xi32, #tpu.memory_space<vmem>>) semaphore(%arg20 : memref<!tpu.dma_semaphore, #tpu.memory_space<semaphore_mem>>)
        %dma_start3A_1079 = arith.constant 1 : i32
        %dma_start3A_1080 = arith.constant 1 : i32
        %dma_start3A_1081 = arith.constant 0 : i32
        %dma_start3A_1082 = arith.constant 0 : i32
        %dma_start3A_1083 = tpu.memref_slice %arg16[%dma_start3A_1080, %dma_start3A_1081, %dma_start3A_1082] : memref<2x128x16xf32, #tpu.memory_space<vmem>> -> memref<1x128x16xf32, #tpu.memory_space<vmem>>
        %dma_start3A_1084 = tpu.memref_squeeze %dma_start3A_1083 : memref<1x128x16xf32, #tpu.memory_space<vmem>> -> memref<128x16xf32, #tpu.memory_space<vmem>>
        %dma_start3A_1085 = arith.constant 0 : i32
        %dma_start3A_1086 = tpu.memref_slice %arg12[%dma_start3A_1079, %dma_start3A_1085] : memref<2x128xi32, #tpu.memory_space<vmem>> -> memref<1x128xi32, #tpu.memory_space<vmem>>
        %dma_start3A_1087 = tpu.memref_squeeze %dma_start3A_1086 : memref<1x128xi32, #tpu.memory_space<vmem>> -> memref<128xi32, #tpu.memory_space<vmem>>
        %dma_start3A_1088 = arith.constant 0 : i32
        %dma_start3A_1089 = arith.constant 0 : i32
        %dma_start3A_1090 = tpu.memref_slice %arg4[%dma_start3A_1088, %dma_start3A_1089] : memref<10000x16xf32, #tpu.memory_space<hbm>> -> memref<10000x16xf32, #tpu.memory_space<hbm>>
        tpu.enqueue_indirect_dma source(%dma_start3A_1090 : memref<10000x16xf32, #tpu.memory_space<hbm>>) target(%dma_start3A_1084 : memref<128x16xf32, #tpu.memory_space<vmem>>) offsets(%dma_start3A_1087 : memref<128xi32, #tpu.memory_space<vmem>>) semaphore(%arg20 : memref<!tpu.dma_semaphore, #tpu.memory_space<semaphore_mem>>)
      }
      %scan3A_316 = arith.constant 21 : i32
      %dma_wait3A_317 = arith.constant 1 : i32
      %dma_wait3A_318 = arith.constant 1 : i32
      %dma_wait3A_319 = arith.constant 0 : i32
      %dma_wait3A_320 = arith.constant 0 : i32
      %dma_wait3A_321 = tpu.memref_slice %arg13[%dma_wait3A_318, %dma_wait3A_319, %dma_wait3A_320] : memref<2x128x128xf32, #tpu.memory_space<vmem>> -> memref<1x128x128xf32, #tpu.memory_space<vmem>>
      %dma_wait3A_322 = tpu.memref_squeeze %dma_wait3A_321 : memref<1x128x128xf32, #tpu.memory_space<vmem>> -> memref<128x128xf32, #tpu.memory_space<vmem>>
      %dma_wait3A_323 = arith.constant 0 : i32
      %dma_wait3A_324 = tpu.memref_slice %arg11[%dma_wait3A_317, %dma_wait3A_323] : memref<2x128xi32, #tpu.memory_space<vmem>> -> memref<1x128xi32, #tpu.memory_space<vmem>>
      %dma_wait3A_325 = tpu.memref_squeeze %dma_wait3A_324 : memref<1x128xi32, #tpu.memory_space<vmem>> -> memref<128xi32, #tpu.memory_space<vmem>>
      %dma_wait3A_326 = arith.constant 0 : i32
      %dma_wait3A_327 = arith.constant 0 : i32
      %dma_wait3A_328 = tpu.memref_slice %arg2[%dma_wait3A_326, %dma_wait3A_327] : memref<10000x128xf32, #tpu.memory_space<hbm>> -> memref<10000x128xf32, #tpu.memory_space<hbm>>
      tpu.wait_indirect_dma semaphore(%arg20 : memref<!tpu.dma_semaphore, #tpu.memory_space<semaphore_mem>>) src(%dma_wait3A_328 : memref<10000x128xf32, #tpu.memory_space<hbm>>) dst(%dma_wait3A_322 : memref<128x128xf32, #tpu.memory_space<vmem>>)
      %dma_wait3A_329 = arith.constant 1 : i32
      %dma_wait3A_330 = arith.constant 1 : i32
      %dma_wait3A_331 = arith.constant 0 : i32
      %dma_wait3A_332 = arith.constant 0 : i32
      %dma_wait3A_333 = tpu.memref_slice %arg14[%dma_wait3A_330, %dma_wait3A_331, %dma_wait3A_332] : memref<2x128x128xf32, #tpu.memory_space<vmem>> -> memref<1x128x128xf32, #tpu.memory_space<vmem>>
      %dma_wait3A_334 = tpu.memref_squeeze %dma_wait3A_333 : memref<1x128x128xf32, #tpu.memory_space<vmem>> -> memref<128x128xf32, #tpu.memory_space<vmem>>
      %dma_wait3A_335 = arith.constant 0 : i32
      %dma_wait3A_336 = tpu.memref_slice %arg12[%dma_wait3A_329, %dma_wait3A_335] : memref<2x128xi32, #tpu.memory_space<vmem>> -> memref<1x128xi32, #tpu.memory_space<vmem>>
      %dma_wait3A_337 = tpu.memref_squeeze %dma_wait3A_336 : memref<1x128xi32, #tpu.memory_space<vmem>> -> memref<128xi32, #tpu.memory_space<vmem>>
      %dma_wait3A_338 = arith.constant 0 : i32
      %dma_wait3A_339 = arith.constant 0 : i32
      %dma_wait3A_340 = tpu.memref_slice %arg3[%dma_wait3A_338, %dma_wait3A_339] : memref<10000x128xf32, #tpu.memory_space<hbm>> -> memref<10000x128xf32, #tpu.memory_space<hbm>>
      tpu.wait_indirect_dma semaphore(%arg20 : memref<!tpu.dma_semaphore, #tpu.memory_space<semaphore_mem>>) src(%dma_wait3A_340 : memref<10000x128xf32, #tpu.memory_space<hbm>>) dst(%dma_wait3A_334 : memref<128x128xf32, #tpu.memory_space<vmem>>)
      %dma_wait3A_341 = arith.constant 1 : i32
      %dma_wait3A_342 = arith.constant 1 : i32
      %dma_wait3A_343 = arith.constant 0 : i32
      %dma_wait3A_344 = arith.constant 0 : i32
      %dma_wait3A_345 = tpu.memref_slice %arg15[%dma_wait3A_342, %dma_wait3A_343, %dma_wait3A_344] : memref<2x128x16xf32, #tpu.memory_space<vmem>> -> memref<1x128x16xf32, #tpu.memory_space<vmem>>
      %dma_wait3A_346 = tpu.memref_squeeze %dma_wait3A_345 : memref<1x128x16xf32, #tpu.memory_space<vmem>> -> memref<128x16xf32, #tpu.memory_space<vmem>>
      %dma_wait3A_347 = arith.constant 0 : i32
      %dma_wait3A_348 = tpu.memref_slice %arg11[%dma_wait3A_341, %dma_wait3A_347] : memref<2x128xi32, #tpu.memory_space<vmem>> -> memref<1x128xi32, #tpu.memory_space<vmem>>
      %dma_wait3A_349 = tpu.memref_squeeze %dma_wait3A_348 : memref<1x128xi32, #tpu.memory_space<vmem>> -> memref<128xi32, #tpu.memory_space<vmem>>
      %dma_wait3A_350 = arith.constant 0 : i32
      %dma_wait3A_351 = arith.constant 0 : i32
      %dma_wait3A_352 = tpu.memref_slice %arg4[%dma_wait3A_350, %dma_wait3A_351] : memref<10000x16xf32, #tpu.memory_space<hbm>> -> memref<10000x16xf32, #tpu.memory_space<hbm>>
      tpu.wait_indirect_dma semaphore(%arg20 : memref<!tpu.dma_semaphore, #tpu.memory_space<semaphore_mem>>) src(%dma_wait3A_352 : memref<10000x16xf32, #tpu.memory_space<hbm>>) dst(%dma_wait3A_346 : memref<128x16xf32, #tpu.memory_space<vmem>>)
      %dma_wait3A_353 = arith.constant 1 : i32
      %dma_wait3A_354 = arith.constant 1 : i32
      %dma_wait3A_355 = arith.constant 0 : i32
      %dma_wait3A_356 = arith.constant 0 : i32
      %dma_wait3A_357 = tpu.memref_slice %arg16[%dma_wait3A_354, %dma_wait3A_355, %dma_wait3A_356] : memref<2x128x16xf32, #tpu.memory_space<vmem>> -> memref<1x128x16xf32, #tpu.memory_space<vmem>>
      %dma_wait3A_358 = tpu.memref_squeeze %dma_wait3A_357 : memref<1x128x16xf32, #tpu.memory_space<vmem>> -> memref<128x16xf32, #tpu.memory_space<vmem>>
      %dma_wait3A_359 = arith.constant 0 : i32
      %dma_wait3A_360 = tpu.memref_slice %arg12[%dma_wait3A_353, %dma_wait3A_359] : memref<2x128xi32, #tpu.memory_space<vmem>> -> memref<1x128xi32, #tpu.memory_space<vmem>>
      %dma_wait3A_361 = tpu.memref_squeeze %dma_wait3A_360 : memref<1x128xi32, #tpu.memory_space<vmem>> -> memref<128xi32, #tpu.memory_space<vmem>>
      %dma_wait3A_362 = arith.constant 0 : i32
      %dma_wait3A_363 = arith.constant 0 : i32
      %dma_wait3A_364 = tpu.memref_slice %arg4[%dma_wait3A_362, %dma_wait3A_363] : memref<10000x16xf32, #tpu.memory_space<hbm>> -> memref<10000x16xf32, #tpu.memory_space<hbm>>
      tpu.wait_indirect_dma semaphore(%arg20 : memref<!tpu.dma_semaphore, #tpu.memory_space<semaphore_mem>>) src(%dma_wait3A_364 : memref<10000x16xf32, #tpu.memory_space<hbm>>) dst(%dma_wait3A_358 : memref<128x16xf32, #tpu.memory_space<vmem>>)
      %add3A_365 = arith.constant 5504 : i32
      %add3A_366 = arith.addi %add3A_8, %add3A_365 : i32
      %multiple_of3A_367 = tpu.assume_multiple %add3A_366, 128 : i32
      %dma_start3A_368 = arith.constant 1 : i32
      %dma_start3A_369 = arith.constant 0 : i32
      %dma_start3A_370 = arith.constant 0 : i32
      %dma_start3A_371 = tpu.memref_slice %arg13[%dma_start3A_368, %dma_start3A_369, %dma_start3A_370] : memref<2x128x128xf32, #tpu.memory_space<vmem>> -> memref<1x128x128xf32, #tpu.memory_space<vmem>>
      %dma_start3A_372 = tpu.memref_squeeze %dma_start3A_371 : memref<1x128x128xf32, #tpu.memory_space<vmem>> -> memref<128x128xf32, #tpu.memory_space<vmem>>
      %dma_start3A_373 = arith.constant 0 : i32
      %dma_start3A_374 = tpu.memref_slice %arg7[%multiple_of3A_367, %dma_start3A_373] : memref<327680x128xf32, #tpu.memory_space<hbm>> -> memref<128x128xf32, #tpu.memory_space<hbm>>
      %dma_start3A_375 = arith.constant 0 : i32
      %dma_start3A_376 = tpu.memref_slice %arg7[%multiple_of3A_367, %dma_start3A_375] : memref<327680x128xf32, #tpu.memory_space<hbm>> -> memref<128x128xf32, #tpu.memory_space<hbm>>
      %dma_start3A_377 = arith.constant 0 : i32
      %dma_start3A_378 = arith.constant 0 : i32
      %dma_start3A_379 = tpu.memref_slice %arg13[%dma_start3A_368, %dma_start3A_377, %dma_start3A_378] : memref<2x128x128xf32, #tpu.memory_space<vmem>> -> memref<1x128x128xf32, #tpu.memory_space<vmem>>
      %dma_start3A_380 = tpu.memref_squeeze %dma_start3A_379 : memref<1x128x128xf32, #tpu.memory_space<vmem>> -> memref<128x128xf32, #tpu.memory_space<vmem>>
      tpu.enqueue_dma source(%dma_start3A_380 : memref<128x128xf32, #tpu.memory_space<vmem>>) target(%dma_start3A_376 : memref<128x128xf32, #tpu.memory_space<hbm>>) target_semaphore(%arg22 : memref<!tpu.dma_semaphore, #tpu.memory_space<semaphore_mem>>)
      %dma_start3A_381 = arith.constant 1 : i32
      %dma_start3A_382 = arith.constant 0 : i32
      %dma_start3A_383 = arith.constant 0 : i32
      %dma_start3A_384 = tpu.memref_slice %arg14[%dma_start3A_381, %dma_start3A_382, %dma_start3A_383] : memref<2x128x128xf32, #tpu.memory_space<vmem>> -> memref<1x128x128xf32, #tpu.memory_space<vmem>>
      %dma_start3A_385 = tpu.memref_squeeze %dma_start3A_384 : memref<1x128x128xf32, #tpu.memory_space<vmem>> -> memref<128x128xf32, #tpu.memory_space<vmem>>
      %dma_start3A_386 = arith.constant 0 : i32
      %dma_start3A_387 = tpu.memref_slice %arg8[%multiple_of3A_367, %dma_start3A_386] : memref<327680x128xf32, #tpu.memory_space<hbm>> -> memref<128x128xf32, #tpu.memory_space<hbm>>
      %dma_start3A_388 = arith.constant 0 : i32
      %dma_start3A_389 = tpu.memref_slice %arg8[%multiple_of3A_367, %dma_start3A_388] : memref<327680x128xf32, #tpu.memory_space<hbm>> -> memref<128x128xf32, #tpu.memory_space<hbm>>
      %dma_start3A_390 = arith.constant 0 : i32
      %dma_start3A_391 = arith.constant 0 : i32
      %dma_start3A_392 = tpu.memref_slice %arg14[%dma_start3A_381, %dma_start3A_390, %dma_start3A_391] : memref<2x128x128xf32, #tpu.memory_space<vmem>> -> memref<1x128x128xf32, #tpu.memory_space<vmem>>
      %dma_start3A_393 = tpu.memref_squeeze %dma_start3A_392 : memref<1x128x128xf32, #tpu.memory_space<vmem>> -> memref<128x128xf32, #tpu.memory_space<vmem>>
      tpu.enqueue_dma source(%dma_start3A_393 : memref<128x128xf32, #tpu.memory_space<vmem>>) target(%dma_start3A_389 : memref<128x128xf32, #tpu.memory_space<hbm>>) target_semaphore(%arg22 : memref<!tpu.dma_semaphore, #tpu.memory_space<semaphore_mem>>)
      %dma_start3A_394 = arith.constant 1 : i32
      %dma_start3A_395 = arith.constant 0 : i32
      %dma_start3A_396 = arith.constant 0 : i32
      %dma_start3A_397 = tpu.memref_slice %arg15[%dma_start3A_394, %dma_start3A_395, %dma_start3A_396] : memref<2x128x16xf32, #tpu.memory_space<vmem>> -> memref<1x128x16xf32, #tpu.memory_space<vmem>>
      %dma_start3A_398 = tpu.memref_squeeze %dma_start3A_397 : memref<1x128x16xf32, #tpu.memory_space<vmem>> -> memref<128x16xf32, #tpu.memory_space<vmem>>
      %dma_start3A_399 = arith.constant 0 : i32
      %dma_start3A_400 = tpu.memref_slice %arg9[%multiple_of3A_367, %dma_start3A_399] : memref<327680x16xf32, #tpu.memory_space<hbm>> -> memref<128x16xf32, #tpu.memory_space<hbm>>
      %dma_start3A_401 = arith.constant 0 : i32
      %dma_start3A_402 = tpu.memref_slice %arg9[%multiple_of3A_367, %dma_start3A_401] : memref<327680x16xf32, #tpu.memory_space<hbm>> -> memref<128x16xf32, #tpu.memory_space<hbm>>
      %dma_start3A_403 = arith.constant 0 : i32
      %dma_start3A_404 = arith.constant 0 : i32
      %dma_start3A_405 = tpu.memref_slice %arg15[%dma_start3A_394, %dma_start3A_403, %dma_start3A_404] : memref<2x128x16xf32, #tpu.memory_space<vmem>> -> memref<1x128x16xf32, #tpu.memory_space<vmem>>
      %dma_start3A_406 = tpu.memref_squeeze %dma_start3A_405 : memref<1x128x16xf32, #tpu.memory_space<vmem>> -> memref<128x16xf32, #tpu.memory_space<vmem>>
      tpu.enqueue_dma source(%dma_start3A_406 : memref<128x16xf32, #tpu.memory_space<vmem>>) target(%dma_start3A_402 : memref<128x16xf32, #tpu.memory_space<hbm>>) target_semaphore(%arg22 : memref<!tpu.dma_semaphore, #tpu.memory_space<semaphore_mem>>)
      %dma_start3A_407 = arith.constant 1 : i32
      %dma_start3A_408 = arith.constant 0 : i32
      %dma_start3A_409 = arith.constant 0 : i32
      %dma_start3A_410 = tpu.memref_slice %arg16[%dma_start3A_407, %dma_start3A_408, %dma_start3A_409] : memref<2x128x16xf32, #tpu.memory_space<vmem>> -> memref<1x128x16xf32, #tpu.memory_space<vmem>>
      %dma_start3A_411 = tpu.memref_squeeze %dma_start3A_410 : memref<1x128x16xf32, #tpu.memory_space<vmem>> -> memref<128x16xf32, #tpu.memory_space<vmem>>
      %dma_start3A_412 = arith.constant 0 : i32
      %dma_start3A_413 = tpu.memref_slice %arg10[%multiple_of3A_367, %dma_start3A_412] : memref<327680x16xf32, #tpu.memory_space<hbm>> -> memref<128x16xf32, #tpu.memory_space<hbm>>
      %dma_start3A_414 = arith.constant 0 : i32
      %dma_start3A_415 = tpu.memref_slice %arg10[%multiple_of3A_367, %dma_start3A_414] : memref<327680x16xf32, #tpu.memory_space<hbm>> -> memref<128x16xf32, #tpu.memory_space<hbm>>
      %dma_start3A_416 = arith.constant 0 : i32
      %dma_start3A_417 = arith.constant 0 : i32
      %dma_start3A_418 = tpu.memref_slice %arg16[%dma_start3A_407, %dma_start3A_416, %dma_start3A_417] : memref<2x128x16xf32, #tpu.memory_space<vmem>> -> memref<1x128x16xf32, #tpu.memory_space<vmem>>
      %dma_start3A_419 = tpu.memref_squeeze %dma_start3A_418 : memref<1x128x16xf32, #tpu.memory_space<vmem>> -> memref<128x16xf32, #tpu.memory_space<vmem>>
      tpu.enqueue_dma source(%dma_start3A_419 : memref<128x16xf32, #tpu.memory_space<vmem>>) target(%dma_start3A_415 : memref<128x16xf32, #tpu.memory_space<hbm>>) target_semaphore(%arg22 : memref<!tpu.dma_semaphore, #tpu.memory_space<semaphore_mem>>)
      %dma_wait3A_420 = arith.constant 0 : i32
      %dma_wait3A_421 = arith.constant 0 : i32
      %dma_wait3A_422 = arith.constant 0 : i32
      %dma_wait3A_423 = tpu.memref_slice %arg13[%dma_wait3A_420, %dma_wait3A_421, %dma_wait3A_422] : memref<2x128x128xf32, #tpu.memory_space<vmem>> -> memref<1x128x128xf32, #tpu.memory_space<vmem>>
      %dma_wait3A_424 = tpu.memref_squeeze %dma_wait3A_423 : memref<1x128x128xf32, #tpu.memory_space<vmem>> -> memref<128x128xf32, #tpu.memory_space<vmem>>
      %dma_wait3A_425 = arith.constant 0 : i32
      %dma_wait3A_426 = arith.constant 0 : i32
      %dma_wait3A_427 = tpu.memref_slice %arg7[%dma_wait3A_425, %dma_wait3A_426] : memref<327680x128xf32, #tpu.memory_space<hbm>> -> memref<128x128xf32, #tpu.memory_space<hbm>>
      %dma_wait3A_428 = arith.constant 0 : i32
      %dma_wait3A_429 = arith.constant 0 : i32
      %dma_wait3A_430 = tpu.memref_slice %arg7[%dma_wait3A_428, %dma_wait3A_429] : memref<327680x128xf32, #tpu.memory_space<hbm>> -> memref<128x128xf32, #tpu.memory_space<hbm>>
      %dma_wait3A_431 = arith.constant 0 : i32
      %dma_wait3A_432 = arith.constant 0 : i32
      %dma_wait3A_433 = tpu.memref_slice %arg13[%dma_wait3A_420, %dma_wait3A_431, %dma_wait3A_432] : memref<2x128x128xf32, #tpu.memory_space<vmem>> -> memref<1x128x128xf32, #tpu.memory_space<vmem>>
      %dma_wait3A_434 = tpu.memref_squeeze %dma_wait3A_433 : memref<1x128x128xf32, #tpu.memory_space<vmem>> -> memref<128x128xf32, #tpu.memory_space<vmem>>
      tpu.wait_dma2 semaphore(%arg21 : memref<!tpu.dma_semaphore, #tpu.memory_space<semaphore_mem>>) src(%dma_wait3A_434 : memref<128x128xf32, #tpu.memory_space<vmem>>) dst(%dma_wait3A_430 : memref<128x128xf32, #tpu.memory_space<hbm>>)
      %dma_wait3A_435 = arith.constant 0 : i32
      %dma_wait3A_436 = arith.constant 0 : i32
      %dma_wait3A_437 = arith.constant 0 : i32
      %dma_wait3A_438 = tpu.memref_slice %arg14[%dma_wait3A_435, %dma_wait3A_436, %dma_wait3A_437] : memref<2x128x128xf32, #tpu.memory_space<vmem>> -> memref<1x128x128xf32, #tpu.memory_space<vmem>>
      %dma_wait3A_439 = tpu.memref_squeeze %dma_wait3A_438 : memref<1x128x128xf32, #tpu.memory_space<vmem>> -> memref<128x128xf32, #tpu.memory_space<vmem>>
      %dma_wait3A_440 = arith.constant 0 : i32
      %dma_wait3A_441 = arith.constant 0 : i32
      %dma_wait3A_442 = tpu.memref_slice %arg8[%dma_wait3A_440, %dma_wait3A_441] : memref<327680x128xf32, #tpu.memory_space<hbm>> -> memref<128x128xf32, #tpu.memory_space<hbm>>
      %dma_wait3A_443 = arith.constant 0 : i32
      %dma_wait3A_444 = arith.constant 0 : i32
      %dma_wait3A_445 = tpu.memref_slice %arg8[%dma_wait3A_443, %dma_wait3A_444] : memref<327680x128xf32, #tpu.memory_space<hbm>> -> memref<128x128xf32, #tpu.memory_space<hbm>>
      %dma_wait3A_446 = arith.constant 0 : i32
      %dma_wait3A_447 = arith.constant 0 : i32
      %dma_wait3A_448 = tpu.memref_slice %arg14[%dma_wait3A_435, %dma_wait3A_446, %dma_wait3A_447] : memref<2x128x128xf32, #tpu.memory_space<vmem>> -> memref<1x128x128xf32, #tpu.memory_space<vmem>>
      %dma_wait3A_449 = tpu.memref_squeeze %dma_wait3A_448 : memref<1x128x128xf32, #tpu.memory_space<vmem>> -> memref<128x128xf32, #tpu.memory_space<vmem>>
      tpu.wait_dma2 semaphore(%arg21 : memref<!tpu.dma_semaphore, #tpu.memory_space<semaphore_mem>>) src(%dma_wait3A_449 : memref<128x128xf32, #tpu.memory_space<vmem>>) dst(%dma_wait3A_445 : memref<128x128xf32, #tpu.memory_space<hbm>>)
      %dma_wait3A_450 = arith.constant 0 : i32
      %dma_wait3A_451 = arith.constant 0 : i32
      %dma_wait3A_452 = arith.constant 0 : i32
      %dma_wait3A_453 = tpu.memref_slice %arg15[%dma_wait3A_450, %dma_wait3A_451, %dma_wait3A_452] : memref<2x128x16xf32, #tpu.memory_space<vmem>> -> memref<1x128x16xf32, #tpu.memory_space<vmem>>
      %dma_wait3A_454 = tpu.memref_squeeze %dma_wait3A_453 : memref<1x128x16xf32, #tpu.memory_space<vmem>> -> memref<128x16xf32, #tpu.memory_space<vmem>>
      %dma_wait3A_455 = arith.constant 0 : i32
      %dma_wait3A_456 = arith.constant 0 : i32
      %dma_wait3A_457 = tpu.memref_slice %arg9[%dma_wait3A_455, %dma_wait3A_456] : memref<327680x16xf32, #tpu.memory_space<hbm>> -> memref<128x16xf32, #tpu.memory_space<hbm>>
      %dma_wait3A_458 = arith.constant 0 : i32
      %dma_wait3A_459 = arith.constant 0 : i32
      %dma_wait3A_460 = tpu.memref_slice %arg9[%dma_wait3A_458, %dma_wait3A_459] : memref<327680x16xf32, #tpu.memory_space<hbm>> -> memref<128x16xf32, #tpu.memory_space<hbm>>
      %dma_wait3A_461 = arith.constant 0 : i32
      %dma_wait3A_462 = arith.constant 0 : i32
      %dma_wait3A_463 = tpu.memref_slice %arg15[%dma_wait3A_450, %dma_wait3A_461, %dma_wait3A_462] : memref<2x128x16xf32, #tpu.memory_space<vmem>> -> memref<1x128x16xf32, #tpu.memory_space<vmem>>
      %dma_wait3A_464 = tpu.memref_squeeze %dma_wait3A_463 : memref<1x128x16xf32, #tpu.memory_space<vmem>> -> memref<128x16xf32, #tpu.memory_space<vmem>>
      tpu.wait_dma2 semaphore(%arg21 : memref<!tpu.dma_semaphore, #tpu.memory_space<semaphore_mem>>) src(%dma_wait3A_464 : memref<128x16xf32, #tpu.memory_space<vmem>>) dst(%dma_wait3A_460 : memref<128x16xf32, #tpu.memory_space<hbm>>)
      %dma_wait3A_465 = arith.constant 0 : i32
      %dma_wait3A_466 = arith.constant 0 : i32
      %dma_wait3A_467 = arith.constant 0 : i32
      %dma_wait3A_468 = tpu.memref_slice %arg16[%dma_wait3A_465, %dma_wait3A_466, %dma_wait3A_467] : memref<2x128x16xf32, #tpu.memory_space<vmem>> -> memref<1x128x16xf32, #tpu.memory_space<vmem>>
      %dma_wait3A_469 = tpu.memref_squeeze %dma_wait3A_468 : memref<1x128x16xf32, #tpu.memory_space<vmem>> -> memref<128x16xf32, #tpu.memory_space<vmem>>
      %dma_wait3A_470 = arith.constant 0 : i32
      %dma_wait3A_471 = arith.constant 0 : i32
      %dma_wait3A_472 = tpu.memref_slice %arg10[%dma_wait3A_470, %dma_wait3A_471] : memref<327680x16xf32, #tpu.memory_space<hbm>> -> memref<128x16xf32, #tpu.memory_space<hbm>>
      %dma_wait3A_473 = arith.constant 0 : i32
      %dma_wait3A_474 = arith.constant 0 : i32
      %dma_wait3A_475 = tpu.memref_slice %arg10[%dma_wait3A_473, %dma_wait3A_474] : memref<327680x16xf32, #tpu.memory_space<hbm>> -> memref<128x16xf32, #tpu.memory_space<hbm>>
      %dma_wait3A_476 = arith.constant 0 : i32
      %dma_wait3A_477 = arith.constant 0 : i32
      %dma_wait3A_478 = tpu.memref_slice %arg16[%dma_wait3A_465, %dma_wait3A_476, %dma_wait3A_477] : memref<2x128x16xf32, #tpu.memory_space<vmem>> -> memref<1x128x16xf32, #tpu.memory_space<vmem>>
      %dma_wait3A_479 = tpu.memref_squeeze %dma_wait3A_478 : memref<1x128x16xf32, #tpu.memory_space<vmem>> -> memref<128x16xf32, #tpu.memory_space<vmem>>
      tpu.wait_dma2 semaphore(%arg21 : memref<!tpu.dma_semaphore, #tpu.memory_space<semaphore_mem>>) src(%dma_wait3A_479 : memref<128x16xf32, #tpu.memory_space<vmem>>) dst(%dma_wait3A_475 : memref<128x16xf32, #tpu.memory_space<hbm>>)
      %dma_wait3A_480 = arith.constant 1 : i32
      %dma_wait3A_481 = arith.constant 0 : i32
      %dma_wait3A_482 = arith.constant 0 : i32
      %dma_wait3A_483 = tpu.memref_slice %arg13[%dma_wait3A_480, %dma_wait3A_481, %dma_wait3A_482] : memref<2x128x128xf32, #tpu.memory_space<vmem>> -> memref<1x128x128xf32, #tpu.memory_space<vmem>>
      %dma_wait3A_484 = tpu.memref_squeeze %dma_wait3A_483 : memref<1x128x128xf32, #tpu.memory_space<vmem>> -> memref<128x128xf32, #tpu.memory_space<vmem>>
      %dma_wait3A_485 = arith.constant 0 : i32
      %dma_wait3A_486 = arith.constant 0 : i32
      %dma_wait3A_487 = tpu.memref_slice %arg7[%dma_wait3A_485, %dma_wait3A_486] : memref<327680x128xf32, #tpu.memory_space<hbm>> -> memref<128x128xf32, #tpu.memory_space<hbm>>
      %dma_wait3A_488 = arith.constant 0 : i32
      %dma_wait3A_489 = arith.constant 0 : i32
      %dma_wait3A_490 = tpu.memref_slice %arg7[%dma_wait3A_488, %dma_wait3A_489] : memref<327680x128xf32, #tpu.memory_space<hbm>> -> memref<128x128xf32, #tpu.memory_space<hbm>>
      %dma_wait3A_491 = arith.constant 0 : i32
      %dma_wait3A_492 = arith.constant 0 : i32
      %dma_wait3A_493 = tpu.memref_slice %arg13[%dma_wait3A_480, %dma_wait3A_491, %dma_wait3A_492] : memref<2x128x128xf32, #tpu.memory_space<vmem>> -> memref<1x128x128xf32, #tpu.memory_space<vmem>>
      %dma_wait3A_494 = tpu.memref_squeeze %dma_wait3A_493 : memref<1x128x128xf32, #tpu.memory_space<vmem>> -> memref<128x128xf32, #tpu.memory_space<vmem>>
      tpu.wait_dma2 semaphore(%arg22 : memref<!tpu.dma_semaphore, #tpu.memory_space<semaphore_mem>>) src(%dma_wait3A_494 : memref<128x128xf32, #tpu.memory_space<vmem>>) dst(%dma_wait3A_490 : memref<128x128xf32, #tpu.memory_space<hbm>>)
      %dma_wait3A_495 = arith.constant 1 : i32
      %dma_wait3A_496 = arith.constant 0 : i32
      %dma_wait3A_497 = arith.constant 0 : i32
      %dma_wait3A_498 = tpu.memref_slice %arg14[%dma_wait3A_495, %dma_wait3A_496, %dma_wait3A_497] : memref<2x128x128xf32, #tpu.memory_space<vmem>> -> memref<1x128x128xf32, #tpu.memory_space<vmem>>
      %dma_wait3A_499 = tpu.memref_squeeze %dma_wait3A_498 : memref<1x128x128xf32, #tpu.memory_space<vmem>> -> memref<128x128xf32, #tpu.memory_space<vmem>>
      %dma_wait3A_500 = arith.constant 0 : i32
      %dma_wait3A_501 = arith.constant 0 : i32
      %dma_wait3A_502 = tpu.memref_slice %arg8[%dma_wait3A_500, %dma_wait3A_501] : memref<327680x128xf32, #tpu.memory_space<hbm>> -> memref<128x128xf32, #tpu.memory_space<hbm>>
      %dma_wait3A_503 = arith.constant 0 : i32
      %dma_wait3A_504 = arith.constant 0 : i32
      %dma_wait3A_505 = tpu.memref_slice %arg8[%dma_wait3A_503, %dma_wait3A_504] : memref<327680x128xf32, #tpu.memory_space<hbm>> -> memref<128x128xf32, #tpu.memory_space<hbm>>
      %dma_wait3A_506 = arith.constant 0 : i32
      %dma_wait3A_507 = arith.constant 0 : i32
      %dma_wait3A_508 = tpu.memref_slice %arg14[%dma_wait3A_495, %dma_wait3A_506, %dma_wait3A_507] : memref<2x128x128xf32, #tpu.memory_space<vmem>> -> memref<1x128x128xf32, #tpu.memory_space<vmem>>
      %dma_wait3A_509 = tpu.memref_squeeze %dma_wait3A_508 : memref<1x128x128xf32, #tpu.memory_space<vmem>> -> memref<128x128xf32, #tpu.memory_space<vmem>>
      tpu.wait_dma2 semaphore(%arg22 : memref<!tpu.dma_semaphore, #tpu.memory_space<semaphore_mem>>) src(%dma_wait3A_509 : memref<128x128xf32, #tpu.memory_space<vmem>>) dst(%dma_wait3A_505 : memref<128x128xf32, #tpu.memory_space<hbm>>)
      %dma_wait3A_510 = arith.constant 1 : i32
      %dma_wait3A_511 = arith.constant 0 : i32
      %dma_wait3A_512 = arith.constant 0 : i32
      %dma_wait3A_513 = tpu.memref_slice %arg15[%dma_wait3A_510, %dma_wait3A_511, %dma_wait3A_512] : memref<2x128x16xf32, #tpu.memory_space<vmem>> -> memref<1x128x16xf32, #tpu.memory_space<vmem>>
      %dma_wait3A_514 = tpu.memref_squeeze %dma_wait3A_513 : memref<1x128x16xf32, #tpu.memory_space<vmem>> -> memref<128x16xf32, #tpu.memory_space<vmem>>
      %dma_wait3A_515 = arith.constant 0 : i32
      %dma_wait3A_516 = arith.constant 0 : i32
      %dma_wait3A_517 = tpu.memref_slice %arg9[%dma_wait3A_515, %dma_wait3A_516] : memref<327680x16xf32, #tpu.memory_space<hbm>> -> memref<128x16xf32, #tpu.memory_space<hbm>>
      %dma_wait3A_518 = arith.constant 0 : i32
      %dma_wait3A_519 = arith.constant 0 : i32
      %dma_wait3A_520 = tpu.memref_slice %arg9[%dma_wait3A_518, %dma_wait3A_519] : memref<327680x16xf32, #tpu.memory_space<hbm>> -> memref<128x16xf32, #tpu.memory_space<hbm>>
      %dma_wait3A_521 = arith.constant 0 : i32
      %dma_wait3A_522 = arith.constant 0 : i32
      %dma_wait3A_523 = tpu.memref_slice %arg15[%dma_wait3A_510, %dma_wait3A_521, %dma_wait3A_522] : memref<2x128x16xf32, #tpu.memory_space<vmem>> -> memref<1x128x16xf32, #tpu.memory_space<vmem>>
      %dma_wait3A_524 = tpu.memref_squeeze %dma_wait3A_523 : memref<1x128x16xf32, #tpu.memory_space<vmem>> -> memref<128x16xf32, #tpu.memory_space<vmem>>
      tpu.wait_dma2 semaphore(%arg22 : memref<!tpu.dma_semaphore, #tpu.memory_space<semaphore_mem>>) src(%dma_wait3A_524 : memref<128x16xf32, #tpu.memory_space<vmem>>) dst(%dma_wait3A_520 : memref<128x16xf32, #tpu.memory_space<hbm>>)
      %dma_wait3A_525 = arith.constant 1 : i32
      %dma_wait3A_526 = arith.constant 0 : i32
      %dma_wait3A_527 = arith.constant 0 : i32
      %dma_wait3A_528 = tpu.memref_slice %arg16[%dma_wait3A_525, %dma_wait3A_526, %dma_wait3A_527] : memref<2x128x16xf32, #tpu.memory_space<vmem>> -> memref<1x128x16xf32, #tpu.memory_space<vmem>>
      %dma_wait3A_529 = tpu.memref_squeeze %dma_wait3A_528 : memref<1x128x16xf32, #tpu.memory_space<vmem>> -> memref<128x16xf32, #tpu.memory_space<vmem>>
      %dma_wait3A_530 = arith.constant 0 : i32
      %dma_wait3A_531 = arith.constant 0 : i32
      %dma_wait3A_532 = tpu.memref_slice %arg10[%dma_wait3A_530, %dma_wait3A_531] : memref<327680x16xf32, #tpu.memory_space<hbm>> -> memref<128x16xf32, #tpu.memory_space<hbm>>
      %dma_wait3A_533 = arith.constant 0 : i32
      %dma_wait3A_534 = arith.constant 0 : i32
      %dma_wait3A_535 = tpu.memref_slice %arg10[%dma_wait3A_533, %dma_wait3A_534] : memref<327680x16xf32, #tpu.memory_space<hbm>> -> memref<128x16xf32, #tpu.memory_space<hbm>>
      %dma_wait3A_536 = arith.constant 0 : i32
      %dma_wait3A_537 = arith.constant 0 : i32
      %dma_wait3A_538 = tpu.memref_slice %arg16[%dma_wait3A_525, %dma_wait3A_536, %dma_wait3A_537] : memref<2x128x16xf32, #tpu.memory_space<vmem>> -> memref<1x128x16xf32, #tpu.memory_space<vmem>>
      %dma_wait3A_539 = tpu.memref_squeeze %dma_wait3A_538 : memref<1x128x16xf32, #tpu.memory_space<vmem>> -> memref<128x16xf32, #tpu.memory_space<vmem>>
      tpu.wait_dma2 semaphore(%arg22 : memref<!tpu.dma_semaphore, #tpu.memory_space<semaphore_mem>>) src(%dma_wait3A_539 : memref<128x16xf32, #tpu.memory_space<vmem>>) dst(%dma_wait3A_535 : memref<128x16xf32, #tpu.memory_space<hbm>>)
      %dma_wait3A_540 = arith.constant 0 : i32
      %dma_wait3A_541 = arith.constant 0 : i32
      %dma_wait3A_542 = tpu.memref_slice %arg11[%dma_wait3A_540, %dma_wait3A_541] : memref<2x128xi32, #tpu.memory_space<vmem>> -> memref<1x128xi32, #tpu.memory_space<vmem>>
      %dma_wait3A_543 = tpu.memref_squeeze %dma_wait3A_542 : memref<1x128xi32, #tpu.memory_space<vmem>> -> memref<128xi32, #tpu.memory_space<vmem>>
      %dma_wait3A_544 = arith.constant 0 : i32
      %dma_wait3A_545 = tpu.memref_slice %arg5[%dma_wait3A_544] : memref<327680xi32, #tpu.memory_space<hbm>> -> memref<128xi32, #tpu.memory_space<hbm>>
      %dma_wait3A_546 = arith.constant 0 : i32
      %dma_wait3A_547 = tpu.memref_slice %arg11[%dma_wait3A_540, %dma_wait3A_546] : memref<2x128xi32, #tpu.memory_space<vmem>> -> memref<1x128xi32, #tpu.memory_space<vmem>>
      %dma_wait3A_548 = tpu.memref_squeeze %dma_wait3A_547 : memref<1x128xi32, #tpu.memory_space<vmem>> -> memref<128xi32, #tpu.memory_space<vmem>>
      %dma_wait3A_549 = arith.constant 0 : i32
      %dma_wait3A_550 = tpu.memref_slice %arg5[%dma_wait3A_549] : memref<327680xi32, #tpu.memory_space<hbm>> -> memref<128xi32, #tpu.memory_space<hbm>>
      tpu.wait_dma2 semaphore(%arg17 : memref<!tpu.dma_semaphore, #tpu.memory_space<semaphore_mem>>) src(%dma_wait3A_550 : memref<128xi32, #tpu.memory_space<hbm>>) dst(%dma_wait3A_548 : memref<128xi32, #tpu.memory_space<vmem>>)
      %dma_wait3A_551 = arith.constant 0 : i32
      %dma_wait3A_552 = arith.constant 0 : i32
      %dma_wait3A_553 = tpu.memref_slice %arg12[%dma_wait3A_551, %dma_wait3A_552] : memref<2x128xi32, #tpu.memory_space<vmem>> -> memref<1x128xi32, #tpu.memory_space<vmem>>
      %dma_wait3A_554 = tpu.memref_squeeze %dma_wait3A_553 : memref<1x128xi32, #tpu.memory_space<vmem>> -> memref<128xi32, #tpu.memory_space<vmem>>
      %dma_wait3A_555 = arith.constant 0 : i32
      %dma_wait3A_556 = tpu.memref_slice %arg6[%dma_wait3A_555] : memref<327680xi32, #tpu.memory_space<hbm>> -> memref<128xi32, #tpu.memory_space<hbm>>
      %dma_wait3A_557 = arith.constant 0 : i32
      %dma_wait3A_558 = tpu.memref_slice %arg12[%dma_wait3A_551, %dma_wait3A_557] : memref<2x128xi32, #tpu.memory_space<vmem>> -> memref<1x128xi32, #tpu.memory_space<vmem>>
      %dma_wait3A_559 = tpu.memref_squeeze %dma_wait3A_558 : memref<1x128xi32, #tpu.memory_space<vmem>> -> memref<128xi32, #tpu.memory_space<vmem>>
      %dma_wait3A_560 = arith.constant 0 : i32
      %dma_wait3A_561 = tpu.memref_slice %arg6[%dma_wait3A_560] : memref<327680xi32, #tpu.memory_space<hbm>> -> memref<128xi32, #tpu.memory_space<hbm>>
      tpu.wait_dma2 semaphore(%arg17 : memref<!tpu.dma_semaphore, #tpu.memory_space<semaphore_mem>>) src(%dma_wait3A_561 : memref<128xi32, #tpu.memory_space<hbm>>) dst(%dma_wait3A_559 : memref<128xi32, #tpu.memory_space<vmem>>)
    } else {
    }
    return
  }
}

module attributes {stable_mosaic.version = 14 : i64} {
  func.func @pre_body(%arg0: i32, %arg1: memref<2000x128xf32, #tpu.memory_space<vmem>>, %arg2: memref<128x128xf32, #tpu.memory_space<vmem>>, %arg3: memref<128x128xf32, #tpu.memory_space<vmem>>, %arg4: memref<1x128xf32, #tpu.memory_space<vmem>>, %arg5: memref<2000x128xf32, #tpu.memory_space<vmem>>, %arg6: memref<2000x128xf32, #tpu.memory_space<vmem>>) attributes {dimension_semantics = [#tpu.dimension_semantics<parallel>], iteration_bounds = array<i64: 5>, scalar_prefetch = 0 : i64, scratch_operands = 0 : i64, tpu.core_type = #tpu.core_type<tc>, window_params = [{transform_indices = @transform_0, window_bounds = array<i64: 2000, 128>}, {pipeline_mode = #tpu.pipeline_mode<synchronous>, transform_indices = @transform_1, window_bounds = array<i64: 128, 128>}, {pipeline_mode = #tpu.pipeline_mode<synchronous>, transform_indices = @transform_2, window_bounds = array<i64: 128, 128>}, {pipeline_mode = #tpu.pipeline_mode<synchronous>, transform_indices = @transform_3, window_bounds = array<i64: 1, 128>}, {transform_indices = @transform_4, window_bounds = array<i64: 2000, 128>}, {transform_indices = @transform_5, window_bounds = array<i64: 2000, 128>}]} {
    %get3A = arith.constant 0 : index
    %get3A_0 = arith.constant 0 : index
    %get3A_1 = vector.load %arg1[%get3A, %get3A_0] : memref<2000x128xf32, #tpu.memory_space<vmem>>, vector<2000x128xf32>
    %get3A_2 = arith.constant 0 : index
    %get3A_3 = arith.constant 0 : index
    %get3A_4 = vector.load %arg2[%get3A_2, %get3A_3] : memref<128x128xf32, #tpu.memory_space<vmem>>, vector<128x128xf32>
    %dot_general3A = arith.constant dense<0.000000e+00> : vector<2000x128xf32>
    %dot_general3A_5 = tpu.matmul %get3A_1, %get3A_4, %dot_general3A {dimension_numbers = #tpu.dot_dimension_numbers<[1], [0], [0], [1], [0, 0, 1, 1], [], []>, transpose_lhs_hint = false} : vector<2000x128xf32>, vector<128x128xf32>, vector<2000x128xf32> -> vector<2000x128xf32>
    %get3A_6 = arith.constant 0 : index
    %get3A_7 = arith.constant 0 : index
    %get3A_8 = vector.load %arg4[%get3A_6, %get3A_7] : memref<1x128xf32, #tpu.memory_space<vmem>>, vector<1x128xf32>
    %add3A = vector.broadcast %get3A_8 : vector<1x128xf32> to vector<2000x128xf32>
    %add3A_9 = arith.addf %dot_general3A_5, %add3A : vector<2000x128xf32>
    %swap3A = arith.constant 0 : index
    %swap3A_10 = arith.constant 0 : index
    %swap3A_11 = vector.load %arg5[%swap3A, %swap3A_10] : memref<2000x128xf32, #tpu.memory_space<vmem>>, vector<2000x128xf32>
    tpu.vector_store %arg5[%swap3A, %swap3A_10], %add3A_9 {strides = array<i32>} : memref<2000x128xf32, #tpu.memory_space<vmem>>, vector<2000x128xf32>,
    %get3A_12 = arith.constant 0 : index
    %get3A_13 = arith.constant 0 : index
    %get3A_14 = vector.load %arg3[%get3A_12, %get3A_13] : memref<128x128xf32, #tpu.memory_space<vmem>>, vector<128x128xf32>
    %dot_general3A_15 = arith.constant dense<0.000000e+00> : vector<2000x128xf32>
    %dot_general3A_16 = tpu.matmul %get3A_1, %get3A_14, %dot_general3A_15 {dimension_numbers = #tpu.dot_dimension_numbers<[1], [0], [0], [1], [0, 0, 1, 1], [], []>, transpose_lhs_hint = false} : vector<2000x128xf32>, vector<128x128xf32>, vector<2000x128xf32> -> vector<2000x128xf32>
    %swap3A_17 = arith.constant 0 : index
    %swap3A_18 = arith.constant 0 : index
    %swap3A_19 = vector.load %arg6[%swap3A_17, %swap3A_18] : memref<2000x128xf32, #tpu.memory_space<vmem>>, vector<2000x128xf32>
    tpu.vector_store %arg6[%swap3A_17, %swap3A_18], %dot_general3A_16 {strides = array<i32>} : memref<2000x128xf32, #tpu.memory_space<vmem>>, vector<2000x128xf32>,
    return
  }
  func.func @transform_0(%arg0: i32) -> (i32, i32) {
    %c0_i32 = arith.constant 0 : i32
    %c0_i32_0 = arith.constant 0 : i32
    return %arg0, %c0_i32 : i32, i32
  }
  func.func @transform_1(%arg0: i32) -> (i32, i32) {
    %c0_i32 = arith.constant 0 : i32
    %c0_i32_0 = arith.constant 0 : i32
    %c0_i32_1 = arith.constant 0 : i32
    return %c0_i32, %c0_i32_0 : i32, i32
  }
  func.func @transform_2(%arg0: i32) -> (i32, i32) {
    %c0_i32 = arith.constant 0 : i32
    %c0_i32_0 = arith.constant 0 : i32
    %c0_i32_1 = arith.constant 0 : i32
    return %c0_i32, %c0_i32_0 : i32, i32
  }
  func.func @transform_3(%arg0: i32) -> (i32, i32) {
    %c0_i32 = arith.constant 0 : i32
    %c0_i32_0 = arith.constant 0 : i32
    %c0_i32_1 = arith.constant 0 : i32
    return %c0_i32, %c0_i32_0 : i32, i32
  }
  func.func @transform_4(%arg0: i32) -> (i32, i32) {
    %c0_i32 = arith.constant 0 : i32
    %c0_i32_0 = arith.constant 0 : i32
    return %arg0, %c0_i32 : i32, i32
  }
  func.func @transform_5(%arg0: i32) -> (i32, i32) {
    %c0_i32 = arith.constant 0 : i32
    %c0_i32_0 = arith.constant 0 : i32
    return %arg0, %c0_i32 : i32, i32
  }
}

module attributes {stable_mosaic.version = 14 : i64} {
  func.func @edge_body(%arg0: i32, %arg1: memref<2048x128xf32, #tpu.memory_space<vmem>>, %arg2: memref<2048x128xf32, #tpu.memory_space<vmem>>, %arg3: memref<256x128xf32, #tpu.memory_space<vmem>>, %arg4: memref<256x128xf32, #tpu.memory_space<vmem>>, %arg5: memref<1x128xf32, #tpu.memory_space<vmem>>, %arg6: memref<128x128xbf16, #tpu.memory_space<vmem>>, %arg7: memref<1x128xf32, #tpu.memory_space<vmem>>, %arg8: memref<128x128xbf16, #tpu.memory_space<vmem>>, %arg9: memref<1x128xf32, #tpu.memory_space<vmem>>, %arg10: memref<1x128xf32, #tpu.memory_space<vmem>>, %arg11: memref<128x8xf32, #tpu.memory_space<vmem>>, %arg12: memref<8x128xf32, #tpu.memory_space<vmem>>, %arg13: memref<2048x128xf32, #tpu.memory_space<vmem>>, %arg14: memref<256x128xf32, #tpu.memory_space<vmem>>) attributes {dimension_semantics = [#tpu.dimension_semantics<parallel>], iteration_bounds = array<i64: 160>, scalar_prefetch = 0 : i64, scratch_operands = 0 : i64, tpu.core_type = #tpu.core_type<tc>, window_params = [{transform_indices = @transform_0, window_bounds = array<i64: 2048, 128>}, {transform_indices = @transform_1, window_bounds = array<i64: 2048, 128>}, {transform_indices = @transform_2, window_bounds = array<i64: 256, 128>}, {transform_indices = @transform_3, window_bounds = array<i64: 256, 128>}, {pipeline_mode = #tpu.pipeline_mode<synchronous>, transform_indices = @transform_4, window_bounds = array<i64: 1, 128>}, {pipeline_mode = #tpu.pipeline_mode<synchronous>, transform_indices = @transform_5, window_bounds = array<i64: 128, 128>}, {pipeline_mode = #tpu.pipeline_mode<synchronous>, transform_indices = @transform_6, window_bounds = array<i64: 1, 128>}, {pipeline_mode = #tpu.pipeline_mode<synchronous>, transform_indices = @transform_7, window_bounds = array<i64: 128, 128>}, {pipeline_mode = #tpu.pipeline_mode<synchronous>, transform_indices = @transform_8, window_bounds = array<i64: 1, 128>}, {pipeline_mode = #tpu.pipeline_mode<synchronous>, transform_indices = @transform_9, window_bounds = array<i64: 1, 128>}, {pipeline_mode = #tpu.pipeline_mode<synchronous>, transform_indices = @transform_10, window_bounds = array<i64: 128, 8>}, {pipeline_mode = #tpu.pipeline_mode<synchronous>, transform_indices = @transform_11, window_bounds = array<i64: 8, 128>}, {transform_indices = @transform_12, window_bounds = array<i64: 2048, 128>}, {transform_indices = @transform_13, window_bounds = array<i64: 256, 128>}]} {
    %get3A = arith.constant 0 : index
    %get3A_0 = arith.constant 0 : index
    %get3A_1 = vector.load %arg3[%get3A, %get3A_0] : memref<256x128xf32, #tpu.memory_space<vmem>>, vector<256x128xf32>
    %get3A_2 = arith.constant 0 : index
    %get3A_3 = arith.constant 0 : index
    %get3A_4 = vector.load %arg4[%get3A_2, %get3A_3] : memref<256x128xf32, #tpu.memory_space<vmem>>, vector<256x128xf32>
    %sub3A = arith.subf %get3A_1, %get3A_4 : vector<256x128xf32>
    %mul3A = arith.mulf %sub3A, %sub3A : vector<256x128xf32>
    %get3A_5 = arith.constant 0 : index
    %get3A_6 = arith.constant 0 : index
    %get3A_7 = vector.load %arg11[%get3A_5, %get3A_6] : memref<128x8xf32, #tpu.memory_space<vmem>>, vector<128x8xf32>
    %dot_general3A = arith.constant dense<0.000000e+00> : vector<256x8xf32>
    %dot_general3A_8 = tpu.matmul %mul3A, %get3A_7, %dot_general3A {dimension_numbers = #tpu.dot_dimension_numbers<[1], [0], [0], [1], [0, 0, 1, 1], [], []>, precision = #tpu.contract_precision<fp32>, transpose_lhs_hint = false} : vector<256x128xf32>, vector<128x8xf32>, vector<256x8xf32> -> vector<256x8xf32>
    %broadcast_in_dim3A = vector.shape_cast %dot_general3A_8 : vector<256x8xf32> to vector<256x8x1xf32>
    %broadcast_in_dim3A_9 = vector.shape_cast %broadcast_in_dim3A : vector<256x8x1xf32> to vector<256x8x1xf32>
    %broadcast_in_dim3A_10 = vector.broadcast %broadcast_in_dim3A_9 : vector<256x8x1xf32> to vector<256x8x128xf32>
    %sqrt3A = math.sqrt %broadcast_in_dim3A_10 : vector<256x8x128xf32>
    %reshape3A = vector.shape_cast %sqrt3A : vector<256x8x128xf32> to vector<2048x128xf32>
    %get3A_11 = arith.constant 0 : index
    %get3A_12 = arith.constant 0 : index
    %get3A_13 = vector.load %arg1[%get3A_11, %get3A_12] : memref<2048x128xf32, #tpu.memory_space<vmem>>, vector<2048x128xf32>
    %get3A_14 = arith.constant 0 : index
    %get3A_15 = arith.constant 0 : index
    %get3A_16 = vector.load %arg2[%get3A_14, %get3A_15] : memref<2048x128xf32, #tpu.memory_space<vmem>>, vector<2048x128xf32>
    %add3A = arith.addf %get3A_13, %get3A_16 : vector<2048x128xf32>
    %get3A_17 = arith.constant 0 : index
    %get3A_18 = arith.constant 0 : index
    %get3A_19 = vector.load %arg5[%get3A_17, %get3A_18] : memref<1x128xf32, #tpu.memory_space<vmem>>, vector<1x128xf32>
    %mul3A_20 = vector.broadcast %get3A_19 : vector<1x128xf32> to vector<2048x128xf32>
    %mul3A_21 = arith.mulf %reshape3A, %mul3A_20 : vector<2048x128xf32>
    %add3A_22 = arith.addf %add3A, %mul3A_21 : vector<2048x128xf32>
    %logistic3A = arith.negf %add3A_22 : vector<2048x128xf32>
    %logistic3A_23 = math.exp %logistic3A : vector<2048x128xf32>
    %logistic3A_24 = arith.constant 1.000000e+00 : f32
    %logistic3A_25 = vector.broadcast %logistic3A_24 : f32 to vector<2048x128xf32>
    %logistic3A_26 = arith.addf %logistic3A_25, %logistic3A_23 : vector<2048x128xf32>
    %logistic3A_27 = arith.divf %logistic3A_25, %logistic3A_26 : vector<2048x128xf32>
    %mul3A_28 = arith.mulf %add3A_22, %logistic3A_27 : vector<2048x128xf32>
    %convert_element_type3A = arith.truncf %mul3A_28 : vector<2048x128xf32> to vector<2048x128xbf16>
    %get3A_29 = arith.constant 0 : index
    %get3A_30 = arith.constant 0 : index
    %get3A_31 = vector.load %arg6[%get3A_29, %get3A_30] : memref<128x128xbf16, #tpu.memory_space<vmem>>, vector<128x128xbf16>
    %dot_general3A_32 = arith.constant dense<0.000000e+00> : vector<2048x128xf32>
    %dot_general3A_33 = tpu.matmul %convert_element_type3A, %get3A_31, %dot_general3A_32 {dimension_numbers = #tpu.dot_dimension_numbers<[1], [0], [0], [1], [0, 0, 1, 1], [], []>, transpose_lhs_hint = false} : vector<2048x128xbf16>, vector<128x128xbf16>, vector<2048x128xf32> -> vector<2048x128xf32>
    %get3A_34 = arith.constant 0 : index
    %get3A_35 = arith.constant 0 : index
    %get3A_36 = vector.load %arg7[%get3A_34, %get3A_35] : memref<1x128xf32, #tpu.memory_space<vmem>>, vector<1x128xf32>
    %add3A_37 = vector.broadcast %get3A_36 : vector<1x128xf32> to vector<2048x128xf32>
    %add3A_38 = arith.addf %dot_general3A_33, %add3A_37 : vector<2048x128xf32>
    %logistic3A_39 = arith.negf %add3A_38 : vector<2048x128xf32>
    %logistic3A_40 = math.exp %logistic3A_39 : vector<2048x128xf32>
    %logistic3A_41 = arith.constant 1.000000e+00 : f32
    %logistic3A_42 = vector.broadcast %logistic3A_41 : f32 to vector<2048x128xf32>
    %logistic3A_43 = arith.addf %logistic3A_42, %logistic3A_40 : vector<2048x128xf32>
    %logistic3A_44 = arith.divf %logistic3A_42, %logistic3A_43 : vector<2048x128xf32>
    %mul3A_45 = arith.mulf %add3A_38, %logistic3A_44 : vector<2048x128xf32>
    %swap3A = arith.constant 0 : index
    %swap3A_46 = arith.constant 0 : index
    %swap3A_47 = vector.load %arg13[%swap3A, %swap3A_46] : memref<2048x128xf32, #tpu.memory_space<vmem>>, vector<2048x128xf32>
    tpu.vector_store %arg13[%swap3A, %swap3A_46], %mul3A_45 {strides = array<i32>} : memref<2048x128xf32, #tpu.memory_space<vmem>>, vector<2048x128xf32>,
    %convert_element_type3A_48 = arith.truncf %mul3A_45 : vector<2048x128xf32> to vector<2048x128xbf16>
    %get3A_49 = arith.constant 0 : index
    %get3A_50 = arith.constant 0 : index
    %get3A_51 = vector.load %arg8[%get3A_49, %get3A_50] : memref<128x128xbf16, #tpu.memory_space<vmem>>, vector<128x128xbf16>
    %dot_general3A_52 = arith.constant dense<0.000000e+00> : vector<2048x128xf32>
    %dot_general3A_53 = tpu.matmul %convert_element_type3A_48, %get3A_51, %dot_general3A_52 {dimension_numbers = #tpu.dot_dimension_numbers<[1], [0], [0], [1], [0, 0, 1, 1], [], []>, transpose_lhs_hint = false} : vector<2048x128xbf16>, vector<128x128xbf16>, vector<2048x128xf32> -> vector<2048x128xf32>
    %get3A_54 = arith.constant 0 : index
    %get3A_55 = arith.constant 0 : index
    %get3A_56 = vector.load %arg9[%get3A_54, %get3A_55] : memref<1x128xf32, #tpu.memory_space<vmem>>, vector<1x128xf32>
    %add3A_57 = vector.broadcast %get3A_56 : vector<1x128xf32> to vector<2048x128xf32>
    %add3A_58 = arith.addf %dot_general3A_53, %add3A_57 : vector<2048x128xf32>
    %logistic3A_59 = arith.negf %add3A_58 : vector<2048x128xf32>
    %logistic3A_60 = math.exp %logistic3A_59 : vector<2048x128xf32>
    %logistic3A_61 = arith.constant 1.000000e+00 : f32
    %logistic3A_62 = vector.broadcast %logistic3A_61 : f32 to vector<2048x128xf32>
    %logistic3A_63 = arith.addf %logistic3A_62, %logistic3A_60 : vector<2048x128xf32>
    %logistic3A_64 = arith.divf %logistic3A_62, %logistic3A_63 : vector<2048x128xf32>
    %mul3A_65 = arith.mulf %add3A_58, %logistic3A_64 : vector<2048x128xf32>
    %get3A_66 = arith.constant 0 : index
    %get3A_67 = arith.constant 0 : index
    %get3A_68 = vector.load %arg10[%get3A_66, %get3A_67] : memref<1x128xf32, #tpu.memory_space<vmem>>, vector<1x128xf32>
    %mul3A_69 = vector.broadcast %get3A_68 : vector<1x128xf32> to vector<2048x128xf32>
    %mul3A_70 = arith.mulf %mul3A_65, %mul3A_69 : vector<2048x128xf32>
    %reduce_sum3A = arith.constant dense<0.000000e+00> : vector<2048xf32>
    %reduce_sum3A_71 = vector.multi_reduction <add>, %mul3A_70, %reduce_sum3A [1] : vector<2048x128xf32> to vector<2048xf32>
    %broadcast_in_dim3A_72 = vector.shape_cast %reduce_sum3A_71 : vector<2048xf32> to vector<2048x1xf32>
    %tanh3A = math.tanh %broadcast_in_dim3A_72 : vector<2048x1xf32>
    %broadcast_in_dim3A_73 = vector.shape_cast %tanh3A : vector<2048x1xf32> to vector<2048x1xf32>
    %broadcast_in_dim3A_74 = vector.broadcast %broadcast_in_dim3A_73 : vector<2048x1xf32> to vector<2048x128xf32>
    %reshape3A_75 = vector.shape_cast %broadcast_in_dim3A_74 : vector<2048x128xf32> to vector<256x8x128xf32>
    %iota3A = tpu.iota {dimensions = array<i32: 1>} : vector<256x128xi32>
    %broadcast_in_dim3A_76 = arith.constant 0.000000e+00 : f32
    %broadcast_in_dim3A_77 = vector.broadcast %broadcast_in_dim3A_76 : f32 to vector<256x128xf32>
    %broadcast_in_dim3A_78 = arith.constant 0.000000e+00 : f32
    %broadcast_in_dim3A_79 = vector.broadcast %broadcast_in_dim3A_78 : f32 to vector<256x128xf32>
    %jit3A = arith.constant 16 : i32
    %div3A = vector.broadcast %jit3A : i32 to vector<256x128xi32>
    %div3A_80 = arith.divsi %iota3A, %div3A : vector<256x128xi32>
    %sign3A = arith.constant 0 : i32
    %sign3A_81 = vector.broadcast %sign3A : i32 to vector<256x128xi32>
    %sign3A_82 = arith.cmpi sgt, %iota3A, %sign3A_81 : vector<256x128xi32>
    %sign3A_83 = arith.extui %sign3A_82 : vector<256x128xi1> to vector<256x128xi32>
    %sign3A_84 = arith.constant 0 : i32
    %sign3A_85 = vector.broadcast %sign3A_84 : i32 to vector<256x128xi32>
    %sign3A_86 = arith.cmpi slt, %iota3A, %sign3A_85 : vector<256x128xi32>
    %sign3A_87 = arith.extui %sign3A_86 : vector<256x128xi1> to vector<256x128xi32>
    %sign3A_88 = arith.subi %sign3A_83, %sign3A_87 : vector<256x128xi32>
    %sign3A_89 = arith.constant 0 : i32
    %sign3A_90 = arith.cmpi sgt, %jit3A, %sign3A_89 : i32
    %sign3A_91 = arith.extui %sign3A_90 : i1 to i32
    %sign3A_92 = arith.constant 0 : i32
    %sign3A_93 = arith.cmpi slt, %jit3A, %sign3A_92 : i32
    %sign3A_94 = arith.extui %sign3A_93 : i1 to i32
    %sign3A_95 = arith.subi %sign3A_91, %sign3A_94 : i32
    %ne3A = vector.broadcast %sign3A_95 : i32 to vector<256x128xi32>
    %ne3A_96 = arith.cmpi ne, %sign3A_88, %ne3A : vector<256x128xi32>
    %rem3A = vector.broadcast %jit3A : i32 to vector<256x128xi32>
    %rem3A_97 = arith.remsi %iota3A, %rem3A : vector<256x128xi32>
    %ne3A_98 = arith.constant 0 : i32
    %ne3A_99 = vector.broadcast %ne3A_98 : i32 to vector<256x128xi32>
    %ne3A_100 = arith.cmpi ne, %rem3A_97, %ne3A_99 : vector<256x128xi32>
    %and3A = arith.andi %ne3A_96, %ne3A_100 : vector<256x128xi1>
    %sub3A_101 = arith.constant 1 : i32
    %sub3A_102 = vector.broadcast %sub3A_101 : i32 to vector<256x128xi32>
    %sub3A_103 = arith.subi %div3A_80, %sub3A_102 : vector<256x128xi32>
    %select_n3A = arith.select %and3A, %sub3A_103, %div3A_80 : vector<256x128xi1>, vector<256x128xi32>
    %eq3A = arith.constant 0 : i32
    %eq3A_104 = vector.broadcast %eq3A : i32 to vector<256x128xi32>
    %eq3A_105 = arith.cmpi eq, %select_n3A, %eq3A_104 : vector<256x128xi32>
    %convert_element_type3A_106 = arith.extui %eq3A_105 : vector<256x128xi1> to vector<256x128xi32>
    %convert_element_type3A_107 = arith.sitofp %convert_element_type3A_106 : vector<256x128xi32> to vector<256x128xf32>
    %slice3A = vector.extract_strided_slice %sqrt3A {offsets = [0, 0, 0], sizes = [256, 1, 128], strides = [1, 1, 1]} : vector<256x8x128xf32> to vector<256x1x128xf32>
    %squeeze3A = vector.shape_cast %slice3A : vector<256x1x128xf32> to vector<256x128xf32>
    %mul3A_108 = arith.mulf %convert_element_type3A_107, %squeeze3A : vector<256x128xf32>
    %add3A_109 = arith.addf %broadcast_in_dim3A_77, %mul3A_108 : vector<256x128xf32>
    %slice3A_110 = vector.extract_strided_slice %reshape3A_75 {offsets = [0, 0, 0], sizes = [256, 1, 128], strides = [1, 1, 1]} : vector<256x8x128xf32> to vector<256x1x128xf32>
    %squeeze3A_111 = vector.shape_cast %slice3A_110 : vector<256x1x128xf32> to vector<256x128xf32>
    %mul3A_112 = arith.mulf %convert_element_type3A_107, %squeeze3A_111 : vector<256x128xf32>
    %add3A_113 = arith.addf %broadcast_in_dim3A_79, %mul3A_112 : vector<256x128xf32>
    %jit3A_114 = arith.constant 16 : i32
    %div3A_115 = vector.broadcast %jit3A_114 : i32 to vector<256x128xi32>
    %div3A_116 = arith.divsi %iota3A, %div3A_115 : vector<256x128xi32>
    %sign3A_117 = arith.constant 0 : i32
    %sign3A_118 = vector.broadcast %sign3A_117 : i32 to vector<256x128xi32>
    %sign3A_119 = arith.cmpi sgt, %iota3A, %sign3A_118 : vector<256x128xi32>
    %sign3A_120 = arith.extui %sign3A_119 : vector<256x128xi1> to vector<256x128xi32>
    %sign3A_121 = arith.constant 0 : i32
    %sign3A_122 = vector.broadcast %sign3A_121 : i32 to vector<256x128xi32>
    %sign3A_123 = arith.cmpi slt, %iota3A, %sign3A_122 : vector<256x128xi32>
    %sign3A_124 = arith.extui %sign3A_123 : vector<256x128xi1> to vector<256x128xi32>
    %sign3A_125 = arith.subi %sign3A_120, %sign3A_124 : vector<256x128xi32>
    %sign3A_126 = arith.constant 0 : i32
    %sign3A_127 = arith.cmpi sgt, %jit3A_114, %sign3A_126 : i32
    %sign3A_128 = arith.extui %sign3A_127 : i1 to i32
    %sign3A_129 = arith.constant 0 : i32
    %sign3A_130 = arith.cmpi slt, %jit3A_114, %sign3A_129 : i32
    %sign3A_131 = arith.extui %sign3A_130 : i1 to i32
    %sign3A_132 = arith.subi %sign3A_128, %sign3A_131 : i32
    %ne3A_133 = vector.broadcast %sign3A_132 : i32 to vector<256x128xi32>
    %ne3A_134 = arith.cmpi ne, %sign3A_125, %ne3A_133 : vector<256x128xi32>
    %rem3A_135 = vector.broadcast %jit3A_114 : i32 to vector<256x128xi32>
    %rem3A_136 = arith.remsi %iota3A, %rem3A_135 : vector<256x128xi32>
    %ne3A_137 = arith.constant 0 : i32
    %ne3A_138 = vector.broadcast %ne3A_137 : i32 to vector<256x128xi32>
    %ne3A_139 = arith.cmpi ne, %rem3A_136, %ne3A_138 : vector<256x128xi32>
    %and3A_140 = arith.andi %ne3A_134, %ne3A_139 : vector<256x128xi1>
    %sub3A_141 = arith.constant 1 : i32
    %sub3A_142 = vector.broadcast %sub3A_141 : i32 to vector<256x128xi32>
    %sub3A_143 = arith.subi %div3A_116, %sub3A_142 : vector<256x128xi32>
    %select_n3A_144 = arith.select %and3A_140, %sub3A_143, %div3A_116 : vector<256x128xi1>, vector<256x128xi32>
    %eq3A_145 = arith.constant 1 : i32
    %eq3A_146 = vector.broadcast %eq3A_145 : i32 to vector<256x128xi32>
    %eq3A_147 = arith.cmpi eq, %select_n3A_144, %eq3A_146 : vector<256x128xi32>
    %convert_element_type3A_148 = arith.extui %eq3A_147 : vector<256x128xi1> to vector<256x128xi32>
    %convert_element_type3A_149 = arith.sitofp %convert_element_type3A_148 : vector<256x128xi32> to vector<256x128xf32>
    %slice3A_150 = vector.extract_strided_slice %sqrt3A {offsets = [0, 1, 0], sizes = [256, 1, 128], strides = [1, 1, 1]} : vector<256x8x128xf32> to vector<256x1x128xf32>
    %squeeze3A_151 = vector.shape_cast %slice3A_150 : vector<256x1x128xf32> to vector<256x128xf32>
    %mul3A_152 = arith.mulf %convert_element_type3A_149, %squeeze3A_151 : vector<256x128xf32>
    %add3A_153 = arith.addf %add3A_109, %mul3A_152 : vector<256x128xf32>
    %slice3A_154 = vector.extract_strided_slice %reshape3A_75 {offsets = [0, 1, 0], sizes = [256, 1, 128], strides = [1, 1, 1]} : vector<256x8x128xf32> to vector<256x1x128xf32>
    %squeeze3A_155 = vector.shape_cast %slice3A_154 : vector<256x1x128xf32> to vector<256x128xf32>
    %mul3A_156 = arith.mulf %convert_element_type3A_149, %squeeze3A_155 : vector<256x128xf32>
    %add3A_157 = arith.addf %add3A_113, %mul3A_156 : vector<256x128xf32>
    %jit3A_158 = arith.constant 16 : i32
    %div3A_159 = vector.broadcast %jit3A_158 : i32 to vector<256x128xi32>
    %div3A_160 = arith.divsi %iota3A, %div3A_159 : vector<256x128xi32>
    %sign3A_161 = arith.constant 0 : i32
    %sign3A_162 = vector.broadcast %sign3A_161 : i32 to vector<256x128xi32>
    %sign3A_163 = arith.cmpi sgt, %iota3A, %sign3A_162 : vector<256x128xi32>
    %sign3A_164 = arith.extui %sign3A_163 : vector<256x128xi1> to vector<256x128xi32>
    %sign3A_165 = arith.constant 0 : i32
    %sign3A_166 = vector.broadcast %sign3A_165 : i32 to vector<256x128xi32>
    %sign3A_167 = arith.cmpi slt, %iota3A, %sign3A_166 : vector<256x128xi32>
    %sign3A_168 = arith.extui %sign3A_167 : vector<256x128xi1> to vector<256x128xi32>
    %sign3A_169 = arith.subi %sign3A_164, %sign3A_168 : vector<256x128xi32>
    %sign3A_170 = arith.constant 0 : i32
    %sign3A_171 = arith.cmpi sgt, %jit3A_158, %sign3A_170 : i32
    %sign3A_172 = arith.extui %sign3A_171 : i1 to i32
    %sign3A_173 = arith.constant 0 : i32
    %sign3A_174 = arith.cmpi slt, %jit3A_158, %sign3A_173 : i32
    %sign3A_175 = arith.extui %sign3A_174 : i1 to i32
    %sign3A_176 = arith.subi %sign3A_172, %sign3A_175 : i32
    %ne3A_177 = vector.broadcast %sign3A_176 : i32 to vector<256x128xi32>
    %ne3A_178 = arith.cmpi ne, %sign3A_169, %ne3A_177 : vector<256x128xi32>
    %rem3A_179 = vector.broadcast %jit3A_158 : i32 to vector<256x128xi32>
    %rem3A_180 = arith.remsi %iota3A, %rem3A_179 : vector<256x128xi32>
    %ne3A_181 = arith.constant 0 : i32
    %ne3A_182 = vector.broadcast %ne3A_181 : i32 to vector<256x128xi32>
    %ne3A_183 = arith.cmpi ne, %rem3A_180, %ne3A_182 : vector<256x128xi32>
    %and3A_184 = arith.andi %ne3A_178, %ne3A_183 : vector<256x128xi1>
    %sub3A_185 = arith.constant 1 : i32
    %sub3A_186 = vector.broadcast %sub3A_185 : i32 to vector<256x128xi32>
    %sub3A_187 = arith.subi %div3A_160, %sub3A_186 : vector<256x128xi32>
    %select_n3A_188 = arith.select %and3A_184, %sub3A_187, %div3A_160 : vector<256x128xi1>, vector<256x128xi32>
    %eq3A_189 = arith.constant 2 : i32
    %eq3A_190 = vector.broadcast %eq3A_189 : i32 to vector<256x128xi32>
    %eq3A_191 = arith.cmpi eq, %select_n3A_188, %eq3A_190 : vector<256x128xi32>
    %convert_element_type3A_192 = arith.extui %eq3A_191 : vector<256x128xi1> to vector<256x128xi32>
    %convert_element_type3A_193 = arith.sitofp %convert_element_type3A_192 : vector<256x128xi32> to vector<256x128xf32>
    %slice3A_194 = vector.extract_strided_slice %sqrt3A {offsets = [0, 2, 0], sizes = [256, 1, 128], strides = [1, 1, 1]} : vector<256x8x128xf32> to vector<256x1x128xf32>
    %squeeze3A_195 = vector.shape_cast %slice3A_194 : vector<256x1x128xf32> to vector<256x128xf32>
    %mul3A_196 = arith.mulf %convert_element_type3A_193, %squeeze3A_195 : vector<256x128xf32>
    %add3A_197 = arith.addf %add3A_153, %mul3A_196 : vector<256x128xf32>
    %slice3A_198 = vector.extract_strided_slice %reshape3A_75 {offsets = [0, 2, 0], sizes = [256, 1, 128], strides = [1, 1, 1]} : vector<256x8x128xf32> to vector<256x1x128xf32>
    %squeeze3A_199 = vector.shape_cast %slice3A_198 : vector<256x1x128xf32> to vector<256x128xf32>
    %mul3A_200 = arith.mulf %convert_element_type3A_193, %squeeze3A_199 : vector<256x128xf32>
    %add3A_201 = arith.addf %add3A_157, %mul3A_200 : vector<256x128xf32>
    %jit3A_202 = arith.constant 16 : i32
    %div3A_203 = vector.broadcast %jit3A_202 : i32 to vector<256x128xi32>
    %div3A_204 = arith.divsi %iota3A, %div3A_203 : vector<256x128xi32>
    %sign3A_205 = arith.constant 0 : i32
    %sign3A_206 = vector.broadcast %sign3A_205 : i32 to vector<256x128xi32>
    %sign3A_207 = arith.cmpi sgt, %iota3A, %sign3A_206 : vector<256x128xi32>
    %sign3A_208 = arith.extui %sign3A_207 : vector<256x128xi1> to vector<256x128xi32>
    %sign3A_209 = arith.constant 0 : i32
    %sign3A_210 = vector.broadcast %sign3A_209 : i32 to vector<256x128xi32>
    %sign3A_211 = arith.cmpi slt, %iota3A, %sign3A_210 : vector<256x128xi32>
    %sign3A_212 = arith.extui %sign3A_211 : vector<256x128xi1> to vector<256x128xi32>
    %sign3A_213 = arith.subi %sign3A_208, %sign3A_212 : vector<256x128xi32>
    %sign3A_214 = arith.constant 0 : i32
    %sign3A_215 = arith.cmpi sgt, %jit3A_202, %sign3A_214 : i32
    %sign3A_216 = arith.extui %sign3A_215 : i1 to i32
    %sign3A_217 = arith.constant 0 : i32
    %sign3A_218 = arith.cmpi slt, %jit3A_202, %sign3A_217 : i32
    %sign3A_219 = arith.extui %sign3A_218 : i1 to i32
    %sign3A_220 = arith.subi %sign3A_216, %sign3A_219 : i32
    %ne3A_221 = vector.broadcast %sign3A_220 : i32 to vector<256x128xi32>
    %ne3A_222 = arith.cmpi ne, %sign3A_213, %ne3A_221 : vector<256x128xi32>
    %rem3A_223 = vector.broadcast %jit3A_202 : i32 to vector<256x128xi32>
    %rem3A_224 = arith.remsi %iota3A, %rem3A_223 : vector<256x128xi32>
    %ne3A_225 = arith.constant 0 : i32
    %ne3A_226 = vector.broadcast %ne3A_225 : i32 to vector<256x128xi32>
    %ne3A_227 = arith.cmpi ne, %rem3A_224, %ne3A_226 : vector<256x128xi32>
    %and3A_228 = arith.andi %ne3A_222, %ne3A_227 : vector<256x128xi1>
    %sub3A_229 = arith.constant 1 : i32
    %sub3A_230 = vector.broadcast %sub3A_229 : i32 to vector<256x128xi32>
    %sub3A_231 = arith.subi %div3A_204, %sub3A_230 : vector<256x128xi32>
    %select_n3A_232 = arith.select %and3A_228, %sub3A_231, %div3A_204 : vector<256x128xi1>, vector<256x128xi32>
    %eq3A_233 = arith.constant 3 : i32
    %eq3A_234 = vector.broadcast %eq3A_233 : i32 to vector<256x128xi32>
    %eq3A_235 = arith.cmpi eq, %select_n3A_232, %eq3A_234 : vector<256x128xi32>
    %convert_element_type3A_236 = arith.extui %eq3A_235 : vector<256x128xi1> to vector<256x128xi32>
    %convert_element_type3A_237 = arith.sitofp %convert_element_type3A_236 : vector<256x128xi32> to vector<256x128xf32>
    %slice3A_238 = vector.extract_strided_slice %sqrt3A {offsets = [0, 3, 0], sizes = [256, 1, 128], strides = [1, 1, 1]} : vector<256x8x128xf32> to vector<256x1x128xf32>
    %squeeze3A_239 = vector.shape_cast %slice3A_238 : vector<256x1x128xf32> to vector<256x128xf32>
    %mul3A_240 = arith.mulf %convert_element_type3A_237, %squeeze3A_239 : vector<256x128xf32>
    %add3A_241 = arith.addf %add3A_197, %mul3A_240 : vector<256x128xf32>
    %slice3A_242 = vector.extract_strided_slice %reshape3A_75 {offsets = [0, 3, 0], sizes = [256, 1, 128], strides = [1, 1, 1]} : vector<256x8x128xf32> to vector<256x1x128xf32>
    %squeeze3A_243 = vector.shape_cast %slice3A_242 : vector<256x1x128xf32> to vector<256x128xf32>
    %mul3A_244 = arith.mulf %convert_element_type3A_237, %squeeze3A_243 : vector<256x128xf32>
    %add3A_245 = arith.addf %add3A_201, %mul3A_244 : vector<256x128xf32>
    %jit3A_246 = arith.constant 16 : i32
    %div3A_247 = vector.broadcast %jit3A_246 : i32 to vector<256x128xi32>
    %div3A_248 = arith.divsi %iota3A, %div3A_247 : vector<256x128xi32>
    %sign3A_249 = arith.constant 0 : i32
    %sign3A_250 = vector.broadcast %sign3A_249 : i32 to vector<256x128xi32>
    %sign3A_251 = arith.cmpi sgt, %iota3A, %sign3A_250 : vector<256x128xi32>
    %sign3A_252 = arith.extui %sign3A_251 : vector<256x128xi1> to vector<256x128xi32>
    %sign3A_253 = arith.constant 0 : i32
    %sign3A_254 = vector.broadcast %sign3A_253 : i32 to vector<256x128xi32>
    %sign3A_255 = arith.cmpi slt, %iota3A, %sign3A_254 : vector<256x128xi32>
    %sign3A_256 = arith.extui %sign3A_255 : vector<256x128xi1> to vector<256x128xi32>
    %sign3A_257 = arith.subi %sign3A_252, %sign3A_256 : vector<256x128xi32>
    %sign3A_258 = arith.constant 0 : i32
    %sign3A_259 = arith.cmpi sgt, %jit3A_246, %sign3A_258 : i32
    %sign3A_260 = arith.extui %sign3A_259 : i1 to i32
    %sign3A_261 = arith.constant 0 : i32
    %sign3A_262 = arith.cmpi slt, %jit3A_246, %sign3A_261 : i32
    %sign3A_263 = arith.extui %sign3A_262 : i1 to i32
    %sign3A_264 = arith.subi %sign3A_260, %sign3A_263 : i32
    %ne3A_265 = vector.broadcast %sign3A_264 : i32 to vector<256x128xi32>
    %ne3A_266 = arith.cmpi ne, %sign3A_257, %ne3A_265 : vector<256x128xi32>
    %rem3A_267 = vector.broadcast %jit3A_246 : i32 to vector<256x128xi32>
    %rem3A_268 = arith.remsi %iota3A, %rem3A_267 : vector<256x128xi32>
    %ne3A_269 = arith.constant 0 : i32
    %ne3A_270 = vector.broadcast %ne3A_269 : i32 to vector<256x128xi32>
    %ne3A_271 = arith.cmpi ne, %rem3A_268, %ne3A_270 : vector<256x128xi32>
    %and3A_272 = arith.andi %ne3A_266, %ne3A_271 : vector<256x128xi1>
    %sub3A_273 = arith.constant 1 : i32
    %sub3A_274 = vector.broadcast %sub3A_273 : i32 to vector<256x128xi32>
    %sub3A_275 = arith.subi %div3A_248, %sub3A_274 : vector<256x128xi32>
    %select_n3A_276 = arith.select %and3A_272, %sub3A_275, %div3A_248 : vector<256x128xi1>, vector<256x128xi32>
    %eq3A_277 = arith.constant 4 : i32
    %eq3A_278 = vector.broadcast %eq3A_277 : i32 to vector<256x128xi32>
    %eq3A_279 = arith.cmpi eq, %select_n3A_276, %eq3A_278 : vector<256x128xi32>
    %convert_element_type3A_280 = arith.extui %eq3A_279 : vector<256x128xi1> to vector<256x128xi32>
    %convert_element_type3A_281 = arith.sitofp %convert_element_type3A_280 : vector<256x128xi32> to vector<256x128xf32>
    %slice3A_282 = vector.extract_strided_slice %sqrt3A {offsets = [0, 4, 0], sizes = [256, 1, 128], strides = [1, 1, 1]} : vector<256x8x128xf32> to vector<256x1x128xf32>
    %squeeze3A_283 = vector.shape_cast %slice3A_282 : vector<256x1x128xf32> to vector<256x128xf32>
    %mul3A_284 = arith.mulf %convert_element_type3A_281, %squeeze3A_283 : vector<256x128xf32>
    %add3A_285 = arith.addf %add3A_241, %mul3A_284 : vector<256x128xf32>
    %slice3A_286 = vector.extract_strided_slice %reshape3A_75 {offsets = [0, 4, 0], sizes = [256, 1, 128], strides = [1, 1, 1]} : vector<256x8x128xf32> to vector<256x1x128xf32>
    %squeeze3A_287 = vector.shape_cast %slice3A_286 : vector<256x1x128xf32> to vector<256x128xf32>
    %mul3A_288 = arith.mulf %convert_element_type3A_281, %squeeze3A_287 : vector<256x128xf32>
    %add3A_289 = arith.addf %add3A_245, %mul3A_288 : vector<256x128xf32>
    %jit3A_290 = arith.constant 16 : i32
    %div3A_291 = vector.broadcast %jit3A_290 : i32 to vector<256x128xi32>
    %div3A_292 = arith.divsi %iota3A, %div3A_291 : vector<256x128xi32>
    %sign3A_293 = arith.constant 0 : i32
    %sign3A_294 = vector.broadcast %sign3A_293 : i32 to vector<256x128xi32>
    %sign3A_295 = arith.cmpi sgt, %iota3A, %sign3A_294 : vector<256x128xi32>
    %sign3A_296 = arith.extui %sign3A_295 : vector<256x128xi1> to vector<256x128xi32>
    %sign3A_297 = arith.constant 0 : i32
    %sign3A_298 = vector.broadcast %sign3A_297 : i32 to vector<256x128xi32>
    %sign3A_299 = arith.cmpi slt, %iota3A, %sign3A_298 : vector<256x128xi32>
    %sign3A_300 = arith.extui %sign3A_299 : vector<256x128xi1> to vector<256x128xi32>
    %sign3A_301 = arith.subi %sign3A_296, %sign3A_300 : vector<256x128xi32>
    %sign3A_302 = arith.constant 0 : i32
    %sign3A_303 = arith.cmpi sgt, %jit3A_290, %sign3A_302 : i32
    %sign3A_304 = arith.extui %sign3A_303 : i1 to i32
    %sign3A_305 = arith.constant 0 : i32
    %sign3A_306 = arith.cmpi slt, %jit3A_290, %sign3A_305 : i32
    %sign3A_307 = arith.extui %sign3A_306 : i1 to i32
    %sign3A_308 = arith.subi %sign3A_304, %sign3A_307 : i32
    %ne3A_309 = vector.broadcast %sign3A_308 : i32 to vector<256x128xi32>
    %ne3A_310 = arith.cmpi ne, %sign3A_301, %ne3A_309 : vector<256x128xi32>
    %rem3A_311 = vector.broadcast %jit3A_290 : i32 to vector<256x128xi32>
    %rem3A_312 = arith.remsi %iota3A, %rem3A_311 : vector<256x128xi32>
    %ne3A_313 = arith.constant 0 : i32
    %ne3A_314 = vector.broadcast %ne3A_313 : i32 to vector<256x128xi32>
    %ne3A_315 = arith.cmpi ne, %rem3A_312, %ne3A_314 : vector<256x128xi32>
    %and3A_316 = arith.andi %ne3A_310, %ne3A_315 : vector<256x128xi1>
    %sub3A_317 = arith.constant 1 : i32
    %sub3A_318 = vector.broadcast %sub3A_317 : i32 to vector<256x128xi32>
    %sub3A_319 = arith.subi %div3A_292, %sub3A_318 : vector<256x128xi32>
    %select_n3A_320 = arith.select %and3A_316, %sub3A_319, %div3A_292 : vector<256x128xi1>, vector<256x128xi32>
    %eq3A_321 = arith.constant 5 : i32
    %eq3A_322 = vector.broadcast %eq3A_321 : i32 to vector<256x128xi32>
    %eq3A_323 = arith.cmpi eq, %select_n3A_320, %eq3A_322 : vector<256x128xi32>
    %convert_element_type3A_324 = arith.extui %eq3A_323 : vector<256x128xi1> to vector<256x128xi32>
    %convert_element_type3A_325 = arith.sitofp %convert_element_type3A_324 : vector<256x128xi32> to vector<256x128xf32>
    %slice3A_326 = vector.extract_strided_slice %sqrt3A {offsets = [0, 5, 0], sizes = [256, 1, 128], strides = [1, 1, 1]} : vector<256x8x128xf32> to vector<256x1x128xf32>
    %squeeze3A_327 = vector.shape_cast %slice3A_326 : vector<256x1x128xf32> to vector<256x128xf32>
    %mul3A_328 = arith.mulf %convert_element_type3A_325, %squeeze3A_327 : vector<256x128xf32>
    %add3A_329 = arith.addf %add3A_285, %mul3A_328 : vector<256x128xf32>
    %slice3A_330 = vector.extract_strided_slice %reshape3A_75 {offsets = [0, 5, 0], sizes = [256, 1, 128], strides = [1, 1, 1]} : vector<256x8x128xf32> to vector<256x1x128xf32>
    %squeeze3A_331 = vector.shape_cast %slice3A_330 : vector<256x1x128xf32> to vector<256x128xf32>
    %mul3A_332 = arith.mulf %convert_element_type3A_325, %squeeze3A_331 : vector<256x128xf32>
    %add3A_333 = arith.addf %add3A_289, %mul3A_332 : vector<256x128xf32>
    %jit3A_334 = arith.constant 16 : i32
    %div3A_335 = vector.broadcast %jit3A_334 : i32 to vector<256x128xi32>
    %div3A_336 = arith.divsi %iota3A, %div3A_335 : vector<256x128xi32>
    %sign3A_337 = arith.constant 0 : i32
    %sign3A_338 = vector.broadcast %sign3A_337 : i32 to vector<256x128xi32>
    %sign3A_339 = arith.cmpi sgt, %iota3A, %sign3A_338 : vector<256x128xi32>
    %sign3A_340 = arith.extui %sign3A_339 : vector<256x128xi1> to vector<256x128xi32>
    %sign3A_341 = arith.constant 0 : i32
    %sign3A_342 = vector.broadcast %sign3A_341 : i32 to vector<256x128xi32>
    %sign3A_343 = arith.cmpi slt, %iota3A, %sign3A_342 : vector<256x128xi32>
    %sign3A_344 = arith.extui %sign3A_343 : vector<256x128xi1> to vector<256x128xi32>
    %sign3A_345 = arith.subi %sign3A_340, %sign3A_344 : vector<256x128xi32>
    %sign3A_346 = arith.constant 0 : i32
    %sign3A_347 = arith.cmpi sgt, %jit3A_334, %sign3A_346 : i32
    %sign3A_348 = arith.extui %sign3A_347 : i1 to i32
    %sign3A_349 = arith.constant 0 : i32
    %sign3A_350 = arith.cmpi slt, %jit3A_334, %sign3A_349 : i32
    %sign3A_351 = arith.extui %sign3A_350 : i1 to i32
    %sign3A_352 = arith.subi %sign3A_348, %sign3A_351 : i32
    %ne3A_353 = vector.broadcast %sign3A_352 : i32 to vector<256x128xi32>
    %ne3A_354 = arith.cmpi ne, %sign3A_345, %ne3A_353 : vector<256x128xi32>
    %rem3A_355 = vector.broadcast %jit3A_334 : i32 to vector<256x128xi32>
    %rem3A_356 = arith.remsi %iota3A, %rem3A_355 : vector<256x128xi32>
    %ne3A_357 = arith.constant 0 : i32
    %ne3A_358 = vector.broadcast %ne3A_357 : i32 to vector<256x128xi32>
    %ne3A_359 = arith.cmpi ne, %rem3A_356, %ne3A_358 : vector<256x128xi32>
    %and3A_360 = arith.andi %ne3A_354, %ne3A_359 : vector<256x128xi1>
    %sub3A_361 = arith.constant 1 : i32
    %sub3A_362 = vector.broadcast %sub3A_361 : i32 to vector<256x128xi32>
    %sub3A_363 = arith.subi %div3A_336, %sub3A_362 : vector<256x128xi32>
    %select_n3A_364 = arith.select %and3A_360, %sub3A_363, %div3A_336 : vector<256x128xi1>, vector<256x128xi32>
    %eq3A_365 = arith.constant 6 : i32
    %eq3A_366 = vector.broadcast %eq3A_365 : i32 to vector<256x128xi32>
    %eq3A_367 = arith.cmpi eq, %select_n3A_364, %eq3A_366 : vector<256x128xi32>
    %convert_element_type3A_368 = arith.extui %eq3A_367 : vector<256x128xi1> to vector<256x128xi32>
    %convert_element_type3A_369 = arith.sitofp %convert_element_type3A_368 : vector<256x128xi32> to vector<256x128xf32>
    %slice3A_370 = vector.extract_strided_slice %sqrt3A {offsets = [0, 6, 0], sizes = [256, 1, 128], strides = [1, 1, 1]} : vector<256x8x128xf32> to vector<256x1x128xf32>
    %squeeze3A_371 = vector.shape_cast %slice3A_370 : vector<256x1x128xf32> to vector<256x128xf32>
    %mul3A_372 = arith.mulf %convert_element_type3A_369, %squeeze3A_371 : vector<256x128xf32>
    %add3A_373 = arith.addf %add3A_329, %mul3A_372 : vector<256x128xf32>
    %slice3A_374 = vector.extract_strided_slice %reshape3A_75 {offsets = [0, 6, 0], sizes = [256, 1, 128], strides = [1, 1, 1]} : vector<256x8x128xf32> to vector<256x1x128xf32>
    %squeeze3A_375 = vector.shape_cast %slice3A_374 : vector<256x1x128xf32> to vector<256x128xf32>
    %mul3A_376 = arith.mulf %convert_element_type3A_369, %squeeze3A_375 : vector<256x128xf32>
    %add3A_377 = arith.addf %add3A_333, %mul3A_376 : vector<256x128xf32>
    %jit3A_378 = arith.constant 16 : i32
    %div3A_379 = vector.broadcast %jit3A_378 : i32 to vector<256x128xi32>
    %div3A_380 = arith.divsi %iota3A, %div3A_379 : vector<256x128xi32>
    %sign3A_381 = arith.constant 0 : i32
    %sign3A_382 = vector.broadcast %sign3A_381 : i32 to vector<256x128xi32>
    %sign3A_383 = arith.cmpi sgt, %iota3A, %sign3A_382 : vector<256x128xi32>
    %sign3A_384 = arith.extui %sign3A_383 : vector<256x128xi1> to vector<256x128xi32>
    %sign3A_385 = arith.constant 0 : i32
    %sign3A_386 = vector.broadcast %sign3A_385 : i32 to vector<256x128xi32>
    %sign3A_387 = arith.cmpi slt, %iota3A, %sign3A_386 : vector<256x128xi32>
    %sign3A_388 = arith.extui %sign3A_387 : vector<256x128xi1> to vector<256x128xi32>
    %sign3A_389 = arith.subi %sign3A_384, %sign3A_388 : vector<256x128xi32>
    %sign3A_390 = arith.constant 0 : i32
    %sign3A_391 = arith.cmpi sgt, %jit3A_378, %sign3A_390 : i32
    %sign3A_392 = arith.extui %sign3A_391 : i1 to i32
    %sign3A_393 = arith.constant 0 : i32
    %sign3A_394 = arith.cmpi slt, %jit3A_378, %sign3A_393 : i32
    %sign3A_395 = arith.extui %sign3A_394 : i1 to i32
    %sign3A_396 = arith.subi %sign3A_392, %sign3A_395 : i32
    %ne3A_397 = vector.broadcast %sign3A_396 : i32 to vector<256x128xi32>
    %ne3A_398 = arith.cmpi ne, %sign3A_389, %ne3A_397 : vector<256x128xi32>
    %rem3A_399 = vector.broadcast %jit3A_378 : i32 to vector<256x128xi32>
    %rem3A_400 = arith.remsi %iota3A, %rem3A_399 : vector<256x128xi32>
    %ne3A_401 = arith.constant 0 : i32
    %ne3A_402 = vector.broadcast %ne3A_401 : i32 to vector<256x128xi32>
    %ne3A_403 = arith.cmpi ne, %rem3A_400, %ne3A_402 : vector<256x128xi32>
    %and3A_404 = arith.andi %ne3A_398, %ne3A_403 : vector<256x128xi1>
    %sub3A_405 = arith.constant 1 : i32
    %sub3A_406 = vector.broadcast %sub3A_405 : i32 to vector<256x128xi32>
    %sub3A_407 = arith.subi %div3A_380, %sub3A_406 : vector<256x128xi32>
    %select_n3A_408 = arith.select %and3A_404, %sub3A_407, %div3A_380 : vector<256x128xi1>, vector<256x128xi32>
    %eq3A_409 = arith.constant 7 : i32
    %eq3A_410 = vector.broadcast %eq3A_409 : i32 to vector<256x128xi32>
    %eq3A_411 = arith.cmpi eq, %select_n3A_408, %eq3A_410 : vector<256x128xi32>
    %convert_element_type3A_412 = arith.extui %eq3A_411 : vector<256x128xi1> to vector<256x128xi32>
    %convert_element_type3A_413 = arith.sitofp %convert_element_type3A_412 : vector<256x128xi32> to vector<256x128xf32>
    %slice3A_414 = vector.extract_strided_slice %sqrt3A {offsets = [0, 7, 0], sizes = [256, 1, 128], strides = [1, 1, 1]} : vector<256x8x128xf32> to vector<256x1x128xf32>
    %squeeze3A_415 = vector.shape_cast %slice3A_414 : vector<256x1x128xf32> to vector<256x128xf32>
    %mul3A_416 = arith.mulf %convert_element_type3A_413, %squeeze3A_415 : vector<256x128xf32>
    %add3A_417 = arith.addf %add3A_373, %mul3A_416 : vector<256x128xf32>
    %slice3A_418 = vector.extract_strided_slice %reshape3A_75 {offsets = [0, 7, 0], sizes = [256, 1, 128], strides = [1, 1, 1]} : vector<256x8x128xf32> to vector<256x1x128xf32>
    %squeeze3A_419 = vector.shape_cast %slice3A_418 : vector<256x1x128xf32> to vector<256x128xf32>
    %mul3A_420 = arith.mulf %convert_element_type3A_413, %squeeze3A_419 : vector<256x128xf32>
    %add3A_421 = arith.addf %add3A_377, %mul3A_420 : vector<256x128xf32>
    %add3A_422 = arith.constant 9.99999993E-9 : f32
    %add3A_423 = vector.broadcast %add3A_422 : f32 to vector<256x128xf32>
    %add3A_424 = arith.addf %add3A_417, %add3A_423 : vector<256x128xf32>
    %div3A_425 = arith.divf %sub3A, %add3A_424 : vector<256x128xf32>
    %mul3A_426 = arith.mulf %add3A_421, %div3A_425 : vector<256x128xf32>
    %jit3A_427 = arith.constant 16 : i32
    %eq3A_428 = arith.constant 0 : i32
    %eq3A_429 = arith.cmpi eq, %jit3A_427, %eq3A_428 : i32
    %jit3A_430 = arith.constant 1 : i32
    %select_n3A_431 = arith.select %eq3A_429, %jit3A_430, %jit3A_427 : i32
    %rem3A_432 = vector.broadcast %select_n3A_431 : i32 to vector<256x128xi32>
    %rem3A_433 = arith.remsi %iota3A, %rem3A_432 : vector<256x128xi32>
    %ne3A_434 = arith.constant 0 : i32
    %ne3A_435 = vector.broadcast %ne3A_434 : i32 to vector<256x128xi32>
    %ne3A_436 = arith.cmpi ne, %rem3A_433, %ne3A_435 : vector<256x128xi32>
    %lt3A = arith.constant 0 : i32
    %lt3A_437 = vector.broadcast %lt3A : i32 to vector<256x128xi32>
    %lt3A_438 = arith.cmpi slt, %rem3A_433, %lt3A_437 : vector<256x128xi32>
    %lt3A_439 = arith.constant 0 : i32
    %lt3A_440 = arith.cmpi slt, %select_n3A_431, %lt3A_439 : i32
    %ne3A_441 = vector.broadcast %lt3A_440 : i1 to vector<256x128xi1>
    %ne3A_442 = vector.broadcast %ne3A_441 : vector<256x128xi1> to vector<256x128xi1>
    %ne3A_443 = arith.xori %lt3A_438, %ne3A_442 : vector<256x128xi1>
    %and3A_444 = arith.andi %ne3A_443, %ne3A_436 : vector<256x128xi1>
    %add3A_445 = vector.broadcast %select_n3A_431 : i32 to vector<256x128xi32>
    %add3A_446 = arith.addi %rem3A_433, %add3A_445 : vector<256x128xi32>
    %select_n3A_447 = arith.select %and3A_444, %add3A_446, %rem3A_433 : vector<256x128xi1>, vector<256x128xi32>
    %eq3A_448 = arith.constant 3 : i32
    %eq3A_449 = vector.broadcast %eq3A_448 : i32 to vector<256x128xi32>
    %eq3A_450 = arith.cmpi eq, %select_n3A_447, %eq3A_449 : vector<256x128xi32>
    %jit3A_451 = arith.constant 1.000000e+00 : f32
    %broadcast_in_dim3A_452 = vector.broadcast %jit3A_451 : f32 to vector<256x128xf32>
    %select_n3A_453 = arith.select %eq3A_450, %broadcast_in_dim3A_452, %mul3A_426 : vector<256x128xi1>, vector<256x128xf32>
    %swap3A_454 = arith.constant 0 : index
    %swap3A_455 = arith.constant 0 : index
    %swap3A_456 = vector.load %arg14[%swap3A_454, %swap3A_455] : memref<256x128xf32, #tpu.memory_space<vmem>>, vector<256x128xf32>
    tpu.vector_store %arg14[%swap3A_454, %swap3A_455], %select_n3A_453 {strides = array<i32>} : memref<256x128xf32, #tpu.memory_space<vmem>>, vector<256x128xf32>,
    return
  }
  func.func @transform_0(%arg0: i32) -> (i32, i32) {
    %c0_i32 = arith.constant 0 : i32
    %c0_i32_0 = arith.constant 0 : i32
    return %arg0, %c0_i32 : i32, i32
  }
  func.func @transform_1(%arg0: i32) -> (i32, i32) {
    %c0_i32 = arith.constant 0 : i32
    %c0_i32_0 = arith.constant 0 : i32
    return %arg0, %c0_i32 : i32, i32
  }
  func.func @transform_2(%arg0: i32) -> (i32, i32) {
    %c0_i32 = arith.constant 0 : i32
    %c0_i32_0 = arith.constant 0 : i32
    return %arg0, %c0_i32 : i32, i32
  }
  func.func @transform_3(%arg0: i32) -> (i32, i32) {
    %c0_i32 = arith.constant 0 : i32
    %c0_i32_0 = arith.constant 0 : i32
    return %arg0, %c0_i32 : i32, i32
  }
  func.func @transform_4(%arg0: i32) -> (i32, i32) {
    %c0_i32 = arith.constant 0 : i32
    %c0_i32_0 = arith.constant 0 : i32
    %c0_i32_1 = arith.constant 0 : i32
    return %c0_i32, %c0_i32_0 : i32, i32
  }
  func.func @transform_5(%arg0: i32) -> (i32, i32) {
    %c0_i32 = arith.constant 0 : i32
    %c0_i32_0 = arith.constant 0 : i32
    %c0_i32_1 = arith.constant 0 : i32
    return %c0_i32, %c0_i32_0 : i32, i32
  }
  func.func @transform_6(%arg0: i32) -> (i32, i32) {
    %c0_i32 = arith.constant 0 : i32
    %c0_i32_0 = arith.constant 0 : i32
    %c0_i32_1 = arith.constant 0 : i32
    return %c0_i32, %c0_i32_0 : i32, i32
  }
  func.func @transform_7(%arg0: i32) -> (i32, i32) {
    %c0_i32 = arith.constant 0 : i32
    %c0_i32_0 = arith.constant 0 : i32
    %c0_i32_1 = arith.constant 0 : i32
    return %c0_i32, %c0_i32_0 : i32, i32
  }
  func.func @transform_8(%arg0: i32) -> (i32, i32) {
    %c0_i32 = arith.constant 0 : i32
    %c0_i32_0 = arith.constant 0 : i32
    %c0_i32_1 = arith.constant 0 : i32
    return %c0_i32, %c0_i32_0 : i32, i32
  }
  func.func @transform_9(%arg0: i32) -> (i32, i32) {
    %c0_i32 = arith.constant 0 : i32
    %c0_i32_0 = arith.constant 0 : i32
    %c0_i32_1 = arith.constant 0 : i32
    return %c0_i32, %c0_i32_0 : i32, i32
  }
  func.func @transform_10(%arg0: i32) -> (i32, i32) {
    %c0_i32 = arith.constant 0 : i32
    %c0_i32_0 = arith.constant 0 : i32
    %c0_i32_1 = arith.constant 0 : i32
    return %c0_i32, %c0_i32_0 : i32, i32
  }
  func.func @transform_11(%arg0: i32) -> (i32, i32) {
    %c0_i32 = arith.constant 0 : i32
    %c0_i32_0 = arith.constant 0 : i32
    %c0_i32_1 = arith.constant 0 : i32
    return %c0_i32, %c0_i32_0 : i32, i32
  }
  func.func @transform_12(%arg0: i32) -> (i32, i32) {
    %c0_i32 = arith.constant 0 : i32
    %c0_i32_0 = arith.constant 0 : i32
    return %arg0, %c0_i32 : i32, i32
  }
  func.func @transform_13(%arg0: i32) -> (i32, i32) {
    %c0_i32 = arith.constant 0 : i32
    %c0_i32_0 = arith.constant 0 : i32
    return %arg0, %c0_i32 : i32, i32
  }
}

module attributes {stable_mosaic.version = 14 : i64} {
  func.func @node_body(%arg0: i32, %arg1: memref<2048x128xf32, #tpu.memory_space<vmem>>, %arg2: memref<256x128xf32, #tpu.memory_space<vmem>>, %arg3: memref<1x2048x128xf32, #tpu.memory_space<vmem>>, %arg4: memref<1x2048x128xf32, #tpu.memory_space<vmem>>, %arg5: memref<1x256x128xf32, #tpu.memory_space<vmem>>, %arg6: memref<1x256x128xf32, #tpu.memory_space<vmem>>, %arg7: memref<128x128xf32, #tpu.memory_space<vmem>>, %arg8: memref<128x128xf32, #tpu.memory_space<vmem>>, %arg9: memref<1x128xf32, #tpu.memory_space<vmem>>, %arg10: memref<128x128xf32, #tpu.memory_space<vmem>>, %arg11: memref<1x128xf32, #tpu.memory_space<vmem>>, %arg12: memref<1x128xf32, #tpu.memory_space<vmem>>, %arg13: memref<1x128xf32, #tpu.memory_space<vmem>>, %arg14: memref<128x128xf32, #tpu.memory_space<vmem>>, %arg15: memref<2048x128xf32, #tpu.memory_space<vmem>>, %arg16: memref<256x128xf32, #tpu.memory_space<vmem>>) attributes {dimension_semantics = [#tpu.dimension_semantics<parallel>], iteration_bounds = array<i64: 5>, scalar_prefetch = 0 : i64, scratch_operands = 0 : i64, tpu.core_type = #tpu.core_type<tc>, window_params = [{transform_indices = @transform_0, window_bounds = array<i64: 2048, 128>}, {transform_indices = @transform_1, window_bounds = array<i64: 256, 128>}, {transform_indices = @transform_2, window_bounds = array<i64: 1, 2048, 128>}, {transform_indices = @transform_3, window_bounds = array<i64: 1, 2048, 128>}, {transform_indices = @transform_4, window_bounds = array<i64: 1, 256, 128>}, {transform_indices = @transform_5, window_bounds = array<i64: 1, 256, 128>}, {pipeline_mode = #tpu.pipeline_mode<synchronous>, transform_indices = @transform_6, window_bounds = array<i64: 128, 128>}, {pipeline_mode = #tpu.pipeline_mode<synchronous>, transform_indices = @transform_7, window_bounds = array<i64: 128, 128>}, {pipeline_mode = #tpu.pipeline_mode<synchronous>, transform_indices = @transform_8, window_bounds = array<i64: 1, 128>}, {pipeline_mode = #tpu.pipeline_mode<synchronous>, transform_indices = @transform_9, window_bounds = array<i64: 128, 128>}, {pipeline_mode = #tpu.pipeline_mode<synchronous>, transform_indices = @transform_10, window_bounds = array<i64: 1, 128>}, {pipeline_mode = #tpu.pipeline_mode<synchronous>, transform_indices = @transform_11, window_bounds = array<i64: 1, 128>}, {pipeline_mode = #tpu.pipeline_mode<synchronous>, transform_indices = @transform_12, window_bounds = array<i64: 1, 128>}, {pipeline_mode = #tpu.pipeline_mode<synchronous>, transform_indices = @transform_13, window_bounds = array<i64: 128, 128>}, {transform_indices = @transform_14, window_bounds = array<i64: 2048, 128>}, {transform_indices = @transform_15, window_bounds = array<i64: 256, 128>}]} {
    %get3A = arith.constant 0 : index
    %get3A_0 = arith.constant 0 : index
    %get3A_1 = arith.constant 0 : index
    %get3A_2 = vector.load %arg3[%get3A, %get3A_0, %get3A_1] : memref<1x2048x128xf32, #tpu.memory_space<vmem>>, vector<1x2048x128xf32>
    %get3A_3 = vector.shape_cast %get3A_2 : vector<1x2048x128xf32> to vector<2048x128xf32>
    %get3A_4 = arith.constant 0 : index
    %get3A_5 = arith.constant 0 : index
    %get3A_6 = arith.constant 0 : index
    %get3A_7 = vector.load %arg4[%get3A_4, %get3A_5, %get3A_6] : memref<1x2048x128xf32, #tpu.memory_space<vmem>>, vector<1x2048x128xf32>
    %get3A_8 = vector.shape_cast %get3A_7 : vector<1x2048x128xf32> to vector<2048x128xf32>
    %add3A = arith.addf %get3A_3, %get3A_8 : vector<2048x128xf32>
    %get3A_9 = arith.constant 0 : index
    %get3A_10 = arith.constant 0 : index
    %get3A_11 = arith.constant 0 : index
    %get3A_12 = vector.load %arg5[%get3A_9, %get3A_10, %get3A_11] : memref<1x256x128xf32, #tpu.memory_space<vmem>>, vector<1x256x128xf32>
    %get3A_13 = vector.shape_cast %get3A_12 : vector<1x256x128xf32> to vector<256x128xf32>
    %get3A_14 = arith.constant 0 : index
    %get3A_15 = arith.constant 0 : index
    %get3A_16 = arith.constant 0 : index
    %get3A_17 = vector.load %arg6[%get3A_14, %get3A_15, %get3A_16] : memref<1x256x128xf32, #tpu.memory_space<vmem>>, vector<1x256x128xf32>
    %get3A_18 = vector.shape_cast %get3A_17 : vector<1x256x128xf32> to vector<256x128xf32>
    %add3A_19 = arith.addf %get3A_13, %get3A_18 : vector<256x128xf32>
    %get3A_20 = arith.constant 0 : index
    %get3A_21 = arith.constant 0 : index
    %get3A_22 = vector.load %arg14[%get3A_20, %get3A_21] : memref<128x128xf32, #tpu.memory_space<vmem>>, vector<128x128xf32>
    %dot_general3A = arith.constant dense<0.000000e+00> : vector<256x128xf32>
    %dot_general3A_23 = tpu.matmul %add3A_19, %get3A_22, %dot_general3A {dimension_numbers = #tpu.dot_dimension_numbers<[1], [0], [0], [1], [0, 0, 1, 1], [], []>, precision = #tpu.contract_precision<fp32>, transpose_lhs_hint = false} : vector<256x128xf32>, vector<128x128xf32>, vector<256x128xf32> -> vector<256x128xf32>
    %get3A_24 = arith.constant 0 : index
    %get3A_25 = arith.constant 0 : index
    %get3A_26 = vector.load %arg2[%get3A_24, %get3A_25] : memref<256x128xf32, #tpu.memory_space<vmem>>, vector<256x128xf32>
    %add3A_27 = arith.constant 1.000000e+00 : f32
    %add3A_28 = vector.broadcast %add3A_27 : f32 to vector<256x128xf32>
    %add3A_29 = arith.addf %dot_general3A_23, %add3A_28 : vector<256x128xf32>
    %div3A = arith.divf %add3A_19, %add3A_29 : vector<256x128xf32>
    %add3A_30 = arith.addf %get3A_26, %div3A : vector<256x128xf32>
    %swap3A = arith.constant 0 : index
    %swap3A_31 = arith.constant 0 : index
    %swap3A_32 = vector.load %arg16[%swap3A, %swap3A_31] : memref<256x128xf32, #tpu.memory_space<vmem>>, vector<256x128xf32>
    tpu.vector_store %arg16[%swap3A, %swap3A_31], %add3A_30 {strides = array<i32>} : memref<256x128xf32, #tpu.memory_space<vmem>>, vector<256x128xf32>,
    %get3A_33 = arith.constant 0 : index
    %get3A_34 = arith.constant 0 : index
    %get3A_35 = vector.load %arg1[%get3A_33, %get3A_34] : memref<2048x128xf32, #tpu.memory_space<vmem>>, vector<2048x128xf32>
    %get3A_36 = arith.constant 0 : index
    %get3A_37 = arith.constant 0 : index
    %get3A_38 = vector.load %arg7[%get3A_36, %get3A_37] : memref<128x128xf32, #tpu.memory_space<vmem>>, vector<128x128xf32>
    %dot_general3A_39 = arith.constant dense<0.000000e+00> : vector<2048x128xf32>
    %dot_general3A_40 = tpu.matmul %get3A_35, %get3A_38, %dot_general3A_39 {dimension_numbers = #tpu.dot_dimension_numbers<[1], [0], [0], [1], [0, 0, 1, 1], [], []>, transpose_lhs_hint = false} : vector<2048x128xf32>, vector<128x128xf32>, vector<2048x128xf32> -> vector<2048x128xf32>
    %get3A_41 = arith.constant 0 : index
    %get3A_42 = arith.constant 0 : index
    %get3A_43 = vector.load %arg8[%get3A_41, %get3A_42] : memref<128x128xf32, #tpu.memory_space<vmem>>, vector<128x128xf32>
    %dot_general3A_44 = arith.constant dense<0.000000e+00> : vector<2048x128xf32>
    %dot_general3A_45 = tpu.matmul %add3A, %get3A_43, %dot_general3A_44 {dimension_numbers = #tpu.dot_dimension_numbers<[1], [0], [0], [1], [0, 0, 1, 1], [], []>, transpose_lhs_hint = false} : vector<2048x128xf32>, vector<128x128xf32>, vector<2048x128xf32> -> vector<2048x128xf32>
    %add3A_46 = arith.addf %dot_general3A_40, %dot_general3A_45 : vector<2048x128xf32>
    %get3A_47 = arith.constant 0 : index
    %get3A_48 = arith.constant 0 : index
    %get3A_49 = vector.load %arg9[%get3A_47, %get3A_48] : memref<1x128xf32, #tpu.memory_space<vmem>>, vector<1x128xf32>
    %add3A_50 = vector.broadcast %get3A_49 : vector<1x128xf32> to vector<2048x128xf32>
    %add3A_51 = arith.addf %add3A_46, %add3A_50 : vector<2048x128xf32>
    %get3A_52 = arith.constant 0 : index
    %get3A_53 = arith.constant 0 : index
    %get3A_54 = vector.load %arg1[%get3A_52, %get3A_53] : memref<2048x128xf32, #tpu.memory_space<vmem>>, vector<2048x128xf32>
    %logistic3A = arith.negf %add3A_51 : vector<2048x128xf32>
    %logistic3A_55 = math.exp %logistic3A : vector<2048x128xf32>
    %logistic3A_56 = arith.constant 1.000000e+00 : f32
    %logistic3A_57 = vector.broadcast %logistic3A_56 : f32 to vector<2048x128xf32>
    %logistic3A_58 = arith.addf %logistic3A_57, %logistic3A_55 : vector<2048x128xf32>
    %logistic3A_59 = arith.divf %logistic3A_57, %logistic3A_58 : vector<2048x128xf32>
    %mul3A = arith.mulf %add3A_51, %logistic3A_59 : vector<2048x128xf32>
    %get3A_60 = arith.constant 0 : index
    %get3A_61 = arith.constant 0 : index
    %get3A_62 = vector.load %arg10[%get3A_60, %get3A_61] : memref<128x128xf32, #tpu.memory_space<vmem>>, vector<128x128xf32>
    %dot_general3A_63 = arith.constant dense<0.000000e+00> : vector<2048x128xf32>
    %dot_general3A_64 = tpu.matmul %mul3A, %get3A_62, %dot_general3A_63 {dimension_numbers = #tpu.dot_dimension_numbers<[1], [0], [0], [1], [0, 0, 1, 1], [], []>, transpose_lhs_hint = false} : vector<2048x128xf32>, vector<128x128xf32>, vector<2048x128xf32> -> vector<2048x128xf32>
    %add3A_65 = arith.addf %get3A_54, %dot_general3A_64 : vector<2048x128xf32>
    %get3A_66 = arith.constant 0 : index
    %get3A_67 = arith.constant 0 : index
    %get3A_68 = vector.load %arg11[%get3A_66, %get3A_67] : memref<1x128xf32, #tpu.memory_space<vmem>>, vector<1x128xf32>
    %add3A_69 = vector.broadcast %get3A_68 : vector<1x128xf32> to vector<2048x128xf32>
    %add3A_70 = arith.addf %add3A_65, %add3A_69 : vector<2048x128xf32>
    %reduce_sum3A = arith.constant dense<0.000000e+00> : vector<2048xf32>
    %reduce_sum3A_71 = vector.multi_reduction <add>, %add3A_70, %reduce_sum3A [1] : vector<2048x128xf32> to vector<2048xf32>
    %broadcast_in_dim3A = vector.shape_cast %reduce_sum3A_71 : vector<2048xf32> to vector<2048x1xf32>
    %div3A_72 = arith.constant 1.280000e+02 : f32
    %div3A_73 = vector.broadcast %div3A_72 : f32 to vector<2048x1xf32>
    %div3A_74 = arith.divf %broadcast_in_dim3A, %div3A_73 : vector<2048x1xf32>
    %sub3A = vector.broadcast %div3A_74 : vector<2048x1xf32> to vector<2048x128xf32>
    %sub3A_75 = arith.subf %add3A_70, %sub3A : vector<2048x128xf32>
    %integer_pow3A = arith.mulf %sub3A_75, %sub3A_75 : vector<2048x128xf32>
    %reduce_sum3A_76 = arith.constant dense<0.000000e+00> : vector<2048xf32>
    %reduce_sum3A_77 = vector.multi_reduction <add>, %integer_pow3A, %reduce_sum3A_76 [1] : vector<2048x128xf32> to vector<2048xf32>
    %broadcast_in_dim3A_78 = vector.shape_cast %reduce_sum3A_77 : vector<2048xf32> to vector<2048x1xf32>
    %div3A_79 = arith.constant 1.280000e+02 : f32
    %div3A_80 = vector.broadcast %div3A_79 : f32 to vector<2048x1xf32>
    %div3A_81 = arith.divf %broadcast_in_dim3A_78, %div3A_80 : vector<2048x1xf32>
    %sub3A_82 = vector.broadcast %div3A_74 : vector<2048x1xf32> to vector<2048x128xf32>
    %sub3A_83 = arith.subf %add3A_70, %sub3A_82 : vector<2048x128xf32>
    %add3A_84 = arith.constant 9.99999974E-6 : f32
    %add3A_85 = vector.broadcast %add3A_84 : f32 to vector<2048x1xf32>
    %add3A_86 = arith.addf %div3A_81, %add3A_85 : vector<2048x1xf32>
    %sqrt3A = math.sqrt %add3A_86 : vector<2048x1xf32>
    %div3A_87 = vector.broadcast %sqrt3A : vector<2048x1xf32> to vector<2048x128xf32>
    %div3A_88 = arith.divf %sub3A_83, %div3A_87 : vector<2048x128xf32>
    %get3A_89 = arith.constant 0 : index
    %get3A_90 = arith.constant 0 : index
    %get3A_91 = vector.load %arg12[%get3A_89, %get3A_90] : memref<1x128xf32, #tpu.memory_space<vmem>>, vector<1x128xf32>
    %mul3A_92 = vector.broadcast %get3A_91 : vector<1x128xf32> to vector<2048x128xf32>
    %mul3A_93 = arith.mulf %div3A_88, %mul3A_92 : vector<2048x128xf32>
    %get3A_94 = arith.constant 0 : index
    %get3A_95 = arith.constant 0 : index
    %get3A_96 = vector.load %arg13[%get3A_94, %get3A_95] : memref<1x128xf32, #tpu.memory_space<vmem>>, vector<1x128xf32>
    %add3A_97 = vector.broadcast %get3A_96 : vector<1x128xf32> to vector<2048x128xf32>
    %add3A_98 = arith.addf %mul3A_93, %add3A_97 : vector<2048x128xf32>
    %swap3A_99 = arith.constant 0 : index
    %swap3A_100 = arith.constant 0 : index
    %swap3A_101 = vector.load %arg15[%swap3A_99, %swap3A_100] : memref<2048x128xf32, #tpu.memory_space<vmem>>, vector<2048x128xf32>
    tpu.vector_store %arg15[%swap3A_99, %swap3A_100], %add3A_98 {strides = array<i32>} : memref<2048x128xf32, #tpu.memory_space<vmem>>, vector<2048x128xf32>,
    return
  }
  func.func @transform_0(%arg0: i32) -> (i32, i32) {
    %c0_i32 = arith.constant 0 : i32
    %c0_i32_0 = arith.constant 0 : i32
    return %arg0, %c0_i32 : i32, i32
  }
  func.func @transform_1(%arg0: i32) -> (i32, i32) {
    %c0_i32 = arith.constant 0 : i32
    %c0_i32_0 = arith.constant 0 : i32
    return %arg0, %c0_i32 : i32, i32
  }
  func.func @transform_2(%arg0: i32) -> (i32, i32, i32) {
    %c0_i32 = arith.constant 0 : i32
    %c0_i32_0 = arith.constant 0 : i32
    %c0_i32_1 = arith.constant 0 : i32
    return %c0_i32, %arg0, %c0_i32_0 : i32, i32, i32
  }
  func.func @transform_3(%arg0: i32) -> (i32, i32, i32) {
    %c1_i32 = arith.constant 1 : i32
    %c0_i32 = arith.constant 0 : i32
    %c0_i32_0 = arith.constant 0 : i32
    return %c1_i32, %arg0, %c0_i32 : i32, i32, i32
  }
  func.func @transform_4(%arg0: i32) -> (i32, i32, i32) {
    %c0_i32 = arith.constant 0 : i32
    %c0_i32_0 = arith.constant 0 : i32
    %c0_i32_1 = arith.constant 0 : i32
    return %c0_i32, %arg0, %c0_i32_0 : i32, i32, i32
  }
  func.func @transform_5(%arg0: i32) -> (i32, i32, i32) {
    %c1_i32 = arith.constant 1 : i32
    %c0_i32 = arith.constant 0 : i32
    %c0_i32_0 = arith.constant 0 : i32
    return %c1_i32, %arg0, %c0_i32 : i32, i32, i32
  }
  func.func @transform_6(%arg0: i32) -> (i32, i32) {
    %c0_i32 = arith.constant 0 : i32
    %c0_i32_0 = arith.constant 0 : i32
    %c0_i32_1 = arith.constant 0 : i32
    return %c0_i32, %c0_i32_0 : i32, i32
  }
  func.func @transform_7(%arg0: i32) -> (i32, i32) {
    %c0_i32 = arith.constant 0 : i32
    %c0_i32_0 = arith.constant 0 : i32
    %c0_i32_1 = arith.constant 0 : i32
    return %c0_i32, %c0_i32_0 : i32, i32
  }
  func.func @transform_8(%arg0: i32) -> (i32, i32) {
    %c0_i32 = arith.constant 0 : i32
    %c0_i32_0 = arith.constant 0 : i32
    %c0_i32_1 = arith.constant 0 : i32
    return %c0_i32, %c0_i32_0 : i32, i32
  }
  func.func @transform_9(%arg0: i32) -> (i32, i32) {
    %c0_i32 = arith.constant 0 : i32
    %c0_i32_0 = arith.constant 0 : i32
    %c0_i32_1 = arith.constant 0 : i32
    return %c0_i32, %c0_i32_0 : i32, i32
  }
  func.func @transform_10(%arg0: i32) -> (i32, i32) {
    %c0_i32 = arith.constant 0 : i32
    %c0_i32_0 = arith.constant 0 : i32
    %c0_i32_1 = arith.constant 0 : i32
    return %c0_i32, %c0_i32_0 : i32, i32
  }
  func.func @transform_11(%arg0: i32) -> (i32, i32) {
    %c0_i32 = arith.constant 0 : i32
    %c0_i32_0 = arith.constant 0 : i32
    %c0_i32_1 = arith.constant 0 : i32
    return %c0_i32, %c0_i32_0 : i32, i32
  }
  func.func @transform_12(%arg0: i32) -> (i32, i32) {
    %c0_i32 = arith.constant 0 : i32
    %c0_i32_0 = arith.constant 0 : i32
    %c0_i32_1 = arith.constant 0 : i32
    return %c0_i32, %c0_i32_0 : i32, i32
  }
  func.func @transform_13(%arg0: i32) -> (i32, i32) {
    %c0_i32 = arith.constant 0 : i32
    %c0_i32_0 = arith.constant 0 : i32
    %c0_i32_1 = arith.constant 0 : i32
    return %c0_i32, %c0_i32_0 : i32, i32
  }
  func.func @transform_14(%arg0: i32) -> (i32, i32) {
    %c0_i32 = arith.constant 0 : i32
    %c0_i32_0 = arith.constant 0 : i32
    return %arg0, %c0_i32 : i32, i32
  }
  func.func @transform_15(%arg0: i32) -> (i32, i32) {
    %c0_i32 = arith.constant 0 : i32
    %c0_i32_0 = arith.constant 0 : i32
    return %arg0, %c0_i32 : i32, i32
  }
}

</mosaic_0001>

<sc_bundles>
// kernel: kernel.10.cloned.1.call-start
scs
__scs_entry_jumppad:
0x0: {  	(pc) =	sbr.rel $0x88, $3  }
0x1: {  	(tag) =	ssettag $0x0;
	lr =	simm.s32 $0x1  }
0x2: {  	[smem:$0x3F91] =	sst lr;
	_ =	strace $0xD0000000  }
0x3: {  	_ = 	snop  }
0x4: {  	_ = 	snop  }
0x5: {  	_ = 	snop  }
0x6: {  	_ = 	snop  }
0x7: {  	_ = 	snop  }
__scs_overlays_trampoline_lowered:
0x8: {  	[smem:$0x3FA0] =	sst s0  }
0x9: {  	[smem:$0x3FA1] =	sst s1  }
0xa: {  	[smem:$0x3FA2] =	sst s2  }
0xb: {  	[smem:$0x3FA3] =	sst s3  }
0xc: {  	[smem:$0x3FA4] =	sst s4  }
0xd: {  	[smem:$0x3FA5] =	sst s5  }
0xe: {  	[smem:$0x3FA6] =	sst s6  }
0xf: {  	[smem:$0x3FA7] =	sst s7  }
0x10: {  	[smem:$0x3FA8] =	sst s8  }
0x11: {  	[smem:$0x3FA9] =	sst s9;
	s0 =	simm.s32 @!p0 $0x0  }
0x12: {  	s1 =	sld [smem:$0x3F8F];
	s0 =	simm.s32 @p0 $0x1  }
0x13: {  	[smem:$0x3FAA] =	sst s0;
	s0 =	simm.s32 @!p1 $0x0  }
0x14: {  	s2 =	sld [smem:$0x3F8E];
	s0 =	simm.s32 @p1 $0x1  }
0x15: {  	[smem:$0x3FAB] =	sst s0;
	s0 =	simm.s32 @!p2 $0x0  }
0x16: {  	s3 =	sld [smem:$0x3FDB];
	s0 =	simm.s32 @p2 $0x1  }
0x17: {  	s4 =	simm.s32 $0x1BF5;
	[smem:$0x3FAD] =	sst s0  }
0x18: {  	s0 =	sld [smem:$0x3F90];
	_ =	swait.ge [sflag:s4], $0x0  }
0x19: {  	s7 =	sld [smem:$0x3F91]  }
0x1a: {  	s8 =	sadd.s32 $0xFFFFE003, lr  }
0x1b: {  	s9 =	sadd.s32 $0xFFFFFEF7, lr;
	s5 =	simm.s32 $0xFFFFFFFF;
	p2 =	slt.u32 s8, $0xFFFFF086  }
0x1c: {  	p1 =	slt.u32 s9, $0xF7A;
	s5 =	simm.s32 @!p2 $0x0  }
0x1d: {  	s5 =	simm.s32 @p1 $0x1;
	p0 =	seq.s32 s7, s2  }
0x1e: {  	s7 =	smul.u32 @!p0 $0xF7A, s2;
	p2 =	seq.s32 @!p0 s5, $0x0  }
0x1f: {  	s9 =	smul.u32 $0xF7A, s1;
	s8 =	simm.s32 @!p0 $0x1BF5;
	p2 =	por !p2, p0  }
0x20: {  	[sflag:s8] =	ssyncset.s32 @!p0 $0xFFFFF086;
	s6 =	sadd.s32 @!p0 s3, s7;
	s7 =	simm.s32 @!p0 $0x108  }
0x21: {  	s3 =	sadd.s32 s3, s9;
	s6 =	sadd.s32 @!p0 $0x88, s6;
	s7 =	simm.s32 @p2 $0x1082  }
0x22: {  	[simem:s7], [sflag:s8] =	dma.local @!p0 [hbm:s6], $0xF7A  }
0x23: {  	s9 =	sor.u32 $0xD0000000, s2;
	s6 =	simm.s32 $0x108;
	_ =	swait.ge @!p0 [sflag:s8], $0x0  }
0x24: {  	s3 =	sadd.s32 $0x88, s3;
	s6 =	simm.s32 @!p1 $0x1082;
	[sflag:s4] =	ssyncset.s32 $0xFFFFF086  }
0x25: {  	[simem:s6], [sflag:s4] =	dma.local [hbm:s3], $0xF7A  }
0x26: {  	[smem:$0x3F91] =	sst s1;
	(tag) =	ssettag s2;
	_ =	strace s9  }
0x27: {  	s1 =	sld [smem:$0x3FA1]  }
0x28: {  	s2 =	sld [smem:$0x3FA2]  }
0x29: {  	s4 =	sld [smem:$0x3FA4]  }
0x2a: {  	p0 =	seq.s32 s5, $0x0;
	s5 =	sld [smem:$0x3FA5]  }
0x2b: {  	s6 =	sld [smem:$0x3FA6]  }
0x2c: {  	s7 =	sld [smem:$0x3FA7]  }
0x2d: {  	s3 =	simm.s32 $0x108;
	s8 =	sld [smem:$0x3FA8]  }
0x2e: {  	s3 =	simm.s32 @!p0 $0x1082;
	s9 =	sld [smem:$0x3FA9]  }
0x2f: {  	lr =	sadd.s32 s0, s3;
	s0 =	sld [smem:$0x3FA0]  }
0x30: {  	s3 =	sld [smem:$0x3FA3]  }
0x31: {  	[smem:$0x3FAC] =	sst s10  }
0x32: {  	s10 =	sld [smem:$0x3FAA];
	_ =	sdelay $0x3  }
0x33: {  	p0 =	seq.s32 s10, $0x1;
	s10 =	sld [smem:$0x3FAC];
	_ =	sdelay $0x3  }
0x34: {  	[smem:$0x3FAC] =	sst s10  }
0x35: {  	s10 =	sld [smem:$0x3FAB];
	_ =	sdelay $0x3  }
0x36: {  	p1 =	seq.s32 s10, $0x1;
	s10 =	sld [smem:$0x3FAC];
	_ =	sdelay $0x3  }
0x37: {  	[smem:$0x3FAC] =	sst s10  }
0x38: {  	s10 =	sld [smem:$0x3FAD]  }
0x39: {  	_ = 	snop;
	(pc) =	sbr.ind lr, $3  }
0x3a: {  	_ = 	snop  }
0x3b: {  	_ = 	snop  }
0x3c: {  	p2 =	seq.s32 s10, $0x1;
	s10 =	sld [smem:$0x3FAC]  }
0x3d: {  	_ =	shalt  }
0x3e: {  	_ =	shalt  }
0x3f: {  	_ =	shalt  }
0x40: {  	_ =	shalt  }
0x41: {  	_ =	shalt  }
0x42: {  	_ =	shalt  }
0x43: {  	_ =	shalt  }
0x44: {  	_ =	shalt  }
0x45: {  	_ =	shalt  }
0x46: {  	_ =	shalt  }
0x47: {  	_ =	shalt  }
0x48: {  	_ =	shalt  }
0x49: {  	_ =	shalt  }
0x4a: {  	_ =	shalt  }
0x4b: {  	_ =	shalt  }
0x4c: {  	_ =	shalt  }
0x4d: {  	_ =	shalt  }
0x4e: {  	_ =	shalt  }
0x4f: {  	_ =	shalt  }
0x50: {  	_ =	shalt  }
0x51: {  	_ =	shalt  }
0x52: {  	_ =	shalt  }
0x53: {  	_ =	shalt  }
0x54: {  	_ =	shalt  }
0x55: {  	_ =	shalt  }
0x56: {  	_ =	shalt  }
0x57: {  	_ =	shalt  }
0x58: {  	_ =	shalt  }
0x59: {  	_ =	shalt  }
0x5a: {  	_ =	shalt  }
0x5b: {  	_ =	shalt  }
0x5c: {  	_ =	shalt  }
0x5d: {  	_ =	shalt  }
0x5e: {  	_ =	shalt  }
0x5f: {  	_ =	shalt  }
0x60: {  	_ =	shalt  }
0x61: {  	_ =	shalt  }
0x62: {  	_ =	shalt  }
0x63: {  	_ =	shalt  }
0x64: {  	_ =	shalt  }
0x65: {  	_ =	shalt  }
0x66: {  	_ =	shalt  }
0x67: {  	_ =	shalt  }
0x68: {  	_ =	shalt  }
0x69: {  	_ =	shalt  }
0x6a: {  	_ =	shalt  }
0x6b: {  	_ =	shalt  }
0x6c: {  	_ =	shalt  }
0x6d: {  	_ =	shalt  }
0x6e: {  	_ =	shalt  }
0x6f: {  	_ =	shalt  }
0x70: {  	_ =	shalt  }
0x71: {  	_ =	shalt  }
0x72: {  	_ =	shalt  }
0x73: {  	_ =	shalt  }
0x74: {  	_ =	shalt  }
0x75: {  	_ =	shalt  }
0x76: {  	_ =	shalt  }
0x77: {  	_ =	shalt  }
0x78: {  	_ =	shalt  }
0x79: {  	_ =	shalt  }
0x7a: {  	_ =	shalt  }
0x7b: {  	_ =	shalt  }
0x7c: {  	_ =	shalt  }
0x7d: {  	_ =	shalt  }
0x7e: {  	_ =	shalt  }
0x7f: {  	_ =	shalt  }
0x80: {  	_ =	shalt  }
0x81: {  	_ =	shalt  }
0x82: {  	_ =	shalt  }
0x83: {  	_ =	shalt  }
0x84: {  	_ =	shalt  }
0x85: {  	_ =	shalt  }
0x86: {  	_ =	shalt  }
0x87: {  	_ =	shalt  }
.Lfunc_end0:
.L_simem_size_0:
called_computation.1_lowered:
.L_overlay_start_0:
0x88: {  	s2 =	sld [smem:$0x3FD9]  }
0x89: {  	s3 =	sld [smem:$0x3FFE];
	_ =	sdelay $0x1  }
0x8a: {  	s1 =	srdreg.scid  }
0x8b: {  	s0 =	sand.u32 $0x1, s1  }
0x8c: {  	s14 =	sshll.u32 s0, $0xA;
	s2 =	sadd.s32 s3, s2  }
0x8d: {  	s2 =	sadd.s32 s2, s14  }
0x8e: {  	[smem:$0x3FB8] =	sst s2  }
0x8f: {  	_ = 	snop  }
0x90: {  	s2 =	sld [smem:$0x3FD0];
	_ =	sdelay $0x2  }
0x91: {  	s15 =	simm.s32 $0xA;
	s4 =	simm.s32 $0x10  }
0x92: {  	[smem:s4], [sflag:s15] =	dma.local [hbm:s2], $0x1  }
0x93: {  	_ =	swait.eq [sflag:s15], $0x1  }
0x94: {  	[sflag:s15] =	ssyncset.done $0x0  }
0x95: {  	[sflag:s15] =	ssyncadd.s32 $0xFFFFFFFF  }
0x96: {  	s16 =	sld [smem:$0x11];
	(tm) =	ssettm $0x1  }
0x97: {  	s17 =	sld [smem:$0x3FFB];
	_ =	sdelay $0x3  }
0x98: {  	_ =	strace s17  }
0x99: {  	s3 =	sld [smem:$0x3FFC];
	_ =	sdelay $0x3  }
0x9a: {  	_ =	strace s3  }
0x9b: {  	s3 =	sld [smem:$0x3FFD];
	_ =	sdelay $0x3  }
0x9c: {  	_ =	strace s3  }
0x9d: {  	_ =	strace $0x8FFFFFFF  }
0x9e: {  	s18 =	sld [smem:$0x3FDB];
	_ =	sdelay $0x1  }
0x9f: {  	s19 =	simm.s32 $_scs_section_size  }
0xa0: {  	s5 =	simm.s32 $_size__tile_overlayer_lowered;
	s6 =	simm.s32 $_tile_overlayer_lowered  }
0xa1: {  	s22 =	simm.s32 $0x1BFF;
	s21 =	sshll.u32 s6, $0x1;
	s3 =	sadd.s32 s19, s18  }
0xa2: {  	s7 =	simm.s32 $0x0;
	s20 =	sshll.u32 s5, $0x1;
	s5 =	sadd.s32 s21, s3  }
0xa3: {  	[timem:s7], [sflag:s22] =	dma.local [hbm:s5], s20  }
0xa4: {  	_ =	swait.ge [sflag:s22], s20  }
0xa5: {  	s4 =	ssub.s32 $0x0, s20;
	[sflag:s22] =	ssyncset.done $0x0  }
0xa6: {  	[sflag:s22] =	ssyncadd.s32 s4;
	_ =	sdelay $0x1  }
0xa7: {  	s23 =	simm.s32 $0x1B8B  }
0xa8: {  	_ =	swait.ge [sflag:s23], $0x1  }
0xa9: {  	[sflag:s23] =	ssyncset.done $0x0  }
0xaa: {  	s25 =	simm.s32 $0x1B8E;
	s24 =	sld [smem:$0x3FFE];
	[sflag:s23] =	ssyncadd.s32 $0xFFFFFFFF  }
0xab: {  	s26 =	simm.s32 $execute0_lowered;
	[smem:$0x3FD2] =	sst s25  }
0xac: {  	s5 =	sshll.u32 s26, $0x1;
	_ =	strace $0x80000049;
	[dreg:$0x1] =	wrdreg $0xFFFFFFFF  }
0xad: {  	s28 =	simm.s32 $_size_execute0_lowered;
	s3 =	sadd.s32 s3, s5;
	[dreg:$0x0] =	wrdreg $0x0  }
0xae: {  	s5 =	sshll.u32 s28, $0x1;
	[dreg:$0x2] =	wrdreg s3  }
0xaf: {  	[dreg:$0x3] =	wrdreg s5  }
0xb0: {  	[dreg:$0x4] =	wrdreg $0xC0  }
0xb1: {  	_ =	task [dreg:s7], $0x5FFFF  }
0xb2: {  	[dreg:$0x1] =	wrdreg $0xFFFFFFFF  }
0xb3: {  	[dreg:$0x0] =	wrdreg $0x60  }
0xb4: {  	[dreg:$0x2] =	wrdreg s24  }
0xb5: {  	[dreg:$0x3] =	wrdreg s16  }
0xb6: {  	[dreg:$0x4] =	wrdreg $0x91000  }
0xb7: {  	[dreg:$0x5] =	wrdreg $0x1CD000  }
0xb8: {  	[dreg:$0x6] =	wrdreg $0x9  }
0xb9: {  	_ =	task.clear_ibuf [dreg:s7], $0x7FFFF;
	_ =	strace $0x90000049  }
0xba: {  	s29 =	simm.s32 $0x9;
	_ =	strace $0x8000004B  }
0xbb: {  	_ =	swait.ge [sflag:s29], $0x1  }
0xbc: {  	[sflag:s29] =	ssyncadd.s32 $0xFFFFFFFF  }
0xbd: {  	_ =	strace $0x9000004B  }
0xbe: {  	_ =	sfence  }
0xbf: {  	s30 =	sld [smem:$0x0];
	_ =	sdelay $0x2  }
0xc0: {  	s31 =	sshll.u32 s1, $0xD;
	s1 =	sshrl.u32 s1, $0x2  }
0xc1: {  	s3 =	sand.u32 $0x4000, s31;
	s1 =	sadd.s32 s1, s30  }
0xc2: {  	s0 =	sor.u32 s3, s0;
	s1 =	sshll.u32 s1, $0x11  }
0xc3: {  	s0 =	sor.u32 s1, s0  }
0xc4: {  	s0 =	sadd.s32 $0x8F2B, s0  }
0xc5: {  	[sflag:s0] =	ssyncadd.remote.s32 $0x1  }
0xc6: {  	_ =	sfence.sel $0xFFFF  }
0xc7: {  	[dreg:$0x0] =	wrdreg $0xFFFFFFFF;
	(pc) =	sbr.abs _section_cstart, $3  }
0xc8: {  	[dreg:$0x1] =	wrdreg $0xFFFFFFFF  }
0xc9: {  	_ =	task.clear_ibuf [dreg:s7], $0x2FFFF;
	_ =	strace $0x9FFFFFFF  }
0xca: {  	(tm) =	ssettm $0x7FFFFFFF  }
0xcb: {  	_ =	shalt  }
tec
execute0_lowered:
.L_overlay_start_1:
0x0: {  	(tag) =	ssettag $0x1  }
0x1: {  	s0 =	rddreg [dreg:$0x0]  }
0x2: {  	s3 =	rddreg [dreg:$0x2]  }
0x3: {  	s4 =	rddreg [dreg:$0x3];
	s1 =	srdreg.scid  }
0x4: {  	s18 =	stileid.u32;
	s5 =	simm.s32 $0x0;
	s30 =	simm.s32 $0x5  }
0x5: {  	s31 =	simm.s32 $0x100;
	s1 =	sand.u32 $0x1, s1;
	s2 =	smul.u32 $0x13C00, s18  }
0x6: {  	[smem:$0x7FF] =	sst s5;
	s9 =	smul.u32 $0x2780, s18;
	s6 =	sadd.s32 $0xBAC000, s0  }
0x7: {  	s8 =	sadd.s32 $0x13A00, s0;
	s12 =	sadd.s32 $0x4A00, s0;
	s7 =	smul.u32 $0x13C000, s1  }
0x8: {  	s21 =	sshll.u32 s18, $0x6;
	_ =	strace $0x8000004A;
	s11 =	smul.u32 $0x27800, s1  }
0x9: {  	[dreg:$0x5] =	wrdreg s12;
	s19 =	ssub.s32 $0x2, s1;
	s13 =	sshll.u32 s1, $0x4  }
0xa: {  	s1 =	smul.u32 $0x28000, s1;
	s20 =	sshrl.u32 s19, $0x1;
	s13 =	sor.u32 s18, s13  }
0xb: {  	s10 =	sadd.s32 s2, s7;
	s7 =	sadd.s32 $0x1DA00, s0;
	s14 =	smul.u32 $0x2800, s13  }
0xc: {  	s11 =	sadd.s32 s9, s11;
	s12 =	ssub.s32 s19, s20;
	s22 =	smul.u32 $0x28000, s13  }
0xd: {  	s2 =	sadd.s32 s2, s3;
	s13 =	smul.u32 $0x5000, s13;
	s9 =	sadd.s32 s9, s4  }
0xe: {  	s10 =	sshrl.u32 s10, $0x3;
	s11 =	sshrl.u32 s11, $0x3;
	[dreg:$0x6] =	wrdreg s2  }
0xf: {  	[dreg:$0x7] =	wrdreg s9;
	s10 =	sadd.s32 s10, s0;
	s0 =	sadd.s32 s11, s0  }
0x10: {  	s11 =	sor.u32 $0x1C05, s21;
	s15 =	sshrl.u32 s14, $0x3;
	s16 =	sor.u32 $0x80, s14  }
0x11: {  	s2 =	sadd.s32 s6, s22;
	s25 =	sadd.s32 s7, s13;
	s17 =	sor.u32 $0x100, s14  }
0x12: {  	s23 =	sadd.s32 s8, s15;
	s24 =	sshrl.u32 s16, $0x3;
	[dreg:$0x9] =	wrdreg s2  }
0x13: {  	[dreg:$0xa] =	wrdreg s25;
	s9 =	sshll.u32 s16, $0x4;
	s13 =	sshll.u32 s16, $0x1  }
0x14: {  	s14 =	sshrl.u32 s17, $0x3;
	s15 =	smul.u32 $0x2800, s18;
	s19 =	sshll.u32 s17, $0x4  }
0x15: {  	s20 =	sshll.u32 s17, $0x1;
	s22 =	sadd.s32 $0xBDA00, s10;
	[dreg:$0x8] =	wrdreg s23  }
0x16: {  	s0 =	sadd.s32 $0x7200, s0;
	s10 =	simm.s32 $0x8900;
	[dreg:$0x11] =	wrdreg s22  }
0x17: {  	s26 =	sadd.s32 s8, s24;
	s2 =	sadd.s32 s6, s9;
	[dreg:$0x12] =	wrdreg s0  }
0x18: {  	s16 =	sadd.s32 s7, s13;
	s18 =	sadd.s32 s8, s14;
	[dreg:$0xb] =	wrdreg s26  }
0x19: {  	s21 =	sadd.s32 s7, s20;
	s24 =	smax.u32 s12, $0x1;
	[dreg:$0xc] =	wrdreg s2  }
0x1a: {  	s9 =	simm.s32 $0x4100;
	s12 =	simm.s32 $0x3;
	[dreg:$0xd] =	wrdreg s16  }
0x1b: {  	s13 =	simm.s32 $0x4;
	s14 =	simm.s32 $0x2;
	[dreg:$0xe] =	wrdreg s18  }
0x1c: {  	s1 =	sadd.s32 s15, s1;
	s2 =	sadd.s32 s6, s19;
	[dreg:$0x10] =	wrdreg s21  }
0x1d: {  	[dreg:$0x13] =	wrdreg s24;
	s15 =	simm.s32 $0x0;
	s1 =	sor.u32 $0x180, s1  }
0x1e: {  	[dreg:$0xf] =	wrdreg s2;
	s23 =	sshrl.u32 s1, $0x7;
	s26 =	sshrl.u32 s1, $0x3  }
0x1f: {  	s1 =	simm.s32 $0x80;
	s25 =	sshll.u32 s23, $0x8;
	s0 =	sshll.u32 s23, $0xB  }
0x20: {  	s29 =	sadd.s32 s26, s8;
	s2 =	sadd.s32 s25, s7;
	s28 =	sadd.s32 s0, s6  }
0x21: {  	s0 =	simm.s32 $0x8100;
	[dreg:$0x14] =	wrdreg s2;
	s2 =	simm.s32 $0x1  }
.LBB2_1:
0x22: {  	s16 =	rddreg [dreg:$0x6]  }
0x23: {  	s18 =	rddreg [dreg:$0x5];
	s16 =	sshrl.u32 s16, $0x3  }
0x24: {  	[spmem:s16], [sflag:s11] =	dma.local [hbm:s18], $0x2780  }
0x25: {  	_ =	swait.ge [sflag:s30], $0x2780  }
0x26: {  	[sflag:s30] =	ssyncset.done $0x0  }
0x27: {  	s20 =	rddreg [dreg:$0x7];
	[sflag:s30] =	ssyncadd.s32 $0xFFFFD880  }
0x28: {  	s18 =	sshrl.u32 s20, $0x3;
	s19 =	rddreg [dreg:$0x1]  }
0x29: {  	[spmem:s18], [sflag:s11] =	dma.local [hbm:s19], $0x4F0  }
0x2a: {  	_ =	swait.ge [sflag:s30], $0x4F0  }
0x2b: {  	[sflag:s30] =	ssyncset.done $0x0  }
0x2c: {  	[sflag:s30] =	ssyncadd.s32 $0xFFFFFB10  }
0x2d: {  	[bflag:$0x0] =	sbarrier.arrive $0xFFFF  }
0x2e: {  	s21 =	rddreg [dreg:$0x8]  }
0x2f: {  	[tilespmem:s5], [sflag:$0x1] =	stream.linear.gather [hbm4b:s21+s5], $0x80, $0x38;
	[tilespmem:$0x1F480] =	vst v63  }
0x30: {  	s22 =	rddreg [dreg:$0x9]  }
0x31: {  	[tilespmem:s31], [sflag:$0x1] =	stream.linear.gather [hbm4b:s22+s5], $0x4000, $0x38;
	[tilespmem:$0x1F480] =	vst v63  }
0x32: {  	s23 =	rddreg [dreg:$0xa]  }
0x33: {  	[tilespmem:s0], [sflag:$0x1] =	stream.linear.gather [hbm4b:s23+s5], $0x800, $0x38;
	[tilespmem:$0x1F480] =	vst v63  }
0x34: {  	_ =	swait.ge [sflag:s2], $0x80  }
0x35: {  	[sflag:s2] =	ssyncset.done $0x0  }
0x36: {  	[sflag:s2] =	ssyncadd.s32 $0xFFFFFF80  }
0x37: {  	_ =	swait.ge [sflag:s2], $0x4000  }
0x38: {  	[sflag:s2] =	ssyncset.done $0x0  }
0x39: {  	[sflag:s2] =	ssyncadd.s32 $0xFFFFC000  }
0x3a: {  	_ =	swait.ge [sflag:s2], $0x800  }
0x3b: {  	[sflag:s2] =	ssyncset.done $0x0  }
0x3c: {  	[sflag:s2] =	ssyncadd.s32 $0xFFFFF800  }
0x3d: {  	[spmem:s3] =	stream.indirect.scatter.add.f32 [tilespmem:s31], [sflag:$0x3], $0x80, s5, s1, $0xb8;
	[tilespmem:$0x1F480] =	vst v63  }
0x3e: {  	_ = 	snop  }
0x3f: {  	[spmem:s4] =	stream.indirect.scatter.add.f32 [tilespmem:s0], [sflag:$0x3], $0x10, s5, s1, $0xb8;
	[tilespmem:$0x1F480] =	vst v63  }
0x40: {  	s24 =	rddreg [dreg:$0xb]  }
0x41: {  	[tilespmem:s1], [sflag:$0x2] =	stream.linear.gather [hbm4b:s24+s5], $0x80, $0x38;
	[tilespmem:$0x1F480] =	vst v63  }
0x42: {  	s25 =	rddreg [dreg:$0xc]  }
0x43: {  	[tilespmem:s9], [sflag:$0x2] =	stream.linear.gather [hbm4b:s25+s5], $0x4000, $0x38;
	[tilespmem:$0x1F480] =	vst v63  }
0x44: {  	s26 =	rddreg [dreg:$0xd]  }
0x45: {  	[tilespmem:s10], [sflag:$0x2] =	stream.linear.gather [hbm4b:s26+s5], $0x800, $0x38;
	[tilespmem:$0x1F480] =	vst v63  }
0x46: {  	_ =	swait.ge [sflag:s14], $0x80  }
0x47: {  	[sflag:s14] =	ssyncset.done $0x0  }
0x48: {  	[sflag:s14] =	ssyncadd.s32 $0xFFFFFF80  }
0x49: {  	_ =	swait.ge [sflag:s14], $0x4000  }
0x4a: {  	[sflag:s14] =	ssyncset.done $0x0  }
0x4b: {  	[sflag:s14] =	ssyncadd.s32 $0xFFFFC000  }
0x4c: {  	_ =	swait.ge [sflag:s14], $0x800  }
0x4d: {  	[sflag:s14] =	ssyncset.done $0x0  }
0x4e: {  	[sflag:s14] =	ssyncadd.s32 $0xFFFFF800  }
0x4f: {  	_ =	swait.ge [sflag:s12], $0x4000  }
0x50: {  	[sflag:s12] =	ssyncset.done $0x0  }
0x51: {  	[sflag:s12] =	ssyncadd.s32 $0xFFFFC000  }
0x52: {  	_ =	swait.ge [sflag:s12], $0x800  }
0x53: {  	[sflag:s12] =	ssyncset.done $0x0  }
0x54: {  	[sflag:s12] =	ssyncadd.s32 $0xFFFFF800  }
0x55: {  	[spmem:s3] =	stream.indirect.scatter.add.f32 [tilespmem:s9], [sflag:$0x4], $0x80, s1, s1, $0xb8;
	[tilespmem:$0x1F480] =	vst v63  }
0x56: {  	_ = 	snop  }
0x57: {  	[spmem:s4] =	stream.indirect.scatter.add.f32 [tilespmem:s10], [sflag:$0x4], $0x10, s1, s1, $0xb8;
	[tilespmem:$0x1F480] =	vst v63  }
0x58: {  	s20 =	rddreg [dreg:$0xe]  }
0x59: {  	[tilespmem:s5], [sflag:$0x1] =	stream.linear.gather [hbm4b:s20+s5], $0x80, $0x38;
	[tilespmem:$0x1F480] =	vst v63  }
0x5a: {  	s21 =	rddreg [dreg:$0xf]  }
0x5b: {  	[tilespmem:s31], [sflag:$0x1] =	stream.linear.gather [hbm4b:s21+s5], $0x4000, $0x38;
	[tilespmem:$0x1F480] =	vst v63  }
0x5c: {  	s22 =	rddreg [dreg:$0x10]  }
0x5d: {  	[tilespmem:s0], [sflag:$0x1] =	stream.linear.gather [hbm4b:s22+s5], $0x800, $0x38;
	[tilespmem:$0x1F480] =	vst v63  }
0x5e: {  	_ =	swait.ge [sflag:s2], $0x80  }
0x5f: {  	[sflag:s2] =	ssyncset.done $0x0  }
0x60: {  	[sflag:s2] =	ssyncadd.s32 $0xFFFFFF80  }
0x61: {  	_ =	swait.ge [sflag:s2], $0x4000  }
0x62: {  	[sflag:s2] =	ssyncset.done $0x0  }
0x63: {  	[sflag:s2] =	ssyncadd.s32 $0xFFFFC000  }
0x64: {  	_ =	swait.ge [sflag:s2], $0x800  }
0x65: {  	[sflag:s2] =	ssyncset.done $0x0  }
0x66: {  	[sflag:s2] =	ssyncadd.s32 $0xFFFFF800  }
0x67: {  	_ =	swait.ge [sflag:s13], $0x4000  }
0x68: {  	[sflag:s13] =	ssyncset.done $0x0  }
0x69: {  	[sflag:s13] =	ssyncadd.s32 $0xFFFFC000  }
0x6a: {  	_ =	swait.ge [sflag:s13], $0x800  }
0x6b: {  	[sflag:s13] =	ssyncset.done $0x0  }
0x6c: {  	[sflag:s13] =	ssyncadd.s32 $0xFFFFF800  }
0x6d: {  	[spmem:s3] =	stream.indirect.scatter.add.f32 [tilespmem:s31], [sflag:$0x3], $0x80, s5, s1, $0xb8;
	[tilespmem:$0x1F480] =	vst v63  }
0x6e: {  	_ = 	snop  }
0x6f: {  	[spmem:s4] =	stream.indirect.scatter.add.f32 [tilespmem:s0], [sflag:$0x3], $0x10, s5, s1, $0xb8;
	[tilespmem:$0x1F480] =	vst v63  }
0x70: {  	_ = 	snop  }
0x71: {  	[tilespmem:s1], [sflag:$0x2] =	stream.linear.gather [hbm4b:s29+s5], $0x80, $0x38;
	[tilespmem:$0x1F480] =	vst v63  }
0x72: {  	_ = 	snop  }
0x73: {  	[tilespmem:s9], [sflag:$0x2] =	stream.linear.gather [hbm4b:s28+s5], $0x4000, $0x38;
	[tilespmem:$0x1F480] =	vst v63  }
0x74: {  	s25 =	rddreg [dreg:$0x14]  }
0x75: {  	[tilespmem:s10], [sflag:$0x2] =	stream.linear.gather [hbm4b:s25+s5], $0x800, $0x38;
	[tilespmem:$0x1F480] =	vst v63  }
0x76: {  	_ =	swait.ge [sflag:s14], $0x80  }
0x77: {  	[sflag:s14] =	ssyncset.done $0x0  }
0x78: {  	[sflag:s14] =	ssyncadd.s32 $0xFFFFFF80  }
0x79: {  	_ =	swait.ge [sflag:s14], $0x4000  }
0x7a: {  	[sflag:s14] =	ssyncset.done $0x0  }
0x7b: {  	[sflag:s14] =	ssyncadd.s32 $0xFFFFC000  }
0x7c: {  	_ =	swait.ge [sflag:s14], $0x800  }
0x7d: {  	[sflag:s14] =	ssyncset.done $0x0  }
0x7e: {  	[sflag:s14] =	ssyncadd.s32 $0xFFFFF800  }
0x7f: {  	_ =	swait.ge [sflag:s12], $0x4000  }
0x80: {  	[sflag:s12] =	ssyncset.done $0x0  }
0x81: {  	s23 =	smin.u32 s14, $0x4D;
	[sflag:s12] =	ssyncadd.s32 $0xFFFFC000  }
0x82: {  	s19 =	sshll.u32 s23, $0x7;
	_ =	swait.ge [sflag:s12], $0x800  }
0x83: {  	s20 =	sadd.s32 s19, s17;
	[sflag:s12] =	ssyncset.done $0x0  }
0x84: {  	s19 =	simm.s32 $0x4;
	s21 =	sshrl.u32 s20, $0x3;
	[sflag:s12] =	ssyncadd.s32 $0xFFFFF800  }
0x85: {  	[spmem:s3] =	stream.indirect.scatter.add.f32 [tilespmem:s9], [sflag:$0x4], $0x80, s1, s1, $0xb8;
	[tilespmem:$0x1F480] =	vst v63  }
0x86: {  	s23 =	sshll.u32 s20, $0x1;
	s24 =	sadd.s32 s8, s21;
	s22 =	sshll.u32 s20, $0x4  }
0x87: {  	[spmem:s4] =	stream.indirect.scatter.add.f32 [tilespmem:s10], [sflag:$0x4], $0x10, s1, s1, $0xb8;
	[tilespmem:$0x1F480] =	vst v63  }
0x88: {  	s20 =	sadd.s32 $0x20, s29;
	s26 =	sand.u32 $0xFFF800, s22;
	s22 =	sadd.s32 $0x1000, s28  }
0x89: {  	[tilespmem:s5], [sflag:$0x1] =	stream.linear.gather [hbm4b:s24+s5], $0x80, $0x38;
	[tilespmem:$0x1F480] =	vst v63  }
0x8a: {  	s21 =	sadd.s32 $0x200, s25;
	s24 =	sand.u32 $0x1FFF00, s23;
	s23 =	sadd.s32 s6, s26  }
.LBB2_2:
0x8b: {  	[tilespmem:s31], [sflag:$0x1] =	stream.linear.gather [hbm4b:s23+s5], $0x4000, $0x38;
	[tilespmem:$0x1F480] =	vst v63  }
0x8c: {  	s23 =	smov.u32 s19  }
0x8d: {  	p0 =	sne.s32 s19, $0x4E;
	s19 =	sadd.s32 $0x2, s19;
	s24 =	sadd.s32 s7, s24  }
0x8e: {  	[tilespmem:s0], [sflag:$0x1] =	stream.linear.gather [hbm4b:s24+s5], $0x800, $0x38;
	[tilespmem:$0x1F480] =	vst v63  }
0x8f: {  	_ =	swait.ge [sflag:s2], $0x80  }
0x90: {  	[sflag:s2] =	ssyncset.done $0x0  }
0x91: {  	[sflag:s2] =	ssyncadd.s32 $0xFFFFFF80  }
0x92: {  	_ =	swait.ge [sflag:s2], $0x4000  }
0x93: {  	[sflag:s2] =	ssyncset.done $0x0  }
0x94: {  	[sflag:s2] =	ssyncadd.s32 $0xFFFFC000  }
0x95: {  	_ =	swait.ge [sflag:s2], $0x800  }
0x96: {  	[sflag:s2] =	ssyncset.done $0x0  }
0x97: {  	[sflag:s2] =	ssyncadd.s32 $0xFFFFF800  }
0x98: {  	_ =	swait.ge [sflag:s13], $0x4000  }
0x99: {  	[sflag:s13] =	ssyncset.done $0x0  }
0x9a: {  	[sflag:s13] =	ssyncadd.s32 $0xFFFFC000  }
0x9b: {  	_ =	swait.ge [sflag:s13], $0x800  }
0x9c: {  	[sflag:s13] =	ssyncset.done $0x0  }
0x9d: {  	[sflag:s13] =	ssyncadd.s32 $0xFFFFF800  }
0x9e: {  	[spmem:s3] =	stream.indirect.scatter.add.f32 [tilespmem:s31], [sflag:$0x3], $0x80, s5, s1, $0xb8;
	[tilespmem:$0x1F480] =	vst v63  }
0x9f: {  	_ = 	snop  }
0xa0: {  	[spmem:s4] =	stream.indirect.scatter.add.f32 [tilespmem:s0], [sflag:$0x3], $0x10, s5, s1, $0xb8;
	[tilespmem:$0x1F480] =	vst v63  }
0xa1: {  	_ = 	snop  }
0xa2: {  	[tilespmem:s1], [sflag:$0x2] =	stream.linear.gather [hbm4b:s20+s5], $0x80, $0x38;
	[tilespmem:$0x1F480] =	vst v63  }
0xa3: {  	_ = 	snop  }
0xa4: {  	[tilespmem:s9], [sflag:$0x2] =	stream.linear.gather [hbm4b:s22+s5], $0x4000, $0x38;
	[tilespmem:$0x1F480] =	vst v63  }
0xa5: {  	_ = 	snop  }
0xa6: {  	[tilespmem:s10], [sflag:$0x2] =	stream.linear.gather [hbm4b:s21+s5], $0x800, $0x38;
	[tilespmem:$0x1F480] =	vst v63  }
0xa7: {  	_ =	swait.ge [sflag:s14], $0x80  }
0xa8: {  	[sflag:s14] =	ssyncset.done $0x0  }
0xa9: {  	[sflag:s14] =	ssyncadd.s32 $0xFFFFFF80  }
0xaa: {  	_ =	swait.ge [sflag:s14], $0x4000  }
0xab: {  	[sflag:s14] =	ssyncset.done $0x0  }
0xac: {  	[sflag:s14] =	ssyncadd.s32 $0xFFFFC000  }
0xad: {  	_ =	swait.ge [sflag:s14], $0x800  }
0xae: {  	[sflag:s14] =	ssyncset.done $0x0  }
0xaf: {  	[sflag:s14] =	ssyncadd.s32 $0xFFFFF800  }
0xb0: {  	_ =	swait.ge [sflag:s12], $0x4000  }
0xb1: {  	[sflag:s12] =	ssyncset.done $0x0  }
0xb2: {  	[sflag:s12] =	ssyncadd.s32 $0xFFFFC000  }
0xb3: {  	s23 =	smin.u32 s23, $0x4D;
	_ =	swait.ge [sflag:s12], $0x800  }
0xb4: {  	s23 =	sshll.u32 s23, $0x7;
	[sflag:s12] =	ssyncset.done $0x0  }
0xb5: {  	s23 =	sadd.s32 s23, s17;
	[sflag:s12] =	ssyncadd.s32 $0xFFFFF800  }
0xb6: {  	[spmem:s3] =	stream.indirect.scatter.add.f32 [tilespmem:s9], [sflag:$0x4], $0x80, s1, s1, $0xb8;
	[tilespmem:$0x1F480] =	vst v63  }
0xb7: {  	s24 =	sshrl.u32 s23, $0x3;
	s20 =	sadd.s32 $0x20, s20  }
.Ltmp0:
0xb8: {  	s25 =	sshll.u32 s23, $0x4;
	s23 =	sshll.u32 s23, $0x1;
	(pc) =	sbr.rel @p0 .LBB2_2-.Ltmp0, $4  }
0xb9: {  	[spmem:s4] =	stream.indirect.scatter.add.f32 [tilespmem:s10], [sflag:$0x4], $0x10, s1, s1, $0xb8;
	[tilespmem:$0x1F480] =	vst v63  }
0xba: {  	s26 =	sadd.s32 s8, s24;
	s25 =	sand.u32 $0xFFF800, s25;
	s24 =	sand.u32 $0x1FFF00, s23  }
0xbb: {  	[tilespmem:s5], [sflag:$0x1] =	stream.linear.gather [hbm4b:s26+s5], $0x80, $0x38;
	[tilespmem:$0x1F480] =	vst v63  }
0xbc: {  	s23 =	sadd.s32 s6, s25;
	s22 =	sadd.s32 $0x1000, s22;
	s21 =	sadd.s32 $0x200, s21  }
0xbd: {  	[tilespmem:s31], [sflag:$0x1] =	stream.linear.gather [hbm4b:s23+s5], $0x4000, $0x38;
	[tilespmem:$0x1F480] =	vst v63  }
0xbe: {  	s19 =	sadd.s32 s7, s24  }
0xbf: {  	[tilespmem:s0], [sflag:$0x1] =	stream.linear.gather [hbm4b:s19+s5], $0x800, $0x38;
	[tilespmem:$0x1F480] =	vst v63  }
0xc0: {  	_ =	swait.ge [sflag:s13], $0x4000  }
0xc1: {  	[sflag:s13] =	ssyncset.done $0x0  }
0xc2: {  	[sflag:s13] =	ssyncadd.s32 $0xFFFFC000  }
0xc3: {  	_ =	swait.ge [sflag:s13], $0x800  }
0xc4: {  	[sflag:s13] =	ssyncset.done $0x0  }
0xc5: {  	[sflag:s13] =	ssyncadd.s32 $0xFFFFF800  }
0xc6: {  	_ =	swait.ge [sflag:s2], $0x80  }
0xc7: {  	[sflag:s2] =	ssyncset.done $0x0  }
0xc8: {  	[sflag:s2] =	ssyncadd.s32 $0xFFFFFF80  }
0xc9: {  	_ =	swait.ge [sflag:s2], $0x4000  }
0xca: {  	[sflag:s2] =	ssyncset.done $0x0  }
0xcb: {  	[sflag:s2] =	ssyncadd.s32 $0xFFFFC000  }
0xcc: {  	_ =	swait.ge [sflag:s2], $0x800  }
0xcd: {  	[sflag:s2] =	ssyncset.done $0x0  }
0xce: {  	[sflag:s2] =	ssyncadd.s32 $0xFFFFF800  }
0xcf: {  	[bflag:$0x0] =	sbarrier.arrive $0xFFFF  }
0xd0: {  	s24 =	rddreg [dreg:$0x11]  }
0xd1: {  	[hbm:s24], [sflag:s11] =	dma.local [spmem:s16], $0x2780  }
0xd2: {  	_ =	swait.ge [sflag:s30], $0x2780  }
0xd3: {  	[sflag:s30] =	ssyncset.done $0x0  }
0xd4: {  	s25 =	rddreg [dreg:$0x12];
	[sflag:s30] =	ssyncadd.s32 $0xFFFFD880  }
0xd5: {  	[hbm:s25], [sflag:s11] =	dma.local [spmem:s18], $0x4F0  }
0xd6: {  	_ =	swait.ge [sflag:s30], $0x4F0  }
0xd7: {  	s15 =	sadd.s32 $0x1, s15;
	s26 =	rddreg [dreg:$0x13]  }
0xd8: {  	p0 =	sne.s32 s15, s26  }
.Ltmp1:
0xd9: {  	_ = 	snop;
	(pc) =	sbr.rel @p0 .LBB2_1-.Ltmp1, $3  }
0xda: {  	_ =	sdelay $0x1  }
0xdb: {  	[sflag:s30] =	ssyncset.done $0x0  }
0xdc: {  	[sflag:s30] =	ssyncadd.s32 $0xFFFFFB10  }
0xdd: {  	_ =	sfence.sel $0x180000  }
0xde: {  	[bflag:$0x0] =	sbarrier.arrive $0xFFFF  }
0xdf: {  	_ =	strace $0x9000004A  }
0xe0: {  	s0 =	stileid.u32;
	[bflag:$0x2] =	sbarrier.arrive $0xFFFF  }
0xe1: {  	p0 =	sne.s32 s0, $0x0;
	s0 =	rddreg [dreg:$0x4]  }
0xe2: {  	s0 =	sadd.s32 @!p0 $0x100000, s0  }
0xe3: {  	[sflag:s0] =	ssyncadd.tile.s32 @!p0 $0x1;
	_ =	shalt  }
.Lfunc_end2:
_tile_overlayer_lowered:
.L_overlay_start_2:
0xe4: {  	(tag) =	ssettag $0x2  }
0xe5: {  	s0 =	rddreg [dreg:$0x0];
	s2 =	stileid.u32  }
0xe6: {  	s1 =	rddreg [dreg:$0x1];
	p0 =	sne.s32 s2, $0x0  }
0xe7: {  	s3 =	rddreg [dreg:$0x2];
	[bflag:$0x3] =	sbarrier.arrive $0xFFFF;
	s2 =	simm.s32 @!p0 $0x1C05  }
0xe8: {  	[timem:s3], [sflag:s2] =	dma.local @!p0 [hbm:s0], s1  }
0xe9: {  	s0 =	simm.s32 @!p0 $0x5  }
0xea: {  	_ =	swait.ge @!p0 [sflag:s0], s1  }
0xeb: {  	s1 =	ssub.s32 @!p0 $0x0, s1;
	[sflag:s0] =	ssyncset.done @!p0 $0x0  }
0xec: {  	[sflag:s0] =	ssyncadd.s32 @!p0 s1  }
0xed: {  	[bflag:$0x3] =	sbarrier.arrive $0xFFFF  }
0xee: {  	_ =	shalt  }

// kernel: kernel.7.cloned.1.call-start
scs
__scs_entry_jumppad:
0x0: {  	(pc) =	sbr.rel $0x88, $3  }
0x1: {  	(tag) =	ssettag $0x0;
	lr =	simm.s32 $0x1  }
0x2: {  	[smem:$0x3F91] =	sst lr;
	_ =	strace $0xD0000000  }
0x3: {  	_ = 	snop  }
0x4: {  	_ = 	snop  }
0x5: {  	_ = 	snop  }
0x6: {  	_ = 	snop  }
0x7: {  	_ = 	snop  }
__scs_overlays_trampoline_lowered:
0x8: {  	[smem:$0x3FA0] =	sst s0  }
0x9: {  	[smem:$0x3FA1] =	sst s1  }
0xa: {  	[smem:$0x3FA2] =	sst s2  }
0xb: {  	[smem:$0x3FA3] =	sst s3  }
0xc: {  	[smem:$0x3FA4] =	sst s4  }
0xd: {  	[smem:$0x3FA5] =	sst s5  }
0xe: {  	[smem:$0x3FA6] =	sst s6  }
0xf: {  	[smem:$0x3FA7] =	sst s7  }
0x10: {  	[smem:$0x3FA8] =	sst s8  }
0x11: {  	[smem:$0x3FA9] =	sst s9;
	s0 =	simm.s32 @!p0 $0x0  }
0x12: {  	s1 =	sld [smem:$0x3F8F];
	s0 =	simm.s32 @p0 $0x1  }
0x13: {  	[smem:$0x3FAA] =	sst s0;
	s0 =	simm.s32 @!p1 $0x0  }
0x14: {  	s2 =	sld [smem:$0x3F8E];
	s0 =	simm.s32 @p1 $0x1  }
0x15: {  	[smem:$0x3FAB] =	sst s0;
	s0 =	simm.s32 @!p2 $0x0  }
0x16: {  	s3 =	sld [smem:$0x3FDB];
	s0 =	simm.s32 @p2 $0x1  }
0x17: {  	s4 =	simm.s32 $0x1BF5;
	[smem:$0x3FAD] =	sst s0  }
0x18: {  	s0 =	sld [smem:$0x3F90];
	_ =	swait.ge [sflag:s4], $0x0  }
0x19: {  	s7 =	sld [smem:$0x3F91]  }
0x1a: {  	s8 =	sadd.s32 $0xFFFFE003, lr  }
0x1b: {  	s9 =	sadd.s32 $0xFFFFFEF7, lr;
	s5 =	simm.s32 $0xFFFFFFFF;
	p2 =	slt.u32 s8, $0xFFFFF086  }
0x1c: {  	p1 =	slt.u32 s9, $0xF7A;
	s5 =	simm.s32 @!p2 $0x0  }
0x1d: {  	s5 =	simm.s32 @p1 $0x1;
	p0 =	seq.s32 s7, s2  }
0x1e: {  	s7 =	smul.u32 @!p0 $0xF7A, s2;
	p2 =	seq.s32 @!p0 s5, $0x0  }
0x1f: {  	s9 =	smul.u32 $0xF7A, s1;
	s8 =	simm.s32 @!p0 $0x1BF5;
	p2 =	por !p2, p0  }
0x20: {  	[sflag:s8] =	ssyncset.s32 @!p0 $0xFFFFF086;
	s6 =	sadd.s32 @!p0 s3, s7;
	s7 =	simm.s32 @!p0 $0x108  }
0x21: {  	s3 =	sadd.s32 s3, s9;
	s6 =	sadd.s32 @!p0 $0x88, s6;
	s7 =	simm.s32 @p2 $0x1082  }
0x22: {  	[simem:s7], [sflag:s8] =	dma.local @!p0 [hbm:s6], $0xF7A  }
0x23: {  	s9 =	sor.u32 $0xD0000000, s2;
	s6 =	simm.s32 $0x108;
	_ =	swait.ge @!p0 [sflag:s8], $0x0  }
0x24: {  	s3 =	sadd.s32 $0x88, s3;
	s6 =	simm.s32 @!p1 $0x1082;
	[sflag:s4] =	ssyncset.s32 $0xFFFFF086  }
0x25: {  	[simem:s6], [sflag:s4] =	dma.local [hbm:s3], $0xF7A  }
0x26: {  	[smem:$0x3F91] =	sst s1;
	(tag) =	ssettag s2;
	_ =	strace s9  }
0x27: {  	s1 =	sld [smem:$0x3FA1]  }
0x28: {  	s2 =	sld [smem:$0x3FA2]  }
0x29: {  	s4 =	sld [smem:$0x3FA4]  }
0x2a: {  	p0 =	seq.s32 s5, $0x0;
	s5 =	sld [smem:$0x3FA5]  }
0x2b: {  	s6 =	sld [smem:$0x3FA6]  }
0x2c: {  	s7 =	sld [smem:$0x3FA7]  }
0x2d: {  	s3 =	simm.s32 $0x108;
	s8 =	sld [smem:$0x3FA8]  }
0x2e: {  	s3 =	simm.s32 @!p0 $0x1082;
	s9 =	sld [smem:$0x3FA9]  }
0x2f: {  	lr =	sadd.s32 s0, s3;
	s0 =	sld [smem:$0x3FA0]  }
0x30: {  	s3 =	sld [smem:$0x3FA3]  }
0x31: {  	[smem:$0x3FAC] =	sst s10  }
0x32: {  	s10 =	sld [smem:$0x3FAA];
	_ =	sdelay $0x3  }
0x33: {  	p0 =	seq.s32 s10, $0x1;
	s10 =	sld [smem:$0x3FAC];
	_ =	sdelay $0x3  }
0x34: {  	[smem:$0x3FAC] =	sst s10  }
0x35: {  	s10 =	sld [smem:$0x3FAB];
	_ =	sdelay $0x3  }
0x36: {  	p1 =	seq.s32 s10, $0x1;
	s10 =	sld [smem:$0x3FAC];
	_ =	sdelay $0x3  }
0x37: {  	[smem:$0x3FAC] =	sst s10  }
0x38: {  	s10 =	sld [smem:$0x3FAD]  }
0x39: {  	_ = 	snop;
	(pc) =	sbr.ind lr, $3  }
0x3a: {  	_ = 	snop  }
0x3b: {  	_ = 	snop  }
0x3c: {  	p2 =	seq.s32 s10, $0x1;
	s10 =	sld [smem:$0x3FAC]  }
0x3d: {  	_ =	shalt  }
0x3e: {  	_ =	shalt  }
0x3f: {  	_ =	shalt  }
0x40: {  	_ =	shalt  }
0x41: {  	_ =	shalt  }
0x42: {  	_ =	shalt  }
0x43: {  	_ =	shalt  }
0x44: {  	_ =	shalt  }
0x45: {  	_ =	shalt  }
0x46: {  	_ =	shalt  }
0x47: {  	_ =	shalt  }
0x48: {  	_ =	shalt  }
0x49: {  	_ =	shalt  }
0x4a: {  	_ =	shalt  }
0x4b: {  	_ =	shalt  }
0x4c: {  	_ =	shalt  }
0x4d: {  	_ =	shalt  }
0x4e: {  	_ =	shalt  }
0x4f: {  	_ =	shalt  }
0x50: {  	_ =	shalt  }
0x51: {  	_ =	shalt  }
0x52: {  	_ =	shalt  }
0x53: {  	_ =	shalt  }
0x54: {  	_ =	shalt  }
0x55: {  	_ =	shalt  }
0x56: {  	_ =	shalt  }
0x57: {  	_ =	shalt  }
0x58: {  	_ =	shalt  }
0x59: {  	_ =	shalt  }
0x5a: {  	_ =	shalt  }
0x5b: {  	_ =	shalt  }
0x5c: {  	_ =	shalt  }
0x5d: {  	_ =	shalt  }
0x5e: {  	_ =	shalt  }
0x5f: {  	_ =	shalt  }
0x60: {  	_ =	shalt  }
0x61: {  	_ =	shalt  }
0x62: {  	_ =	shalt  }
0x63: {  	_ =	shalt  }
0x64: {  	_ =	shalt  }
0x65: {  	_ =	shalt  }
0x66: {  	_ =	shalt  }
0x67: {  	_ =	shalt  }
0x68: {  	_ =	shalt  }
0x69: {  	_ =	shalt  }
0x6a: {  	_ =	shalt  }
0x6b: {  	_ =	shalt  }
0x6c: {  	_ =	shalt  }
0x6d: {  	_ =	shalt  }
0x6e: {  	_ =	shalt  }
0x6f: {  	_ =	shalt  }
0x70: {  	_ =	shalt  }
0x71: {  	_ =	shalt  }
0x72: {  	_ =	shalt  }
0x73: {  	_ =	shalt  }
0x74: {  	_ =	shalt  }
0x75: {  	_ =	shalt  }
0x76: {  	_ =	shalt  }
0x77: {  	_ =	shalt  }
0x78: {  	_ =	shalt  }
0x79: {  	_ =	shalt  }
0x7a: {  	_ =	shalt  }
0x7b: {  	_ =	shalt  }
0x7c: {  	_ =	shalt  }
0x7d: {  	_ =	shalt  }
0x7e: {  	_ =	shalt  }
0x7f: {  	_ =	shalt  }
0x80: {  	_ =	shalt  }
0x81: {  	_ =	shalt  }
0x82: {  	_ =	shalt  }
0x83: {  	_ =	shalt  }
0x84: {  	_ =	shalt  }
0x85: {  	_ =	shalt  }
0x86: {  	_ =	shalt  }
0x87: {  	_ =	shalt  }
.Lfunc_end0:
.L_simem_size_0:
called_computation_lowered:
.L_overlay_start_0:
0x88: {  	s2 =	sld [smem:$0x3FD9]  }
0x89: {  	s3 =	sld [smem:$0x3FFE];
	_ =	sdelay $0x1  }
0x8a: {  	s1 =	srdreg.scid  }
0x8b: {  	s0 =	sand.u32 $0x1, s1  }
0x8c: {  	s16 =	sshll.u32 s0, $0xA;
	s2 =	sadd.s32 s3, s2  }
0x8d: {  	s2 =	sadd.s32 s2, s16  }
0x8e: {  	[smem:$0x3FB8] =	sst s2  }
0x8f: {  	_ = 	snop  }
0x90: {  	(tm) =	ssettm $0x1  }
0x91: {  	s17 =	sld [smem:$0x3FFB];
	_ =	sdelay $0x3  }
0x92: {  	_ =	strace s17  }
0x93: {  	s2 =	sld [smem:$0x3FFC];
	_ =	sdelay $0x3  }
0x94: {  	_ =	strace s2  }
0x95: {  	s2 =	sld [smem:$0x3FFD];
	_ =	sdelay $0x3  }
0x96: {  	_ =	strace s2  }
0x97: {  	_ =	strace $0x8FFFFFFF  }
0x98: {  	s18 =	sld [smem:$0x3FDB];
	_ =	sdelay $0x1  }
0x99: {  	s19 =	simm.s32 $_scs_section_size  }
0x9a: {  	s4 =	simm.s32 $_size__tile_overlayer_lowered;
	s5 =	simm.s32 $_tile_overlayer_lowered  }
0x9b: {  	s22 =	simm.s32 $0x1BFF;
	s21 =	sshll.u32 s5, $0x1;
	s2 =	sadd.s32 s19, s18  }
0x9c: {  	s6 =	simm.s32 $0x0;
	s20 =	sshll.u32 s4, $0x1;
	s4 =	sadd.s32 s21, s2  }
0x9d: {  	[timem:s6], [sflag:s22] =	dma.local [hbm:s4], s20  }
0x9e: {  	_ =	swait.ge [sflag:s22], s20  }
0x9f: {  	s3 =	ssub.s32 $0x0, s20;
	[sflag:s22] =	ssyncset.done $0x0  }
0xa0: {  	[sflag:s22] =	ssyncadd.s32 s3;
	_ =	sdelay $0x1  }
0xa1: {  	s23 =	simm.s32 $0x1B8B  }
0xa2: {  	_ =	swait.ge [sflag:s23], $0x1  }
0xa3: {  	[sflag:s23] =	ssyncset.done $0x0  }
0xa4: {  	s25 =	simm.s32 $0x1B8E;
	s24 =	sld [smem:$0x3FFE];
	[sflag:s23] =	ssyncadd.s32 $0xFFFFFFFF  }
0xa5: {  	s26 =	simm.s32 $execute0_lowered;
	[smem:$0x3FD2] =	sst s25  }
0xa6: {  	s4 =	sshll.u32 s26, $0x1;
	_ =	strace $0x80000046;
	[dreg:$0x1] =	wrdreg $0xFFFFFFFF  }
0xa7: {  	s28 =	simm.s32 $_size_execute0_lowered;
	s2 =	sadd.s32 s2, s4;
	[dreg:$0x0] =	wrdreg $0x0  }
0xa8: {  	s4 =	sshll.u32 s28, $0x1;
	[dreg:$0x2] =	wrdreg s2  }
0xa9: {  	[dreg:$0x3] =	wrdreg s4  }
0xaa: {  	[dreg:$0x4] =	wrdreg $0xC0  }
0xab: {  	_ =	task [dreg:s6], $0x5FFFF  }
0xac: {  	[dreg:$0x1] =	wrdreg $0xFFFFFFFF  }
0xad: {  	[dreg:$0x0] =	wrdreg $0x60  }
0xae: {  	[dreg:$0x2] =	wrdreg s24  }
0xaf: {  	[dreg:$0x3] =	wrdreg $0x9  }
0xb0: {  	_ =	task.clear_ibuf [dreg:s6], $0x4FFFF;
	_ =	strace $0x90000046  }
0xb1: {  	s29 =	simm.s32 $0x9;
	_ =	strace $0x80000048  }
0xb2: {  	_ =	swait.ge [sflag:s29], $0x1  }
0xb3: {  	[sflag:s29] =	ssyncadd.s32 $0xFFFFFFFF  }
0xb4: {  	_ =	strace $0x90000048  }
0xb5: {  	_ =	sfence  }
0xb6: {  	s30 =	sld [smem:$0x0];
	_ =	sdelay $0x2  }
0xb7: {  	s31 =	sshll.u32 s1, $0xD;
	s1 =	sshrl.u32 s1, $0x2  }
0xb8: {  	s3 =	sand.u32 $0x4000, s31;
	s1 =	sadd.s32 s1, s30  }
0xb9: {  	s0 =	sor.u32 s3, s0;
	s1 =	sshll.u32 s1, $0x11  }
0xba: {  	s0 =	sor.u32 s1, s0  }
0xbb: {  	s0 =	sadd.s32 $0x8F2B, s0  }
0xbc: {  	[sflag:s0] =	ssyncadd.remote.s32 $0x1  }
0xbd: {  	_ =	sfence.sel $0xFFFF  }
0xbe: {  	[dreg:$0x0] =	wrdreg $0xFFFFFFFF;
	(pc) =	sbr.abs _section_cstart, $3  }
0xbf: {  	[dreg:$0x1] =	wrdreg $0xFFFFFFFF  }
0xc0: {  	_ =	task.clear_ibuf [dreg:s6], $0x2FFFF;
	_ =	strace $0x9FFFFFFF  }
0xc1: {  	(tm) =	ssettm $0x7FFFFFFF  }
tec
execute0_lowered:
.L_overlay_start_1:
0x0: {  	(tag) =	ssettag $0x1  }
0x1: {  	s0 =	rddreg [dreg:$0x0];
	s1 =	simm.s32 $0x0  }
0x2: {  	[smem:$0x7FF] =	sst s1;
	s2 =	sadd.s32 $0x1DA00, s0  }
0x3: {  	s20 =	sadd.s32 $0x44C00, s0;
	_ =	strace $0x80000047;
	[dreg:$0xc] =	wrdreg s2  }
0x4: {  	s12 =	sadd.s32 $0xA6BE00, s0;
	[dreg:$0xd] =	wrdreg s20  }
0x5: {  	s5 =	srdreg.scid;
	s13 =	sadd.s32 $0xB0BE00, s0;
	[dreg:$0x10] =	wrdreg s12  }
0x6: {  	s10 =	stileid.u32;
	s18 =	sadd.s32 $0x13A00, s0;
	[dreg:$0x11] =	wrdreg s13  }
0x7: {  	s14 =	sadd.s32 $0x9A00, s0;
	s7 =	smul.u32 $0x3A00, s10;
	[dreg:$0xb] =	wrdreg s18  }
0x8: {  	s11 =	sadd.s32 $0x6BE00, s0;
	s29 =	smul.u32 $0x3A000, s10;
	[dreg:$0xa] =	wrdreg s14  }
0x9: {  	s4 =	sadd.s32 $0x4A00, s0;
	s8 =	smul.u32 $0x7400, s10;
	[dreg:$0xe] =	wrdreg s11  }
0xa: {  	s31 =	smul.u32 $0x2C00, s10;
	s30 =	sor.u32 $0x100, s7;
	[dreg:$0x8] =	wrdreg s29  }
0xb: {  	s23 =	sadd.s32 s12, s8;
	s2 =	sadd.s32 $0x3980, s7;
	[dreg:$0x2] =	wrdreg s30  }
0xc: {  	s16 =	sadd.s32 s13, s8;
	s8 =	sadd.s32 s31, s13;
	[dreg:$0x18] =	wrdreg s2  }
0xd: {  	s5 =	sand.u32 $0x1, s5;
	s19 =	sadd.s32 s31, s12;
	[dreg:$0x3] =	wrdreg s8  }
0xe: {  	s17 =	sadd.s32 $0x56BE00, s0;
	s6 =	ssub.s32 $0x2, s5;
	[dreg:$0x4] =	wrdreg s19  }
0xf: {  	p0 =	seq.s32 s5, $0x1;
	s22 =	sshrl.u32 s7, $0x3;
	[dreg:$0x6] =	wrdreg s16  }
0x10: {  	s21 =	sshrl.u32 s6, $0x1;
	s24 =	sadd.s32 s14, s22;
	[dreg:$0x5] =	wrdreg s23  }
0x11: {  	s25 =	sor.u32 $0x10, s22;
	s9 =	sadd.s32 s18, s22;
	[dreg:$0x12] =	wrdreg s24  }
0x12: {  	s0 =	ssub.s32 s6, s21;
	[dreg:$0x13] =	wrdreg s9;
	s26 =	sadd.s32 s14, s25  }
0x13: {  	s5 =	sor.u32 $0x20, s22;
	s6 =	sadd.s32 s18, s25;
	[dreg:$0x14] =	wrdreg s26  }
0x14: {  	s15 =	sadd.s32 s14, s5;
	[dreg:$0x15] =	wrdreg s6;
	s6 =	smul.u32 $0x1600, s10  }
0x15: {  	s5 =	sadd.s32 s18, s5;
	[dreg:$0x16] =	wrdreg s15  }
0x16: {  	s0 =	smax.u32 s0, $0x1;
	[dreg:$0x17] =	wrdreg s5;
	s3 =	sadd.s32 $0x3A000, s6  }
0x17: {  	[smem:$0x7F7] =	sst s0;
	s31 =	sadd.s32 $0x3A100, s6;
	s15 =	sshrl.u32 s3, $0x3  }
0x18: {  	s21 =	sshrl.u32 s6, $0x3;
	[dreg:$0x7] =	wrdreg s31;
	s20 =	sadd.s32 s14, s15  }
0x19: {  	s22 =	sadd.s32 $0x7410, s21;
	s7 =	sadd.s32 s18, s15;
	[dreg:$0x19] =	wrdreg s20  }
0x1a: {  	s24 =	sshll.u32 s3, $0x4;
	s25 =	sadd.s32 s14, s22;
	[dreg:$0x1a] =	wrdreg s7  }
0x1b: {  	s26 =	sadd.s32 s11, s24;
	[dreg:$0x1b] =	wrdreg s25  }
0x1c: {  	s5 =	sshll.u32 s3, $0x1;
	s30 =	sadd.s32 s17, s24;
	[dreg:$0x1d] =	wrdreg s26  }
0x1d: {  	s28 =	simm.s32 $0x11A00;
	s2 =	sadd.s32 s12, s5;
	[dreg:$0x1e] =	wrdreg s30  }
0x1e: {  	s8 =	simm.s32 $0x200;
	s5 =	sadd.s32 s13, s5;
	[dreg:$0x1f] =	wrdreg s2  }
0x1f: {  	s3 =	smul.u32 $0x740, s10;
	s15 =	sadd.s32 $0x3B580, s6;
	[smem:$0x7F3] =	sst s5  }
0x20: {  	s12 =	smov.u32 s17;
	s7 =	sadd.s32 s18, s22;
	[smem:$0x7F6] =	sst s15  }
0x21: {  	s19 =	sadd.s32 s3, s18;
	s20 =	smul.u32 $0x2C0, s10;
	s22 =	sadd.s32 s3, s14  }
0x22: {  	s30 =	sadd.s32 s11, s29;
	s15 =	simm.s32 $0x10200;
	[dreg:$0xf] =	wrdreg s12  }
0x23: {  	s5 =	simm.s32 $0x3;
	s11 =	simm.s32 $0x6;
	[dreg:$0x1c] =	wrdreg s7  }
0x24: {  	s7 =	sshrl.u32 s31, $0x3;
	s21 =	sadd.s32 $0x30, s19;
	s0 =	sadd.s32 $0x30, s22  }
0x25: {  	[smem:$0x7FC] =	sst s30;
	s31 =	sadd.s32 s17, s29;
	s22 =	smul.u32 $0x16000, s10  }
0x26: {  	s17 =	simm.s32 $0xC200;
	s19 =	simm.s32 $0x5;
	s10 =	simm.s32 $0x4  }
0x27: {  	s9 =	sadd.s32 s14, s7;
	s13 =	sadd.s32 s18, s7;
	[smem:$0x7F8] =	sst s21  }
0x28: {  	s24 =	sadd.s32 s20, s18;
	s6 =	sadd.s32 s20, s14;
	[smem:$0x7F9] =	sst s0  }
0x29: {  	[smem:$0x7FD] =	sst s31;
	s14 =	simm.s32 $0x100;
	s18 =	simm.s32 $0x11200  }
.Ltmp0:
0x2a: {  	s21 =	simm.s32 $0x2;
	[smem:$0x7F4] =	sst s9;
	(pc) =	sbr.rel .LBB2_1-.Ltmp0, $4  }
0x2b: {  	s20 =	simm.s32 $0x0;
	[smem:$0x7F5] =	sst s13;
	s25 =	sadd.s32 $0x7430, s24  }
0x2c: {  	s26 =	sadd.s32 $0x7430, s6;
	s24 =	simm.s32 $0x1;
	[dreg:$0x9] =	wrdreg s22  }
0x2d: {  	s13 =	simm.s32 $0x8200;
	s9 =	simm.s32 $0x4200;
	[smem:$0x7FA] =	sst s25  }
0x2e: {  	[smem:$0x7FB] =	sst s26;
	s25 =	simm.s32 $0x80;
	s26 =	simm.s32 $0x180  }
.LBB2_7:
0x2f: {  	[tilespmem:s23], [sflag:$0x4] =	stream.indirect.gather [hbm4b:s4+s25], $0x10, s6, s25, $0xb8;
	[tilespmem:$0x12200] =	vst v63  }
0x30: {  	s6 =	sld [smem:$0x7F6]  }
0x31: {  	s8 =	rddreg [dreg:$0xe]  }
0x32: {  	s23 =	rddreg [dreg:$0x5]  }
0x33: {  	s29 =	rddreg [dreg:$0x8]  }
0x34: {  	s28 =	simm.s32 $0x11A00;
	s20 =	sld [smem:$0x7F2];
	s14 =	simm.s32 $0x100  }
0x35: {  	s26 =	simm.s32 $0x180;
	s13 =	simm.s32 $0x8200;
	s15 =	simm.s32 $0x10200  }
0x36: {  	s18 =	simm.s32 $0x11200;
	s24 =	simm.s32 $0x1;
	s21 =	simm.s32 $0x2  }
.LBB2_8:
0x37: {  	_ =	swait.ge [sflag:s10], $0x4000  }
0x38: {  	[sflag:s10] =	ssyncset.done $0x0  }
0x39: {  	[sflag:s10] =	ssyncadd.s32 $0xFFFFC000  }
0x3a: {  	_ =	swait.ge [sflag:s10], $0x4000  }
0x3b: {  	[sflag:s10] =	ssyncset.done $0x0  }
0x3c: {  	[sflag:s10] =	ssyncadd.s32 $0xFFFFC000  }
0x3d: {  	_ =	swait.ge [sflag:s10], $0x800  }
0x3e: {  	[sflag:s10] =	ssyncset.done $0x0  }
0x3f: {  	[sflag:s10] =	ssyncadd.s32 $0xFFFFF800  }
0x40: {  	s7 =	sshll.u32 s6, $0x4;
	_ =	swait.ge [sflag:s10], $0x800  }
0x41: {  	s9 =	simm.s32 $0x4200;
	s17 =	simm.s32 $0xC200;
	[sflag:s10] =	ssyncset.done $0x0  }
0x42: {  	s8 =	sadd.s32 s8, s7;
	s12 =	rddreg [dreg:$0xf];
	[sflag:s10] =	ssyncadd.s32 $0xFFFFF800  }
0x43: {  	[hbm4b:s8+s1] =	stream.linear.scatter [tilespmem:s9], [sflag:$0x6], $0x4000, $0x38;
	[tilespmem:$0x12200] =	vst v63  }
0x44: {  	s16 =	rddreg [dreg:$0x10];
	s7 =	sadd.s32 s12, s7;
	s8 =	sshll.u32 s6, $0x1  }
0x45: {  	[hbm4b:s7+s1] =	stream.linear.scatter [tilespmem:s17], [sflag:$0x6], $0x4000, $0x38;
	[tilespmem:$0x12200] =	vst v63  }
0x46: {  	s30 =	rddreg [dreg:$0x11];
	s7 =	sadd.s32 s16, s8  }
0x47: {  	[hbm4b:s7+s1] =	stream.linear.scatter [tilespmem:s0], [sflag:$0x6], $0x800, $0x38;
	[tilespmem:$0x12200] =	vst v63  }
0x48: {  	s6 =	sadd.s32 s30, s8  }
0x49: {  	[hbm4b:s6+s1] =	stream.linear.scatter [tilespmem:s28], [sflag:$0x6], $0x800, $0x38;
	[tilespmem:$0x12200] =	vst v63  }
0x4a: {  	_ =	swait.ge [sflag:s19], $0x4000  }
0x4b: {  	[sflag:s19] =	ssyncset.done $0x0  }
0x4c: {  	[sflag:s19] =	ssyncadd.s32 $0xFFFFC000  }
0x4d: {  	_ =	swait.ge [sflag:s19], $0x4000  }
0x4e: {  	[sflag:s19] =	ssyncset.done $0x0  }
0x4f: {  	[sflag:s19] =	ssyncadd.s32 $0xFFFFC000  }
0x50: {  	_ =	swait.ge [sflag:s19], $0x800  }
0x51: {  	[sflag:s19] =	ssyncset.done $0x0  }
0x52: {  	[sflag:s19] =	ssyncadd.s32 $0xFFFFF800  }
0x53: {  	_ =	swait.ge [sflag:s19], $0x800  }
0x54: {  	[sflag:s19] =	ssyncset.done $0x0  }
0x55: {  	[sflag:s19] =	ssyncadd.s32 $0xFFFFF800  }
0x56: {  	_ =	swait.ge [sflag:s11], $0x4000  }
0x57: {  	[sflag:s11] =	ssyncset.done $0x0  }
0x58: {  	[sflag:s11] =	ssyncadd.s32 $0xFFFFC000  }
0x59: {  	_ =	swait.ge [sflag:s11], $0x4000  }
0x5a: {  	[sflag:s11] =	ssyncset.done $0x0  }
0x5b: {  	[sflag:s11] =	ssyncadd.s32 $0xFFFFC000  }
0x5c: {  	_ =	swait.ge [sflag:s11], $0x800  }
0x5d: {  	[sflag:s11] =	ssyncset.done $0x0  }
0x5e: {  	[sflag:s11] =	ssyncadd.s32 $0xFFFFF800  }
0x5f: {  	_ =	swait.ge [sflag:s11], $0x800  }
0x60: {  	[sflag:s11] =	ssyncset.done $0x0  }
0x61: {  	[sflag:s11] =	ssyncadd.s32 $0xFFFFF800  }
0x62: {  	_ =	swait.ge [sflag:s24], $0x80  }
0x63: {  	[sflag:s24] =	ssyncset.done $0x0  }
0x64: {  	[sflag:s24] =	ssyncadd.s32 $0xFFFFFF80  }
0x65: {  	_ =	swait.ge [sflag:s24], $0x80  }
0x66: {  	s31 =	sld [smem:$0x7F7];
	_ =	sdelay $0x1  }
0x67: {  	s20 =	sadd.s32 $0x1, s20  }
0x68: {  	p1 =	sne.s32 s20, s31  }
.Ltmp1:
0x69: {  	_ = 	snop;
	(pc) =	sbr.rel @!p1 .LBB2_9-.Ltmp1, $3  }
0x6a: {  	_ =	sdelay $0x1  }
0x6b: {  	[sflag:s24] =	ssyncset.done $0x0  }
0x6c: {  	s8 =	simm.s32 $0x200;
	s16 =	rddreg [dreg:$0x6];
	[sflag:s24] =	ssyncadd.s32 $0xFFFFFF80  }
.LBB2_1:
.Ltmp2:
0x6d: {  	(pc) =	sbr.rel @!p0 .LBB2_2-.Ltmp2, $2  }
0x6e: {  	_ =	sdelay $0x2  }
0x6f: {  	[smem:$0x7F2] =	sst s20;
	s7 =	simm.s32 $0x0  }
0x70: {  	s0 =	rddreg [dreg:$0x19]  }
0x71: {  	[tilespmem:s7], [sflag:$0x1] =	stream.linear.gather [hbm4b:s0+s7], $0x80, $0x38;
	[tilespmem:$0x12200] =	vst v63  }
0x72: {  	s16 =	rddreg [dreg:$0x1a]  }
0x73: {  	[tilespmem:s14], [sflag:$0x1] =	stream.linear.gather [hbm4b:s16+s7], $0x80, $0x38;
	[tilespmem:$0x12200] =	vst v63  }
0x74: {  	_ =	swait.ge [sflag:s24], $0x80  }
0x75: {  	[sflag:s24] =	ssyncset.done $0x0  }
0x76: {  	[sflag:s24] =	ssyncadd.s32 $0xFFFFFF80  }
0x77: {  	_ =	swait.ge [sflag:s24], $0x80  }
0x78: {  	[sflag:s24] =	ssyncset.done $0x0  }
0x79: {  	s20 =	rddreg [dreg:$0x1b];
	[sflag:s24] =	ssyncadd.s32 $0xFFFFFF80  }
0x7a: {  	[tilespmem:s25], [sflag:$0x2] =	stream.linear.gather [hbm4b:s20+s7], $0x80, $0x38;
	[tilespmem:$0x12200] =	vst v63  }
0x7b: {  	s21 =	rddreg [dreg:$0x1c]  }
0x7c: {  	[tilespmem:s26], [sflag:$0x2] =	stream.linear.gather [hbm4b:s21+s7], $0x80, $0x38;
	[tilespmem:$0x12200] =	vst v63  }
0x7d: {  	s2 =	rddreg [dreg:$0xc]  }
0x7e: {  	[tilespmem:s8], [sflag:$0x3] =	stream.indirect.gather [hbm4b:s2+s25], $0x80, s7, s25, $0xb8;
	[tilespmem:$0x12200] =	vst v63  }
0x7f: {  	s3 =	rddreg [dreg:$0xd]  }
0x80: {  	[tilespmem:s13], [sflag:$0x3] =	stream.indirect.gather [hbm4b:s3+s25], $0x80, s14, s25, $0xb8;
	[tilespmem:$0x12200] =	vst v63  }
0x81: {  	_ = 	snop  }
0x82: {  	[tilespmem:s15], [sflag:$0x3] =	stream.indirect.gather [hbm4b:s4+s25], $0x10, s7, s25, $0xb8;
	[tilespmem:$0x12200] =	vst v63  }
0x83: {  	_ = 	snop  }
0x84: {  	[tilespmem:s18], [sflag:$0x3] =	stream.indirect.gather [hbm4b:s4+s25], $0x10, s14, s25, $0xb8;
	[tilespmem:$0x12200] =	vst v63  }
0x85: {  	_ =	swait.ge [sflag:s5], $0x4000  }
0x86: {  	[sflag:s5] =	ssyncset.done $0x0  }
0x87: {  	[sflag:s5] =	ssyncadd.s32 $0xFFFFC000  }
0x88: {  	_ =	swait.ge [sflag:s5], $0x4000  }
0x89: {  	[sflag:s5] =	ssyncset.done $0x0  }
0x8a: {  	[sflag:s5] =	ssyncadd.s32 $0xFFFFC000  }
0x8b: {  	_ =	swait.ge [sflag:s5], $0x800  }
0x8c: {  	[sflag:s5] =	ssyncset.done $0x0  }
0x8d: {  	[sflag:s5] =	ssyncadd.s32 $0xFFFFF800  }
0x8e: {  	_ =	swait.ge [sflag:s5], $0x800  }
0x8f: {  	[sflag:s5] =	ssyncset.done $0x0;
	s23 =	rddreg [dreg:$0x1d]  }
0x90: {  	s24 =	rddreg [dreg:$0x1e];
	[sflag:s5] =	ssyncadd.s32 $0xFFFFF800  }
0x91: {  	[hbm4b:s23+s7] =	stream.linear.scatter [tilespmem:s8], [sflag:$0x5], $0x4000, $0x38;
	[tilespmem:$0x12200] =	vst v63  }
0x92: {  	s29 =	rddreg [dreg:$0x1f]  }
0x93: {  	[hbm4b:s24+s7] =	stream.linear.scatter [tilespmem:s13], [sflag:$0x5], $0x4000, $0x38;
	[tilespmem:$0x12200] =	vst v63  }
0x94: {  	s30 =	sld [smem:$0x7F3]  }
0x95: {  	[hbm4b:s29+s7] =	stream.linear.scatter [tilespmem:s15], [sflag:$0x5], $0x800, $0x38;
	[tilespmem:$0x12200] =	vst v63  }
0x96: {  	s6 =	simm.s32 $0x2  }
0x97: {  	[hbm4b:s30+s7] =	stream.linear.scatter [tilespmem:s18], [sflag:$0x5], $0x800, $0x38;
	[tilespmem:$0x12200] =	vst v63  }
0x98: {  	_ =	swait.ge [sflag:s6], $0x80  }
0x99: {  	[sflag:s6] =	ssyncset.done $0x0  }
0x9a: {  	[sflag:s6] =	ssyncadd.s32 $0xFFFFFF80  }
0x9b: {  	_ =	swait.ge [sflag:s6], $0x80  }
0x9c: {  	s31 =	sld [smem:$0x7F4]  }
0x9d: {  	[sflag:s6] =	ssyncset.done $0x0  }
0x9e: {  	s8 =	sld [smem:$0x7F5];
	[sflag:s6] =	ssyncadd.s32 $0xFFFFFF80  }
0x9f: {  	[tilespmem:s7], [sflag:$0x1] =	stream.linear.gather [hbm4b:s31+s7], $0x80, $0x38;
	[tilespmem:$0x12200] =	vst v63  }
0xa0: {  	_ = 	snop  }
0xa1: {  	[tilespmem:s14], [sflag:$0x1] =	stream.linear.gather [hbm4b:s8+s7], $0x80, $0x38;
	[tilespmem:$0x12200] =	vst v63  }
0xa2: {  	_ = 	snop  }
0xa3: {  	[tilespmem:s9], [sflag:$0x4] =	stream.indirect.gather [hbm4b:s2+s25], $0x80, s25, s25, $0xb8;
	[tilespmem:$0x12200] =	vst v63  }
0xa4: {  	_ = 	snop  }
0xa5: {  	[tilespmem:s17], [sflag:$0x4] =	stream.indirect.gather [hbm4b:s3+s25], $0x80, s26, s25, $0xb8;
	[tilespmem:$0x12200] =	vst v63  }
0xa6: {  	s30 =	simm.s32 $0x10A00  }
0xa7: {  	[tilespmem:s30], [sflag:$0x4] =	stream.indirect.gather [hbm4b:s4+s25], $0x10, s25, s25, $0xb8;
	[tilespmem:$0x12200] =	vst v63  }
0xa8: {  	_ = 	snop  }
0xa9: {  	[tilespmem:s28], [sflag:$0x4] =	stream.indirect.gather [hbm4b:s4+s25], $0x10, s26, s25, $0xb8;
	[tilespmem:$0x12200] =	vst v63  }
0xaa: {  	_ =	swait.ge [sflag:s19], $0x4000  }
0xab: {  	[sflag:s19] =	ssyncset.done $0x0  }
0xac: {  	[sflag:s19] =	ssyncadd.s32 $0xFFFFC000  }
0xad: {  	_ =	swait.ge [sflag:s19], $0x4000  }
0xae: {  	[sflag:s19] =	ssyncset.done $0x0  }
0xaf: {  	[sflag:s19] =	ssyncadd.s32 $0xFFFFC000  }
0xb0: {  	_ =	swait.ge [sflag:s19], $0x800  }
0xb1: {  	[sflag:s19] =	ssyncset.done $0x0  }
0xb2: {  	[sflag:s19] =	ssyncadd.s32 $0xFFFFF800  }
0xb3: {  	_ =	swait.ge [sflag:s19], $0x800  }
0xb4: {  	[sflag:s19] =	ssyncset.done $0x0  }
0xb5: {  	[sflag:s19] =	ssyncadd.s32 $0xFFFFF800  }
0xb6: {  	_ =	swait.ge [sflag:s10], $0x4000  }
0xb7: {  	[sflag:s10] =	ssyncset.done $0x0  }
0xb8: {  	[sflag:s10] =	ssyncadd.s32 $0xFFFFC000  }
0xb9: {  	_ =	swait.ge [sflag:s10], $0x4000  }
0xba: {  	[sflag:s10] =	ssyncset.done $0x0  }
0xbb: {  	[sflag:s10] =	ssyncadd.s32 $0xFFFFC000  }
0xbc: {  	_ =	swait.ge [sflag:s10], $0x800  }
0xbd: {  	[sflag:s10] =	ssyncset.done $0x0  }
0xbe: {  	[sflag:s10] =	ssyncadd.s32 $0xFFFFF800  }
0xbf: {  	_ =	swait.ge [sflag:s10], $0x800  }
0xc0: {  	s31 =	simm.s32 $0x4200;
	s29 =	rddreg [dreg:$0xe]  }
0xc1: {  	s8 =	sadd.s32 s12, s22;
	[sflag:s10] =	ssyncset.done $0x0;
	s7 =	sadd.s32 s29, s22  }
0xc2: {  	s14 =	rddreg [dreg:$0x4];
	[sflag:s10] =	ssyncadd.s32 $0xFFFFF800;
	s16 =	sadd.s32 $0x3A0800, s7  }
0xc3: {  	[hbm4b:s16+s1] =	stream.linear.scatter [tilespmem:s31], [sflag:$0x6], $0x4000, $0x38;
	[tilespmem:$0x12200] =	vst v63  }
0xc4: {  	s20 =	sadd.s32 $0x3A0800, s8;
	s9 =	sadd.s32 $0x0, s14;
	s16 =	rddreg [dreg:$0x3]  }
0xc5: {  	[hbm4b:s20+s1] =	stream.linear.scatter [tilespmem:s17], [sflag:$0x6], $0x4000, $0x38;
	[tilespmem:$0x12200] =	vst v63  }
0xc6: {  	s14 =	sadd.s32 $0x74100, s9;
	s16 =	sadd.s32 $0x0, s16  }
0xc7: {  	[hbm4b:s14+s1] =	stream.linear.scatter [tilespmem:s30], [sflag:$0x6], $0x800, $0x38;
	[tilespmem:$0x12200] =	vst v63  }
0xc8: {  	s21 =	simm.s32 $0x1;
	s20 =	sadd.s32 $0x74100, s16  }
0xc9: {  	[hbm4b:s20+s1] =	stream.linear.scatter [tilespmem:s28], [sflag:$0x6], $0x800, $0x38;
	[tilespmem:$0x12200] =	vst v63  }
0xca: {  	_ =	swait.ge [sflag:s21], $0x80  }
0xcb: {  	[sflag:s21] =	ssyncset.done $0x0  }
0xcc: {  	[sflag:s21] =	ssyncadd.s32 $0xFFFFFF80  }
0xcd: {  	_ =	swait.ge [sflag:s21], $0x80  }
0xce: {  	s20 =	sld [smem:$0x7FB]  }
0xcf: {  	[sflag:s21] =	ssyncset.done $0x0  }
0xd0: {  	s17 =	sld [smem:$0x7FA];
	[sflag:s21] =	ssyncadd.s32 $0xFFFFFF80  }
0xd1: {  	[tilespmem:s25], [sflag:$0x2] =	stream.linear.gather [hbm4b:s20+s1], $0x80, $0x38;
	[tilespmem:$0x12200] =	vst v63  }
0xd2: {  	s23 =	smov.u32 s12;
	s12 =	simm.s32 $0x180  }
0xd3: {  	[tilespmem:s12], [sflag:$0x2] =	stream.linear.gather [hbm4b:s17+s1], $0x80, $0x38;
	[tilespmem:$0x12200] =	vst v63  }
0xd4: {  	s0 =	simm.s32 $0x200  }
0xd5: {  	[tilespmem:s0], [sflag:$0x3] =	stream.indirect.gather [hbm4b:s2+s25], $0x80, s1, s25, $0xb8;
	[tilespmem:$0x12200] =	vst v63  }
0xd6: {  	s24 =	simm.s32 $0x100  }
0xd7: {  	[tilespmem:s13], [sflag:$0x3] =	stream.indirect.gather [hbm4b:s3+s25], $0x80, s24, s25, $0xb8;
	[tilespmem:$0x12200] =	vst v63  }
0xd8: {  	_ = 	snop  }
0xd9: {  	[tilespmem:s15], [sflag:$0x3] =	stream.indirect.gather [hbm4b:s4+s25], $0x10, s1, s25, $0xb8;
	[tilespmem:$0x12200] =	vst v63  }
0xda: {  	_ = 	snop  }
0xdb: {  	[tilespmem:s18], [sflag:$0x3] =	stream.indirect.gather [hbm4b:s4+s25], $0x10, s24, s25, $0xb8;
	[tilespmem:$0x12200] =	vst v63  }
0xdc: {  	_ =	swait.ge [sflag:s11], $0x4000  }
0xdd: {  	[sflag:s11] =	ssyncset.done $0x0  }
0xde: {  	[sflag:s11] =	ssyncadd.s32 $0xFFFFC000  }
0xdf: {  	_ =	swait.ge [sflag:s11], $0x4000  }
0xe0: {  	[sflag:s11] =	ssyncset.done $0x0  }
0xe1: {  	[sflag:s11] =	ssyncadd.s32 $0xFFFFC000  }
0xe2: {  	_ =	swait.ge [sflag:s11], $0x800  }
0xe3: {  	[sflag:s11] =	ssyncset.done $0x0  }
0xe4: {  	[sflag:s11] =	ssyncadd.s32 $0xFFFFF800  }
0xe5: {  	_ =	swait.ge [sflag:s11], $0x800  }
0xe6: {  	[sflag:s11] =	ssyncset.done $0x0  }
0xe7: {  	[sflag:s11] =	ssyncadd.s32 $0xFFFFF800  }
0xe8: {  	_ =	swait.ge [sflag:s5], $0x4000  }
0xe9: {  	[sflag:s5] =	ssyncset.done $0x0  }
0xea: {  	[sflag:s5] =	ssyncadd.s32 $0xFFFFC000  }
0xeb: {  	_ =	swait.ge [sflag:s5], $0x4000  }
0xec: {  	[sflag:s5] =	ssyncset.done $0x0  }
0xed: {  	[sflag:s5] =	ssyncadd.s32 $0xFFFFC000  }
0xee: {  	_ =	swait.ge [sflag:s5], $0x800  }
0xef: {  	[sflag:s5] =	ssyncset.done $0x0  }
0xf0: {  	[sflag:s5] =	ssyncadd.s32 $0xFFFFF800  }
0xf1: {  	_ =	swait.ge [sflag:s5], $0x800  }
0xf2: {  	[sflag:s5] =	ssyncset.done $0x0  }
0xf3: {  	s7 =	sadd.s32 $0x3A1000, s7;
	[sflag:s5] =	ssyncadd.s32 $0xFFFFF800  }
0xf4: {  	[hbm4b:s7+s1] =	stream.linear.scatter [tilespmem:s0], [sflag:$0x5], $0x4000, $0x38;
	[tilespmem:$0x12200] =	vst v63  }
0xf5: {  	s0 =	sadd.s32 $0x3A1000, s8  }
0xf6: {  	[hbm4b:s0+s1] =	stream.linear.scatter [tilespmem:s13], [sflag:$0x5], $0x4000, $0x38;
	[tilespmem:$0x12200] =	vst v63  }
0xf7: {  	s8 =	sadd.s32 $0x74200, s9  }
0xf8: {  	[hbm4b:s8+s1] =	stream.linear.scatter [tilespmem:s15], [sflag:$0x5], $0x800, $0x38;
	[tilespmem:$0x12200] =	vst v63  }
0xf9: {  	s26 =	simm.s32 $0x2;
	s9 =	sadd.s32 $0x74200, s16  }
0xfa: {  	[hbm4b:s9+s1] =	stream.linear.scatter [tilespmem:s18], [sflag:$0x5], $0x800, $0x38;
	[tilespmem:$0x12200] =	vst v63  }
0xfb: {  	_ =	swait.ge [sflag:s26], $0x80  }
0xfc: {  	s6 =	smin.u32 s6, $0x29;
	[sflag:s26] =	ssyncset.done $0x0  }
0xfd: {  	s6 =	sshll.u32 s6, $0x7;
	s13 =	rddreg [dreg:$0x7];
	[sflag:s26] =	ssyncadd.s32 $0xFFFFFF80  }
0xfe: {  	s6 =	sadd.s32 s6, s13;
	_ =	swait.ge [sflag:s26], $0x80  }
0xff: {  	s6 =	sshrl.u32 s6, $0x3;
	[sflag:s26] =	ssyncset.done $0x0;
	s15 =	rddreg [dreg:$0xa]  }
0x100: {  	s18 =	rddreg [dreg:$0xb];
	s16 =	sadd.s32 s15, s6;
	[sflag:s26] =	ssyncadd.s32 $0xFFFFFF80  }
0x101: {  	[tilespmem:s1], [sflag:$0x1] =	stream.linear.gather [hbm4b:s16+s1], $0x80, $0x38;
	[tilespmem:$0x12200] =	vst v63  }
0x102: {  	s6 =	sadd.s32 s18, s6  }
0x103: {  	[tilespmem:s24], [sflag:$0x1] =	stream.linear.gather [hbm4b:s6+s1], $0x80, $0x38;
	[tilespmem:$0x12200] =	vst v63  }
0x104: {  	_ = 	snop  }
0x105: {  	[tilespmem:s31], [sflag:$0x4] =	stream.indirect.gather [hbm4b:s2+s25], $0x80, s25, s25, $0xb8;
	[tilespmem:$0x12200] =	vst v63  }
0x106: {  	s14 =	simm.s32 $0xC200;
	s28 =	smov.u32 s23  }
0x107: {  	[tilespmem:s14], [sflag:$0x4] =	stream.indirect.gather [hbm4b:s3+s25], $0x80, s12, s25, $0xb8;
	[tilespmem:$0x12200] =	vst v63  }
0x108: {  	s8 =	simm.s32 $0x200;
	s9 =	sadd.s32 $0x1000, s29;
	s16 =	simm.s32 $0x4  }
0x109: {  	[tilespmem:s30], [sflag:$0x4] =	stream.indirect.gather [hbm4b:s4+s25], $0x10, s25, s25, $0xb8;
	[tilespmem:$0x12200] =	vst v63  }
.LBB2_6:
0x10a: {  	s18 =	simm.s32 $0x11A00;
	s0 =	simm.s32 $0x180  }
0x10b: {  	[tilespmem:s18], [sflag:$0x4] =	stream.indirect.gather [hbm4b:s4+s25], $0x10, s0, s25, $0xb8;
	[tilespmem:$0x12200] =	vst v63  }
0x10c: {  	_ =	swait.ge [sflag:s19], $0x4000  }
0x10d: {  	[sflag:s19] =	ssyncset.done $0x0  }
0x10e: {  	[sflag:s19] =	ssyncadd.s32 $0xFFFFC000  }
0x10f: {  	_ =	swait.ge [sflag:s19], $0x4000  }
0x110: {  	[sflag:s19] =	ssyncset.done $0x0  }
0x111: {  	[sflag:s19] =	ssyncadd.s32 $0xFFFFC000  }
0x112: {  	_ =	swait.ge [sflag:s19], $0x800  }
0x113: {  	[sflag:s19] =	ssyncset.done $0x0  }
0x114: {  	[sflag:s19] =	ssyncadd.s32 $0xFFFFF800  }
0x115: {  	_ =	swait.ge [sflag:s19], $0x800  }
0x116: {  	[sflag:s19] =	ssyncset.done $0x0  }
0x117: {  	[sflag:s19] =	ssyncadd.s32 $0xFFFFF800  }
0x118: {  	_ =	swait.ge [sflag:s10], $0x4000  }
0x119: {  	[sflag:s10] =	ssyncset.done $0x0  }
0x11a: {  	[sflag:s10] =	ssyncadd.s32 $0xFFFFC000  }
0x11b: {  	_ =	swait.ge [sflag:s10], $0x4000  }
0x11c: {  	[sflag:s10] =	ssyncset.done $0x0  }
0x11d: {  	[sflag:s10] =	ssyncadd.s32 $0xFFFFC000  }
0x11e: {  	_ =	swait.ge [sflag:s10], $0x800  }
0x11f: {  	[sflag:s10] =	ssyncset.done $0x0  }
0x120: {  	s28 =	sadd.s32 $0x1000, s28;
	s14 =	smov.u32 s8;
	[sflag:s10] =	ssyncadd.s32 $0xFFFFF800  }
0x121: {  	s7 =	sadd.s32 s9, s22;
	s15 =	simm.s32 $0x4200;
	_ =	swait.ge [sflag:s10], $0x800  }
0x122: {  	s31 =	simm.s32 $0xC200;
	s6 =	sadd.s32 s28, s22;
	[sflag:s10] =	ssyncset.done $0x0  }
0x123: {  	s13 =	sadd.s32 $0x3A0800, s7;
	s29 =	rddreg [dreg:$0x4];
	[sflag:s10] =	ssyncadd.s32 $0xFFFFF800  }
0x124: {  	[hbm4b:s13+s1] =	stream.linear.scatter [tilespmem:s15], [sflag:$0x6], $0x4000, $0x38;
	[tilespmem:$0x12200] =	vst v63  }
0x125: {  	s23 =	sadd.s32 $0x3A0800, s6;
	s30 =	rddreg [dreg:$0x3];
	s22 =	sadd.s32 s14, s29  }
0x126: {  	[hbm4b:s23+s1] =	stream.linear.scatter [tilespmem:s31], [sflag:$0x6], $0x4000, $0x38;
	[tilespmem:$0x12200] =	vst v63  }
0x127: {  	s0 =	simm.s32 $0x10A00;
	s14 =	sadd.s32 s14, s30;
	s29 =	sadd.s32 $0x74100, s22  }
0x128: {  	[hbm4b:s29+s1] =	stream.linear.scatter [tilespmem:s0], [sflag:$0x6], $0x800, $0x38;
	[tilespmem:$0x12200] =	vst v63  }
0x129: {  	s30 =	rddreg [dreg:$0xa];
	s24 =	sadd.s32 $0x74100, s14  }
0x12a: {  	[hbm4b:s24+s1] =	stream.linear.scatter [tilespmem:s18], [sflag:$0x6], $0x800, $0x38;
	[tilespmem:$0x12200] =	vst v63  }
0x12b: {  	s13 =	rddreg [dreg:$0xb];
	_ =	swait.ge [sflag:s21], $0x80  }
0x12c: {  	[sflag:s21] =	ssyncset.done $0x0  }
0x12d: {  	[sflag:s21] =	ssyncadd.s32 $0xFFFFFF80  }
0x12e: {  	_ =	swait.ge [sflag:s21], $0x80  }
0x12f: {  	[sflag:s21] =	ssyncset.done $0x0  }
0x130: {  	s20 =	sadd.s32 $0x20, s20;
	[sflag:s21] =	ssyncadd.s32 $0xFFFFFF80  }
0x131: {  	[tilespmem:s25], [sflag:$0x2] =	stream.linear.gather [hbm4b:s20+s1], $0x80, $0x38;
	[tilespmem:$0x12200] =	vst v63  }
0x132: {  	s17 =	sadd.s32 $0x20, s17;
	s2 =	simm.s32 $0x180  }
0x133: {  	[tilespmem:s2], [sflag:$0x2] =	stream.linear.gather [hbm4b:s17+s1], $0x80, $0x38;
	[tilespmem:$0x12200] =	vst v63  }
0x134: {  	s29 =	simm.s32 $0x200;
	s15 =	rddreg [dreg:$0xc]  }
0x135: {  	[tilespmem:s29], [sflag:$0x3] =	stream.indirect.gather [hbm4b:s15+s25], $0x80, s1, s25, $0xb8;
	[tilespmem:$0x12200] =	vst v63  }
0x136: {  	s3 =	simm.s32 $0x8200;
	s24 =	simm.s32 $0x100;
	s2 =	rddreg [dreg:$0xd]  }
0x137: {  	[tilespmem:s3], [sflag:$0x3] =	stream.indirect.gather [hbm4b:s2+s25], $0x80, s24, s25, $0xb8;
	[tilespmem:$0x12200] =	vst v63  }
0x138: {  	s12 =	simm.s32 $0x10200  }
0x139: {  	[tilespmem:s12], [sflag:$0x3] =	stream.indirect.gather [hbm4b:s4+s25], $0x10, s1, s25, $0xb8;
	[tilespmem:$0x12200] =	vst v63  }
0x13a: {  	s18 =	simm.s32 $0x11200  }
0x13b: {  	[tilespmem:s18], [sflag:$0x3] =	stream.indirect.gather [hbm4b:s4+s25], $0x10, s24, s25, $0xb8;
	[tilespmem:$0x12200] =	vst v63  }
0x13c: {  	_ =	swait.ge [sflag:s11], $0x4000  }
0x13d: {  	[sflag:s11] =	ssyncset.done $0x0  }
0x13e: {  	[sflag:s11] =	ssyncadd.s32 $0xFFFFC000  }
0x13f: {  	_ =	swait.ge [sflag:s11], $0x4000  }
0x140: {  	[sflag:s11] =	ssyncset.done $0x0  }
0x141: {  	[sflag:s11] =	ssyncadd.s32 $0xFFFFC000  }
0x142: {  	_ =	swait.ge [sflag:s11], $0x800  }
0x143: {  	[sflag:s11] =	ssyncset.done $0x0  }
0x144: {  	[sflag:s11] =	ssyncadd.s32 $0xFFFFF800  }
0x145: {  	_ =	swait.ge [sflag:s11], $0x800  }
0x146: {  	[sflag:s11] =	ssyncset.done $0x0  }
0x147: {  	[sflag:s11] =	ssyncadd.s32 $0xFFFFF800  }
0x148: {  	_ =	swait.ge [sflag:s5], $0x4000  }
0x149: {  	[sflag:s5] =	ssyncset.done $0x0  }
0x14a: {  	[sflag:s5] =	ssyncadd.s32 $0xFFFFC000  }
0x14b: {  	_ =	swait.ge [sflag:s5], $0x4000  }
0x14c: {  	[sflag:s5] =	ssyncset.done $0x0  }
0x14d: {  	[sflag:s5] =	ssyncadd.s32 $0xFFFFC000  }
0x14e: {  	_ =	swait.ge [sflag:s5], $0x800  }
0x14f: {  	[sflag:s5] =	ssyncset.done $0x0  }
0x150: {  	[sflag:s5] =	ssyncadd.s32 $0xFFFFF800  }
0x151: {  	_ =	swait.ge [sflag:s5], $0x800  }
0x152: {  	[sflag:s5] =	ssyncset.done $0x0  }
0x153: {  	s7 =	sadd.s32 $0x3A1000, s7;
	[sflag:s5] =	ssyncadd.s32 $0xFFFFF800  }
0x154: {  	[hbm4b:s7+s1] =	stream.linear.scatter [tilespmem:s29], [sflag:$0x5], $0x4000, $0x38;
	[tilespmem:$0x12200] =	vst v63  }
0x155: {  	s6 =	sadd.s32 $0x3A1000, s6  }
0x156: {  	[hbm4b:s6+s1] =	stream.linear.scatter [tilespmem:s3], [sflag:$0x5], $0x4000, $0x38;
	[tilespmem:$0x12200] =	vst v63  }
0x157: {  	s29 =	sadd.s32 $0x74200, s22  }
0x158: {  	[hbm4b:s29+s1] =	stream.linear.scatter [tilespmem:s12], [sflag:$0x5], $0x800, $0x38;
	[tilespmem:$0x12200] =	vst v63  }
0x159: {  	s3 =	sadd.s32 $0x74200, s14  }
0x15a: {  	[hbm4b:s3+s1] =	stream.linear.scatter [tilespmem:s18], [sflag:$0x5], $0x800, $0x38;
	[tilespmem:$0x12200] =	vst v63  }
0x15b: {  	s22 =	rddreg [dreg:$0x9];
	_ =	swait.ge [sflag:s26], $0x80  }
0x15c: {  	s12 =	smin.u32 s16, $0x29;
	[sflag:s26] =	ssyncset.done $0x0  }
0x15d: {  	s6 =	sshll.u32 s12, $0x7;
	s14 =	rddreg [dreg:$0x7];
	[sflag:s26] =	ssyncadd.s32 $0xFFFFFF80  }
0x15e: {  	s6 =	sadd.s32 s6, s14;
	_ =	swait.ge [sflag:s26], $0x80  }
0x15f: {  	s6 =	sshrl.u32 s6, $0x3;
	[sflag:s26] =	ssyncset.done $0x0  }
0x160: {  	s18 =	sadd.s32 s30, s6;
	[sflag:s26] =	ssyncadd.s32 $0xFFFFFF80  }
0x161: {  	[tilespmem:s1], [sflag:$0x1] =	stream.linear.gather [hbm4b:s18+s1], $0x80, $0x38;
	[tilespmem:$0x12200] =	vst v63  }
0x162: {  	s6 =	sadd.s32 s13, s6  }
0x163: {  	[tilespmem:s24], [sflag:$0x1] =	stream.linear.gather [hbm4b:s6+s1], $0x80, $0x38;
	[tilespmem:$0x12200] =	vst v63  }
0x164: {  	p1 =	sne.s32 s8, $0x2800;
	s29 =	simm.s32 $0x4200  }
0x165: {  	[tilespmem:s29], [sflag:$0x4] =	stream.indirect.gather [hbm4b:s15+s25], $0x80, s25, s25, $0xb8;
	[tilespmem:$0x12200] =	vst v63  }
.Ltmp3:
0x166: {  	_ = 	snop;
	(pc) =	sbr.rel @p1 .LBB2_6-.Ltmp3, $4  }
0x167: {  	s8 =	sadd.s32 $0x200, s8;
	s9 =	sadd.s32 $0x1000, s9;
	s30 =	simm.s32 $0x180  }
0x168: {  	[tilespmem:s31], [sflag:$0x4] =	stream.indirect.gather [hbm4b:s2+s25], $0x80, s30, s25, $0xb8;
	[tilespmem:$0x12200] =	vst v63  }
0x169: {  	s23 =	simm.s32 $0x11A00;
	s16 =	sadd.s32 $0x2, s16;
	s6 =	simm.s32 $0x180  }
0x16a: {  	[tilespmem:s0], [sflag:$0x4] =	stream.indirect.gather [hbm4b:s4+s25], $0x10, s25, s25, $0xb8;
	[tilespmem:$0x12200] =	vst v63  }
.Ltmp4:
0x16b: {  	_ = 	snop;
	(pc) =	sbr.rel .LBB2_7-.Ltmp4, $1  }
0x16c: {  	_ =	sdelay $0x3  }
.LBB2_2:
0x16d: {  	s6 =	rddreg [dreg:$0x12]  }
0x16e: {  	[tilespmem:s7], [sflag:$0x1] =	stream.linear.gather [hbm4b:s6+s7], $0x80, $0x38;
	[tilespmem:$0x12200] =	vst v63  }
0x16f: {  	s3 =	rddreg [dreg:$0x13]  }
0x170: {  	[tilespmem:s14], [sflag:$0x1] =	stream.linear.gather [hbm4b:s3+s7], $0x80, $0x38;
	[tilespmem:$0x12200] =	vst v63  }
0x171: {  	_ =	swait.ge [sflag:s24], $0x80  }
0x172: {  	[sflag:s24] =	ssyncset.done $0x0  }
0x173: {  	[sflag:s24] =	ssyncadd.s32 $0xFFFFFF80  }
0x174: {  	_ =	swait.ge [sflag:s24], $0x80  }
0x175: {  	[sflag:s24] =	ssyncset.done $0x0  }
0x176: {  	s20 =	rddreg [dreg:$0x14];
	[sflag:s24] =	ssyncadd.s32 $0xFFFFFF80  }
0x177: {  	[tilespmem:s25], [sflag:$0x2] =	stream.linear.gather [hbm4b:s20+s7], $0x80, $0x38;
	[tilespmem:$0x12200] =	vst v63  }
0x178: {  	s22 =	rddreg [dreg:$0x15]  }
0x179: {  	[tilespmem:s26], [sflag:$0x2] =	stream.linear.gather [hbm4b:s22+s7], $0x80, $0x38;
	[tilespmem:$0x12200] =	vst v63  }
0x17a: {  	s2 =	rddreg [dreg:$0xc]  }
0x17b: {  	[tilespmem:s8], [sflag:$0x3] =	stream.indirect.gather [hbm4b:s2+s25], $0x80, s7, s25, $0xb8;
	[tilespmem:$0x12200] =	vst v63  }
0x17c: {  	s3 =	rddreg [dreg:$0xd]  }
0x17d: {  	[tilespmem:s13], [sflag:$0x3] =	stream.indirect.gather [hbm4b:s3+s25], $0x80, s14, s25, $0xb8;
	[tilespmem:$0x12200] =	vst v63  }
0x17e: {  	_ = 	snop  }
0x17f: {  	[tilespmem:s15], [sflag:$0x3] =	stream.indirect.gather [hbm4b:s4+s25], $0x10, s7, s25, $0xb8;
	[tilespmem:$0x12200] =	vst v63  }
0x180: {  	_ = 	snop  }
0x181: {  	[tilespmem:s18], [sflag:$0x3] =	stream.indirect.gather [hbm4b:s4+s25], $0x10, s14, s25, $0xb8;
	[tilespmem:$0x12200] =	vst v63  }
0x182: {  	_ =	swait.ge [sflag:s5], $0x4000  }
0x183: {  	[sflag:s5] =	ssyncset.done $0x0  }
0x184: {  	[sflag:s5] =	ssyncadd.s32 $0xFFFFC000  }
0x185: {  	_ =	swait.ge [sflag:s5], $0x4000  }
0x186: {  	[sflag:s5] =	ssyncset.done $0x0  }
0x187: {  	[sflag:s5] =	ssyncadd.s32 $0xFFFFC000  }
0x188: {  	_ =	swait.ge [sflag:s5], $0x800  }
0x189: {  	[sflag:s5] =	ssyncset.done $0x0  }
0x18a: {  	[sflag:s5] =	ssyncadd.s32 $0xFFFFF800  }
0x18b: {  	_ =	swait.ge [sflag:s5], $0x800  }
0x18c: {  	s31 =	smov.u32 s12;
	s12 =	sld [smem:$0x7FC]  }
0x18d: {  	[sflag:s5] =	ssyncset.done $0x0  }
0x18e: {  	s20 =	sld [smem:$0x7FD];
	[sflag:s5] =	ssyncadd.s32 $0xFFFFF800  }
0x18f: {  	[hbm4b:s12+s7] =	stream.linear.scatter [tilespmem:s8], [sflag:$0x5], $0x4000, $0x38;
	[tilespmem:$0x12200] =	vst v63  }
0x190: {  	_ = 	snop  }
0x191: {  	[hbm4b:s20+s7] =	stream.linear.scatter [tilespmem:s13], [sflag:$0x5], $0x4000, $0x38;
	[tilespmem:$0x12200] =	vst v63  }
0x192: {  	_ = 	snop  }
0x193: {  	[hbm4b:s23+s7] =	stream.linear.scatter [tilespmem:s15], [sflag:$0x5], $0x800, $0x38;
	[tilespmem:$0x12200] =	vst v63  }
0x194: {  	s6 =	simm.s32 $0x2  }
0x195: {  	[hbm4b:s16+s7] =	stream.linear.scatter [tilespmem:s18], [sflag:$0x5], $0x800, $0x38;
	[tilespmem:$0x12200] =	vst v63  }
0x196: {  	_ =	swait.ge [sflag:s6], $0x80  }
0x197: {  	[sflag:s6] =	ssyncset.done $0x0  }
0x198: {  	[sflag:s6] =	ssyncadd.s32 $0xFFFFFF80  }
0x199: {  	_ =	swait.ge [sflag:s6], $0x80  }
0x19a: {  	[sflag:s6] =	ssyncset.done $0x0  }
0x19b: {  	s0 =	rddreg [dreg:$0x16];
	[sflag:s6] =	ssyncadd.s32 $0xFFFFFF80  }
0x19c: {  	[tilespmem:s7], [sflag:$0x1] =	stream.linear.gather [hbm4b:s0+s7], $0x80, $0x38;
	[tilespmem:$0x12200] =	vst v63  }
0x19d: {  	s30 =	rddreg [dreg:$0x17]  }
0x19e: {  	[tilespmem:s14], [sflag:$0x1] =	stream.linear.gather [hbm4b:s30+s7], $0x80, $0x38;
	[tilespmem:$0x12200] =	vst v63  }
0x19f: {  	_ = 	snop  }
0x1a0: {  	[tilespmem:s9], [sflag:$0x4] =	stream.indirect.gather [hbm4b:s2+s25], $0x80, s25, s25, $0xb8;
	[tilespmem:$0x12200] =	vst v63  }
0x1a1: {  	_ = 	snop  }
0x1a2: {  	[tilespmem:s17], [sflag:$0x4] =	stream.indirect.gather [hbm4b:s3+s25], $0x80, s26, s25, $0xb8;
	[tilespmem:$0x12200] =	vst v63  }
0x1a3: {  	s28 =	simm.s32 $0x10A00  }
0x1a4: {  	[tilespmem:s28], [sflag:$0x4] =	stream.indirect.gather [hbm4b:s4+s25], $0x10, s25, s25, $0xb8;
	[tilespmem:$0x12200] =	vst v63  }
0x1a5: {  	s22 =	simm.s32 $0x11A00  }
0x1a6: {  	[tilespmem:s22], [sflag:$0x4] =	stream.indirect.gather [hbm4b:s4+s25], $0x10, s26, s25, $0xb8;
	[tilespmem:$0x12200] =	vst v63  }
0x1a7: {  	_ =	swait.ge [sflag:s19], $0x4000  }
0x1a8: {  	[sflag:s19] =	ssyncset.done $0x0  }
0x1a9: {  	[sflag:s19] =	ssyncadd.s32 $0xFFFFC000  }
0x1aa: {  	_ =	swait.ge [sflag:s19], $0x4000  }
0x1ab: {  	[sflag:s19] =	ssyncset.done $0x0  }
0x1ac: {  	[sflag:s19] =	ssyncadd.s32 $0xFFFFC000  }
0x1ad: {  	_ =	swait.ge [sflag:s19], $0x800  }
0x1ae: {  	[sflag:s19] =	ssyncset.done $0x0  }
0x1af: {  	[sflag:s19] =	ssyncadd.s32 $0xFFFFF800  }
0x1b0: {  	_ =	swait.ge [sflag:s19], $0x800  }
0x1b1: {  	[sflag:s19] =	ssyncset.done $0x0  }
0x1b2: {  	[sflag:s19] =	ssyncadd.s32 $0xFFFFF800  }
0x1b3: {  	_ =	swait.ge [sflag:s10], $0x4000  }
0x1b4: {  	[sflag:s10] =	ssyncset.done $0x0  }
0x1b5: {  	[sflag:s10] =	ssyncadd.s32 $0xFFFFC000  }
0x1b6: {  	_ =	swait.ge [sflag:s10], $0x4000  }
0x1b7: {  	[sflag:s10] =	ssyncset.done $0x0  }
0x1b8: {  	[sflag:s10] =	ssyncadd.s32 $0xFFFFC000  }
0x1b9: {  	_ =	swait.ge [sflag:s10], $0x800  }
0x1ba: {  	[sflag:s10] =	ssyncset.done $0x0  }
0x1bb: {  	[sflag:s10] =	ssyncadd.s32 $0xFFFFF800  }
0x1bc: {  	_ =	swait.ge [sflag:s10], $0x800  }
0x1bd: {  	[sflag:s10] =	ssyncset.done $0x0  }
0x1be: {  	s8 =	sadd.s32 $0x800, s12;
	[sflag:s10] =	ssyncadd.s32 $0xFFFFF800  }
0x1bf: {  	[hbm4b:s8+s1] =	stream.linear.scatter [tilespmem:s9], [sflag:$0x6], $0x4000, $0x38;
	[tilespmem:$0x12200] =	vst v63  }
0x1c0: {  	s9 =	sadd.s32 $0x800, s20;
	s8 =	sadd.s32 $0x0, s23  }
0x1c1: {  	[hbm4b:s9+s1] =	stream.linear.scatter [tilespmem:s17], [sflag:$0x6], $0x4000, $0x38;
	[tilespmem:$0x12200] =	vst v63  }
0x1c2: {  	s17 =	sadd.s32 $0x100, s8;
	s9 =	sadd.s32 $0x0, s16  }
0x1c3: {  	[hbm4b:s17+s1] =	stream.linear.scatter [tilespmem:s28], [sflag:$0x6], $0x800, $0x38;
	[tilespmem:$0x12200] =	vst v63  }
0x1c4: {  	s0 =	sadd.s32 $0x100, s9  }
0x1c5: {  	[hbm4b:s0+s1] =	stream.linear.scatter [tilespmem:s22], [sflag:$0x6], $0x800, $0x38;
	[tilespmem:$0x12200] =	vst v63  }
0x1c6: {  	_ =	swait.ge [sflag:s24], $0x80  }
0x1c7: {  	[sflag:s24] =	ssyncset.done $0x0  }
0x1c8: {  	[sflag:s24] =	ssyncadd.s32 $0xFFFFFF80  }
0x1c9: {  	_ =	swait.ge [sflag:s24], $0x80  }
0x1ca: {  	s17 =	sld [smem:$0x7F9]  }
0x1cb: {  	[sflag:s24] =	ssyncset.done $0x0  }
0x1cc: {  	s0 =	sld [smem:$0x7F8];
	[sflag:s24] =	ssyncadd.s32 $0xFFFFFF80  }
0x1cd: {  	[tilespmem:s25], [sflag:$0x2] =	stream.linear.gather [hbm4b:s17+s1], $0x80, $0x38;
	[tilespmem:$0x12200] =	vst v63  }
0x1ce: {  	_ = 	snop  }
0x1cf: {  	[tilespmem:s26], [sflag:$0x2] =	stream.linear.gather [hbm4b:s0+s1], $0x80, $0x38;
	[tilespmem:$0x12200] =	vst v63  }
0x1d0: {  	s14 =	simm.s32 $0x200  }
0x1d1: {  	[tilespmem:s14], [sflag:$0x3] =	stream.indirect.gather [hbm4b:s2+s25], $0x80, s1, s25, $0xb8;
	[tilespmem:$0x12200] =	vst v63  }
0x1d2: {  	s13 =	simm.s32 $0x8200;
	s30 =	simm.s32 $0x100  }
0x1d3: {  	[tilespmem:s13], [sflag:$0x3] =	stream.indirect.gather [hbm4b:s3+s25], $0x80, s30, s25, $0xb8;
	[tilespmem:$0x12200] =	vst v63  }
0x1d4: {  	s18 =	simm.s32 $0x10200  }
0x1d5: {  	[tilespmem:s18], [sflag:$0x3] =	stream.indirect.gather [hbm4b:s4+s25], $0x10, s1, s25, $0xb8;
	[tilespmem:$0x12200] =	vst v63  }
0x1d6: {  	s15 =	simm.s32 $0x11200  }
0x1d7: {  	[tilespmem:s15], [sflag:$0x3] =	stream.indirect.gather [hbm4b:s4+s25], $0x10, s30, s25, $0xb8;
	[tilespmem:$0x12200] =	vst v63  }
0x1d8: {  	_ =	swait.ge [sflag:s11], $0x4000  }
0x1d9: {  	[sflag:s11] =	ssyncset.done $0x0  }
0x1da: {  	[sflag:s11] =	ssyncadd.s32 $0xFFFFC000  }
0x1db: {  	_ =	swait.ge [sflag:s11], $0x4000  }
0x1dc: {  	[sflag:s11] =	ssyncset.done $0x0  }
0x1dd: {  	[sflag:s11] =	ssyncadd.s32 $0xFFFFC000  }
0x1de: {  	_ =	swait.ge [sflag:s11], $0x800  }
0x1df: {  	[sflag:s11] =	ssyncset.done $0x0  }
0x1e0: {  	[sflag:s11] =	ssyncadd.s32 $0xFFFFF800  }
0x1e1: {  	_ =	swait.ge [sflag:s11], $0x800  }
0x1e2: {  	[sflag:s11] =	ssyncset.done $0x0  }
0x1e3: {  	[sflag:s11] =	ssyncadd.s32 $0xFFFFF800  }
0x1e4: {  	_ =	swait.ge [sflag:s5], $0x4000  }
0x1e5: {  	[sflag:s5] =	ssyncset.done $0x0  }
0x1e6: {  	[sflag:s5] =	ssyncadd.s32 $0xFFFFC000  }
0x1e7: {  	_ =	swait.ge [sflag:s5], $0x4000  }
0x1e8: {  	[sflag:s5] =	ssyncset.done $0x0  }
0x1e9: {  	[sflag:s5] =	ssyncadd.s32 $0xFFFFC000  }
0x1ea: {  	_ =	swait.ge [sflag:s5], $0x800  }
0x1eb: {  	[sflag:s5] =	ssyncset.done $0x0  }
0x1ec: {  	[sflag:s5] =	ssyncadd.s32 $0xFFFFF800  }
0x1ed: {  	_ =	swait.ge [sflag:s5], $0x800  }
0x1ee: {  	[sflag:s5] =	ssyncset.done $0x0  }
0x1ef: {  	s16 =	sadd.s32 $0x1000, s12;
	[sflag:s5] =	ssyncadd.s32 $0xFFFFF800  }
0x1f0: {  	[hbm4b:s16+s1] =	stream.linear.scatter [tilespmem:s14], [sflag:$0x5], $0x4000, $0x38;
	[tilespmem:$0x12200] =	vst v63  }
0x1f1: {  	s12 =	sadd.s32 $0x1000, s20  }
0x1f2: {  	[hbm4b:s12+s1] =	stream.linear.scatter [tilespmem:s13], [sflag:$0x5], $0x4000, $0x38;
	[tilespmem:$0x12200] =	vst v63  }
0x1f3: {  	s13 =	sadd.s32 $0x200, s8  }
0x1f4: {  	[hbm4b:s13+s1] =	stream.linear.scatter [tilespmem:s18], [sflag:$0x5], $0x800, $0x38;
	[tilespmem:$0x12200] =	vst v63  }
0x1f5: {  	s14 =	sadd.s32 $0x200, s9  }
0x1f6: {  	[hbm4b:s14+s1] =	stream.linear.scatter [tilespmem:s15], [sflag:$0x5], $0x800, $0x38;
	[tilespmem:$0x12200] =	vst v63  }
0x1f7: {  	_ =	swait.ge [sflag:s21], $0x80  }
0x1f8: {  	[sflag:s21] =	ssyncset.done $0x0  }
0x1f9: {  	[sflag:s21] =	ssyncadd.s32 $0xFFFFFF80  }
0x1fa: {  	s6 =	smin.u32 s6, $0x71;
	_ =	swait.ge [sflag:s21], $0x80  }
0x1fb: {  	s6 =	sshll.u32 s6, $0x7;
	s16 =	rddreg [dreg:$0x2]  }
0x1fc: {  	s6 =	sadd.s32 s6, s16  }
0x1fd: {  	[sflag:s21] =	ssyncset.done $0x0;
	s18 =	rddreg [dreg:$0xa];
	s6 =	sshrl.u32 s6, $0x3  }
0x1fe: {  	s20 =	rddreg [dreg:$0xb];
	[sflag:s21] =	ssyncadd.s32 $0xFFFFFF80;
	s7 =	sadd.s32 s18, s6  }
0x1ff: {  	[tilespmem:s1], [sflag:$0x1] =	stream.linear.gather [hbm4b:s7+s1], $0x80, $0x38;
	[tilespmem:$0x12200] =	vst v63  }
0x200: {  	s6 =	sadd.s32 s20, s6  }
0x201: {  	[tilespmem:s30], [sflag:$0x1] =	stream.linear.gather [hbm4b:s6+s1], $0x80, $0x38;
	[tilespmem:$0x12200] =	vst v63  }
0x202: {  	s23 =	simm.s32 $0x4200  }
0x203: {  	[tilespmem:s23], [sflag:$0x4] =	stream.indirect.gather [hbm4b:s2+s25], $0x80, s25, s25, $0xb8;
	[tilespmem:$0x12200] =	vst v63  }
0x204: {  	s22 =	simm.s32 $0xC200;
	s17 =	sadd.s32 $0x20, s17  }
0x205: {  	[tilespmem:s22], [sflag:$0x4] =	stream.indirect.gather [hbm4b:s3+s25], $0x80, s26, s25, $0xb8;
	[tilespmem:$0x12200] =	vst v63  }
0x206: {  	s8 =	simm.s32 $0x200;
	s16 =	sadd.s32 $0x20, s0;
	s30 =	rddreg [dreg:$0xe]  }
0x207: {  	[tilespmem:s28], [sflag:$0x4] =	stream.indirect.gather [hbm4b:s4+s25], $0x10, s25, s25, $0xb8;
	[tilespmem:$0x12200] =	vst v63  }
0x208: {  	s20 =	simm.s32 $0x4;
	s9 =	sadd.s32 $0x1000, s30;
	s28 =	sadd.s32 $0x1000, s31  }
.LBB2_3:
0x209: {  	s15 =	simm.s32 $0x11A00  }
0x20a: {  	[tilespmem:s15], [sflag:$0x4] =	stream.indirect.gather [hbm4b:s4+s25], $0x10, s26, s25, $0xb8;
	[tilespmem:$0x12200] =	vst v63  }
0x20b: {  	_ =	swait.ge [sflag:s19], $0x4000  }
0x20c: {  	[sflag:s19] =	ssyncset.done $0x0  }
0x20d: {  	[sflag:s19] =	ssyncadd.s32 $0xFFFFC000  }
0x20e: {  	_ =	swait.ge [sflag:s19], $0x4000  }
0x20f: {  	[sflag:s19] =	ssyncset.done $0x0  }
0x210: {  	[sflag:s19] =	ssyncadd.s32 $0xFFFFC000  }
0x211: {  	_ =	swait.ge [sflag:s19], $0x800  }
0x212: {  	[sflag:s19] =	ssyncset.done $0x0  }
0x213: {  	[sflag:s19] =	ssyncadd.s32 $0xFFFFF800  }
0x214: {  	_ =	swait.ge [sflag:s19], $0x800  }
0x215: {  	[sflag:s19] =	ssyncset.done $0x0  }
0x216: {  	[sflag:s19] =	ssyncadd.s32 $0xFFFFF800  }
0x217: {  	_ =	swait.ge [sflag:s10], $0x4000  }
0x218: {  	[sflag:s10] =	ssyncset.done $0x0  }
0x219: {  	[sflag:s10] =	ssyncadd.s32 $0xFFFFC000  }
0x21a: {  	_ =	swait.ge [sflag:s10], $0x4000  }
0x21b: {  	[sflag:s10] =	ssyncset.done $0x0  }
0x21c: {  	[sflag:s10] =	ssyncadd.s32 $0xFFFFC000  }
0x21d: {  	_ =	swait.ge [sflag:s10], $0x800  }
0x21e: {  	[sflag:s10] =	ssyncset.done $0x0  }
0x21f: {  	s22 =	smov.u32 s8;
	[sflag:s10] =	ssyncadd.s32 $0xFFFFF800  }
0x220: {  	s6 =	sadd.s32 s9, s29;
	s7 =	sadd.s32 s28, s29;
	_ =	swait.ge [sflag:s10], $0x800  }
0x221: {  	s23 =	simm.s32 $0x4200;
	s31 =	simm.s32 $0xC200;
	[sflag:s10] =	ssyncset.done $0x0  }
0x222: {  	s14 =	sadd.s32 $0x800, s6;
	s0 =	rddreg [dreg:$0x5];
	[sflag:s10] =	ssyncadd.s32 $0xFFFFF800  }
0x223: {  	[hbm4b:s14+s1] =	stream.linear.scatter [tilespmem:s23], [sflag:$0x6], $0x4000, $0x38;
	[tilespmem:$0x12200] =	vst v63  }
0x224: {  	s29 =	sadd.s32 $0x800, s7;
	s3 =	rddreg [dreg:$0x6];
	s14 =	sadd.s32 s22, s0  }
0x225: {  	[hbm4b:s29+s1] =	stream.linear.scatter [tilespmem:s31], [sflag:$0x6], $0x4000, $0x38;
	[tilespmem:$0x12200] =	vst v63  }
0x226: {  	s13 =	simm.s32 $0x10A00;
	s22 =	sadd.s32 s22, s3;
	s29 =	sadd.s32 $0x100, s14  }
0x227: {  	[hbm4b:s29+s1] =	stream.linear.scatter [tilespmem:s13], [sflag:$0x6], $0x800, $0x38;
	[tilespmem:$0x12200] =	vst v63  }
0x228: {  	s29 =	sadd.s32 $0x100, s22  }
0x229: {  	[hbm4b:s29+s1] =	stream.linear.scatter [tilespmem:s15], [sflag:$0x6], $0x800, $0x38;
	[tilespmem:$0x12200] =	vst v63  }
0x22a: {  	s29 =	rddreg [dreg:$0x8];
	_ =	swait.ge [sflag:s24], $0x80  }
0x22b: {  	[sflag:s24] =	ssyncset.done $0x0  }
0x22c: {  	[sflag:s24] =	ssyncadd.s32 $0xFFFFFF80  }
0x22d: {  	_ =	swait.ge [sflag:s24], $0x80  }
0x22e: {  	[sflag:s24] =	ssyncset.done $0x0  }
0x22f: {  	[sflag:s24] =	ssyncadd.s32 $0xFFFFFF80  }
0x230: {  	[tilespmem:s25], [sflag:$0x2] =	stream.linear.gather [hbm4b:s17+s1], $0x80, $0x38;
	[tilespmem:$0x12200] =	vst v63  }
0x231: {  	_ = 	snop  }
0x232: {  	[tilespmem:s26], [sflag:$0x2] =	stream.linear.gather [hbm4b:s16+s1], $0x80, $0x38;
	[tilespmem:$0x12200] =	vst v63  }
0x233: {  	s2 =	rddreg [dreg:$0xc];
	s26 =	simm.s32 $0x200  }
0x234: {  	[tilespmem:s26], [sflag:$0x3] =	stream.indirect.gather [hbm4b:s2+s25], $0x80, s1, s25, $0xb8;
	[tilespmem:$0x12200] =	vst v63  }
0x235: {  	s30 =	simm.s32 $0x100;
	s0 =	simm.s32 $0x8200;
	s3 =	rddreg [dreg:$0xd]  }
0x236: {  	[tilespmem:s0], [sflag:$0x3] =	stream.indirect.gather [hbm4b:s3+s25], $0x80, s30, s25, $0xb8;
	[tilespmem:$0x12200] =	vst v63  }
0x237: {  	s12 =	simm.s32 $0x10200  }
0x238: {  	[tilespmem:s12], [sflag:$0x3] =	stream.indirect.gather [hbm4b:s4+s25], $0x10, s1, s25, $0xb8;
	[tilespmem:$0x12200] =	vst v63  }
0x239: {  	s15 =	simm.s32 $0x11200  }
0x23a: {  	[tilespmem:s15], [sflag:$0x3] =	stream.indirect.gather [hbm4b:s4+s25], $0x10, s30, s25, $0xb8;
	[tilespmem:$0x12200] =	vst v63  }
0x23b: {  	_ =	swait.ge [sflag:s11], $0x4000  }
0x23c: {  	[sflag:s11] =	ssyncset.done $0x0  }
0x23d: {  	[sflag:s11] =	ssyncadd.s32 $0xFFFFC000  }
0x23e: {  	_ =	swait.ge [sflag:s11], $0x4000  }
0x23f: {  	[sflag:s11] =	ssyncset.done $0x0  }
0x240: {  	[sflag:s11] =	ssyncadd.s32 $0xFFFFC000  }
0x241: {  	_ =	swait.ge [sflag:s11], $0x800  }
0x242: {  	[sflag:s11] =	ssyncset.done $0x0  }
0x243: {  	[sflag:s11] =	ssyncadd.s32 $0xFFFFF800  }
0x244: {  	_ =	swait.ge [sflag:s11], $0x800  }
0x245: {  	[sflag:s11] =	ssyncset.done $0x0  }
0x246: {  	[sflag:s11] =	ssyncadd.s32 $0xFFFFF800  }
0x247: {  	_ =	swait.ge [sflag:s5], $0x4000  }
0x248: {  	[sflag:s5] =	ssyncset.done $0x0  }
0x249: {  	[sflag:s5] =	ssyncadd.s32 $0xFFFFC000  }
0x24a: {  	_ =	swait.ge [sflag:s5], $0x4000  }
0x24b: {  	[sflag:s5] =	ssyncset.done $0x0  }
0x24c: {  	[sflag:s5] =	ssyncadd.s32 $0xFFFFC000  }
0x24d: {  	_ =	swait.ge [sflag:s5], $0x800  }
0x24e: {  	[sflag:s5] =	ssyncset.done $0x0  }
0x24f: {  	[sflag:s5] =	ssyncadd.s32 $0xFFFFF800  }
0x250: {  	_ =	swait.ge [sflag:s5], $0x800  }
0x251: {  	[sflag:s5] =	ssyncset.done $0x0  }
0x252: {  	s6 =	sadd.s32 $0x1000, s6;
	[sflag:s5] =	ssyncadd.s32 $0xFFFFF800  }
0x253: {  	[hbm4b:s6+s1] =	stream.linear.scatter [tilespmem:s26], [sflag:$0x5], $0x4000, $0x38;
	[tilespmem:$0x12200] =	vst v63  }
0x254: {  	s7 =	sadd.s32 $0x1000, s7  }
0x255: {  	[hbm4b:s7+s1] =	stream.linear.scatter [tilespmem:s0], [sflag:$0x5], $0x4000, $0x38;
	[tilespmem:$0x12200] =	vst v63  }
0x256: {  	s14 =	sadd.s32 $0x200, s14  }
0x257: {  	[hbm4b:s14+s1] =	stream.linear.scatter [tilespmem:s12], [sflag:$0x5], $0x800, $0x38;
	[tilespmem:$0x12200] =	vst v63  }
0x258: {  	s22 =	sadd.s32 $0x200, s22  }
0x259: {  	[hbm4b:s22+s1] =	stream.linear.scatter [tilespmem:s15], [sflag:$0x5], $0x800, $0x38;
	[tilespmem:$0x12200] =	vst v63  }
0x25a: {  	_ =	swait.ge [sflag:s21], $0x80  }
0x25b: {  	[sflag:s21] =	ssyncset.done $0x0  }
0x25c: {  	[sflag:s21] =	ssyncadd.s32 $0xFFFFFF80  }
0x25d: {  	s12 =	smin.u32 s20, $0x71;
	_ =	swait.ge [sflag:s21], $0x80  }
0x25e: {  	s7 =	sshll.u32 s12, $0x7;
	s0 =	rddreg [dreg:$0x2]  }
0x25f: {  	s6 =	sadd.s32 s7, s0  }
0x260: {  	[sflag:s21] =	ssyncset.done $0x0;
	s14 =	rddreg [dreg:$0xa];
	s6 =	sshrl.u32 s6, $0x3  }
0x261: {  	s22 =	rddreg [dreg:$0xb];
	[sflag:s21] =	ssyncadd.s32 $0xFFFFFF80;
	s15 =	sadd.s32 s14, s6  }
0x262: {  	[tilespmem:s1], [sflag:$0x1] =	stream.linear.gather [hbm4b:s15+s1], $0x80, $0x38;
	[tilespmem:$0x12200] =	vst v63  }
0x263: {  	s6 =	sadd.s32 s22, s6  }
0x264: {  	[tilespmem:s30], [sflag:$0x1] =	stream.linear.gather [hbm4b:s6+s1], $0x80, $0x38;
	[tilespmem:$0x12200] =	vst v63  }
0x265: {  	p1 =	seq.s32 s8, $0x7000  }
0x266: {  	[tilespmem:s23], [sflag:$0x4] =	stream.indirect.gather [hbm4b:s2+s25], $0x80, s25, s25, $0xb8;
	[tilespmem:$0x12200] =	vst v63  }
.Ltmp5:
0x267: {  	s8 =	sadd.s32 $0x200, s8;
	s18 =	simm.s32 $0x11A00;
	(pc) =	sbr.rel @!p1 .LBB2_3-.Ltmp5, $4  }
0x268: {  	s9 =	sadd.s32 $0x1000, s9;
	s28 =	sadd.s32 $0x1000, s28;
	s26 =	simm.s32 $0x180  }
0x269: {  	[tilespmem:s31], [sflag:$0x4] =	stream.indirect.gather [hbm4b:s3+s25], $0x80, s26, s25, $0xb8;
	[tilespmem:$0x12200] =	vst v63  }
0x26a: {  	s17 =	sadd.s32 $0x20, s17;
	s16 =	sadd.s32 $0x20, s16;
	s20 =	sadd.s32 $0x2, s20  }
0x26b: {  	[tilespmem:s13], [sflag:$0x4] =	stream.indirect.gather [hbm4b:s4+s25], $0x10, s25, s25, $0xb8;
	[tilespmem:$0x12200] =	vst v63  }
0x26c: {  	[tilespmem:s18], [sflag:$0x4] =	stream.indirect.gather [hbm4b:s4+s25], $0x10, s26, s25, $0xb8;
	[tilespmem:$0x12200] =	vst v63  }
.Ltmp6:
0x26d: {  	s6 =	rddreg [dreg:$0x18];
	(pc) =	sbr.rel .LBB2_8-.Ltmp6, $4  }
0x26e: {  	s23 =	rddreg [dreg:$0x5]  }
0x26f: {  	s22 =	rddreg [dreg:$0x9];
	s13 =	simm.s32 $0x8200;
	s15 =	simm.s32 $0x10200  }
0x270: {  	s18 =	simm.s32 $0x11200;
	s0 =	simm.s32 $0x10A00;
	s20 =	sld [smem:$0x7F2]  }
0x271: {  	s28 =	simm.s32 $0x11A00;
	s8 =	rddreg [dreg:$0xe];
	s14 =	simm.s32 $0x100  }
.LBB2_9:
0x272: {  	_ =	sfence.sel $0x180000  }
0x273: {  	[bflag:$0x0] =	sbarrier.arrive $0xFFFF  }
0x274: {  	_ =	strace $0x90000047  }
0x275: {  	s0 =	stileid.u32;
	[bflag:$0x2] =	sbarrier.arrive $0xFFFF  }
0x276: {  	p0 =	sne.s32 s0, $0x0;
	s0 =	rddreg [dreg:$0x1]  }
0x277: {  	s0 =	sadd.s32 @!p0 $0x100000, s0  }
0x278: {  	[sflag:s0] =	ssyncadd.tile.s32 @!p0 $0x1;
	_ =	shalt  }
.Lfunc_end2:
_tile_overlayer_lowered:
.L_overlay_start_2:
0x279: {  	(tag) =	ssettag $0x2  }
0x27a: {  	s0 =	rddreg [dreg:$0x0];
	s2 =	stileid.u32  }
0x27b: {  	s1 =	rddreg [dreg:$0x1];
	p0 =	sne.s32 s2, $0x0  }
0x27c: {  	s3 =	rddreg [dreg:$0x2];
	[bflag:$0x3] =	sbarrier.arrive $0xFFFF;
	s2 =	simm.s32 @!p0 $0x1C07  }
0x27d: {  	[timem:s3], [sflag:s2] =	dma.local @!p0 [hbm:s0], s1  }
0x27e: {  	s0 =	simm.s32 @!p0 $0x7  }
0x27f: {  	_ =	swait.ge @!p0 [sflag:s0], s1  }
0x280: {  	s1 =	ssub.s32 @!p0 $0x0, s1;
	[sflag:s0] =	ssyncset.done @!p0 $0x0  }
0x281: {  	[sflag:s0] =	ssyncadd.s32 @!p0 s1  }
0x282: {  	[bflag:$0x3] =	sbarrier.arrive $0xFFFF  }
0x283: {  	_ =	shalt  }

</sc_bundles>
